<compile_context>
chip_gen: v7x
topology: tpu7x:2x2x1
jax: 0.10.2.dev20260603
libtpu: 0.0.44.dev20260713+nightly
codegen_flags: <defaults>
</compile_context>

<pallas_src>
import functools

import jax
import jax.numpy as jnp
from jax import lax
from jax.experimental import pallas as pl
from jax.experimental.pallas import tpu as pltpu
from jax.experimental.pallas import tpu_sc as plsc

N = 10000
E = 320000
F_IN = 128
HID = 128
C_OUT = 64

NPAD = 10240
NW = 32
CW = 128
NCHUNK = 80
EPT = NCHUNK * CW
EPAD = NW * EPT
RPT = NPAD // 16
BLK = 512
GRID = NPAD // BLK
NRING = 8
LAG = 7

_mesh = plsc.VectorSubcoreMesh(core_axis_name="c", subcore_axis_name="s")



@functools.partial(
    pl.kernel,
    out_type=jax.ShapeDtypeStruct((NW, NPAD), jnp.float32),
    mesh=_mesh,
    scratch_types=[
        pltpu.VMEM((EPT,), jnp.int32),
        pltpu.VMEM((NPAD,), jnp.float32),
    ],
    compiler_params=pltpu.CompilerParams(needs_layout_passes=False),
)
def _deg_kernel(dst_hbm, out_hbm, dst_v, deg_v):
    c = lax.axis_index("c")
    s = lax.axis_index("s")
    wid = s * 2 + c
    pltpu.sync_copy(dst_hbm.at[wid], dst_v)
    zeros = jnp.zeros((16,), jnp.float32)
    ones = jnp.ones((16,), jnp.float32)

    def zero_body(i, _):
        for u in range(4):
            deg_v[pl.ds((i * 4 + u) * 16, 16)] = zeros
        return 0

    lax.fori_loop(0, NPAD // 64, zero_body, 0)

    def body(i, _):
        idx = dst_v[pl.ds(i * 16, 16)]
        plsc.addupdate_scatter(deg_v, [idx], ones)
        return 0

    lax.fori_loop(0, EPT // 16, body, 0)
    pltpu.sync_copy(deg_v, out_hbm.at[wid])


def _make_spmm(d):

    @functools.partial(
        pl.kernel,
        out_type=jax.ShapeDtypeStruct((2, NPAD, d), jnp.bfloat16),
        mesh=_mesh,
        scratch_types=[
            pltpu.VMEM((EPT,), jnp.int32),
            pltpu.VMEM((NCHUNK, CW), jnp.int32),
            [pltpu.VMEM((CW, d), jnp.bfloat16) for _ in range(NRING)],
            pltpu.VMEM_SHARED((NPAD, d), jnp.bfloat16),
            [pltpu.SemaphoreType.DMA for _ in range(NRING)],
            [pltpu.SemaphoreType.DMA for _ in range(NRING)],
        ],
        compiler_params=pltpu.CompilerParams(use_tc_tiling_on_sc=False),
    )
    def spmm(y_hbm, src_hbm, dst_hbm, zeros_hbm, out_hbm,
             src_v, dst_v, bufs, acc_sh, gsems, ssems):
        c = lax.axis_index("c")
        s = lax.axis_index("s")
        wid = s * 2 + c
        pltpu.sync_copy(zeros_hbm.at[pl.ds(s * RPT, RPT)],
                        acc_sh.at[pl.ds(s * RPT, RPT)])
        pltpu.sync_copy(src_hbm.at[wid], src_v)
        pltpu.sync_copy(dst_hbm.at[wid], dst_v)

        def src_at(j):
            return y_hbm.at[src_v.at[pl.ds(j * CW, CW)]]

        def gather(j, b):
            pltpu.async_copy(src_at(j), bufs[b], gsems[b])

        def wait_gather(j, b):
            pltpu.make_async_copy(src_at(j), bufs[b], gsems[b]).wait()

        def scatter(j, b):
            pltpu.async_copy(bufs[b], acc_sh.at[dst_v.at[j]], ssems[b],
                             add=True)

        def wait_scatter(j, b):
            pltpu.make_async_copy(bufs[b], acc_sh.at[dst_v.at[j]],
                                  ssems[b]).wait()

        plsc.subcore_barrier()
        for b in range(LAG):
            gather(b, b)

        for jj in range(NRING):
            b = jj % NRING
            wait_gather(jj, b)
            scatter(jj, b)
            bg = (jj + LAG) % NRING
            if jj + LAG >= NRING:
                wait_scatter(jj + LAG - NRING, bg)
            gather(jj + LAG, bg)

        def body(i, _):
            for b in range(NRING):
                jj = i * NRING + b
                wait_gather(jj, b)
                scatter(jj, b)
                bg = (b + LAG) % NRING
                wait_scatter(jj + LAG - NRING, bg)
                gather(jj + LAG, bg)
            return 0

        lax.fori_loop(1, NCHUNK // NRING - 1, body, 0)

        for b in range(NRING):
            jj = NCHUNK - NRING + b
            wait_gather(jj, b)
            scatter(jj, b)
            if jj + LAG < NCHUNK:
                bg = (b + LAG) % NRING
                wait_scatter(jj + LAG - NRING, bg)
                gather(jj + LAG, bg)
        for b in range(NRING):
            wait_scatter(NCHUNK - NRING + b, b)

        plsc.subcore_barrier()
        pltpu.sync_copy(acc_sh.at[pl.ds(s * RPT, RPT)],
                        out_hbm.at[c, pl.ds(s * RPT, RPT)])

    return spmm


_spmm_hid = _make_spmm(HID)
_spmm_out = _make_spmm(C_OUT)



def _dinv_of(deg_blk, i):
    deg = jnp.sum(deg_blk, axis=0)
    rowid = lax.broadcasted_iota(jnp.int32, (BLK,), 0) + i * BLK
    return jnp.where(rowid < N, lax.rsqrt(deg + 1.0), 0.0)


def _y1_body(deg_ref, x_ref, w1_ref, y_ref):
    dinv = _dinv_of(deg_ref[...], pl.program_id(0))
    xw = jnp.dot(x_ref[...], w1_ref[...], preferred_element_type=jnp.float32)
    y_ref[...] = (xw * dinv[:, None]).astype(jnp.bfloat16)


def _y2_body(deg_ref, s1a_ref, s1b_ref, y1_ref, b1_ref, w2_ref, y2_ref):
    dinv = _dinv_of(deg_ref[...], pl.program_id(0))
    agg = (s1a_ref[0].astype(jnp.float32) + s1b_ref[0].astype(jnp.float32)
           + y1_ref[...].astype(jnp.float32))
    h = jnp.maximum(agg * dinv[:, None] + b1_ref[...], 0.0)
    xw2 = jnp.dot(h, w2_ref[...], preferred_element_type=jnp.float32)
    y2_ref[...] = (xw2 * dinv[:, None]).astype(jnp.bfloat16)


def _out_body(deg_ref, s2a_ref, s2b_ref, y2_ref, b2_ref, out_ref):
    dinv = _dinv_of(deg_ref[...], pl.program_id(0))
    agg = (s2a_ref[0].astype(jnp.float32) + s2b_ref[0].astype(jnp.float32)
           + y2_ref[...].astype(jnp.float32))
    out_ref[...] = agg * dinv[:, None] + b2_ref[...]


def _deg_spec():
    return pl.BlockSpec((NW, BLK), lambda i: (0, i))


def _rows(d):
    return pl.BlockSpec((BLK, d), lambda i: (i, 0))


def _part_a(d):
    return pl.BlockSpec((1, BLK, d), lambda i: (0, i, 0))


def _part_b(d):
    return pl.BlockSpec((1, BLK, d), lambda i: (1, i, 0))


def _full(shape):
    return pl.BlockSpec(shape, lambda i: (0,) * len(shape))



def kernel(x, edge_index, W1, b1, W2, b2):
    src = edge_index[0]
    dst = edge_index[1]
    pad_idx = N + (jnp.arange(EPAD - E, dtype=jnp.int32) % (NPAD - N))
    src_p = jnp.concatenate([src, pad_idx]).reshape(NW, EPT)
    dst_p = jnp.concatenate([dst, pad_idx]).reshape(NW, NCHUNK, CW)
    zeros_hid = jnp.zeros((NPAD, HID), jnp.bfloat16)
    zeros_out = jnp.zeros((NPAD, C_OUT), jnp.bfloat16)

    x_p = jnp.concatenate(
        [x, jnp.zeros((NPAD - N, F_IN), jnp.float32)], axis=0)

    deg_parts = _deg_kernel(dst_p.reshape(NW, EPT))

    y1 = pl.pallas_call(
        _y1_body,
        grid=(GRID,),
        in_specs=[_deg_spec(), _rows(F_IN), _full((F_IN, HID))],
        out_specs=_rows(HID),
        out_shape=jax.ShapeDtypeStruct((NPAD, HID), jnp.bfloat16),
    )(deg_parts, x_p, W1)

    s1 = _spmm_hid(y1, src_p, dst_p, zeros_hid)

    y2 = pl.pallas_call(
        _y2_body,
        grid=(GRID,),
        in_specs=[_deg_spec(), _part_a(HID), _part_b(HID), _rows(HID),
                  _full((1, HID)), _full((HID, C_OUT))],
        out_specs=_rows(C_OUT),
        out_shape=jax.ShapeDtypeStruct((NPAD, C_OUT), jnp.bfloat16),
    )(deg_parts, s1, s1, y1, b1.reshape(1, HID), W2)

    s2 = _spmm_out(y2, src_p, dst_p, zeros_out)

    out = pl.pallas_call(
        _out_body,
        grid=(GRID,),
        in_specs=[_deg_spec(), _part_a(C_OUT), _part_b(C_OUT), _rows(C_OUT),
                  _full((1, C_OUT))],
        out_specs=_rows(C_OUT),
        out_shape=jax.ShapeDtypeStruct((NPAD, C_OUT), jnp.float32),
    )(deg_parts, s2, s2, y2, b2.reshape(1, C_OUT))

    return out[:N]

# --- scband reference (transcript-rebuilt; emitter-appended) ---
"""Pipeline reference for scband-gcn-66090956751512 (READ-ONLY COPY).

The authoritative reference and input builder live on the scoring server;
editing this copy changes nothing except your own understanding.
"""

import jax, jax.numpy as jnp
import numpy as np

N = 10000
E = 320000
F_IN = 128
HID = 128
C_OUT = 64


def setup_inputs(seed: int = 0) -> dict:
    key = jax.random.key(seed)
    k1, k2, k3, k4, k5, k6 = jax.random.split(key, 6)
    x = jax.random.normal(k1, (N, F_IN), dtype=jnp.float32)
    edge_index = jax.random.randint(k2, (2, E), 0, N, dtype=jnp.int32)
    W1 = jax.random.normal(k3, (F_IN, HID), dtype=jnp.float32) * (1.0 / np.sqrt(F_IN))
    b1 = jnp.zeros((HID,), dtype=jnp.float32)
    W2 = jax.random.normal(k4, (HID, C_OUT), dtype=jnp.float32) * (1.0 / np.sqrt(HID))
    b2 = jnp.zeros((C_OUT,), dtype=jnp.float32)
    return {"x": x, "edge_index": edge_index, "W1": W1, "b1": b1, "W2": W2, "b2": b2}


def _gcn_conv(x, edge_index, W, b, num_nodes):
    # GCNConv (Kipf & Welling) with self-loops and symmetric normalization
    src = edge_index[0]
    dst = edge_index[1]
    loop = jnp.arange(num_nodes, dtype=src.dtype)
    src = jnp.concatenate([src, loop])
    dst = jnp.concatenate([dst, loop])
    ones = jnp.ones(src.shape[0], dtype=x.dtype)
    deg = jax.ops.segment_sum(ones, dst, num_segments=num_nodes)
    deg_inv_sqrt = jnp.where(deg > 0, 1.0 / jnp.sqrt(deg), 0.0)
    norm = deg_inv_sqrt[src] * deg_inv_sqrt[dst]
    xw = x @ W
    msg = norm[:, None] * jnp.take(xw, src, axis=0)
    out = jax.ops.segment_sum(msg, dst, num_segments=num_nodes)
    return out + b


def reference(x, edge_index, W1, b1, W2, b2):
    # layer 0: conv -> relu (dropout is identity in eval mode)
    h = _gcn_conv(x, edge_index, W1, b1, N)
    h = jax.nn.relu(h)
    # layer 1 (final): conv only
    out = _gcn_conv(h, edge_index, W2, b2, N)
    return out

if __name__ == "__main__":
    import jax
    _d = setup_inputs()
    print(jax.jit(kernel)(*tuple(_d.values())))

</pallas_src>

<mosaic_0001>
#map = affine_map<(d0, d1) -> (0, 0)>
module attributes {stable_mosaic.version = 14 : i64} {
  func.func @_deg_kernel(%arg0: i32, %arg1: i32, %arg2: memref<32x10240xi32, #tpu.memory_space<hbm>>, %arg3: memref<32x10240xf32, #tpu.memory_space<hbm>>, %arg4: memref<10240xi32, #tpu.memory_space<vmem>>, %arg5: memref<10240xf32, #tpu.memory_space<vmem>>) attributes {dimension_semantics = [#tpu.dimension_semantics<core_parallel>, #tpu.dimension_semantics<subcore_parallel>], iteration_bounds = array<i64: 2, 16>, scalar_prefetch = 0 : i64, scratch_operands = 2 : i64, tpu.core_type = #tpu.core_type<sc_vector_subcore>, window_params = [{transform_indices = #map}, {transform_indices = #map}]} {
    %mul3A = arith.constant 2 : i32
    %mul3A_0 = arith.muli %arg1, %mul3A : i32
    %add3A = arith.addi %mul3A_0, %arg0 : i32
    "tpu.region"() ({
      %run_scoped3A = tpu.sem_alloc : memref<!tpu.dma_semaphore, #tpu.memory_space<semaphore_mem>>
      %dma_start3A = arith.constant 0 : i32
      %dma_start3A_17 = tpu.memref_slice %arg2[%add3A, %dma_start3A] : memref<32x10240xi32, #tpu.memory_space<hbm>> -> memref<1x10240xi32, #tpu.memory_space<hbm>>
      %dma_start3A_18 = tpu.memref_squeeze %dma_start3A_17 : memref<1x10240xi32, #tpu.memory_space<hbm>> -> memref<10240xi32, #tpu.memory_space<hbm>>
      %dma_start3A_19 = arith.constant 0 : i32
      %dma_start3A_20 = tpu.memref_slice %arg2[%add3A, %dma_start3A_19] : memref<32x10240xi32, #tpu.memory_space<hbm>> -> memref<1x10240xi32, #tpu.memory_space<hbm>>
      %dma_start3A_21 = tpu.memref_squeeze %dma_start3A_20 : memref<1x10240xi32, #tpu.memory_space<hbm>> -> memref<10240xi32, #tpu.memory_space<hbm>>
      tpu.enqueue_dma source(%dma_start3A_21 : memref<10240xi32, #tpu.memory_space<hbm>>) target(%arg4 : memref<10240xi32, #tpu.memory_space<vmem>>) target_semaphore(%run_scoped3A : memref<!tpu.dma_semaphore, #tpu.memory_space<semaphore_mem>>)
      %dma_wait3A = arith.constant 0 : i32
      %dma_wait3A_22 = tpu.memref_slice %arg2[%add3A, %dma_wait3A] : memref<32x10240xi32, #tpu.memory_space<hbm>> -> memref<1x10240xi32, #tpu.memory_space<hbm>>
      %dma_wait3A_23 = tpu.memref_squeeze %dma_wait3A_22 : memref<1x10240xi32, #tpu.memory_space<hbm>> -> memref<10240xi32, #tpu.memory_space<hbm>>
      %dma_wait3A_24 = arith.constant 0 : i32
      %dma_wait3A_25 = tpu.memref_slice %arg2[%add3A, %dma_wait3A_24] : memref<32x10240xi32, #tpu.memory_space<hbm>> -> memref<1x10240xi32, #tpu.memory_space<hbm>>
      %dma_wait3A_26 = tpu.memref_squeeze %dma_wait3A_25 : memref<1x10240xi32, #tpu.memory_space<hbm>> -> memref<10240xi32, #tpu.memory_space<hbm>>
      tpu.wait_dma2 semaphore(%run_scoped3A : memref<!tpu.dma_semaphore, #tpu.memory_space<semaphore_mem>>) src(%dma_wait3A_26 : memref<10240xi32, #tpu.memory_space<hbm>>) dst(%arg4 : memref<10240xi32, #tpu.memory_space<vmem>>)
      tpu.yield
    }) : () -> ()
    %broadcast_in_dim3A = arith.constant 0.000000e+00 : f32
    %broadcast_in_dim3A_1 = vector.broadcast %broadcast_in_dim3A : f32 to vector<16xf32>
    %broadcast_in_dim3A_2 = arith.constant 1.000000e+00 : f32
    %broadcast_in_dim3A_3 = vector.broadcast %broadcast_in_dim3A_2 : f32 to vector<16xf32>
    %scan3A = arith.constant 0 : i32
    %scan3A_4 = arith.constant 0 : i32
    %scan3A_5 = arith.constant 160 : i32
    %scan3A_6 = arith.addi %scan3A_4, %scan3A_5 : i32
    %scan3A_7 = arith.constant 1 : i32
    %scan3A_8 = scf.for %scan3A_17 = %scan3A_4 to %scan3A_6 step %scan3A_7 iter_args(%scan3A_18 = %scan3A) -> (i32)  : i32 {
      %mul3A_19 = arith.constant 4 : i32
      %mul3A_20 = arith.muli %scan3A_17, %mul3A_19 : i32
      %add3A_21 = arith.constant 0 : i32
      %add3A_22 = arith.addi %mul3A_20, %add3A_21 : i32
      %mul3A_23 = arith.constant 16 : i32
      %mul3A_24 = arith.muli %add3A_22, %mul3A_23 : i32
      %swap3A = arith.index_cast %mul3A_24 : i32 to index
      %swap3A_25 = tpu.vector_load %arg5[%swap3A] {strides = array<i32>} : memref<10240xf32, #tpu.memory_space<vmem>>, vector<16xf32>,
      tpu.vector_store %arg5[%swap3A], %broadcast_in_dim3A_1 {strides = array<i32>} : memref<10240xf32, #tpu.memory_space<vmem>>, vector<16xf32>,
      %mul3A_26 = arith.constant 4 : i32
      %mul3A_27 = arith.muli %scan3A_17, %mul3A_26 : i32
      %add3A_28 = arith.constant 1 : i32
      %add3A_29 = arith.addi %mul3A_27, %add3A_28 : i32
      %mul3A_30 = arith.constant 16 : i32
      %mul3A_31 = arith.muli %add3A_29, %mul3A_30 : i32
      %swap3A_32 = arith.index_cast %mul3A_31 : i32 to index
      %swap3A_33 = tpu.vector_load %arg5[%swap3A_32] {strides = array<i32>} : memref<10240xf32, #tpu.memory_space<vmem>>, vector<16xf32>,
      tpu.vector_store %arg5[%swap3A_32], %broadcast_in_dim3A_1 {strides = array<i32>} : memref<10240xf32, #tpu.memory_space<vmem>>, vector<16xf32>,
      %mul3A_34 = arith.constant 4 : i32
      %mul3A_35 = arith.muli %scan3A_17, %mul3A_34 : i32
      %add3A_36 = arith.constant 2 : i32
      %add3A_37 = arith.addi %mul3A_35, %add3A_36 : i32
      %mul3A_38 = arith.constant 16 : i32
      %mul3A_39 = arith.muli %add3A_37, %mul3A_38 : i32
      %swap3A_40 = arith.index_cast %mul3A_39 : i32 to index
      %swap3A_41 = tpu.vector_load %arg5[%swap3A_40] {strides = array<i32>} : memref<10240xf32, #tpu.memory_space<vmem>>, vector<16xf32>,
      tpu.vector_store %arg5[%swap3A_40], %broadcast_in_dim3A_1 {strides = array<i32>} : memref<10240xf32, #tpu.memory_space<vmem>>, vector<16xf32>,
      %mul3A_42 = arith.constant 4 : i32
      %mul3A_43 = arith.muli %scan3A_17, %mul3A_42 : i32
      %add3A_44 = arith.constant 3 : i32
      %add3A_45 = arith.addi %mul3A_43, %add3A_44 : i32
      %mul3A_46 = arith.constant 16 : i32
      %mul3A_47 = arith.muli %add3A_45, %mul3A_46 : i32
      %swap3A_48 = arith.index_cast %mul3A_47 : i32 to index
      %swap3A_49 = tpu.vector_load %arg5[%swap3A_48] {strides = array<i32>} : memref<10240xf32, #tpu.memory_space<vmem>>, vector<16xf32>,
      tpu.vector_store %arg5[%swap3A_48], %broadcast_in_dim3A_1 {strides = array<i32>} : memref<10240xf32, #tpu.memory_space<vmem>>, vector<16xf32>,
      %scan3A_50 = arith.constant 0 : i32
      scf.yield %scan3A_50 : i32
    }
    %scan3A_9 = arith.constant 160 : i32
    %scan3A_10 = arith.constant 0 : i32
    %scan3A_11 = arith.constant 0 : i32
    %scan3A_12 = arith.constant 640 : i32
    %scan3A_13 = arith.addi %scan3A_11, %scan3A_12 : i32
    %scan3A_14 = arith.constant 1 : i32
    %scan3A_15 = scf.for %scan3A_17 = %scan3A_11 to %scan3A_13 step %scan3A_14 iter_args(%scan3A_18 = %scan3A_10) -> (i32)  : i32 {
      %mul3A_19 = arith.constant 16 : i32
      %mul3A_20 = arith.muli %scan3A_17, %mul3A_19 : i32
      %get3A = arith.index_cast %mul3A_20 : i32 to index
      %get3A_21 = tpu.vector_load %arg4[%get3A] {strides = array<i32>} : memref<10240xi32, #tpu.memory_space<vmem>>, vector<16xi32>,
      tpu.vector_store_idx %arg5[%get3A_21], %broadcast_in_dim3A_3 {add = true} : memref<10240xf32, #tpu.memory_space<vmem>>[vector<16xi32>], vector<16xf32>,
      %scan3A_22 = arith.constant 0 : i32
      scf.yield %scan3A_22 : i32
    }
    %scan3A_16 = arith.constant 640 : i32
    "tpu.region"() ({
      %run_scoped3A = tpu.sem_alloc : memref<!tpu.dma_semaphore, #tpu.memory_space<semaphore_mem>>
      %dma_start3A = arith.constant 0 : i32
      %dma_start3A_17 = tpu.memref_slice %arg3[%add3A, %dma_start3A] : memref<32x10240xf32, #tpu.memory_space<hbm>> -> memref<1x10240xf32, #tpu.memory_space<hbm>>
      %dma_start3A_18 = tpu.memref_squeeze %dma_start3A_17 : memref<1x10240xf32, #tpu.memory_space<hbm>> -> memref<10240xf32, #tpu.memory_space<hbm>>
      %dma_start3A_19 = arith.constant 0 : i32
      %dma_start3A_20 = tpu.memref_slice %arg3[%add3A, %dma_start3A_19] : memref<32x10240xf32, #tpu.memory_space<hbm>> -> memref<1x10240xf32, #tpu.memory_space<hbm>>
      %dma_start3A_21 = tpu.memref_squeeze %dma_start3A_20 : memref<1x10240xf32, #tpu.memory_space<hbm>> -> memref<10240xf32, #tpu.memory_space<hbm>>
      tpu.enqueue_dma source(%arg5 : memref<10240xf32, #tpu.memory_space<vmem>>) target(%dma_start3A_21 : memref<10240xf32, #tpu.memory_space<hbm>>) target_semaphore(%run_scoped3A : memref<!tpu.dma_semaphore, #tpu.memory_space<semaphore_mem>>)
      %dma_wait3A = arith.constant 0 : i32
      %dma_wait3A_22 = tpu.memref_slice %arg3[%add3A, %dma_wait3A] : memref<32x10240xf32, #tpu.memory_space<hbm>> -> memref<1x10240xf32, #tpu.memory_space<hbm>>
      %dma_wait3A_23 = tpu.memref_squeeze %dma_wait3A_22 : memref<1x10240xf32, #tpu.memory_space<hbm>> -> memref<10240xf32, #tpu.memory_space<hbm>>
      %dma_wait3A_24 = arith.constant 0 : i32
      %dma_wait3A_25 = tpu.memref_slice %arg3[%add3A, %dma_wait3A_24] : memref<32x10240xf32, #tpu.memory_space<hbm>> -> memref<1x10240xf32, #tpu.memory_space<hbm>>
      %dma_wait3A_26 = tpu.memref_squeeze %dma_wait3A_25 : memref<1x10240xf32, #tpu.memory_space<hbm>> -> memref<10240xf32, #tpu.memory_space<hbm>>
      tpu.wait_dma2 semaphore(%run_scoped3A : memref<!tpu.dma_semaphore, #tpu.memory_space<semaphore_mem>>) src(%arg5 : memref<10240xf32, #tpu.memory_space<vmem>>) dst(%dma_wait3A_26 : memref<10240xf32, #tpu.memory_space<hbm>>)
      tpu.yield
    }) : () -> ()
    return
  }
}

#map = affine_map<(d0, d1) -> (0, 0)>
#map1 = affine_map<(d0, d1) -> (0, 0, 0)>
module attributes {stable_mosaic.version = 14 : i64} {
  func.func @spmm(%arg0: i32, %arg1: i32, %arg2: memref<10240x128xbf16, #tpu.memory_space<hbm>>, %arg3: memref<32x10240xi32, #tpu.memory_space<hbm>>, %arg4: memref<32x80x128xi32, #tpu.memory_space<hbm>>, %arg5: memref<10240x128xbf16, #tpu.memory_space<hbm>>, %arg6: memref<2x10240x128xbf16, #tpu.memory_space<hbm>>, %arg7: memref<10240xi32, #tpu.memory_space<vmem>>, %arg8: memref<80x128xi32, #tpu.memory_space<vmem>>, %arg9: memref<128x128xbf16, #tpu.memory_space<vmem>>, %arg10: memref<128x128xbf16, #tpu.memory_space<vmem>>, %arg11: memref<128x128xbf16, #tpu.memory_space<vmem>>, %arg12: memref<128x128xbf16, #tpu.memory_space<vmem>>, %arg13: memref<128x128xbf16, #tpu.memory_space<vmem>>, %arg14: memref<128x128xbf16, #tpu.memory_space<vmem>>, %arg15: memref<128x128xbf16, #tpu.memory_space<vmem>>, %arg16: memref<128x128xbf16, #tpu.memory_space<vmem>>, %arg17: memref<10240x128xbf16, #tpu.memory_space<vmem_shared>>, %arg18: memref<!tpu.dma_semaphore, #tpu.memory_space<semaphore_mem>>, %arg19: memref<!tpu.dma_semaphore, #tpu.memory_space<semaphore_mem>>, %arg20: memref<!tpu.dma_semaphore, #tpu.memory_space<semaphore_mem>>, %arg21: memref<!tpu.dma_semaphore, #tpu.memory_space<semaphore_mem>>, %arg22: memref<!tpu.dma_semaphore, #tpu.memory_space<semaphore_mem>>, %arg23: memref<!tpu.dma_semaphore, #tpu.memory_space<semaphore_mem>>, %arg24: memref<!tpu.dma_semaphore, #tpu.memory_space<semaphore_mem>>, %arg25: memref<!tpu.dma_semaphore, #tpu.memory_space<semaphore_mem>>, %arg26: memref<!tpu.dma_semaphore, #tpu.memory_space<semaphore_mem>>, %arg27: memref<!tpu.dma_semaphore, #tpu.memory_space<semaphore_mem>>, %arg28: memref<!tpu.dma_semaphore, #tpu.memory_space<semaphore_mem>>, %arg29: memref<!tpu.dma_semaphore, #tpu.memory_space<semaphore_mem>>, %arg30: memref<!tpu.dma_semaphore, #tpu.memory_space<semaphore_mem>>, %arg31: memref<!tpu.dma_semaphore, #tpu.memory_space<semaphore_mem>>, %arg32: memref<!tpu.dma_semaphore, #tpu.memory_space<semaphore_mem>>, %arg33: memref<!tpu.dma_semaphore, #tpu.memory_space<semaphore_mem>>) attributes {dimension_semantics = [#tpu.dimension_semantics<core_parallel>, #tpu.dimension_semantics<subcore_parallel>], iteration_bounds = array<i64: 2, 16>, scalar_prefetch = 0 : i64, scratch_operands = 27 : i64, tpu.core_type = #tpu.core_type<sc_vector_subcore>, window_params = [{transform_indices = #map}, {transform_indices = #map}, {transform_indices = #map1}, {transform_indices = #map}, {transform_indices = #map1}]} {
    %mul3A = arith.constant 2 : i32
    %mul3A_0 = arith.muli %arg1, %mul3A : i32
    %add3A = arith.addi %mul3A_0, %arg0 : i32
    %mul3A_1 = arith.constant 640 : i32
    %mul3A_2 = arith.muli %arg1, %mul3A_1 : i32
    %mul3A_3 = arith.constant 640 : i32
    %mul3A_4 = arith.muli %arg1, %mul3A_3 : i32
    "tpu.region"() ({
      %run_scoped3A = tpu.sem_alloc : memref<!tpu.dma_semaphore, #tpu.memory_space<semaphore_mem>>
      %dma_start3A_398 = arith.constant 0 : i32
      %dma_start3A_399 = tpu.memref_slice %arg17[%mul3A_4, %dma_start3A_398] : memref<10240x128xbf16, #tpu.memory_space<vmem_shared>> -> memref<640x128xbf16, #tpu.memory_space<vmem_shared>>
      %dma_start3A_400 = arith.constant 0 : i32
      %dma_start3A_401 = tpu.memref_slice %arg5[%mul3A_2, %dma_start3A_400] : memref<10240x128xbf16, #tpu.memory_space<hbm>> -> memref<640x128xbf16, #tpu.memory_space<hbm>>
      tpu.enqueue_dma source(%dma_start3A_401 : memref<640x128xbf16, #tpu.memory_space<hbm>>) target(%dma_start3A_399 : memref<640x128xbf16, #tpu.memory_space<vmem_shared>>) target_semaphore(%run_scoped3A : memref<!tpu.dma_semaphore, #tpu.memory_space<semaphore_mem>>)
      %dma_wait3A_402 = arith.constant 0 : i32
      %dma_wait3A_403 = tpu.memref_slice %arg17[%mul3A_4, %dma_wait3A_402] : memref<10240x128xbf16, #tpu.memory_space<vmem_shared>> -> memref<640x128xbf16, #tpu.memory_space<vmem_shared>>
      %dma_wait3A_404 = arith.constant 0 : i32
      %dma_wait3A_405 = tpu.memref_slice %arg5[%mul3A_2, %dma_wait3A_404] : memref<10240x128xbf16, #tpu.memory_space<hbm>> -> memref<640x128xbf16, #tpu.memory_space<hbm>>
      tpu.wait_dma2 semaphore(%run_scoped3A : memref<!tpu.dma_semaphore, #tpu.memory_space<semaphore_mem>>) src(%dma_wait3A_405 : memref<640x128xbf16, #tpu.memory_space<hbm>>) dst(%dma_wait3A_403 : memref<640x128xbf16, #tpu.memory_space<vmem_shared>>)
      tpu.yield
    }) : () -> ()
    "tpu.region"() ({
      %run_scoped3A = tpu.sem_alloc : memref<!tpu.dma_semaphore, #tpu.memory_space<semaphore_mem>>
      %dma_start3A_398 = arith.constant 0 : i32
      %dma_start3A_399 = tpu.memref_slice %arg3[%add3A, %dma_start3A_398] : memref<32x10240xi32, #tpu.memory_space<hbm>> -> memref<1x10240xi32, #tpu.memory_space<hbm>>
      %dma_start3A_400 = tpu.memref_squeeze %dma_start3A_399 : memref<1x10240xi32, #tpu.memory_space<hbm>> -> memref<10240xi32, #tpu.memory_space<hbm>>
      %dma_start3A_401 = arith.constant 0 : i32
      %dma_start3A_402 = tpu.memref_slice %arg3[%add3A, %dma_start3A_401] : memref<32x10240xi32, #tpu.memory_space<hbm>> -> memref<1x10240xi32, #tpu.memory_space<hbm>>
      %dma_start3A_403 = tpu.memref_squeeze %dma_start3A_402 : memref<1x10240xi32, #tpu.memory_space<hbm>> -> memref<10240xi32, #tpu.memory_space<hbm>>
      tpu.enqueue_dma source(%dma_start3A_403 : memref<10240xi32, #tpu.memory_space<hbm>>) target(%arg7 : memref<10240xi32, #tpu.memory_space<vmem>>) target_semaphore(%run_scoped3A : memref<!tpu.dma_semaphore, #tpu.memory_space<semaphore_mem>>)
      %dma_wait3A_404 = arith.constant 0 : i32
      %dma_wait3A_405 = tpu.memref_slice %arg3[%add3A, %dma_wait3A_404] : memref<32x10240xi32, #tpu.memory_space<hbm>> -> memref<1x10240xi32, #tpu.memory_space<hbm>>
      %dma_wait3A_406 = tpu.memref_squeeze %dma_wait3A_405 : memref<1x10240xi32, #tpu.memory_space<hbm>> -> memref<10240xi32, #tpu.memory_space<hbm>>
      %dma_wait3A_407 = arith.constant 0 : i32
      %dma_wait3A_408 = tpu.memref_slice %arg3[%add3A, %dma_wait3A_407] : memref<32x10240xi32, #tpu.memory_space<hbm>> -> memref<1x10240xi32, #tpu.memory_space<hbm>>
      %dma_wait3A_409 = tpu.memref_squeeze %dma_wait3A_408 : memref<1x10240xi32, #tpu.memory_space<hbm>> -> memref<10240xi32, #tpu.memory_space<hbm>>
      tpu.wait_dma2 semaphore(%run_scoped3A : memref<!tpu.dma_semaphore, #tpu.memory_space<semaphore_mem>>) src(%dma_wait3A_409 : memref<10240xi32, #tpu.memory_space<hbm>>) dst(%arg7 : memref<10240xi32, #tpu.memory_space<vmem>>)
      tpu.yield
    }) : () -> ()
    "tpu.region"() ({
      %run_scoped3A = tpu.sem_alloc : memref<!tpu.dma_semaphore, #tpu.memory_space<semaphore_mem>>
      %dma_start3A_398 = arith.constant 0 : i32
      %dma_start3A_399 = arith.constant 0 : i32
      %dma_start3A_400 = tpu.memref_slice %arg4[%add3A, %dma_start3A_398, %dma_start3A_399] : memref<32x80x128xi32, #tpu.memory_space<hbm>> -> memref<1x80x128xi32, #tpu.memory_space<hbm>>
      %dma_start3A_401 = tpu.memref_squeeze %dma_start3A_400 : memref<1x80x128xi32, #tpu.memory_space<hbm>> -> memref<80x128xi32, #tpu.memory_space<hbm>>
      %dma_start3A_402 = arith.constant 0 : i32
      %dma_start3A_403 = arith.constant 0 : i32
      %dma_start3A_404 = tpu.memref_slice %arg4[%add3A, %dma_start3A_402, %dma_start3A_403] : memref<32x80x128xi32, #tpu.memory_space<hbm>> -> memref<1x80x128xi32, #tpu.memory_space<hbm>>
      %dma_start3A_405 = tpu.memref_squeeze %dma_start3A_404 : memref<1x80x128xi32, #tpu.memory_space<hbm>> -> memref<80x128xi32, #tpu.memory_space<hbm>>
      tpu.enqueue_dma source(%dma_start3A_405 : memref<80x128xi32, #tpu.memory_space<hbm>>) target(%arg8 : memref<80x128xi32, #tpu.memory_space<vmem>>) target_semaphore(%run_scoped3A : memref<!tpu.dma_semaphore, #tpu.memory_space<semaphore_mem>>)
      %dma_wait3A_406 = arith.constant 0 : i32
      %dma_wait3A_407 = arith.constant 0 : i32
      %dma_wait3A_408 = tpu.memref_slice %arg4[%add3A, %dma_wait3A_406, %dma_wait3A_407] : memref<32x80x128xi32, #tpu.memory_space<hbm>> -> memref<1x80x128xi32, #tpu.memory_space<hbm>>
      %dma_wait3A_409 = tpu.memref_squeeze %dma_wait3A_408 : memref<1x80x128xi32, #tpu.memory_space<hbm>> -> memref<80x128xi32, #tpu.memory_space<hbm>>
      %dma_wait3A_410 = arith.constant 0 : i32
      %dma_wait3A_411 = arith.constant 0 : i32
      %dma_wait3A_412 = tpu.memref_slice %arg4[%add3A, %dma_wait3A_410, %dma_wait3A_411] : memref<32x80x128xi32, #tpu.memory_space<hbm>> -> memref<1x80x128xi32, #tpu.memory_space<hbm>>
      %dma_wait3A_413 = tpu.memref_squeeze %dma_wait3A_412 : memref<1x80x128xi32, #tpu.memory_space<hbm>> -> memref<80x128xi32, #tpu.memory_space<hbm>>
      tpu.wait_dma2 semaphore(%run_scoped3A : memref<!tpu.dma_semaphore, #tpu.memory_space<semaphore_mem>>) src(%dma_wait3A_413 : memref<80x128xi32, #tpu.memory_space<hbm>>) dst(%arg8 : memref<80x128xi32, #tpu.memory_space<vmem>>)
      tpu.yield
    }) : () -> ()
    %barrier3A = arith.constant 0 : index
    tpu.barrier barrier_id(%barrier3A)
    %dma_start3A = arith.constant 0 : i32
    %dma_start3A_5 = tpu.memref_slice %arg7[%dma_start3A] : memref<10240xi32, #tpu.memory_space<vmem>> -> memref<128xi32, #tpu.memory_space<vmem>>
    %dma_start3A_6 = arith.constant 0 : i32
    %dma_start3A_7 = arith.constant 0 : i32
    %dma_start3A_8 = tpu.memref_slice %arg2[%dma_start3A_6, %dma_start3A_7] : memref<10240x128xbf16, #tpu.memory_space<hbm>> -> memref<10240x128xbf16, #tpu.memory_space<hbm>>
    tpu.enqueue_indirect_dma source(%dma_start3A_8 : memref<10240x128xbf16, #tpu.memory_space<hbm>>) target(%arg9 : memref<128x128xbf16, #tpu.memory_space<vmem>>) offsets(%dma_start3A_5 : memref<128xi32, #tpu.memory_space<vmem>>) semaphore(%arg18 : memref<!tpu.dma_semaphore, #tpu.memory_space<semaphore_mem>>)
    %dma_start3A_9 = arith.constant 128 : i32
    %dma_start3A_10 = tpu.memref_slice %arg7[%dma_start3A_9] : memref<10240xi32, #tpu.memory_space<vmem>> -> memref<128xi32, #tpu.memory_space<vmem>>
    %dma_start3A_11 = arith.constant 0 : i32
    %dma_start3A_12 = arith.constant 0 : i32
    %dma_start3A_13 = tpu.memref_slice %arg2[%dma_start3A_11, %dma_start3A_12] : memref<10240x128xbf16, #tpu.memory_space<hbm>> -> memref<10240x128xbf16, #tpu.memory_space<hbm>>
    tpu.enqueue_indirect_dma source(%dma_start3A_13 : memref<10240x128xbf16, #tpu.memory_space<hbm>>) target(%arg10 : memref<128x128xbf16, #tpu.memory_space<vmem>>) offsets(%dma_start3A_10 : memref<128xi32, #tpu.memory_space<vmem>>) semaphore(%arg19 : memref<!tpu.dma_semaphore, #tpu.memory_space<semaphore_mem>>)
    %dma_start3A_14 = arith.constant 256 : i32
    %dma_start3A_15 = tpu.memref_slice %arg7[%dma_start3A_14] : memref<10240xi32, #tpu.memory_space<vmem>> -> memref<128xi32, #tpu.memory_space<vmem>>
    %dma_start3A_16 = arith.constant 0 : i32
    %dma_start3A_17 = arith.constant 0 : i32
    %dma_start3A_18 = tpu.memref_slice %arg2[%dma_start3A_16, %dma_start3A_17] : memref<10240x128xbf16, #tpu.memory_space<hbm>> -> memref<10240x128xbf16, #tpu.memory_space<hbm>>
    tpu.enqueue_indirect_dma source(%dma_start3A_18 : memref<10240x128xbf16, #tpu.memory_space<hbm>>) target(%arg11 : memref<128x128xbf16, #tpu.memory_space<vmem>>) offsets(%dma_start3A_15 : memref<128xi32, #tpu.memory_space<vmem>>) semaphore(%arg20 : memref<!tpu.dma_semaphore, #tpu.memory_space<semaphore_mem>>)
    %dma_start3A_19 = arith.constant 384 : i32
    %dma_start3A_20 = tpu.memref_slice %arg7[%dma_start3A_19] : memref<10240xi32, #tpu.memory_space<vmem>> -> memref<128xi32, #tpu.memory_space<vmem>>
    %dma_start3A_21 = arith.constant 0 : i32
    %dma_start3A_22 = arith.constant 0 : i32
    %dma_start3A_23 = tpu.memref_slice %arg2[%dma_start3A_21, %dma_start3A_22] : memref<10240x128xbf16, #tpu.memory_space<hbm>> -> memref<10240x128xbf16, #tpu.memory_space<hbm>>
    tpu.enqueue_indirect_dma source(%dma_start3A_23 : memref<10240x128xbf16, #tpu.memory_space<hbm>>) target(%arg12 : memref<128x128xbf16, #tpu.memory_space<vmem>>) offsets(%dma_start3A_20 : memref<128xi32, #tpu.memory_space<vmem>>) semaphore(%arg21 : memref<!tpu.dma_semaphore, #tpu.memory_space<semaphore_mem>>)
    %dma_start3A_24 = arith.constant 512 : i32
    %dma_start3A_25 = tpu.memref_slice %arg7[%dma_start3A_24] : memref<10240xi32, #tpu.memory_space<vmem>> -> memref<128xi32, #tpu.memory_space<vmem>>
    %dma_start3A_26 = arith.constant 0 : i32
    %dma_start3A_27 = arith.constant 0 : i32
    %dma_start3A_28 = tpu.memref_slice %arg2[%dma_start3A_26, %dma_start3A_27] : memref<10240x128xbf16, #tpu.memory_space<hbm>> -> memref<10240x128xbf16, #tpu.memory_space<hbm>>
    tpu.enqueue_indirect_dma source(%dma_start3A_28 : memref<10240x128xbf16, #tpu.memory_space<hbm>>) target(%arg13 : memref<128x128xbf16, #tpu.memory_space<vmem>>) offsets(%dma_start3A_25 : memref<128xi32, #tpu.memory_space<vmem>>) semaphore(%arg22 : memref<!tpu.dma_semaphore, #tpu.memory_space<semaphore_mem>>)
    %dma_start3A_29 = arith.constant 640 : i32
    %dma_start3A_30 = tpu.memref_slice %arg7[%dma_start3A_29] : memref<10240xi32, #tpu.memory_space<vmem>> -> memref<128xi32, #tpu.memory_space<vmem>>
    %dma_start3A_31 = arith.constant 0 : i32
    %dma_start3A_32 = arith.constant 0 : i32
    %dma_start3A_33 = tpu.memref_slice %arg2[%dma_start3A_31, %dma_start3A_32] : memref<10240x128xbf16, #tpu.memory_space<hbm>> -> memref<10240x128xbf16, #tpu.memory_space<hbm>>
    tpu.enqueue_indirect_dma source(%dma_start3A_33 : memref<10240x128xbf16, #tpu.memory_space<hbm>>) target(%arg14 : memref<128x128xbf16, #tpu.memory_space<vmem>>) offsets(%dma_start3A_30 : memref<128xi32, #tpu.memory_space<vmem>>) semaphore(%arg23 : memref<!tpu.dma_semaphore, #tpu.memory_space<semaphore_mem>>)
    %dma_start3A_34 = arith.constant 768 : i32
    %dma_start3A_35 = tpu.memref_slice %arg7[%dma_start3A_34] : memref<10240xi32, #tpu.memory_space<vmem>> -> memref<128xi32, #tpu.memory_space<vmem>>
    %dma_start3A_36 = arith.constant 0 : i32
    %dma_start3A_37 = arith.constant 0 : i32
    %dma_start3A_38 = tpu.memref_slice %arg2[%dma_start3A_36, %dma_start3A_37] : memref<10240x128xbf16, #tpu.memory_space<hbm>> -> memref<10240x128xbf16, #tpu.memory_space<hbm>>
    tpu.enqueue_indirect_dma source(%dma_start3A_38 : memref<10240x128xbf16, #tpu.memory_space<hbm>>) target(%arg15 : memref<128x128xbf16, #tpu.memory_space<vmem>>) offsets(%dma_start3A_35 : memref<128xi32, #tpu.memory_space<vmem>>) semaphore(%arg24 : memref<!tpu.dma_semaphore, #tpu.memory_space<semaphore_mem>>)
    %dma_wait3A = arith.constant 0 : i32
    %dma_wait3A_39 = tpu.memref_slice %arg7[%dma_wait3A] : memref<10240xi32, #tpu.memory_space<vmem>> -> memref<128xi32, #tpu.memory_space<vmem>>
    %dma_wait3A_40 = arith.constant 0 : i32
    %dma_wait3A_41 = arith.constant 0 : i32
    %dma_wait3A_42 = tpu.memref_slice %arg2[%dma_wait3A_40, %dma_wait3A_41] : memref<10240x128xbf16, #tpu.memory_space<hbm>> -> memref<10240x128xbf16, #tpu.memory_space<hbm>>
    tpu.wait_indirect_dma semaphore(%arg18 : memref<!tpu.dma_semaphore, #tpu.memory_space<semaphore_mem>>) src(%dma_wait3A_42 : memref<10240x128xbf16, #tpu.memory_space<hbm>>) dst(%arg9 : memref<128x128xbf16, #tpu.memory_space<vmem>>)
    %dma_start3A_43 = arith.constant 0 : i32
    %dma_start3A_44 = arith.constant 0 : i32
    %dma_start3A_45 = tpu.memref_slice %arg8[%dma_start3A_43, %dma_start3A_44] : memref<80x128xi32, #tpu.memory_space<vmem>> -> memref<1x128xi32, #tpu.memory_space<vmem>>
    %dma_start3A_46 = tpu.memref_squeeze %dma_start3A_45 : memref<1x128xi32, #tpu.memory_space<vmem>> -> memref<128xi32, #tpu.memory_space<vmem>>
    %dma_start3A_47 = arith.constant 0 : i32
    %dma_start3A_48 = arith.constant 0 : i32
    %dma_start3A_49 = tpu.memref_slice %arg17[%dma_start3A_47, %dma_start3A_48] : memref<10240x128xbf16, #tpu.memory_space<vmem_shared>> -> memref<10240x128xbf16, #tpu.memory_space<vmem_shared>>
    tpu.enqueue_indirect_dma source(%arg9 : memref<128x128xbf16, #tpu.memory_space<vmem>>) target(%dma_start3A_49 : memref<10240x128xbf16, #tpu.memory_space<vmem_shared>>) offsets(%dma_start3A_46 : memref<128xi32, #tpu.memory_space<vmem>>) semaphore(%arg26 : memref<!tpu.dma_semaphore, #tpu.memory_space<semaphore_mem>>) {add = true}
    %dma_start3A_50 = arith.constant 896 : i32
    %dma_start3A_51 = tpu.memref_slice %arg7[%dma_start3A_50] : memref<10240xi32, #tpu.memory_space<vmem>> -> memref<128xi32, #tpu.memory_space<vmem>>
    %dma_start3A_52 = arith.constant 0 : i32
    %dma_start3A_53 = arith.constant 0 : i32
    %dma_start3A_54 = tpu.memref_slice %arg2[%dma_start3A_52, %dma_start3A_53] : memref<10240x128xbf16, #tpu.memory_space<hbm>> -> memref<10240x128xbf16, #tpu.memory_space<hbm>>
    tpu.enqueue_indirect_dma source(%dma_start3A_54 : memref<10240x128xbf16, #tpu.memory_space<hbm>>) target(%arg16 : memref<128x128xbf16, #tpu.memory_space<vmem>>) offsets(%dma_start3A_51 : memref<128xi32, #tpu.memory_space<vmem>>) semaphore(%arg25 : memref<!tpu.dma_semaphore, #tpu.memory_space<semaphore_mem>>)
    %dma_wait3A_55 = arith.constant 128 : i32
    %dma_wait3A_56 = tpu.memref_slice %arg7[%dma_wait3A_55] : memref<10240xi32, #tpu.memory_space<vmem>> -> memref<128xi32, #tpu.memory_space<vmem>>
    %dma_wait3A_57 = arith.constant 0 : i32
    %dma_wait3A_58 = arith.constant 0 : i32
    %dma_wait3A_59 = tpu.memref_slice %arg2[%dma_wait3A_57, %dma_wait3A_58] : memref<10240x128xbf16, #tpu.memory_space<hbm>> -> memref<10240x128xbf16, #tpu.memory_space<hbm>>
    tpu.wait_indirect_dma semaphore(%arg19 : memref<!tpu.dma_semaphore, #tpu.memory_space<semaphore_mem>>) src(%dma_wait3A_59 : memref<10240x128xbf16, #tpu.memory_space<hbm>>) dst(%arg10 : memref<128x128xbf16, #tpu.memory_space<vmem>>)
    %dma_start3A_60 = arith.constant 1 : i32
    %dma_start3A_61 = arith.constant 0 : i32
    %dma_start3A_62 = tpu.memref_slice %arg8[%dma_start3A_60, %dma_start3A_61] : memref<80x128xi32, #tpu.memory_space<vmem>> -> memref<1x128xi32, #tpu.memory_space<vmem>>
    %dma_start3A_63 = tpu.memref_squeeze %dma_start3A_62 : memref<1x128xi32, #tpu.memory_space<vmem>> -> memref<128xi32, #tpu.memory_space<vmem>>
    %dma_start3A_64 = arith.constant 0 : i32
    %dma_start3A_65 = arith.constant 0 : i32
    %dma_start3A_66 = tpu.memref_slice %arg17[%dma_start3A_64, %dma_start3A_65] : memref<10240x128xbf16, #tpu.memory_space<vmem_shared>> -> memref<10240x128xbf16, #tpu.memory_space<vmem_shared>>
    tpu.enqueue_indirect_dma source(%arg10 : memref<128x128xbf16, #tpu.memory_space<vmem>>) target(%dma_start3A_66 : memref<10240x128xbf16, #tpu.memory_space<vmem_shared>>) offsets(%dma_start3A_63 : memref<128xi32, #tpu.memory_space<vmem>>) semaphore(%arg27 : memref<!tpu.dma_semaphore, #tpu.memory_space<semaphore_mem>>) {add = true}
    %dma_wait3A_67 = arith.constant 0 : i32
    %dma_wait3A_68 = arith.constant 0 : i32
    %dma_wait3A_69 = tpu.memref_slice %arg8[%dma_wait3A_67, %dma_wait3A_68] : memref<80x128xi32, #tpu.memory_space<vmem>> -> memref<1x128xi32, #tpu.memory_space<vmem>>
    %dma_wait3A_70 = tpu.memref_squeeze %dma_wait3A_69 : memref<1x128xi32, #tpu.memory_space<vmem>> -> memref<128xi32, #tpu.memory_space<vmem>>
    %dma_wait3A_71 = arith.constant 0 : i32
    %dma_wait3A_72 = arith.constant 0 : i32
    %dma_wait3A_73 = tpu.memref_slice %arg17[%dma_wait3A_71, %dma_wait3A_72] : memref<10240x128xbf16, #tpu.memory_space<vmem_shared>> -> memref<10240x128xbf16, #tpu.memory_space<vmem_shared>>
    tpu.wait_indirect_dma semaphore(%arg26 : memref<!tpu.dma_semaphore, #tpu.memory_space<semaphore_mem>>) src(%arg9 : memref<128x128xbf16, #tpu.memory_space<vmem>>) dst(%dma_wait3A_73 : memref<10240x128xbf16, #tpu.memory_space<vmem_shared>>)
    %dma_start3A_74 = arith.constant 1024 : i32
    %dma_start3A_75 = tpu.memref_slice %arg7[%dma_start3A_74] : memref<10240xi32, #tpu.memory_space<vmem>> -> memref<128xi32, #tpu.memory_space<vmem>>
    %dma_start3A_76 = arith.constant 0 : i32
    %dma_start3A_77 = arith.constant 0 : i32
    %dma_start3A_78 = tpu.memref_slice %arg2[%dma_start3A_76, %dma_start3A_77] : memref<10240x128xbf16, #tpu.memory_space<hbm>> -> memref<10240x128xbf16, #tpu.memory_space<hbm>>
    tpu.enqueue_indirect_dma source(%dma_start3A_78 : memref<10240x128xbf16, #tpu.memory_space<hbm>>) target(%arg9 : memref<128x128xbf16, #tpu.memory_space<vmem>>) offsets(%dma_start3A_75 : memref<128xi32, #tpu.memory_space<vmem>>) semaphore(%arg18 : memref<!tpu.dma_semaphore, #tpu.memory_space<semaphore_mem>>)
    %dma_wait3A_79 = arith.constant 256 : i32
    %dma_wait3A_80 = tpu.memref_slice %arg7[%dma_wait3A_79] : memref<10240xi32, #tpu.memory_space<vmem>> -> memref<128xi32, #tpu.memory_space<vmem>>
    %dma_wait3A_81 = arith.constant 0 : i32
    %dma_wait3A_82 = arith.constant 0 : i32
    %dma_wait3A_83 = tpu.memref_slice %arg2[%dma_wait3A_81, %dma_wait3A_82] : memref<10240x128xbf16, #tpu.memory_space<hbm>> -> memref<10240x128xbf16, #tpu.memory_space<hbm>>
    tpu.wait_indirect_dma semaphore(%arg20 : memref<!tpu.dma_semaphore, #tpu.memory_space<semaphore_mem>>) src(%dma_wait3A_83 : memref<10240x128xbf16, #tpu.memory_space<hbm>>) dst(%arg11 : memref<128x128xbf16, #tpu.memory_space<vmem>>)
    %dma_start3A_84 = arith.constant 2 : i32
    %dma_start3A_85 = arith.constant 0 : i32
    %dma_start3A_86 = tpu.memref_slice %arg8[%dma_start3A_84, %dma_start3A_85] : memref<80x128xi32, #tpu.memory_space<vmem>> -> memref<1x128xi32, #tpu.memory_space<vmem>>
    %dma_start3A_87 = tpu.memref_squeeze %dma_start3A_86 : memref<1x128xi32, #tpu.memory_space<vmem>> -> memref<128xi32, #tpu.memory_space<vmem>>
    %dma_start3A_88 = arith.constant 0 : i32
    %dma_start3A_89 = arith.constant 0 : i32
    %dma_start3A_90 = tpu.memref_slice %arg17[%dma_start3A_88, %dma_start3A_89] : memref<10240x128xbf16, #tpu.memory_space<vmem_shared>> -> memref<10240x128xbf16, #tpu.memory_space<vmem_shared>>
    tpu.enqueue_indirect_dma source(%arg11 : memref<128x128xbf16, #tpu.memory_space<vmem>>) target(%dma_start3A_90 : memref<10240x128xbf16, #tpu.memory_space<vmem_shared>>) offsets(%dma_start3A_87 : memref<128xi32, #tpu.memory_space<vmem>>) semaphore(%arg28 : memref<!tpu.dma_semaphore, #tpu.memory_space<semaphore_mem>>) {add = true}
    %dma_wait3A_91 = arith.constant 1 : i32
    %dma_wait3A_92 = arith.constant 0 : i32
    %dma_wait3A_93 = tpu.memref_slice %arg8[%dma_wait3A_91, %dma_wait3A_92] : memref<80x128xi32, #tpu.memory_space<vmem>> -> memref<1x128xi32, #tpu.memory_space<vmem>>
    %dma_wait3A_94 = tpu.memref_squeeze %dma_wait3A_93 : memref<1x128xi32, #tpu.memory_space<vmem>> -> memref<128xi32, #tpu.memory_space<vmem>>
    %dma_wait3A_95 = arith.constant 0 : i32
    %dma_wait3A_96 = arith.constant 0 : i32
    %dma_wait3A_97 = tpu.memref_slice %arg17[%dma_wait3A_95, %dma_wait3A_96] : memref<10240x128xbf16, #tpu.memory_space<vmem_shared>> -> memref<10240x128xbf16, #tpu.memory_space<vmem_shared>>
    tpu.wait_indirect_dma semaphore(%arg27 : memref<!tpu.dma_semaphore, #tpu.memory_space<semaphore_mem>>) src(%arg10 : memref<128x128xbf16, #tpu.memory_space<vmem>>) dst(%dma_wait3A_97 : memref<10240x128xbf16, #tpu.memory_space<vmem_shared>>)
    %dma_start3A_98 = arith.constant 1152 : i32
    %dma_start3A_99 = tpu.memref_slice %arg7[%dma_start3A_98] : memref<10240xi32, #tpu.memory_space<vmem>> -> memref<128xi32, #tpu.memory_space<vmem>>
    %dma_start3A_100 = arith.constant 0 : i32
    %dma_start3A_101 = arith.constant 0 : i32
    %dma_start3A_102 = tpu.memref_slice %arg2[%dma_start3A_100, %dma_start3A_101] : memref<10240x128xbf16, #tpu.memory_space<hbm>> -> memref<10240x128xbf16, #tpu.memory_space<hbm>>
    tpu.enqueue_indirect_dma source(%dma_start3A_102 : memref<10240x128xbf16, #tpu.memory_space<hbm>>) target(%arg10 : memref<128x128xbf16, #tpu.memory_space<vmem>>) offsets(%dma_start3A_99 : memref<128xi32, #tpu.memory_space<vmem>>) semaphore(%arg19 : memref<!tpu.dma_semaphore, #tpu.memory_space<semaphore_mem>>)
    %dma_wait3A_103 = arith.constant 384 : i32
    %dma_wait3A_104 = tpu.memref_slice %arg7[%dma_wait3A_103] : memref<10240xi32, #tpu.memory_space<vmem>> -> memref<128xi32, #tpu.memory_space<vmem>>
    %dma_wait3A_105 = arith.constant 0 : i32
    %dma_wait3A_106 = arith.constant 0 : i32
    %dma_wait3A_107 = tpu.memref_slice %arg2[%dma_wait3A_105, %dma_wait3A_106] : memref<10240x128xbf16, #tpu.memory_space<hbm>> -> memref<10240x128xbf16, #tpu.memory_space<hbm>>
    tpu.wait_indirect_dma semaphore(%arg21 : memref<!tpu.dma_semaphore, #tpu.memory_space<semaphore_mem>>) src(%dma_wait3A_107 : memref<10240x128xbf16, #tpu.memory_space<hbm>>) dst(%arg12 : memref<128x128xbf16, #tpu.memory_space<vmem>>)
    %dma_start3A_108 = arith.constant 3 : i32
    %dma_start3A_109 = arith.constant 0 : i32
    %dma_start3A_110 = tpu.memref_slice %arg8[%dma_start3A_108, %dma_start3A_109] : memref<80x128xi32, #tpu.memory_space<vmem>> -> memref<1x128xi32, #tpu.memory_space<vmem>>
    %dma_start3A_111 = tpu.memref_squeeze %dma_start3A_110 : memref<1x128xi32, #tpu.memory_space<vmem>> -> memref<128xi32, #tpu.memory_space<vmem>>
    %dma_start3A_112 = arith.constant 0 : i32
    %dma_start3A_113 = arith.constant 0 : i32
    %dma_start3A_114 = tpu.memref_slice %arg17[%dma_start3A_112, %dma_start3A_113] : memref<10240x128xbf16, #tpu.memory_space<vmem_shared>> -> memref<10240x128xbf16, #tpu.memory_space<vmem_shared>>
    tpu.enqueue_indirect_dma source(%arg12 : memref<128x128xbf16, #tpu.memory_space<vmem>>) target(%dma_start3A_114 : memref<10240x128xbf16, #tpu.memory_space<vmem_shared>>) offsets(%dma_start3A_111 : memref<128xi32, #tpu.memory_space<vmem>>) semaphore(%arg29 : memref<!tpu.dma_semaphore, #tpu.memory_space<semaphore_mem>>) {add = true}
    %dma_wait3A_115 = arith.constant 2 : i32
    %dma_wait3A_116 = arith.constant 0 : i32
    %dma_wait3A_117 = tpu.memref_slice %arg8[%dma_wait3A_115, %dma_wait3A_116] : memref<80x128xi32, #tpu.memory_space<vmem>> -> memref<1x128xi32, #tpu.memory_space<vmem>>
    %dma_wait3A_118 = tpu.memref_squeeze %dma_wait3A_117 : memref<1x128xi32, #tpu.memory_space<vmem>> -> memref<128xi32, #tpu.memory_space<vmem>>
    %dma_wait3A_119 = arith.constant 0 : i32
    %dma_wait3A_120 = arith.constant 0 : i32
    %dma_wait3A_121 = tpu.memref_slice %arg17[%dma_wait3A_119, %dma_wait3A_120] : memref<10240x128xbf16, #tpu.memory_space<vmem_shared>> -> memref<10240x128xbf16, #tpu.memory_space<vmem_shared>>
    tpu.wait_indirect_dma semaphore(%arg28 : memref<!tpu.dma_semaphore, #tpu.memory_space<semaphore_mem>>) src(%arg11 : memref<128x128xbf16, #tpu.memory_space<vmem>>) dst(%dma_wait3A_121 : memref<10240x128xbf16, #tpu.memory_space<vmem_shared>>)
    %dma_start3A_122 = arith.constant 1280 : i32
    %dma_start3A_123 = tpu.memref_slice %arg7[%dma_start3A_122] : memref<10240xi32, #tpu.memory_space<vmem>> -> memref<128xi32, #tpu.memory_space<vmem>>
    %dma_start3A_124 = arith.constant 0 : i32
    %dma_start3A_125 = arith.constant 0 : i32
    %dma_start3A_126 = tpu.memref_slice %arg2[%dma_start3A_124, %dma_start3A_125] : memref<10240x128xbf16, #tpu.memory_space<hbm>> -> memref<10240x128xbf16, #tpu.memory_space<hbm>>
    tpu.enqueue_indirect_dma source(%dma_start3A_126 : memref<10240x128xbf16, #tpu.memory_space<hbm>>) target(%arg11 : memref<128x128xbf16, #tpu.memory_space<vmem>>) offsets(%dma_start3A_123 : memref<128xi32, #tpu.memory_space<vmem>>) semaphore(%arg20 : memref<!tpu.dma_semaphore, #tpu.memory_space<semaphore_mem>>)
    %dma_wait3A_127 = arith.constant 512 : i32
    %dma_wait3A_128 = tpu.memref_slice %arg7[%dma_wait3A_127] : memref<10240xi32, #tpu.memory_space<vmem>> -> memref<128xi32, #tpu.memory_space<vmem>>
    %dma_wait3A_129 = arith.constant 0 : i32
    %dma_wait3A_130 = arith.constant 0 : i32
    %dma_wait3A_131 = tpu.memref_slice %arg2[%dma_wait3A_129, %dma_wait3A_130] : memref<10240x128xbf16, #tpu.memory_space<hbm>> -> memref<10240x128xbf16, #tpu.memory_space<hbm>>
    tpu.wait_indirect_dma semaphore(%arg22 : memref<!tpu.dma_semaphore, #tpu.memory_space<semaphore_mem>>) src(%dma_wait3A_131 : memref<10240x128xbf16, #tpu.memory_space<hbm>>) dst(%arg13 : memref<128x128xbf16, #tpu.memory_space<vmem>>)
    %dma_start3A_132 = arith.constant 4 : i32
    %dma_start3A_133 = arith.constant 0 : i32
    %dma_start3A_134 = tpu.memref_slice %arg8[%dma_start3A_132, %dma_start3A_133] : memref<80x128xi32, #tpu.memory_space<vmem>> -> memref<1x128xi32, #tpu.memory_space<vmem>>
    %dma_start3A_135 = tpu.memref_squeeze %dma_start3A_134 : memref<1x128xi32, #tpu.memory_space<vmem>> -> memref<128xi32, #tpu.memory_space<vmem>>
    %dma_start3A_136 = arith.constant 0 : i32
    %dma_start3A_137 = arith.constant 0 : i32
    %dma_start3A_138 = tpu.memref_slice %arg17[%dma_start3A_136, %dma_start3A_137] : memref<10240x128xbf16, #tpu.memory_space<vmem_shared>> -> memref<10240x128xbf16, #tpu.memory_space<vmem_shared>>
    tpu.enqueue_indirect_dma source(%arg13 : memref<128x128xbf16, #tpu.memory_space<vmem>>) target(%dma_start3A_138 : memref<10240x128xbf16, #tpu.memory_space<vmem_shared>>) offsets(%dma_start3A_135 : memref<128xi32, #tpu.memory_space<vmem>>) semaphore(%arg30 : memref<!tpu.dma_semaphore, #tpu.memory_space<semaphore_mem>>) {add = true}
    %dma_wait3A_139 = arith.constant 3 : i32
    %dma_wait3A_140 = arith.constant 0 : i32
    %dma_wait3A_141 = tpu.memref_slice %arg8[%dma_wait3A_139, %dma_wait3A_140] : memref<80x128xi32, #tpu.memory_space<vmem>> -> memref<1x128xi32, #tpu.memory_space<vmem>>
    %dma_wait3A_142 = tpu.memref_squeeze %dma_wait3A_141 : memref<1x128xi32, #tpu.memory_space<vmem>> -> memref<128xi32, #tpu.memory_space<vmem>>
    %dma_wait3A_143 = arith.constant 0 : i32
    %dma_wait3A_144 = arith.constant 0 : i32
    %dma_wait3A_145 = tpu.memref_slice %arg17[%dma_wait3A_143, %dma_wait3A_144] : memref<10240x128xbf16, #tpu.memory_space<vmem_shared>> -> memref<10240x128xbf16, #tpu.memory_space<vmem_shared>>
    tpu.wait_indirect_dma semaphore(%arg29 : memref<!tpu.dma_semaphore, #tpu.memory_space<semaphore_mem>>) src(%arg12 : memref<128x128xbf16, #tpu.memory_space<vmem>>) dst(%dma_wait3A_145 : memref<10240x128xbf16, #tpu.memory_space<vmem_shared>>)
    %dma_start3A_146 = arith.constant 1408 : i32
    %dma_start3A_147 = tpu.memref_slice %arg7[%dma_start3A_146] : memref<10240xi32, #tpu.memory_space<vmem>> -> memref<128xi32, #tpu.memory_space<vmem>>
    %dma_start3A_148 = arith.constant 0 : i32
    %dma_start3A_149 = arith.constant 0 : i32
    %dma_start3A_150 = tpu.memref_slice %arg2[%dma_start3A_148, %dma_start3A_149] : memref<10240x128xbf16, #tpu.memory_space<hbm>> -> memref<10240x128xbf16, #tpu.memory_space<hbm>>
    tpu.enqueue_indirect_dma source(%dma_start3A_150 : memref<10240x128xbf16, #tpu.memory_space<hbm>>) target(%arg12 : memref<128x128xbf16, #tpu.memory_space<vmem>>) offsets(%dma_start3A_147 : memref<128xi32, #tpu.memory_space<vmem>>) semaphore(%arg21 : memref<!tpu.dma_semaphore, #tpu.memory_space<semaphore_mem>>)
    %dma_wait3A_151 = arith.constant 640 : i32
    %dma_wait3A_152 = tpu.memref_slice %arg7[%dma_wait3A_151] : memref<10240xi32, #tpu.memory_space<vmem>> -> memref<128xi32, #tpu.memory_space<vmem>>
    %dma_wait3A_153 = arith.constant 0 : i32
    %dma_wait3A_154 = arith.constant 0 : i32
    %dma_wait3A_155 = tpu.memref_slice %arg2[%dma_wait3A_153, %dma_wait3A_154] : memref<10240x128xbf16, #tpu.memory_space<hbm>> -> memref<10240x128xbf16, #tpu.memory_space<hbm>>
    tpu.wait_indirect_dma semaphore(%arg23 : memref<!tpu.dma_semaphore, #tpu.memory_space<semaphore_mem>>) src(%dma_wait3A_155 : memref<10240x128xbf16, #tpu.memory_space<hbm>>) dst(%arg14 : memref<128x128xbf16, #tpu.memory_space<vmem>>)
    %dma_start3A_156 = arith.constant 5 : i32
    %dma_start3A_157 = arith.constant 0 : i32
    %dma_start3A_158 = tpu.memref_slice %arg8[%dma_start3A_156, %dma_start3A_157] : memref<80x128xi32, #tpu.memory_space<vmem>> -> memref<1x128xi32, #tpu.memory_space<vmem>>
    %dma_start3A_159 = tpu.memref_squeeze %dma_start3A_158 : memref<1x128xi32, #tpu.memory_space<vmem>> -> memref<128xi32, #tpu.memory_space<vmem>>
    %dma_start3A_160 = arith.constant 0 : i32
    %dma_start3A_161 = arith.constant 0 : i32
    %dma_start3A_162 = tpu.memref_slice %arg17[%dma_start3A_160, %dma_start3A_161] : memref<10240x128xbf16, #tpu.memory_space<vmem_shared>> -> memref<10240x128xbf16, #tpu.memory_space<vmem_shared>>
    tpu.enqueue_indirect_dma source(%arg14 : memref<128x128xbf16, #tpu.memory_space<vmem>>) target(%dma_start3A_162 : memref<10240x128xbf16, #tpu.memory_space<vmem_shared>>) offsets(%dma_start3A_159 : memref<128xi32, #tpu.memory_space<vmem>>) semaphore(%arg31 : memref<!tpu.dma_semaphore, #tpu.memory_space<semaphore_mem>>) {add = true}
    %dma_wait3A_163 = arith.constant 4 : i32
    %dma_wait3A_164 = arith.constant 0 : i32
    %dma_wait3A_165 = tpu.memref_slice %arg8[%dma_wait3A_163, %dma_wait3A_164] : memref<80x128xi32, #tpu.memory_space<vmem>> -> memref<1x128xi32, #tpu.memory_space<vmem>>
    %dma_wait3A_166 = tpu.memref_squeeze %dma_wait3A_165 : memref<1x128xi32, #tpu.memory_space<vmem>> -> memref<128xi32, #tpu.memory_space<vmem>>
    %dma_wait3A_167 = arith.constant 0 : i32
    %dma_wait3A_168 = arith.constant 0 : i32
    %dma_wait3A_169 = tpu.memref_slice %arg17[%dma_wait3A_167, %dma_wait3A_168] : memref<10240x128xbf16, #tpu.memory_space<vmem_shared>> -> memref<10240x128xbf16, #tpu.memory_space<vmem_shared>>
    tpu.wait_indirect_dma semaphore(%arg30 : memref<!tpu.dma_semaphore, #tpu.memory_space<semaphore_mem>>) src(%arg13 : memref<128x128xbf16, #tpu.memory_space<vmem>>) dst(%dma_wait3A_169 : memref<10240x128xbf16, #tpu.memory_space<vmem_shared>>)
    %dma_start3A_170 = arith.constant 1536 : i32
    %dma_start3A_171 = tpu.memref_slice %arg7[%dma_start3A_170] : memref<10240xi32, #tpu.memory_space<vmem>> -> memref<128xi32, #tpu.memory_space<vmem>>
    %dma_start3A_172 = arith.constant 0 : i32
    %dma_start3A_173 = arith.constant 0 : i32
    %dma_start3A_174 = tpu.memref_slice %arg2[%dma_start3A_172, %dma_start3A_173] : memref<10240x128xbf16, #tpu.memory_space<hbm>> -> memref<10240x128xbf16, #tpu.memory_space<hbm>>
    tpu.enqueue_indirect_dma source(%dma_start3A_174 : memref<10240x128xbf16, #tpu.memory_space<hbm>>) target(%arg13 : memref<128x128xbf16, #tpu.memory_space<vmem>>) offsets(%dma_start3A_171 : memref<128xi32, #tpu.memory_space<vmem>>) semaphore(%arg22 : memref<!tpu.dma_semaphore, #tpu.memory_space<semaphore_mem>>)
    %dma_wait3A_175 = arith.constant 768 : i32
    %dma_wait3A_176 = tpu.memref_slice %arg7[%dma_wait3A_175] : memref<10240xi32, #tpu.memory_space<vmem>> -> memref<128xi32, #tpu.memory_space<vmem>>
    %dma_wait3A_177 = arith.constant 0 : i32
    %dma_wait3A_178 = arith.constant 0 : i32
    %dma_wait3A_179 = tpu.memref_slice %arg2[%dma_wait3A_177, %dma_wait3A_178] : memref<10240x128xbf16, #tpu.memory_space<hbm>> -> memref<10240x128xbf16, #tpu.memory_space<hbm>>
    tpu.wait_indirect_dma semaphore(%arg24 : memref<!tpu.dma_semaphore, #tpu.memory_space<semaphore_mem>>) src(%dma_wait3A_179 : memref<10240x128xbf16, #tpu.memory_space<hbm>>) dst(%arg15 : memref<128x128xbf16, #tpu.memory_space<vmem>>)
    %dma_start3A_180 = arith.constant 6 : i32
    %dma_start3A_181 = arith.constant 0 : i32
    %dma_start3A_182 = tpu.memref_slice %arg8[%dma_start3A_180, %dma_start3A_181] : memref<80x128xi32, #tpu.memory_space<vmem>> -> memref<1x128xi32, #tpu.memory_space<vmem>>
    %dma_start3A_183 = tpu.memref_squeeze %dma_start3A_182 : memref<1x128xi32, #tpu.memory_space<vmem>> -> memref<128xi32, #tpu.memory_space<vmem>>
    %dma_start3A_184 = arith.constant 0 : i32
    %dma_start3A_185 = arith.constant 0 : i32
    %dma_start3A_186 = tpu.memref_slice %arg17[%dma_start3A_184, %dma_start3A_185] : memref<10240x128xbf16, #tpu.memory_space<vmem_shared>> -> memref<10240x128xbf16, #tpu.memory_space<vmem_shared>>
    tpu.enqueue_indirect_dma source(%arg15 : memref<128x128xbf16, #tpu.memory_space<vmem>>) target(%dma_start3A_186 : memref<10240x128xbf16, #tpu.memory_space<vmem_shared>>) offsets(%dma_start3A_183 : memref<128xi32, #tpu.memory_space<vmem>>) semaphore(%arg32 : memref<!tpu.dma_semaphore, #tpu.memory_space<semaphore_mem>>) {add = true}
    %dma_wait3A_187 = arith.constant 5 : i32
    %dma_wait3A_188 = arith.constant 0 : i32
    %dma_wait3A_189 = tpu.memref_slice %arg8[%dma_wait3A_187, %dma_wait3A_188] : memref<80x128xi32, #tpu.memory_space<vmem>> -> memref<1x128xi32, #tpu.memory_space<vmem>>
    %dma_wait3A_190 = tpu.memref_squeeze %dma_wait3A_189 : memref<1x128xi32, #tpu.memory_space<vmem>> -> memref<128xi32, #tpu.memory_space<vmem>>
    %dma_wait3A_191 = arith.constant 0 : i32
    %dma_wait3A_192 = arith.constant 0 : i32
    %dma_wait3A_193 = tpu.memref_slice %arg17[%dma_wait3A_191, %dma_wait3A_192] : memref<10240x128xbf16, #tpu.memory_space<vmem_shared>> -> memref<10240x128xbf16, #tpu.memory_space<vmem_shared>>
    tpu.wait_indirect_dma semaphore(%arg31 : memref<!tpu.dma_semaphore, #tpu.memory_space<semaphore_mem>>) src(%arg14 : memref<128x128xbf16, #tpu.memory_space<vmem>>) dst(%dma_wait3A_193 : memref<10240x128xbf16, #tpu.memory_space<vmem_shared>>)
    %dma_start3A_194 = arith.constant 1664 : i32
    %dma_start3A_195 = tpu.memref_slice %arg7[%dma_start3A_194] : memref<10240xi32, #tpu.memory_space<vmem>> -> memref<128xi32, #tpu.memory_space<vmem>>
    %dma_start3A_196 = arith.constant 0 : i32
    %dma_start3A_197 = arith.constant 0 : i32
    %dma_start3A_198 = tpu.memref_slice %arg2[%dma_start3A_196, %dma_start3A_197] : memref<10240x128xbf16, #tpu.memory_space<hbm>> -> memref<10240x128xbf16, #tpu.memory_space<hbm>>
    tpu.enqueue_indirect_dma source(%dma_start3A_198 : memref<10240x128xbf16, #tpu.memory_space<hbm>>) target(%arg14 : memref<128x128xbf16, #tpu.memory_space<vmem>>) offsets(%dma_start3A_195 : memref<128xi32, #tpu.memory_space<vmem>>) semaphore(%arg23 : memref<!tpu.dma_semaphore, #tpu.memory_space<semaphore_mem>>)
    %dma_wait3A_199 = arith.constant 896 : i32
    %dma_wait3A_200 = tpu.memref_slice %arg7[%dma_wait3A_199] : memref<10240xi32, #tpu.memory_space<vmem>> -> memref<128xi32, #tpu.memory_space<vmem>>
    %dma_wait3A_201 = arith.constant 0 : i32
    %dma_wait3A_202 = arith.constant 0 : i32
    %dma_wait3A_203 = tpu.memref_slice %arg2[%dma_wait3A_201, %dma_wait3A_202] : memref<10240x128xbf16, #tpu.memory_space<hbm>> -> memref<10240x128xbf16, #tpu.memory_space<hbm>>
    tpu.wait_indirect_dma semaphore(%arg25 : memref<!tpu.dma_semaphore, #tpu.memory_space<semaphore_mem>>) src(%dma_wait3A_203 : memref<10240x128xbf16, #tpu.memory_space<hbm>>) dst(%arg16 : memref<128x128xbf16, #tpu.memory_space<vmem>>)
    %dma_start3A_204 = arith.constant 7 : i32
    %dma_start3A_205 = arith.constant 0 : i32
    %dma_start3A_206 = tpu.memref_slice %arg8[%dma_start3A_204, %dma_start3A_205] : memref<80x128xi32, #tpu.memory_space<vmem>> -> memref<1x128xi32, #tpu.memory_space<vmem>>
    %dma_start3A_207 = tpu.memref_squeeze %dma_start3A_206 : memref<1x128xi32, #tpu.memory_space<vmem>> -> memref<128xi32, #tpu.memory_space<vmem>>
    %dma_start3A_208 = arith.constant 0 : i32
    %dma_start3A_209 = arith.constant 0 : i32
    %dma_start3A_210 = tpu.memref_slice %arg17[%dma_start3A_208, %dma_start3A_209] : memref<10240x128xbf16, #tpu.memory_space<vmem_shared>> -> memref<10240x128xbf16, #tpu.memory_space<vmem_shared>>
    tpu.enqueue_indirect_dma source(%arg16 : memref<128x128xbf16, #tpu.memory_space<vmem>>) target(%dma_start3A_210 : memref<10240x128xbf16, #tpu.memory_space<vmem_shared>>) offsets(%dma_start3A_207 : memref<128xi32, #tpu.memory_space<vmem>>) semaphore(%arg33 : memref<!tpu.dma_semaphore, #tpu.memory_space<semaphore_mem>>) {add = true}
    %dma_wait3A_211 = arith.constant 6 : i32
    %dma_wait3A_212 = arith.constant 0 : i32
    %dma_wait3A_213 = tpu.memref_slice %arg8[%dma_wait3A_211, %dma_wait3A_212] : memref<80x128xi32, #tpu.memory_space<vmem>> -> memref<1x128xi32, #tpu.memory_space<vmem>>
    %dma_wait3A_214 = tpu.memref_squeeze %dma_wait3A_213 : memref<1x128xi32, #tpu.memory_space<vmem>> -> memref<128xi32, #tpu.memory_space<vmem>>
    %dma_wait3A_215 = arith.constant 0 : i32
    %dma_wait3A_216 = arith.constant 0 : i32
    %dma_wait3A_217 = tpu.memref_slice %arg17[%dma_wait3A_215, %dma_wait3A_216] : memref<10240x128xbf16, #tpu.memory_space<vmem_shared>> -> memref<10240x128xbf16, #tpu.memory_space<vmem_shared>>
    tpu.wait_indirect_dma semaphore(%arg32 : memref<!tpu.dma_semaphore, #tpu.memory_space<semaphore_mem>>) src(%arg15 : memref<128x128xbf16, #tpu.memory_space<vmem>>) dst(%dma_wait3A_217 : memref<10240x128xbf16, #tpu.memory_space<vmem_shared>>)
    %dma_start3A_218 = arith.constant 1792 : i32
    %dma_start3A_219 = tpu.memref_slice %arg7[%dma_start3A_218] : memref<10240xi32, #tpu.memory_space<vmem>> -> memref<128xi32, #tpu.memory_space<vmem>>
    %dma_start3A_220 = arith.constant 0 : i32
    %dma_start3A_221 = arith.constant 0 : i32
    %dma_start3A_222 = tpu.memref_slice %arg2[%dma_start3A_220, %dma_start3A_221] : memref<10240x128xbf16, #tpu.memory_space<hbm>> -> memref<10240x128xbf16, #tpu.memory_space<hbm>>
    tpu.enqueue_indirect_dma source(%dma_start3A_222 : memref<10240x128xbf16, #tpu.memory_space<hbm>>) target(%arg15 : memref<128x128xbf16, #tpu.memory_space<vmem>>) offsets(%dma_start3A_219 : memref<128xi32, #tpu.memory_space<vmem>>) semaphore(%arg24 : memref<!tpu.dma_semaphore, #tpu.memory_space<semaphore_mem>>)
    %scan3A = arith.constant 0 : i32
    %scan3A_223 = arith.constant 1 : i32
    %scan3A_224 = arith.constant 8 : i32
    %scan3A_225 = arith.addi %scan3A_223, %scan3A_224 : i32
    %scan3A_226 = arith.constant 1 : i32
    %scan3A_227 = scf.for %scan3A_398 = %scan3A_223 to %scan3A_225 step %scan3A_226 iter_args(%scan3A_399 = %scan3A) -> (i32)  : i32 {
      %mul3A_400 = arith.constant 8 : i32
      %mul3A_401 = arith.muli %scan3A_398, %mul3A_400 : i32
      %add3A_402 = arith.constant 0 : i32
      %add3A_403 = arith.addi %mul3A_401, %add3A_402 : i32
      %mul3A_404 = arith.constant 128 : i32
      %mul3A_405 = arith.muli %add3A_403, %mul3A_404 : i32
      %dma_wait3A_406 = tpu.memref_slice %arg7[%mul3A_405] : memref<10240xi32, #tpu.memory_space<vmem>> -> memref<128xi32, #tpu.memory_space<vmem>>
      %dma_wait3A_407 = arith.constant 0 : i32
      %dma_wait3A_408 = arith.constant 0 : i32
      %dma_wait3A_409 = tpu.memref_slice %arg2[%dma_wait3A_407, %dma_wait3A_408] : memref<10240x128xbf16, #tpu.memory_space<hbm>> -> memref<10240x128xbf16, #tpu.memory_space<hbm>>
      tpu.wait_indirect_dma semaphore(%arg18 : memref<!tpu.dma_semaphore, #tpu.memory_space<semaphore_mem>>) src(%dma_wait3A_409 : memref<10240x128xbf16, #tpu.memory_space<hbm>>) dst(%arg9 : memref<128x128xbf16, #tpu.memory_space<vmem>>)
      %dma_start3A_410 = arith.constant 0 : i32
      %dma_start3A_411 = tpu.memref_slice %arg8[%add3A_403, %dma_start3A_410] : memref<80x128xi32, #tpu.memory_space<vmem>> -> memref<1x128xi32, #tpu.memory_space<vmem>>
      %dma_start3A_412 = tpu.memref_squeeze %dma_start3A_411 : memref<1x128xi32, #tpu.memory_space<vmem>> -> memref<128xi32, #tpu.memory_space<vmem>>
      %dma_start3A_413 = arith.constant 0 : i32
      %dma_start3A_414 = arith.constant 0 : i32
      %dma_start3A_415 = tpu.memref_slice %arg17[%dma_start3A_413, %dma_start3A_414] : memref<10240x128xbf16, #tpu.memory_space<vmem_shared>> -> memref<10240x128xbf16, #tpu.memory_space<vmem_shared>>
      tpu.enqueue_indirect_dma source(%arg9 : memref<128x128xbf16, #tpu.memory_space<vmem>>) target(%dma_start3A_415 : memref<10240x128xbf16, #tpu.memory_space<vmem_shared>>) offsets(%dma_start3A_412 : memref<128xi32, #tpu.memory_space<vmem>>) semaphore(%arg26 : memref<!tpu.dma_semaphore, #tpu.memory_space<semaphore_mem>>) {add = true}
      %add3A_416 = arith.constant 7 : i32
      %add3A_417 = arith.addi %add3A_403, %add3A_416 : i32
      %sub3A = arith.constant 8 : i32
      %sub3A_418 = arith.subi %add3A_417, %sub3A : i32
      %dma_wait3A_419 = arith.constant 0 : i32
      %dma_wait3A_420 = tpu.memref_slice %arg8[%sub3A_418, %dma_wait3A_419] : memref<80x128xi32, #tpu.memory_space<vmem>> -> memref<1x128xi32, #tpu.memory_space<vmem>>
      %dma_wait3A_421 = tpu.memref_squeeze %dma_wait3A_420 : memref<1x128xi32, #tpu.memory_space<vmem>> -> memref<128xi32, #tpu.memory_space<vmem>>
      %dma_wait3A_422 = arith.constant 0 : i32
      %dma_wait3A_423 = arith.constant 0 : i32
      %dma_wait3A_424 = tpu.memref_slice %arg17[%dma_wait3A_422, %dma_wait3A_423] : memref<10240x128xbf16, #tpu.memory_space<vmem_shared>> -> memref<10240x128xbf16, #tpu.memory_space<vmem_shared>>
      tpu.wait_indirect_dma semaphore(%arg33 : memref<!tpu.dma_semaphore, #tpu.memory_space<semaphore_mem>>) src(%arg16 : memref<128x128xbf16, #tpu.memory_space<vmem>>) dst(%dma_wait3A_424 : memref<10240x128xbf16, #tpu.memory_space<vmem_shared>>)
      %add3A_425 = arith.constant 7 : i32
      %add3A_426 = arith.addi %add3A_403, %add3A_425 : i32
      %mul3A_427 = arith.constant 128 : i32
      %mul3A_428 = arith.muli %add3A_426, %mul3A_427 : i32
      %dma_start3A_429 = tpu.memref_slice %arg7[%mul3A_428] : memref<10240xi32, #tpu.memory_space<vmem>> -> memref<128xi32, #tpu.memory_space<vmem>>
      %dma_start3A_430 = arith.constant 0 : i32
      %dma_start3A_431 = arith.constant 0 : i32
      %dma_start3A_432 = tpu.memref_slice %arg2[%dma_start3A_430, %dma_start3A_431] : memref<10240x128xbf16, #tpu.memory_space<hbm>> -> memref<10240x128xbf16, #tpu.memory_space<hbm>>
      tpu.enqueue_indirect_dma source(%dma_start3A_432 : memref<10240x128xbf16, #tpu.memory_space<hbm>>) target(%arg16 : memref<128x128xbf16, #tpu.memory_space<vmem>>) offsets(%dma_start3A_429 : memref<128xi32, #tpu.memory_space<vmem>>) semaphore(%arg25 : memref<!tpu.dma_semaphore, #tpu.memory_space<semaphore_mem>>)
      %mul3A_433 = arith.constant 8 : i32
      %mul3A_434 = arith.muli %scan3A_398, %mul3A_433 : i32
      %add3A_435 = arith.constant 1 : i32
      %add3A_436 = arith.addi %mul3A_434, %add3A_435 : i32
      %mul3A_437 = arith.constant 128 : i32
      %mul3A_438 = arith.muli %add3A_436, %mul3A_437 : i32
      %dma_wait3A_439 = tpu.memref_slice %arg7[%mul3A_438] : memref<10240xi32, #tpu.memory_space<vmem>> -> memref<128xi32, #tpu.memory_space<vmem>>
      %dma_wait3A_440 = arith.constant 0 : i32
      %dma_wait3A_441 = arith.constant 0 : i32
      %dma_wait3A_442 = tpu.memref_slice %arg2[%dma_wait3A_440, %dma_wait3A_441] : memref<10240x128xbf16, #tpu.memory_space<hbm>> -> memref<10240x128xbf16, #tpu.memory_space<hbm>>
      tpu.wait_indirect_dma semaphore(%arg19 : memref<!tpu.dma_semaphore, #tpu.memory_space<semaphore_mem>>) src(%dma_wait3A_442 : memref<10240x128xbf16, #tpu.memory_space<hbm>>) dst(%arg10 : memref<128x128xbf16, #tpu.memory_space<vmem>>)
      %dma_start3A_443 = arith.constant 0 : i32
      %dma_start3A_444 = tpu.memref_slice %arg8[%add3A_436, %dma_start3A_443] : memref<80x128xi32, #tpu.memory_space<vmem>> -> memref<1x128xi32, #tpu.memory_space<vmem>>
      %dma_start3A_445 = tpu.memref_squeeze %dma_start3A_444 : memref<1x128xi32, #tpu.memory_space<vmem>> -> memref<128xi32, #tpu.memory_space<vmem>>
      %dma_start3A_446 = arith.constant 0 : i32
      %dma_start3A_447 = arith.constant 0 : i32
      %dma_start3A_448 = tpu.memref_slice %arg17[%dma_start3A_446, %dma_start3A_447] : memref<10240x128xbf16, #tpu.memory_space<vmem_shared>> -> memref<10240x128xbf16, #tpu.memory_space<vmem_shared>>
      tpu.enqueue_indirect_dma source(%arg10 : memref<128x128xbf16, #tpu.memory_space<vmem>>) target(%dma_start3A_448 : memref<10240x128xbf16, #tpu.memory_space<vmem_shared>>) offsets(%dma_start3A_445 : memref<128xi32, #tpu.memory_space<vmem>>) semaphore(%arg27 : memref<!tpu.dma_semaphore, #tpu.memory_space<semaphore_mem>>) {add = true}
      %add3A_449 = arith.constant 7 : i32
      %add3A_450 = arith.addi %add3A_436, %add3A_449 : i32
      %sub3A_451 = arith.constant 8 : i32
      %sub3A_452 = arith.subi %add3A_450, %sub3A_451 : i32
      %dma_wait3A_453 = arith.constant 0 : i32
      %dma_wait3A_454 = tpu.memref_slice %arg8[%sub3A_452, %dma_wait3A_453] : memref<80x128xi32, #tpu.memory_space<vmem>> -> memref<1x128xi32, #tpu.memory_space<vmem>>
      %dma_wait3A_455 = tpu.memref_squeeze %dma_wait3A_454 : memref<1x128xi32, #tpu.memory_space<vmem>> -> memref<128xi32, #tpu.memory_space<vmem>>
      %dma_wait3A_456 = arith.constant 0 : i32
      %dma_wait3A_457 = arith.constant 0 : i32
      %dma_wait3A_458 = tpu.memref_slice %arg17[%dma_wait3A_456, %dma_wait3A_457] : memref<10240x128xbf16, #tpu.memory_space<vmem_shared>> -> memref<10240x128xbf16, #tpu.memory_space<vmem_shared>>
      tpu.wait_indirect_dma semaphore(%arg26 : memref<!tpu.dma_semaphore, #tpu.memory_space<semaphore_mem>>) src(%arg9 : memref<128x128xbf16, #tpu.memory_space<vmem>>) dst(%dma_wait3A_458 : memref<10240x128xbf16, #tpu.memory_space<vmem_shared>>)
      %add3A_459 = arith.constant 7 : i32
      %add3A_460 = arith.addi %add3A_436, %add3A_459 : i32
      %mul3A_461 = arith.constant 128 : i32
      %mul3A_462 = arith.muli %add3A_460, %mul3A_461 : i32
      %dma_start3A_463 = tpu.memref_slice %arg7[%mul3A_462] : memref<10240xi32, #tpu.memory_space<vmem>> -> memref<128xi32, #tpu.memory_space<vmem>>
      %dma_start3A_464 = arith.constant 0 : i32
      %dma_start3A_465 = arith.constant 0 : i32
      %dma_start3A_466 = tpu.memref_slice %arg2[%dma_start3A_464, %dma_start3A_465] : memref<10240x128xbf16, #tpu.memory_space<hbm>> -> memref<10240x128xbf16, #tpu.memory_space<hbm>>
      tpu.enqueue_indirect_dma source(%dma_start3A_466 : memref<10240x128xbf16, #tpu.memory_space<hbm>>) target(%arg9 : memref<128x128xbf16, #tpu.memory_space<vmem>>) offsets(%dma_start3A_463 : memref<128xi32, #tpu.memory_space<vmem>>) semaphore(%arg18 : memref<!tpu.dma_semaphore, #tpu.memory_space<semaphore_mem>>)
      %mul3A_467 = arith.constant 8 : i32
      %mul3A_468 = arith.muli %scan3A_398, %mul3A_467 : i32
      %add3A_469 = arith.constant 2 : i32
      %add3A_470 = arith.addi %mul3A_468, %add3A_469 : i32
      %mul3A_471 = arith.constant 128 : i32
      %mul3A_472 = arith.muli %add3A_470, %mul3A_471 : i32
      %dma_wait3A_473 = tpu.memref_slice %arg7[%mul3A_472] : memref<10240xi32, #tpu.memory_space<vmem>> -> memref<128xi32, #tpu.memory_space<vmem>>
      %dma_wait3A_474 = arith.constant 0 : i32
      %dma_wait3A_475 = arith.constant 0 : i32
      %dma_wait3A_476 = tpu.memref_slice %arg2[%dma_wait3A_474, %dma_wait3A_475] : memref<10240x128xbf16, #tpu.memory_space<hbm>> -> memref<10240x128xbf16, #tpu.memory_space<hbm>>
      tpu.wait_indirect_dma semaphore(%arg20 : memref<!tpu.dma_semaphore, #tpu.memory_space<semaphore_mem>>) src(%dma_wait3A_476 : memref<10240x128xbf16, #tpu.memory_space<hbm>>) dst(%arg11 : memref<128x128xbf16, #tpu.memory_space<vmem>>)
      %dma_start3A_477 = arith.constant 0 : i32
      %dma_start3A_478 = tpu.memref_slice %arg8[%add3A_470, %dma_start3A_477] : memref<80x128xi32, #tpu.memory_space<vmem>> -> memref<1x128xi32, #tpu.memory_space<vmem>>
      %dma_start3A_479 = tpu.memref_squeeze %dma_start3A_478 : memref<1x128xi32, #tpu.memory_space<vmem>> -> memref<128xi32, #tpu.memory_space<vmem>>
      %dma_start3A_480 = arith.constant 0 : i32
      %dma_start3A_481 = arith.constant 0 : i32
      %dma_start3A_482 = tpu.memref_slice %arg17[%dma_start3A_480, %dma_start3A_481] : memref<10240x128xbf16, #tpu.memory_space<vmem_shared>> -> memref<10240x128xbf16, #tpu.memory_space<vmem_shared>>
      tpu.enqueue_indirect_dma source(%arg11 : memref<128x128xbf16, #tpu.memory_space<vmem>>) target(%dma_start3A_482 : memref<10240x128xbf16, #tpu.memory_space<vmem_shared>>) offsets(%dma_start3A_479 : memref<128xi32, #tpu.memory_space<vmem>>) semaphore(%arg28 : memref<!tpu.dma_semaphore, #tpu.memory_space<semaphore_mem>>) {add = true}
      %add3A_483 = arith.constant 7 : i32
      %add3A_484 = arith.addi %add3A_470, %add3A_483 : i32
      %sub3A_485 = arith.constant 8 : i32
      %sub3A_486 = arith.subi %add3A_484, %sub3A_485 : i32
      %dma_wait3A_487 = arith.constant 0 : i32
      %dma_wait3A_488 = tpu.memref_slice %arg8[%sub3A_486, %dma_wait3A_487] : memref<80x128xi32, #tpu.memory_space<vmem>> -> memref<1x128xi32, #tpu.memory_space<vmem>>
      %dma_wait3A_489 = tpu.memref_squeeze %dma_wait3A_488 : memref<1x128xi32, #tpu.memory_space<vmem>> -> memref<128xi32, #tpu.memory_space<vmem>>
      %dma_wait3A_490 = arith.constant 0 : i32
      %dma_wait3A_491 = arith.constant 0 : i32
      %dma_wait3A_492 = tpu.memref_slice %arg17[%dma_wait3A_490, %dma_wait3A_491] : memref<10240x128xbf16, #tpu.memory_space<vmem_shared>> -> memref<10240x128xbf16, #tpu.memory_space<vmem_shared>>
      tpu.wait_indirect_dma semaphore(%arg27 : memref<!tpu.dma_semaphore, #tpu.memory_space<semaphore_mem>>) src(%arg10 : memref<128x128xbf16, #tpu.memory_space<vmem>>) dst(%dma_wait3A_492 : memref<10240x128xbf16, #tpu.memory_space<vmem_shared>>)
      %add3A_493 = arith.constant 7 : i32
      %add3A_494 = arith.addi %add3A_470, %add3A_493 : i32
      %mul3A_495 = arith.constant 128 : i32
      %mul3A_496 = arith.muli %add3A_494, %mul3A_495 : i32
      %dma_start3A_497 = tpu.memref_slice %arg7[%mul3A_496] : memref<10240xi32, #tpu.memory_space<vmem>> -> memref<128xi32, #tpu.memory_space<vmem>>
      %dma_start3A_498 = arith.constant 0 : i32
      %dma_start3A_499 = arith.constant 0 : i32
      %dma_start3A_500 = tpu.memref_slice %arg2[%dma_start3A_498, %dma_start3A_499] : memref<10240x128xbf16, #tpu.memory_space<hbm>> -> memref<10240x128xbf16, #tpu.memory_space<hbm>>
      tpu.enqueue_indirect_dma source(%dma_start3A_500 : memref<10240x128xbf16, #tpu.memory_space<hbm>>) target(%arg10 : memref<128x128xbf16, #tpu.memory_space<vmem>>) offsets(%dma_start3A_497 : memref<128xi32, #tpu.memory_space<vmem>>) semaphore(%arg19 : memref<!tpu.dma_semaphore, #tpu.memory_space<semaphore_mem>>)
      %mul3A_501 = arith.constant 8 : i32
      %mul3A_502 = arith.muli %scan3A_398, %mul3A_501 : i32
      %add3A_503 = arith.constant 3 : i32
      %add3A_504 = arith.addi %mul3A_502, %add3A_503 : i32
      %mul3A_505 = arith.constant 128 : i32
      %mul3A_506 = arith.muli %add3A_504, %mul3A_505 : i32
      %dma_wait3A_507 = tpu.memref_slice %arg7[%mul3A_506] : memref<10240xi32, #tpu.memory_space<vmem>> -> memref<128xi32, #tpu.memory_space<vmem>>
      %dma_wait3A_508 = arith.constant 0 : i32
      %dma_wait3A_509 = arith.constant 0 : i32
      %dma_wait3A_510 = tpu.memref_slice %arg2[%dma_wait3A_508, %dma_wait3A_509] : memref<10240x128xbf16, #tpu.memory_space<hbm>> -> memref<10240x128xbf16, #tpu.memory_space<hbm>>
      tpu.wait_indirect_dma semaphore(%arg21 : memref<!tpu.dma_semaphore, #tpu.memory_space<semaphore_mem>>) src(%dma_wait3A_510 : memref<10240x128xbf16, #tpu.memory_space<hbm>>) dst(%arg12 : memref<128x128xbf16, #tpu.memory_space<vmem>>)
      %dma_start3A_511 = arith.constant 0 : i32
      %dma_start3A_512 = tpu.memref_slice %arg8[%add3A_504, %dma_start3A_511] : memref<80x128xi32, #tpu.memory_space<vmem>> -> memref<1x128xi32, #tpu.memory_space<vmem>>
      %dma_start3A_513 = tpu.memref_squeeze %dma_start3A_512 : memref<1x128xi32, #tpu.memory_space<vmem>> -> memref<128xi32, #tpu.memory_space<vmem>>
      %dma_start3A_514 = arith.constant 0 : i32
      %dma_start3A_515 = arith.constant 0 : i32
      %dma_start3A_516 = tpu.memref_slice %arg17[%dma_start3A_514, %dma_start3A_515] : memref<10240x128xbf16, #tpu.memory_space<vmem_shared>> -> memref<10240x128xbf16, #tpu.memory_space<vmem_shared>>
      tpu.enqueue_indirect_dma source(%arg12 : memref<128x128xbf16, #tpu.memory_space<vmem>>) target(%dma_start3A_516 : memref<10240x128xbf16, #tpu.memory_space<vmem_shared>>) offsets(%dma_start3A_513 : memref<128xi32, #tpu.memory_space<vmem>>) semaphore(%arg29 : memref<!tpu.dma_semaphore, #tpu.memory_space<semaphore_mem>>) {add = true}
      %add3A_517 = arith.constant 7 : i32
      %add3A_518 = arith.addi %add3A_504, %add3A_517 : i32
      %sub3A_519 = arith.constant 8 : i32
      %sub3A_520 = arith.subi %add3A_518, %sub3A_519 : i32
      %dma_wait3A_521 = arith.constant 0 : i32
      %dma_wait3A_522 = tpu.memref_slice %arg8[%sub3A_520, %dma_wait3A_521] : memref<80x128xi32, #tpu.memory_space<vmem>> -> memref<1x128xi32, #tpu.memory_space<vmem>>
      %dma_wait3A_523 = tpu.memref_squeeze %dma_wait3A_522 : memref<1x128xi32, #tpu.memory_space<vmem>> -> memref<128xi32, #tpu.memory_space<vmem>>
      %dma_wait3A_524 = arith.constant 0 : i32
      %dma_wait3A_525 = arith.constant 0 : i32
      %dma_wait3A_526 = tpu.memref_slice %arg17[%dma_wait3A_524, %dma_wait3A_525] : memref<10240x128xbf16, #tpu.memory_space<vmem_shared>> -> memref<10240x128xbf16, #tpu.memory_space<vmem_shared>>
      tpu.wait_indirect_dma semaphore(%arg28 : memref<!tpu.dma_semaphore, #tpu.memory_space<semaphore_mem>>) src(%arg11 : memref<128x128xbf16, #tpu.memory_space<vmem>>) dst(%dma_wait3A_526 : memref<10240x128xbf16, #tpu.memory_space<vmem_shared>>)
      %add3A_527 = arith.constant 7 : i32
      %add3A_528 = arith.addi %add3A_504, %add3A_527 : i32
      %mul3A_529 = arith.constant 128 : i32
      %mul3A_530 = arith.muli %add3A_528, %mul3A_529 : i32
      %dma_start3A_531 = tpu.memref_slice %arg7[%mul3A_530] : memref<10240xi32, #tpu.memory_space<vmem>> -> memref<128xi32, #tpu.memory_space<vmem>>
      %dma_start3A_532 = arith.constant 0 : i32
      %dma_start3A_533 = arith.constant 0 : i32
      %dma_start3A_534 = tpu.memref_slice %arg2[%dma_start3A_532, %dma_start3A_533] : memref<10240x128xbf16, #tpu.memory_space<hbm>> -> memref<10240x128xbf16, #tpu.memory_space<hbm>>
      tpu.enqueue_indirect_dma source(%dma_start3A_534 : memref<10240x128xbf16, #tpu.memory_space<hbm>>) target(%arg11 : memref<128x128xbf16, #tpu.memory_space<vmem>>) offsets(%dma_start3A_531 : memref<128xi32, #tpu.memory_space<vmem>>) semaphore(%arg20 : memref<!tpu.dma_semaphore, #tpu.memory_space<semaphore_mem>>)
      %mul3A_535 = arith.constant 8 : i32
      %mul3A_536 = arith.muli %scan3A_398, %mul3A_535 : i32
      %add3A_537 = arith.constant 4 : i32
      %add3A_538 = arith.addi %mul3A_536, %add3A_537 : i32
      %mul3A_539 = arith.constant 128 : i32
      %mul3A_540 = arith.muli %add3A_538, %mul3A_539 : i32
      %dma_wait3A_541 = tpu.memref_slice %arg7[%mul3A_540] : memref<10240xi32, #tpu.memory_space<vmem>> -> memref<128xi32, #tpu.memory_space<vmem>>
      %dma_wait3A_542 = arith.constant 0 : i32
      %dma_wait3A_543 = arith.constant 0 : i32
      %dma_wait3A_544 = tpu.memref_slice %arg2[%dma_wait3A_542, %dma_wait3A_543] : memref<10240x128xbf16, #tpu.memory_space<hbm>> -> memref<10240x128xbf16, #tpu.memory_space<hbm>>
      tpu.wait_indirect_dma semaphore(%arg22 : memref<!tpu.dma_semaphore, #tpu.memory_space<semaphore_mem>>) src(%dma_wait3A_544 : memref<10240x128xbf16, #tpu.memory_space<hbm>>) dst(%arg13 : memref<128x128xbf16, #tpu.memory_space<vmem>>)
      %dma_start3A_545 = arith.constant 0 : i32
      %dma_start3A_546 = tpu.memref_slice %arg8[%add3A_538, %dma_start3A_545] : memref<80x128xi32, #tpu.memory_space<vmem>> -> memref<1x128xi32, #tpu.memory_space<vmem>>
      %dma_start3A_547 = tpu.memref_squeeze %dma_start3A_546 : memref<1x128xi32, #tpu.memory_space<vmem>> -> memref<128xi32, #tpu.memory_space<vmem>>
      %dma_start3A_548 = arith.constant 0 : i32
      %dma_start3A_549 = arith.constant 0 : i32
      %dma_start3A_550 = tpu.memref_slice %arg17[%dma_start3A_548, %dma_start3A_549] : memref<10240x128xbf16, #tpu.memory_space<vmem_shared>> -> memref<10240x128xbf16, #tpu.memory_space<vmem_shared>>
      tpu.enqueue_indirect_dma source(%arg13 : memref<128x128xbf16, #tpu.memory_space<vmem>>) target(%dma_start3A_550 : memref<10240x128xbf16, #tpu.memory_space<vmem_shared>>) offsets(%dma_start3A_547 : memref<128xi32, #tpu.memory_space<vmem>>) semaphore(%arg30 : memref<!tpu.dma_semaphore, #tpu.memory_space<semaphore_mem>>) {add = true}
      %add3A_551 = arith.constant 7 : i32
      %add3A_552 = arith.addi %add3A_538, %add3A_551 : i32
      %sub3A_553 = arith.constant 8 : i32
      %sub3A_554 = arith.subi %add3A_552, %sub3A_553 : i32
      %dma_wait3A_555 = arith.constant 0 : i32
      %dma_wait3A_556 = tpu.memref_slice %arg8[%sub3A_554, %dma_wait3A_555] : memref<80x128xi32, #tpu.memory_space<vmem>> -> memref<1x128xi32, #tpu.memory_space<vmem>>
      %dma_wait3A_557 = tpu.memref_squeeze %dma_wait3A_556 : memref<1x128xi32, #tpu.memory_space<vmem>> -> memref<128xi32, #tpu.memory_space<vmem>>
      %dma_wait3A_558 = arith.constant 0 : i32
      %dma_wait3A_559 = arith.constant 0 : i32
      %dma_wait3A_560 = tpu.memref_slice %arg17[%dma_wait3A_558, %dma_wait3A_559] : memref<10240x128xbf16, #tpu.memory_space<vmem_shared>> -> memref<10240x128xbf16, #tpu.memory_space<vmem_shared>>
      tpu.wait_indirect_dma semaphore(%arg29 : memref<!tpu.dma_semaphore, #tpu.memory_space<semaphore_mem>>) src(%arg12 : memref<128x128xbf16, #tpu.memory_space<vmem>>) dst(%dma_wait3A_560 : memref<10240x128xbf16, #tpu.memory_space<vmem_shared>>)
      %add3A_561 = arith.constant 7 : i32
      %add3A_562 = arith.addi %add3A_538, %add3A_561 : i32
      %mul3A_563 = arith.constant 128 : i32
      %mul3A_564 = arith.muli %add3A_562, %mul3A_563 : i32
      %dma_start3A_565 = tpu.memref_slice %arg7[%mul3A_564] : memref<10240xi32, #tpu.memory_space<vmem>> -> memref<128xi32, #tpu.memory_space<vmem>>
      %dma_start3A_566 = arith.constant 0 : i32
      %dma_start3A_567 = arith.constant 0 : i32
      %dma_start3A_568 = tpu.memref_slice %arg2[%dma_start3A_566, %dma_start3A_567] : memref<10240x128xbf16, #tpu.memory_space<hbm>> -> memref<10240x128xbf16, #tpu.memory_space<hbm>>
      tpu.enqueue_indirect_dma source(%dma_start3A_568 : memref<10240x128xbf16, #tpu.memory_space<hbm>>) target(%arg12 : memref<128x128xbf16, #tpu.memory_space<vmem>>) offsets(%dma_start3A_565 : memref<128xi32, #tpu.memory_space<vmem>>) semaphore(%arg21 : memref<!tpu.dma_semaphore, #tpu.memory_space<semaphore_mem>>)
      %mul3A_569 = arith.constant 8 : i32
      %mul3A_570 = arith.muli %scan3A_398, %mul3A_569 : i32
      %add3A_571 = arith.constant 5 : i32
      %add3A_572 = arith.addi %mul3A_570, %add3A_571 : i32
      %mul3A_573 = arith.constant 128 : i32
      %mul3A_574 = arith.muli %add3A_572, %mul3A_573 : i32
      %dma_wait3A_575 = tpu.memref_slice %arg7[%mul3A_574] : memref<10240xi32, #tpu.memory_space<vmem>> -> memref<128xi32, #tpu.memory_space<vmem>>
      %dma_wait3A_576 = arith.constant 0 : i32
      %dma_wait3A_577 = arith.constant 0 : i32
      %dma_wait3A_578 = tpu.memref_slice %arg2[%dma_wait3A_576, %dma_wait3A_577] : memref<10240x128xbf16, #tpu.memory_space<hbm>> -> memref<10240x128xbf16, #tpu.memory_space<hbm>>
      tpu.wait_indirect_dma semaphore(%arg23 : memref<!tpu.dma_semaphore, #tpu.memory_space<semaphore_mem>>) src(%dma_wait3A_578 : memref<10240x128xbf16, #tpu.memory_space<hbm>>) dst(%arg14 : memref<128x128xbf16, #tpu.memory_space<vmem>>)
      %dma_start3A_579 = arith.constant 0 : i32
      %dma_start3A_580 = tpu.memref_slice %arg8[%add3A_572, %dma_start3A_579] : memref<80x128xi32, #tpu.memory_space<vmem>> -> memref<1x128xi32, #tpu.memory_space<vmem>>
      %dma_start3A_581 = tpu.memref_squeeze %dma_start3A_580 : memref<1x128xi32, #tpu.memory_space<vmem>> -> memref<128xi32, #tpu.memory_space<vmem>>
      %dma_start3A_582 = arith.constant 0 : i32
      %dma_start3A_583 = arith.constant 0 : i32
      %dma_start3A_584 = tpu.memref_slice %arg17[%dma_start3A_582, %dma_start3A_583] : memref<10240x128xbf16, #tpu.memory_space<vmem_shared>> -> memref<10240x128xbf16, #tpu.memory_space<vmem_shared>>
      tpu.enqueue_indirect_dma source(%arg14 : memref<128x128xbf16, #tpu.memory_space<vmem>>) target(%dma_start3A_584 : memref<10240x128xbf16, #tpu.memory_space<vmem_shared>>) offsets(%dma_start3A_581 : memref<128xi32, #tpu.memory_space<vmem>>) semaphore(%arg31 : memref<!tpu.dma_semaphore, #tpu.memory_space<semaphore_mem>>) {add = true}
      %add3A_585 = arith.constant 7 : i32
      %add3A_586 = arith.addi %add3A_572, %add3A_585 : i32
      %sub3A_587 = arith.constant 8 : i32
      %sub3A_588 = arith.subi %add3A_586, %sub3A_587 : i32
      %dma_wait3A_589 = arith.constant 0 : i32
      %dma_wait3A_590 = tpu.memref_slice %arg8[%sub3A_588, %dma_wait3A_589] : memref<80x128xi32, #tpu.memory_space<vmem>> -> memref<1x128xi32, #tpu.memory_space<vmem>>
      %dma_wait3A_591 = tpu.memref_squeeze %dma_wait3A_590 : memref<1x128xi32, #tpu.memory_space<vmem>> -> memref<128xi32, #tpu.memory_space<vmem>>
      %dma_wait3A_592 = arith.constant 0 : i32
      %dma_wait3A_593 = arith.constant 0 : i32
      %dma_wait3A_594 = tpu.memref_slice %arg17[%dma_wait3A_592, %dma_wait3A_593] : memref<10240x128xbf16, #tpu.memory_space<vmem_shared>> -> memref<10240x128xbf16, #tpu.memory_space<vmem_shared>>
      tpu.wait_indirect_dma semaphore(%arg30 : memref<!tpu.dma_semaphore, #tpu.memory_space<semaphore_mem>>) src(%arg13 : memref<128x128xbf16, #tpu.memory_space<vmem>>) dst(%dma_wait3A_594 : memref<10240x128xbf16, #tpu.memory_space<vmem_shared>>)
      %add3A_595 = arith.constant 7 : i32
      %add3A_596 = arith.addi %add3A_572, %add3A_595 : i32
      %mul3A_597 = arith.constant 128 : i32
      %mul3A_598 = arith.muli %add3A_596, %mul3A_597 : i32
      %dma_start3A_599 = tpu.memref_slice %arg7[%mul3A_598] : memref<10240xi32, #tpu.memory_space<vmem>> -> memref<128xi32, #tpu.memory_space<vmem>>
      %dma_start3A_600 = arith.constant 0 : i32
      %dma_start3A_601 = arith.constant 0 : i32
      %dma_start3A_602 = tpu.memref_slice %arg2[%dma_start3A_600, %dma_start3A_601] : memref<10240x128xbf16, #tpu.memory_space<hbm>> -> memref<10240x128xbf16, #tpu.memory_space<hbm>>
      tpu.enqueue_indirect_dma source(%dma_start3A_602 : memref<10240x128xbf16, #tpu.memory_space<hbm>>) target(%arg13 : memref<128x128xbf16, #tpu.memory_space<vmem>>) offsets(%dma_start3A_599 : memref<128xi32, #tpu.memory_space<vmem>>) semaphore(%arg22 : memref<!tpu.dma_semaphore, #tpu.memory_space<semaphore_mem>>)
      %mul3A_603 = arith.constant 8 : i32
      %mul3A_604 = arith.muli %scan3A_398, %mul3A_603 : i32
      %add3A_605 = arith.constant 6 : i32
      %add3A_606 = arith.addi %mul3A_604, %add3A_605 : i32
      %mul3A_607 = arith.constant 128 : i32
      %mul3A_608 = arith.muli %add3A_606, %mul3A_607 : i32
      %dma_wait3A_609 = tpu.memref_slice %arg7[%mul3A_608] : memref<10240xi32, #tpu.memory_space<vmem>> -> memref<128xi32, #tpu.memory_space<vmem>>
      %dma_wait3A_610 = arith.constant 0 : i32
      %dma_wait3A_611 = arith.constant 0 : i32
      %dma_wait3A_612 = tpu.memref_slice %arg2[%dma_wait3A_610, %dma_wait3A_611] : memref<10240x128xbf16, #tpu.memory_space<hbm>> -> memref<10240x128xbf16, #tpu.memory_space<hbm>>
      tpu.wait_indirect_dma semaphore(%arg24 : memref<!tpu.dma_semaphore, #tpu.memory_space<semaphore_mem>>) src(%dma_wait3A_612 : memref<10240x128xbf16, #tpu.memory_space<hbm>>) dst(%arg15 : memref<128x128xbf16, #tpu.memory_space<vmem>>)
      %dma_start3A_613 = arith.constant 0 : i32
      %dma_start3A_614 = tpu.memref_slice %arg8[%add3A_606, %dma_start3A_613] : memref<80x128xi32, #tpu.memory_space<vmem>> -> memref<1x128xi32, #tpu.memory_space<vmem>>
      %dma_start3A_615 = tpu.memref_squeeze %dma_start3A_614 : memref<1x128xi32, #tpu.memory_space<vmem>> -> memref<128xi32, #tpu.memory_space<vmem>>
      %dma_start3A_616 = arith.constant 0 : i32
      %dma_start3A_617 = arith.constant 0 : i32
      %dma_start3A_618 = tpu.memref_slice %arg17[%dma_start3A_616, %dma_start3A_617] : memref<10240x128xbf16, #tpu.memory_space<vmem_shared>> -> memref<10240x128xbf16, #tpu.memory_space<vmem_shared>>
      tpu.enqueue_indirect_dma source(%arg15 : memref<128x128xbf16, #tpu.memory_space<vmem>>) target(%dma_start3A_618 : memref<10240x128xbf16, #tpu.memory_space<vmem_shared>>) offsets(%dma_start3A_615 : memref<128xi32, #tpu.memory_space<vmem>>) semaphore(%arg32 : memref<!tpu.dma_semaphore, #tpu.memory_space<semaphore_mem>>) {add = true}
      %add3A_619 = arith.constant 7 : i32
      %add3A_620 = arith.addi %add3A_606, %add3A_619 : i32
      %sub3A_621 = arith.constant 8 : i32
      %sub3A_622 = arith.subi %add3A_620, %sub3A_621 : i32
      %dma_wait3A_623 = arith.constant 0 : i32
      %dma_wait3A_624 = tpu.memref_slice %arg8[%sub3A_622, %dma_wait3A_623] : memref<80x128xi32, #tpu.memory_space<vmem>> -> memref<1x128xi32, #tpu.memory_space<vmem>>
      %dma_wait3A_625 = tpu.memref_squeeze %dma_wait3A_624 : memref<1x128xi32, #tpu.memory_space<vmem>> -> memref<128xi32, #tpu.memory_space<vmem>>
      %dma_wait3A_626 = arith.constant 0 : i32
      %dma_wait3A_627 = arith.constant 0 : i32
      %dma_wait3A_628 = tpu.memref_slice %arg17[%dma_wait3A_626, %dma_wait3A_627] : memref<10240x128xbf16, #tpu.memory_space<vmem_shared>> -> memref<10240x128xbf16, #tpu.memory_space<vmem_shared>>
      tpu.wait_indirect_dma semaphore(%arg31 : memref<!tpu.dma_semaphore, #tpu.memory_space<semaphore_mem>>) src(%arg14 : memref<128x128xbf16, #tpu.memory_space<vmem>>) dst(%dma_wait3A_628 : memref<10240x128xbf16, #tpu.memory_space<vmem_shared>>)
      %add3A_629 = arith.constant 7 : i32
      %add3A_630 = arith.addi %add3A_606, %add3A_629 : i32
      %mul3A_631 = arith.constant 128 : i32
      %mul3A_632 = arith.muli %add3A_630, %mul3A_631 : i32
      %dma_start3A_633 = tpu.memref_slice %arg7[%mul3A_632] : memref<10240xi32, #tpu.memory_space<vmem>> -> memref<128xi32, #tpu.memory_space<vmem>>
      %dma_start3A_634 = arith.constant 0 : i32
      %dma_start3A_635 = arith.constant 0 : i32
      %dma_start3A_636 = tpu.memref_slice %arg2[%dma_start3A_634, %dma_start3A_635] : memref<10240x128xbf16, #tpu.memory_space<hbm>> -> memref<10240x128xbf16, #tpu.memory_space<hbm>>
      tpu.enqueue_indirect_dma source(%dma_start3A_636 : memref<10240x128xbf16, #tpu.memory_space<hbm>>) target(%arg14 : memref<128x128xbf16, #tpu.memory_space<vmem>>) offsets(%dma_start3A_633 : memref<128xi32, #tpu.memory_space<vmem>>) semaphore(%arg23 : memref<!tpu.dma_semaphore, #tpu.memory_space<semaphore_mem>>)
      %mul3A_637 = arith.constant 8 : i32
      %mul3A_638 = arith.muli %scan3A_398, %mul3A_637 : i32
      %add3A_639 = arith.constant 7 : i32
      %add3A_640 = arith.addi %mul3A_638, %add3A_639 : i32
      %mul3A_641 = arith.constant 128 : i32
      %mul3A_642 = arith.muli %add3A_640, %mul3A_641 : i32
      %dma_wait3A_643 = tpu.memref_slice %arg7[%mul3A_642] : memref<10240xi32, #tpu.memory_space<vmem>> -> memref<128xi32, #tpu.memory_space<vmem>>
      %dma_wait3A_644 = arith.constant 0 : i32
      %dma_wait3A_645 = arith.constant 0 : i32
      %dma_wait3A_646 = tpu.memref_slice %arg2[%dma_wait3A_644, %dma_wait3A_645] : memref<10240x128xbf16, #tpu.memory_space<hbm>> -> memref<10240x128xbf16, #tpu.memory_space<hbm>>
      tpu.wait_indirect_dma semaphore(%arg25 : memref<!tpu.dma_semaphore, #tpu.memory_space<semaphore_mem>>) src(%dma_wait3A_646 : memref<10240x128xbf16, #tpu.memory_space<hbm>>) dst(%arg16 : memref<128x128xbf16, #tpu.memory_space<vmem>>)
      %dma_start3A_647 = arith.constant 0 : i32
      %dma_start3A_648 = tpu.memref_slice %arg8[%add3A_640, %dma_start3A_647] : memref<80x128xi32, #tpu.memory_space<vmem>> -> memref<1x128xi32, #tpu.memory_space<vmem>>
      %dma_start3A_649 = tpu.memref_squeeze %dma_start3A_648 : memref<1x128xi32, #tpu.memory_space<vmem>> -> memref<128xi32, #tpu.memory_space<vmem>>
      %dma_start3A_650 = arith.constant 0 : i32
      %dma_start3A_651 = arith.constant 0 : i32
      %dma_start3A_652 = tpu.memref_slice %arg17[%dma_start3A_650, %dma_start3A_651] : memref<10240x128xbf16, #tpu.memory_space<vmem_shared>> -> memref<10240x128xbf16, #tpu.memory_space<vmem_shared>>
      tpu.enqueue_indirect_dma source(%arg16 : memref<128x128xbf16, #tpu.memory_space<vmem>>) target(%dma_start3A_652 : memref<10240x128xbf16, #tpu.memory_space<vmem_shared>>) offsets(%dma_start3A_649 : memref<128xi32, #tpu.memory_space<vmem>>) semaphore(%arg33 : memref<!tpu.dma_semaphore, #tpu.memory_space<semaphore_mem>>) {add = true}
      %add3A_653 = arith.constant 7 : i32
      %add3A_654 = arith.addi %add3A_640, %add3A_653 : i32
      %sub3A_655 = arith.constant 8 : i32
      %sub3A_656 = arith.subi %add3A_654, %sub3A_655 : i32
      %dma_wait3A_657 = arith.constant 0 : i32
      %dma_wait3A_658 = tpu.memref_slice %arg8[%sub3A_656, %dma_wait3A_657] : memref<80x128xi32, #tpu.memory_space<vmem>> -> memref<1x128xi32, #tpu.memory_space<vmem>>
      %dma_wait3A_659 = tpu.memref_squeeze %dma_wait3A_658 : memref<1x128xi32, #tpu.memory_space<vmem>> -> memref<128xi32, #tpu.memory_space<vmem>>
      %dma_wait3A_660 = arith.constant 0 : i32
      %dma_wait3A_661 = arith.constant 0 : i32
      %dma_wait3A_662 = tpu.memref_slice %arg17[%dma_wait3A_660, %dma_wait3A_661] : memref<10240x128xbf16, #tpu.memory_space<vmem_shared>> -> memref<10240x128xbf16, #tpu.memory_space<vmem_shared>>
      tpu.wait_indirect_dma semaphore(%arg32 : memref<!tpu.dma_semaphore, #tpu.memory_space<semaphore_mem>>) src(%arg15 : memref<128x128xbf16, #tpu.memory_space<vmem>>) dst(%dma_wait3A_662 : memref<10240x128xbf16, #tpu.memory_space<vmem_shared>>)
      %add3A_663 = arith.constant 7 : i32
      %add3A_664 = arith.addi %add3A_640, %add3A_663 : i32
      %mul3A_665 = arith.constant 128 : i32
      %mul3A_666 = arith.muli %add3A_664, %mul3A_665 : i32
      %dma_start3A_667 = tpu.memref_slice %arg7[%mul3A_666] : memref<10240xi32, #tpu.memory_space<vmem>> -> memref<128xi32, #tpu.memory_space<vmem>>
      %dma_start3A_668 = arith.constant 0 : i32
      %dma_start3A_669 = arith.constant 0 : i32
      %dma_start3A_670 = tpu.memref_slice %arg2[%dma_start3A_668, %dma_start3A_669] : memref<10240x128xbf16, #tpu.memory_space<hbm>> -> memref<10240x128xbf16, #tpu.memory_space<hbm>>
      tpu.enqueue_indirect_dma source(%dma_start3A_670 : memref<10240x128xbf16, #tpu.memory_space<hbm>>) target(%arg15 : memref<128x128xbf16, #tpu.memory_space<vmem>>) offsets(%dma_start3A_667 : memref<128xi32, #tpu.memory_space<vmem>>) semaphore(%arg24 : memref<!tpu.dma_semaphore, #tpu.memory_space<semaphore_mem>>)
      %scan3A_671 = arith.constant 0 : i32
      scf.yield %scan3A_671 : i32
    }
    %scan3A_228 = arith.constant 8 : i32
    %dma_wait3A_229 = arith.constant 9216 : i32
    %dma_wait3A_230 = tpu.memref_slice %arg7[%dma_wait3A_229] : memref<10240xi32, #tpu.memory_space<vmem>> -> memref<128xi32, #tpu.memory_space<vmem>>
    %dma_wait3A_231 = arith.constant 0 : i32
    %dma_wait3A_232 = arith.constant 0 : i32
    %dma_wait3A_233 = tpu.memref_slice %arg2[%dma_wait3A_231, %dma_wait3A_232] : memref<10240x128xbf16, #tpu.memory_space<hbm>> -> memref<10240x128xbf16, #tpu.memory_space<hbm>>
    tpu.wait_indirect_dma semaphore(%arg18 : memref<!tpu.dma_semaphore, #tpu.memory_space<semaphore_mem>>) src(%dma_wait3A_233 : memref<10240x128xbf16, #tpu.memory_space<hbm>>) dst(%arg9 : memref<128x128xbf16, #tpu.memory_space<vmem>>)
    %dma_start3A_234 = arith.constant 72 : i32
    %dma_start3A_235 = arith.constant 0 : i32
    %dma_start3A_236 = tpu.memref_slice %arg8[%dma_start3A_234, %dma_start3A_235] : memref<80x128xi32, #tpu.memory_space<vmem>> -> memref<1x128xi32, #tpu.memory_space<vmem>>
    %dma_start3A_237 = tpu.memref_squeeze %dma_start3A_236 : memref<1x128xi32, #tpu.memory_space<vmem>> -> memref<128xi32, #tpu.memory_space<vmem>>
    %dma_start3A_238 = arith.constant 0 : i32
    %dma_start3A_239 = arith.constant 0 : i32
    %dma_start3A_240 = tpu.memref_slice %arg17[%dma_start3A_238, %dma_start3A_239] : memref<10240x128xbf16, #tpu.memory_space<vmem_shared>> -> memref<10240x128xbf16, #tpu.memory_space<vmem_shared>>
    tpu.enqueue_indirect_dma source(%arg9 : memref<128x128xbf16, #tpu.memory_space<vmem>>) target(%dma_start3A_240 : memref<10240x128xbf16, #tpu.memory_space<vmem_shared>>) offsets(%dma_start3A_237 : memref<128xi32, #tpu.memory_space<vmem>>) semaphore(%arg26 : memref<!tpu.dma_semaphore, #tpu.memory_space<semaphore_mem>>) {add = true}
    %dma_wait3A_241 = arith.constant 71 : i32
    %dma_wait3A_242 = arith.constant 0 : i32
    %dma_wait3A_243 = tpu.memref_slice %arg8[%dma_wait3A_241, %dma_wait3A_242] : memref<80x128xi32, #tpu.memory_space<vmem>> -> memref<1x128xi32, #tpu.memory_space<vmem>>
    %dma_wait3A_244 = tpu.memref_squeeze %dma_wait3A_243 : memref<1x128xi32, #tpu.memory_space<vmem>> -> memref<128xi32, #tpu.memory_space<vmem>>
    %dma_wait3A_245 = arith.constant 0 : i32
    %dma_wait3A_246 = arith.constant 0 : i32
    %dma_wait3A_247 = tpu.memref_slice %arg17[%dma_wait3A_245, %dma_wait3A_246] : memref<10240x128xbf16, #tpu.memory_space<vmem_shared>> -> memref<10240x128xbf16, #tpu.memory_space<vmem_shared>>
    tpu.wait_indirect_dma semaphore(%arg33 : memref<!tpu.dma_semaphore, #tpu.memory_space<semaphore_mem>>) src(%arg16 : memref<128x128xbf16, #tpu.memory_space<vmem>>) dst(%dma_wait3A_247 : memref<10240x128xbf16, #tpu.memory_space<vmem_shared>>)
    %dma_start3A_248 = arith.constant 10112 : i32
    %dma_start3A_249 = tpu.memref_slice %arg7[%dma_start3A_248] : memref<10240xi32, #tpu.memory_space<vmem>> -> memref<128xi32, #tpu.memory_space<vmem>>
    %dma_start3A_250 = arith.constant 0 : i32
    %dma_start3A_251 = arith.constant 0 : i32
    %dma_start3A_252 = tpu.memref_slice %arg2[%dma_start3A_250, %dma_start3A_251] : memref<10240x128xbf16, #tpu.memory_space<hbm>> -> memref<10240x128xbf16, #tpu.memory_space<hbm>>
    tpu.enqueue_indirect_dma source(%dma_start3A_252 : memref<10240x128xbf16, #tpu.memory_space<hbm>>) target(%arg16 : memref<128x128xbf16, #tpu.memory_space<vmem>>) offsets(%dma_start3A_249 : memref<128xi32, #tpu.memory_space<vmem>>) semaphore(%arg25 : memref<!tpu.dma_semaphore, #tpu.memory_space<semaphore_mem>>)
    %dma_wait3A_253 = arith.constant 9344 : i32
    %dma_wait3A_254 = tpu.memref_slice %arg7[%dma_wait3A_253] : memref<10240xi32, #tpu.memory_space<vmem>> -> memref<128xi32, #tpu.memory_space<vmem>>
    %dma_wait3A_255 = arith.constant 0 : i32
    %dma_wait3A_256 = arith.constant 0 : i32
    %dma_wait3A_257 = tpu.memref_slice %arg2[%dma_wait3A_255, %dma_wait3A_256] : memref<10240x128xbf16, #tpu.memory_space<hbm>> -> memref<10240x128xbf16, #tpu.memory_space<hbm>>
    tpu.wait_indirect_dma semaphore(%arg19 : memref<!tpu.dma_semaphore, #tpu.memory_space<semaphore_mem>>) src(%dma_wait3A_257 : memref<10240x128xbf16, #tpu.memory_space<hbm>>) dst(%arg10 : memref<128x128xbf16, #tpu.memory_space<vmem>>)
    %dma_start3A_258 = arith.constant 73 : i32
    %dma_start3A_259 = arith.constant 0 : i32
    %dma_start3A_260 = tpu.memref_slice %arg8[%dma_start3A_258, %dma_start3A_259] : memref<80x128xi32, #tpu.memory_space<vmem>> -> memref<1x128xi32, #tpu.memory_space<vmem>>
    %dma_start3A_261 = tpu.memref_squeeze %dma_start3A_260 : memref<1x128xi32, #tpu.memory_space<vmem>> -> memref<128xi32, #tpu.memory_space<vmem>>
    %dma_start3A_262 = arith.constant 0 : i32
    %dma_start3A_263 = arith.constant 0 : i32
    %dma_start3A_264 = tpu.memref_slice %arg17[%dma_start3A_262, %dma_start3A_263] : memref<10240x128xbf16, #tpu.memory_space<vmem_shared>> -> memref<10240x128xbf16, #tpu.memory_space<vmem_shared>>
    tpu.enqueue_indirect_dma source(%arg10 : memref<128x128xbf16, #tpu.memory_space<vmem>>) target(%dma_start3A_264 : memref<10240x128xbf16, #tpu.memory_space<vmem_shared>>) offsets(%dma_start3A_261 : memref<128xi32, #tpu.memory_space<vmem>>) semaphore(%arg27 : memref<!tpu.dma_semaphore, #tpu.memory_space<semaphore_mem>>) {add = true}
    %dma_wait3A_265 = arith.constant 9472 : i32
    %dma_wait3A_266 = tpu.memref_slice %arg7[%dma_wait3A_265] : memref<10240xi32, #tpu.memory_space<vmem>> -> memref<128xi32, #tpu.memory_space<vmem>>
    %dma_wait3A_267 = arith.constant 0 : i32
    %dma_wait3A_268 = arith.constant 0 : i32
    %dma_wait3A_269 = tpu.memref_slice %arg2[%dma_wait3A_267, %dma_wait3A_268] : memref<10240x128xbf16, #tpu.memory_space<hbm>> -> memref<10240x128xbf16, #tpu.memory_space<hbm>>
    tpu.wait_indirect_dma semaphore(%arg20 : memref<!tpu.dma_semaphore, #tpu.memory_space<semaphore_mem>>) src(%dma_wait3A_269 : memref<10240x128xbf16, #tpu.memory_space<hbm>>) dst(%arg11 : memref<128x128xbf16, #tpu.memory_space<vmem>>)
    %dma_start3A_270 = arith.constant 74 : i32
    %dma_start3A_271 = arith.constant 0 : i32
    %dma_start3A_272 = tpu.memref_slice %arg8[%dma_start3A_270, %dma_start3A_271] : memref<80x128xi32, #tpu.memory_space<vmem>> -> memref<1x128xi32, #tpu.memory_space<vmem>>
    %dma_start3A_273 = tpu.memref_squeeze %dma_start3A_272 : memref<1x128xi32, #tpu.memory_space<vmem>> -> memref<128xi32, #tpu.memory_space<vmem>>
    %dma_start3A_274 = arith.constant 0 : i32
    %dma_start3A_275 = arith.constant 0 : i32
    %dma_start3A_276 = tpu.memref_slice %arg17[%dma_start3A_274, %dma_start3A_275] : memref<10240x128xbf16, #tpu.memory_space<vmem_shared>> -> memref<10240x128xbf16, #tpu.memory_space<vmem_shared>>
    tpu.enqueue_indirect_dma source(%arg11 : memref<128x128xbf16, #tpu.memory_space<vmem>>) target(%dma_start3A_276 : memref<10240x128xbf16, #tpu.memory_space<vmem_shared>>) offsets(%dma_start3A_273 : memref<128xi32, #tpu.memory_space<vmem>>) semaphore(%arg28 : memref<!tpu.dma_semaphore, #tpu.memory_space<semaphore_mem>>) {add = true}
    %dma_wait3A_277 = arith.constant 9600 : i32
    %dma_wait3A_278 = tpu.memref_slice %arg7[%dma_wait3A_277] : memref<10240xi32, #tpu.memory_space<vmem>> -> memref<128xi32, #tpu.memory_space<vmem>>
    %dma_wait3A_279 = arith.constant 0 : i32
    %dma_wait3A_280 = arith.constant 0 : i32
    %dma_wait3A_281 = tpu.memref_slice %arg2[%dma_wait3A_279, %dma_wait3A_280] : memref<10240x128xbf16, #tpu.memory_space<hbm>> -> memref<10240x128xbf16, #tpu.memory_space<hbm>>
    tpu.wait_indirect_dma semaphore(%arg21 : memref<!tpu.dma_semaphore, #tpu.memory_space<semaphore_mem>>) src(%dma_wait3A_281 : memref<10240x128xbf16, #tpu.memory_space<hbm>>) dst(%arg12 : memref<128x128xbf16, #tpu.memory_space<vmem>>)
    %dma_start3A_282 = arith.constant 75 : i32
    %dma_start3A_283 = arith.constant 0 : i32
    %dma_start3A_284 = tpu.memref_slice %arg8[%dma_start3A_282, %dma_start3A_283] : memref<80x128xi32, #tpu.memory_space<vmem>> -> memref<1x128xi32, #tpu.memory_space<vmem>>
    %dma_start3A_285 = tpu.memref_squeeze %dma_start3A_284 : memref<1x128xi32, #tpu.memory_space<vmem>> -> memref<128xi32, #tpu.memory_space<vmem>>
    %dma_start3A_286 = arith.constant 0 : i32
    %dma_start3A_287 = arith.constant 0 : i32
    %dma_start3A_288 = tpu.memref_slice %arg17[%dma_start3A_286, %dma_start3A_287] : memref<10240x128xbf16, #tpu.memory_space<vmem_shared>> -> memref<10240x128xbf16, #tpu.memory_space<vmem_shared>>
    tpu.enqueue_indirect_dma source(%arg12 : memref<128x128xbf16, #tpu.memory_space<vmem>>) target(%dma_start3A_288 : memref<10240x128xbf16, #tpu.memory_space<vmem_shared>>) offsets(%dma_start3A_285 : memref<128xi32, #tpu.memory_space<vmem>>) semaphore(%arg29 : memref<!tpu.dma_semaphore, #tpu.memory_space<semaphore_mem>>) {add = true}
    %dma_wait3A_289 = arith.constant 9728 : i32
    %dma_wait3A_290 = tpu.memref_slice %arg7[%dma_wait3A_289] : memref<10240xi32, #tpu.memory_space<vmem>> -> memref<128xi32, #tpu.memory_space<vmem>>
    %dma_wait3A_291 = arith.constant 0 : i32
    %dma_wait3A_292 = arith.constant 0 : i32
    %dma_wait3A_293 = tpu.memref_slice %arg2[%dma_wait3A_291, %dma_wait3A_292] : memref<10240x128xbf16, #tpu.memory_space<hbm>> -> memref<10240x128xbf16, #tpu.memory_space<hbm>>
    tpu.wait_indirect_dma semaphore(%arg22 : memref<!tpu.dma_semaphore, #tpu.memory_space<semaphore_mem>>) src(%dma_wait3A_293 : memref<10240x128xbf16, #tpu.memory_space<hbm>>) dst(%arg13 : memref<128x128xbf16, #tpu.memory_space<vmem>>)
    %dma_start3A_294 = arith.constant 76 : i32
    %dma_start3A_295 = arith.constant 0 : i32
    %dma_start3A_296 = tpu.memref_slice %arg8[%dma_start3A_294, %dma_start3A_295] : memref<80x128xi32, #tpu.memory_space<vmem>> -> memref<1x128xi32, #tpu.memory_space<vmem>>
    %dma_start3A_297 = tpu.memref_squeeze %dma_start3A_296 : memref<1x128xi32, #tpu.memory_space<vmem>> -> memref<128xi32, #tpu.memory_space<vmem>>
    %dma_start3A_298 = arith.constant 0 : i32
    %dma_start3A_299 = arith.constant 0 : i32
    %dma_start3A_300 = tpu.memref_slice %arg17[%dma_start3A_298, %dma_start3A_299] : memref<10240x128xbf16, #tpu.memory_space<vmem_shared>> -> memref<10240x128xbf16, #tpu.memory_space<vmem_shared>>
    tpu.enqueue_indirect_dma source(%arg13 : memref<128x128xbf16, #tpu.memory_space<vmem>>) target(%dma_start3A_300 : memref<10240x128xbf16, #tpu.memory_space<vmem_shared>>) offsets(%dma_start3A_297 : memref<128xi32, #tpu.memory_space<vmem>>) semaphore(%arg30 : memref<!tpu.dma_semaphore, #tpu.memory_space<semaphore_mem>>) {add = true}
    %dma_wait3A_301 = arith.constant 9856 : i32
    %dma_wait3A_302 = tpu.memref_slice %arg7[%dma_wait3A_301] : memref<10240xi32, #tpu.memory_space<vmem>> -> memref<128xi32, #tpu.memory_space<vmem>>
    %dma_wait3A_303 = arith.constant 0 : i32
    %dma_wait3A_304 = arith.constant 0 : i32
    %dma_wait3A_305 = tpu.memref_slice %arg2[%dma_wait3A_303, %dma_wait3A_304] : memref<10240x128xbf16, #tpu.memory_space<hbm>> -> memref<10240x128xbf16, #tpu.memory_space<hbm>>
    tpu.wait_indirect_dma semaphore(%arg23 : memref<!tpu.dma_semaphore, #tpu.memory_space<semaphore_mem>>) src(%dma_wait3A_305 : memref<10240x128xbf16, #tpu.memory_space<hbm>>) dst(%arg14 : memref<128x128xbf16, #tpu.memory_space<vmem>>)
    %dma_start3A_306 = arith.constant 77 : i32
    %dma_start3A_307 = arith.constant 0 : i32
    %dma_start3A_308 = tpu.memref_slice %arg8[%dma_start3A_306, %dma_start3A_307] : memref<80x128xi32, #tpu.memory_space<vmem>> -> memref<1x128xi32, #tpu.memory_space<vmem>>
    %dma_start3A_309 = tpu.memref_squeeze %dma_start3A_308 : memref<1x128xi32, #tpu.memory_space<vmem>> -> memref<128xi32, #tpu.memory_space<vmem>>
    %dma_start3A_310 = arith.constant 0 : i32
    %dma_start3A_311 = arith.constant 0 : i32
    %dma_start3A_312 = tpu.memref_slice %arg17[%dma_start3A_310, %dma_start3A_311] : memref<10240x128xbf16, #tpu.memory_space<vmem_shared>> -> memref<10240x128xbf16, #tpu.memory_space<vmem_shared>>
    tpu.enqueue_indirect_dma source(%arg14 : memref<128x128xbf16, #tpu.memory_space<vmem>>) target(%dma_start3A_312 : memref<10240x128xbf16, #tpu.memory_space<vmem_shared>>) offsets(%dma_start3A_309 : memref<128xi32, #tpu.memory_space<vmem>>) semaphore(%arg31 : memref<!tpu.dma_semaphore, #tpu.memory_space<semaphore_mem>>) {add = true}
    %dma_wait3A_313 = arith.constant 9984 : i32
    %dma_wait3A_314 = tpu.memref_slice %arg7[%dma_wait3A_313] : memref<10240xi32, #tpu.memory_space<vmem>> -> memref<128xi32, #tpu.memory_space<vmem>>
    %dma_wait3A_315 = arith.constant 0 : i32
    %dma_wait3A_316 = arith.constant 0 : i32
    %dma_wait3A_317 = tpu.memref_slice %arg2[%dma_wait3A_315, %dma_wait3A_316] : memref<10240x128xbf16, #tpu.memory_space<hbm>> -> memref<10240x128xbf16, #tpu.memory_space<hbm>>
    tpu.wait_indirect_dma semaphore(%arg24 : memref<!tpu.dma_semaphore, #tpu.memory_space<semaphore_mem>>) src(%dma_wait3A_317 : memref<10240x128xbf16, #tpu.memory_space<hbm>>) dst(%arg15 : memref<128x128xbf16, #tpu.memory_space<vmem>>)
    %dma_start3A_318 = arith.constant 78 : i32
    %dma_start3A_319 = arith.constant 0 : i32
    %dma_start3A_320 = tpu.memref_slice %arg8[%dma_start3A_318, %dma_start3A_319] : memref<80x128xi32, #tpu.memory_space<vmem>> -> memref<1x128xi32, #tpu.memory_space<vmem>>
    %dma_start3A_321 = tpu.memref_squeeze %dma_start3A_320 : memref<1x128xi32, #tpu.memory_space<vmem>> -> memref<128xi32, #tpu.memory_space<vmem>>
    %dma_start3A_322 = arith.constant 0 : i32
    %dma_start3A_323 = arith.constant 0 : i32
    %dma_start3A_324 = tpu.memref_slice %arg17[%dma_start3A_322, %dma_start3A_323] : memref<10240x128xbf16, #tpu.memory_space<vmem_shared>> -> memref<10240x128xbf16, #tpu.memory_space<vmem_shared>>
    tpu.enqueue_indirect_dma source(%arg15 : memref<128x128xbf16, #tpu.memory_space<vmem>>) target(%dma_start3A_324 : memref<10240x128xbf16, #tpu.memory_space<vmem_shared>>) offsets(%dma_start3A_321 : memref<128xi32, #tpu.memory_space<vmem>>) semaphore(%arg32 : memref<!tpu.dma_semaphore, #tpu.memory_space<semaphore_mem>>) {add = true}
    %dma_wait3A_325 = arith.constant 10112 : i32
    %dma_wait3A_326 = tpu.memref_slice %arg7[%dma_wait3A_325] : memref<10240xi32, #tpu.memory_space<vmem>> -> memref<128xi32, #tpu.memory_space<vmem>>
    %dma_wait3A_327 = arith.constant 0 : i32
    %dma_wait3A_328 = arith.constant 0 : i32
    %dma_wait3A_329 = tpu.memref_slice %arg2[%dma_wait3A_327, %dma_wait3A_328] : memref<10240x128xbf16, #tpu.memory_space<hbm>> -> memref<10240x128xbf16, #tpu.memory_space<hbm>>
    tpu.wait_indirect_dma semaphore(%arg25 : memref<!tpu.dma_semaphore, #tpu.memory_space<semaphore_mem>>) src(%dma_wait3A_329 : memref<10240x128xbf16, #tpu.memory_space<hbm>>) dst(%arg16 : memref<128x128xbf16, #tpu.memory_space<vmem>>)
    %dma_start3A_330 = arith.constant 79 : i32
    %dma_start3A_331 = arith.constant 0 : i32
    %dma_start3A_332 = tpu.memref_slice %arg8[%dma_start3A_330, %dma_start3A_331] : memref<80x128xi32, #tpu.memory_space<vmem>> -> memref<1x128xi32, #tpu.memory_space<vmem>>
    %dma_start3A_333 = tpu.memref_squeeze %dma_start3A_332 : memref<1x128xi32, #tpu.memory_space<vmem>> -> memref<128xi32, #tpu.memory_space<vmem>>
    %dma_start3A_334 = arith.constant 0 : i32
    %dma_start3A_335 = arith.constant 0 : i32
    %dma_start3A_336 = tpu.memref_slice %arg17[%dma_start3A_334, %dma_start3A_335] : memref<10240x128xbf16, #tpu.memory_space<vmem_shared>> -> memref<10240x128xbf16, #tpu.memory_space<vmem_shared>>
    tpu.enqueue_indirect_dma source(%arg16 : memref<128x128xbf16, #tpu.memory_space<vmem>>) target(%dma_start3A_336 : memref<10240x128xbf16, #tpu.memory_space<vmem_shared>>) offsets(%dma_start3A_333 : memref<128xi32, #tpu.memory_space<vmem>>) semaphore(%arg33 : memref<!tpu.dma_semaphore, #tpu.memory_space<semaphore_mem>>) {add = true}
    %dma_wait3A_337 = arith.constant 72 : i32
    %dma_wait3A_338 = arith.constant 0 : i32
    %dma_wait3A_339 = tpu.memref_slice %arg8[%dma_wait3A_337, %dma_wait3A_338] : memref<80x128xi32, #tpu.memory_space<vmem>> -> memref<1x128xi32, #tpu.memory_space<vmem>>
    %dma_wait3A_340 = tpu.memref_squeeze %dma_wait3A_339 : memref<1x128xi32, #tpu.memory_space<vmem>> -> memref<128xi32, #tpu.memory_space<vmem>>
    %dma_wait3A_341 = arith.constant 0 : i32
    %dma_wait3A_342 = arith.constant 0 : i32
    %dma_wait3A_343 = tpu.memref_slice %arg17[%dma_wait3A_341, %dma_wait3A_342] : memref<10240x128xbf16, #tpu.memory_space<vmem_shared>> -> memref<10240x128xbf16, #tpu.memory_space<vmem_shared>>
    tpu.wait_indirect_dma semaphore(%arg26 : memref<!tpu.dma_semaphore, #tpu.memory_space<semaphore_mem>>) src(%arg9 : memref<128x128xbf16, #tpu.memory_space<vmem>>) dst(%dma_wait3A_343 : memref<10240x128xbf16, #tpu.memory_space<vmem_shared>>)
    %dma_wait3A_344 = arith.constant 73 : i32
    %dma_wait3A_345 = arith.constant 0 : i32
    %dma_wait3A_346 = tpu.memref_slice %arg8[%dma_wait3A_344, %dma_wait3A_345] : memref<80x128xi32, #tpu.memory_space<vmem>> -> memref<1x128xi32, #tpu.memory_space<vmem>>
    %dma_wait3A_347 = tpu.memref_squeeze %dma_wait3A_346 : memref<1x128xi32, #tpu.memory_space<vmem>> -> memref<128xi32, #tpu.memory_space<vmem>>
    %dma_wait3A_348 = arith.constant 0 : i32
    %dma_wait3A_349 = arith.constant 0 : i32
    %dma_wait3A_350 = tpu.memref_slice %arg17[%dma_wait3A_348, %dma_wait3A_349] : memref<10240x128xbf16, #tpu.memory_space<vmem_shared>> -> memref<10240x128xbf16, #tpu.memory_space<vmem_shared>>
    tpu.wait_indirect_dma semaphore(%arg27 : memref<!tpu.dma_semaphore, #tpu.memory_space<semaphore_mem>>) src(%arg10 : memref<128x128xbf16, #tpu.memory_space<vmem>>) dst(%dma_wait3A_350 : memref<10240x128xbf16, #tpu.memory_space<vmem_shared>>)
    %dma_wait3A_351 = arith.constant 74 : i32
    %dma_wait3A_352 = arith.constant 0 : i32
    %dma_wait3A_353 = tpu.memref_slice %arg8[%dma_wait3A_351, %dma_wait3A_352] : memref<80x128xi32, #tpu.memory_space<vmem>> -> memref<1x128xi32, #tpu.memory_space<vmem>>
    %dma_wait3A_354 = tpu.memref_squeeze %dma_wait3A_353 : memref<1x128xi32, #tpu.memory_space<vmem>> -> memref<128xi32, #tpu.memory_space<vmem>>
    %dma_wait3A_355 = arith.constant 0 : i32
    %dma_wait3A_356 = arith.constant 0 : i32
    %dma_wait3A_357 = tpu.memref_slice %arg17[%dma_wait3A_355, %dma_wait3A_356] : memref<10240x128xbf16, #tpu.memory_space<vmem_shared>> -> memref<10240x128xbf16, #tpu.memory_space<vmem_shared>>
    tpu.wait_indirect_dma semaphore(%arg28 : memref<!tpu.dma_semaphore, #tpu.memory_space<semaphore_mem>>) src(%arg11 : memref<128x128xbf16, #tpu.memory_space<vmem>>) dst(%dma_wait3A_357 : memref<10240x128xbf16, #tpu.memory_space<vmem_shared>>)
    %dma_wait3A_358 = arith.constant 75 : i32
    %dma_wait3A_359 = arith.constant 0 : i32
    %dma_wait3A_360 = tpu.memref_slice %arg8[%dma_wait3A_358, %dma_wait3A_359] : memref<80x128xi32, #tpu.memory_space<vmem>> -> memref<1x128xi32, #tpu.memory_space<vmem>>
    %dma_wait3A_361 = tpu.memref_squeeze %dma_wait3A_360 : memref<1x128xi32, #tpu.memory_space<vmem>> -> memref<128xi32, #tpu.memory_space<vmem>>
    %dma_wait3A_362 = arith.constant 0 : i32
    %dma_wait3A_363 = arith.constant 0 : i32
    %dma_wait3A_364 = tpu.memref_slice %arg17[%dma_wait3A_362, %dma_wait3A_363] : memref<10240x128xbf16, #tpu.memory_space<vmem_shared>> -> memref<10240x128xbf16, #tpu.memory_space<vmem_shared>>
    tpu.wait_indirect_dma semaphore(%arg29 : memref<!tpu.dma_semaphore, #tpu.memory_space<semaphore_mem>>) src(%arg12 : memref<128x128xbf16, #tpu.memory_space<vmem>>) dst(%dma_wait3A_364 : memref<10240x128xbf16, #tpu.memory_space<vmem_shared>>)
    %dma_wait3A_365 = arith.constant 76 : i32
    %dma_wait3A_366 = arith.constant 0 : i32
    %dma_wait3A_367 = tpu.memref_slice %arg8[%dma_wait3A_365, %dma_wait3A_366] : memref<80x128xi32, #tpu.memory_space<vmem>> -> memref<1x128xi32, #tpu.memory_space<vmem>>
    %dma_wait3A_368 = tpu.memref_squeeze %dma_wait3A_367 : memref<1x128xi32, #tpu.memory_space<vmem>> -> memref<128xi32, #tpu.memory_space<vmem>>
    %dma_wait3A_369 = arith.constant 0 : i32
    %dma_wait3A_370 = arith.constant 0 : i32
    %dma_wait3A_371 = tpu.memref_slice %arg17[%dma_wait3A_369, %dma_wait3A_370] : memref<10240x128xbf16, #tpu.memory_space<vmem_shared>> -> memref<10240x128xbf16, #tpu.memory_space<vmem_shared>>
    tpu.wait_indirect_dma semaphore(%arg30 : memref<!tpu.dma_semaphore, #tpu.memory_space<semaphore_mem>>) src(%arg13 : memref<128x128xbf16, #tpu.memory_space<vmem>>) dst(%dma_wait3A_371 : memref<10240x128xbf16, #tpu.memory_space<vmem_shared>>)
    %dma_wait3A_372 = arith.constant 77 : i32
    %dma_wait3A_373 = arith.constant 0 : i32
    %dma_wait3A_374 = tpu.memref_slice %arg8[%dma_wait3A_372, %dma_wait3A_373] : memref<80x128xi32, #tpu.memory_space<vmem>> -> memref<1x128xi32, #tpu.memory_space<vmem>>
    %dma_wait3A_375 = tpu.memref_squeeze %dma_wait3A_374 : memref<1x128xi32, #tpu.memory_space<vmem>> -> memref<128xi32, #tpu.memory_space<vmem>>
    %dma_wait3A_376 = arith.constant 0 : i32
    %dma_wait3A_377 = arith.constant 0 : i32
    %dma_wait3A_378 = tpu.memref_slice %arg17[%dma_wait3A_376, %dma_wait3A_377] : memref<10240x128xbf16, #tpu.memory_space<vmem_shared>> -> memref<10240x128xbf16, #tpu.memory_space<vmem_shared>>
    tpu.wait_indirect_dma semaphore(%arg31 : memref<!tpu.dma_semaphore, #tpu.memory_space<semaphore_mem>>) src(%arg14 : memref<128x128xbf16, #tpu.memory_space<vmem>>) dst(%dma_wait3A_378 : memref<10240x128xbf16, #tpu.memory_space<vmem_shared>>)
    %dma_wait3A_379 = arith.constant 78 : i32
    %dma_wait3A_380 = arith.constant 0 : i32
    %dma_wait3A_381 = tpu.memref_slice %arg8[%dma_wait3A_379, %dma_wait3A_380] : memref<80x128xi32, #tpu.memory_space<vmem>> -> memref<1x128xi32, #tpu.memory_space<vmem>>
    %dma_wait3A_382 = tpu.memref_squeeze %dma_wait3A_381 : memref<1x128xi32, #tpu.memory_space<vmem>> -> memref<128xi32, #tpu.memory_space<vmem>>
    %dma_wait3A_383 = arith.constant 0 : i32
    %dma_wait3A_384 = arith.constant 0 : i32
    %dma_wait3A_385 = tpu.memref_slice %arg17[%dma_wait3A_383, %dma_wait3A_384] : memref<10240x128xbf16, #tpu.memory_space<vmem_shared>> -> memref<10240x128xbf16, #tpu.memory_space<vmem_shared>>
    tpu.wait_indirect_dma semaphore(%arg32 : memref<!tpu.dma_semaphore, #tpu.memory_space<semaphore_mem>>) src(%arg15 : memref<128x128xbf16, #tpu.memory_space<vmem>>) dst(%dma_wait3A_385 : memref<10240x128xbf16, #tpu.memory_space<vmem_shared>>)
    %dma_wait3A_386 = arith.constant 79 : i32
    %dma_wait3A_387 = arith.constant 0 : i32
    %dma_wait3A_388 = tpu.memref_slice %arg8[%dma_wait3A_386, %dma_wait3A_387] : memref<80x128xi32, #tpu.memory_space<vmem>> -> memref<1x128xi32, #tpu.memory_space<vmem>>
    %dma_wait3A_389 = tpu.memref_squeeze %dma_wait3A_388 : memref<1x128xi32, #tpu.memory_space<vmem>> -> memref<128xi32, #tpu.memory_space<vmem>>
    %dma_wait3A_390 = arith.constant 0 : i32
    %dma_wait3A_391 = arith.constant 0 : i32
    %dma_wait3A_392 = tpu.memref_slice %arg17[%dma_wait3A_390, %dma_wait3A_391] : memref<10240x128xbf16, #tpu.memory_space<vmem_shared>> -> memref<10240x128xbf16, #tpu.memory_space<vmem_shared>>
    tpu.wait_indirect_dma semaphore(%arg33 : memref<!tpu.dma_semaphore, #tpu.memory_space<semaphore_mem>>) src(%arg16 : memref<128x128xbf16, #tpu.memory_space<vmem>>) dst(%dma_wait3A_392 : memref<10240x128xbf16, #tpu.memory_space<vmem_shared>>)
    %barrier3A_393 = arith.constant 0 : index
    tpu.barrier barrier_id(%barrier3A_393)
    %mul3A_394 = arith.constant 640 : i32
    %mul3A_395 = arith.muli %arg1, %mul3A_394 : i32
    %mul3A_396 = arith.constant 640 : i32
    %mul3A_397 = arith.muli %arg1, %mul3A_396 : i32
    "tpu.region"() ({
      %run_scoped3A = tpu.sem_alloc : memref<!tpu.dma_semaphore, #tpu.memory_space<semaphore_mem>>
      %dma_start3A_398 = arith.constant 0 : i32
      %dma_start3A_399 = tpu.memref_slice %arg6[%arg0, %mul3A_397, %dma_start3A_398] : memref<2x10240x128xbf16, #tpu.memory_space<hbm>> -> memref<1x640x128xbf16, #tpu.memory_space<hbm>>
      %dma_start3A_400 = tpu.memref_squeeze %dma_start3A_399 : memref<1x640x128xbf16, #tpu.memory_space<hbm>> -> memref<640x128xbf16, #tpu.memory_space<hbm>>
      %dma_start3A_401 = arith.constant 0 : i32
      %dma_start3A_402 = tpu.memref_slice %arg17[%mul3A_395, %dma_start3A_401] : memref<10240x128xbf16, #tpu.memory_space<vmem_shared>> -> memref<640x128xbf16, #tpu.memory_space<vmem_shared>>
      tpu.enqueue_dma source(%dma_start3A_402 : memref<640x128xbf16, #tpu.memory_space<vmem_shared>>) target(%dma_start3A_400 : memref<640x128xbf16, #tpu.memory_space<hbm>>) target_semaphore(%run_scoped3A : memref<!tpu.dma_semaphore, #tpu.memory_space<semaphore_mem>>)
      %dma_wait3A_403 = arith.constant 0 : i32
      %dma_wait3A_404 = tpu.memref_slice %arg6[%arg0, %mul3A_397, %dma_wait3A_403] : memref<2x10240x128xbf16, #tpu.memory_space<hbm>> -> memref<1x640x128xbf16, #tpu.memory_space<hbm>>
      %dma_wait3A_405 = tpu.memref_squeeze %dma_wait3A_404 : memref<1x640x128xbf16, #tpu.memory_space<hbm>> -> memref<640x128xbf16, #tpu.memory_space<hbm>>
      %dma_wait3A_406 = arith.constant 0 : i32
      %dma_wait3A_407 = tpu.memref_slice %arg17[%mul3A_395, %dma_wait3A_406] : memref<10240x128xbf16, #tpu.memory_space<vmem_shared>> -> memref<640x128xbf16, #tpu.memory_space<vmem_shared>>
      tpu.wait_dma2 semaphore(%run_scoped3A : memref<!tpu.dma_semaphore, #tpu.memory_space<semaphore_mem>>) src(%dma_wait3A_407 : memref<640x128xbf16, #tpu.memory_space<vmem_shared>>) dst(%dma_wait3A_405 : memref<640x128xbf16, #tpu.memory_space<hbm>>)
      tpu.yield
    }) : () -> ()
    return
  }
}

#map = affine_map<(d0, d1) -> (0, 0)>
#map1 = affine_map<(d0, d1) -> (0, 0, 0)>
module attributes {stable_mosaic.version = 14 : i64} {
  func.func @spmm(%arg0: i32, %arg1: i32, %arg2: memref<10240x64xbf16, #tpu.memory_space<hbm>>, %arg3: memref<32x10240xi32, #tpu.memory_space<hbm>>, %arg4: memref<32x80x128xi32, #tpu.memory_space<hbm>>, %arg5: memref<10240x64xbf16, #tpu.memory_space<hbm>>, %arg6: memref<2x10240x64xbf16, #tpu.memory_space<hbm>>, %arg7: memref<10240xi32, #tpu.memory_space<vmem>>, %arg8: memref<80x128xi32, #tpu.memory_space<vmem>>, %arg9: memref<128x64xbf16, #tpu.memory_space<vmem>>, %arg10: memref<128x64xbf16, #tpu.memory_space<vmem>>, %arg11: memref<128x64xbf16, #tpu.memory_space<vmem>>, %arg12: memref<128x64xbf16, #tpu.memory_space<vmem>>, %arg13: memref<128x64xbf16, #tpu.memory_space<vmem>>, %arg14: memref<128x64xbf16, #tpu.memory_space<vmem>>, %arg15: memref<128x64xbf16, #tpu.memory_space<vmem>>, %arg16: memref<128x64xbf16, #tpu.memory_space<vmem>>, %arg17: memref<10240x64xbf16, #tpu.memory_space<vmem_shared>>, %arg18: memref<!tpu.dma_semaphore, #tpu.memory_space<semaphore_mem>>, %arg19: memref<!tpu.dma_semaphore, #tpu.memory_space<semaphore_mem>>, %arg20: memref<!tpu.dma_semaphore, #tpu.memory_space<semaphore_mem>>, %arg21: memref<!tpu.dma_semaphore, #tpu.memory_space<semaphore_mem>>, %arg22: memref<!tpu.dma_semaphore, #tpu.memory_space<semaphore_mem>>, %arg23: memref<!tpu.dma_semaphore, #tpu.memory_space<semaphore_mem>>, %arg24: memref<!tpu.dma_semaphore, #tpu.memory_space<semaphore_mem>>, %arg25: memref<!tpu.dma_semaphore, #tpu.memory_space<semaphore_mem>>, %arg26: memref<!tpu.dma_semaphore, #tpu.memory_space<semaphore_mem>>, %arg27: memref<!tpu.dma_semaphore, #tpu.memory_space<semaphore_mem>>, %arg28: memref<!tpu.dma_semaphore, #tpu.memory_space<semaphore_mem>>, %arg29: memref<!tpu.dma_semaphore, #tpu.memory_space<semaphore_mem>>, %arg30: memref<!tpu.dma_semaphore, #tpu.memory_space<semaphore_mem>>, %arg31: memref<!tpu.dma_semaphore, #tpu.memory_space<semaphore_mem>>, %arg32: memref<!tpu.dma_semaphore, #tpu.memory_space<semaphore_mem>>, %arg33: memref<!tpu.dma_semaphore, #tpu.memory_space<semaphore_mem>>) attributes {dimension_semantics = [#tpu.dimension_semantics<core_parallel>, #tpu.dimension_semantics<subcore_parallel>], iteration_bounds = array<i64: 2, 16>, scalar_prefetch = 0 : i64, scratch_operands = 27 : i64, tpu.core_type = #tpu.core_type<sc_vector_subcore>, window_params = [{transform_indices = #map}, {transform_indices = #map}, {transform_indices = #map1}, {transform_indices = #map}, {transform_indices = #map1}]} {
    %mul3A = arith.constant 2 : i32
    %mul3A_0 = arith.muli %arg1, %mul3A : i32
    %add3A = arith.addi %mul3A_0, %arg0 : i32
    %mul3A_1 = arith.constant 640 : i32
    %mul3A_2 = arith.muli %arg1, %mul3A_1 : i32
    %mul3A_3 = arith.constant 640 : i32
    %mul3A_4 = arith.muli %arg1, %mul3A_3 : i32
    "tpu.region"() ({
      %run_scoped3A = tpu.sem_alloc : memref<!tpu.dma_semaphore, #tpu.memory_space<semaphore_mem>>
      %dma_start3A_398 = arith.constant 0 : i32
      %dma_start3A_399 = tpu.memref_slice %arg17[%mul3A_4, %dma_start3A_398] : memref<10240x64xbf16, #tpu.memory_space<vmem_shared>> -> memref<640x64xbf16, #tpu.memory_space<vmem_shared>>
      %dma_start3A_400 = arith.constant 0 : i32
      %dma_start3A_401 = tpu.memref_slice %arg5[%mul3A_2, %dma_start3A_400] : memref<10240x64xbf16, #tpu.memory_space<hbm>> -> memref<640x64xbf16, #tpu.memory_space<hbm>>
      tpu.enqueue_dma source(%dma_start3A_401 : memref<640x64xbf16, #tpu.memory_space<hbm>>) target(%dma_start3A_399 : memref<640x64xbf16, #tpu.memory_space<vmem_shared>>) target_semaphore(%run_scoped3A : memref<!tpu.dma_semaphore, #tpu.memory_space<semaphore_mem>>)
      %dma_wait3A_402 = arith.constant 0 : i32
      %dma_wait3A_403 = tpu.memref_slice %arg17[%mul3A_4, %dma_wait3A_402] : memref<10240x64xbf16, #tpu.memory_space<vmem_shared>> -> memref<640x64xbf16, #tpu.memory_space<vmem_shared>>
      %dma_wait3A_404 = arith.constant 0 : i32
      %dma_wait3A_405 = tpu.memref_slice %arg5[%mul3A_2, %dma_wait3A_404] : memref<10240x64xbf16, #tpu.memory_space<hbm>> -> memref<640x64xbf16, #tpu.memory_space<hbm>>
      tpu.wait_dma2 semaphore(%run_scoped3A : memref<!tpu.dma_semaphore, #tpu.memory_space<semaphore_mem>>) src(%dma_wait3A_405 : memref<640x64xbf16, #tpu.memory_space<hbm>>) dst(%dma_wait3A_403 : memref<640x64xbf16, #tpu.memory_space<vmem_shared>>)
      tpu.yield
    }) : () -> ()
    "tpu.region"() ({
      %run_scoped3A = tpu.sem_alloc : memref<!tpu.dma_semaphore, #tpu.memory_space<semaphore_mem>>
      %dma_start3A_398 = arith.constant 0 : i32
      %dma_start3A_399 = tpu.memref_slice %arg3[%add3A, %dma_start3A_398] : memref<32x10240xi32, #tpu.memory_space<hbm>> -> memref<1x10240xi32, #tpu.memory_space<hbm>>
      %dma_start3A_400 = tpu.memref_squeeze %dma_start3A_399 : memref<1x10240xi32, #tpu.memory_space<hbm>> -> memref<10240xi32, #tpu.memory_space<hbm>>
      %dma_start3A_401 = arith.constant 0 : i32
      %dma_start3A_402 = tpu.memref_slice %arg3[%add3A, %dma_start3A_401] : memref<32x10240xi32, #tpu.memory_space<hbm>> -> memref<1x10240xi32, #tpu.memory_space<hbm>>
      %dma_start3A_403 = tpu.memref_squeeze %dma_start3A_402 : memref<1x10240xi32, #tpu.memory_space<hbm>> -> memref<10240xi32, #tpu.memory_space<hbm>>
      tpu.enqueue_dma source(%dma_start3A_403 : memref<10240xi32, #tpu.memory_space<hbm>>) target(%arg7 : memref<10240xi32, #tpu.memory_space<vmem>>) target_semaphore(%run_scoped3A : memref<!tpu.dma_semaphore, #tpu.memory_space<semaphore_mem>>)
      %dma_wait3A_404 = arith.constant 0 : i32
      %dma_wait3A_405 = tpu.memref_slice %arg3[%add3A, %dma_wait3A_404] : memref<32x10240xi32, #tpu.memory_space<hbm>> -> memref<1x10240xi32, #tpu.memory_space<hbm>>
      %dma_wait3A_406 = tpu.memref_squeeze %dma_wait3A_405 : memref<1x10240xi32, #tpu.memory_space<hbm>> -> memref<10240xi32, #tpu.memory_space<hbm>>
      %dma_wait3A_407 = arith.constant 0 : i32
      %dma_wait3A_408 = tpu.memref_slice %arg3[%add3A, %dma_wait3A_407] : memref<32x10240xi32, #tpu.memory_space<hbm>> -> memref<1x10240xi32, #tpu.memory_space<hbm>>
      %dma_wait3A_409 = tpu.memref_squeeze %dma_wait3A_408 : memref<1x10240xi32, #tpu.memory_space<hbm>> -> memref<10240xi32, #tpu.memory_space<hbm>>
      tpu.wait_dma2 semaphore(%run_scoped3A : memref<!tpu.dma_semaphore, #tpu.memory_space<semaphore_mem>>) src(%dma_wait3A_409 : memref<10240xi32, #tpu.memory_space<hbm>>) dst(%arg7 : memref<10240xi32, #tpu.memory_space<vmem>>)
      tpu.yield
    }) : () -> ()
    "tpu.region"() ({
      %run_scoped3A = tpu.sem_alloc : memref<!tpu.dma_semaphore, #tpu.memory_space<semaphore_mem>>
      %dma_start3A_398 = arith.constant 0 : i32
      %dma_start3A_399 = arith.constant 0 : i32
      %dma_start3A_400 = tpu.memref_slice %arg4[%add3A, %dma_start3A_398, %dma_start3A_399] : memref<32x80x128xi32, #tpu.memory_space<hbm>> -> memref<1x80x128xi32, #tpu.memory_space<hbm>>
      %dma_start3A_401 = tpu.memref_squeeze %dma_start3A_400 : memref<1x80x128xi32, #tpu.memory_space<hbm>> -> memref<80x128xi32, #tpu.memory_space<hbm>>
      %dma_start3A_402 = arith.constant 0 : i32
      %dma_start3A_403 = arith.constant 0 : i32
      %dma_start3A_404 = tpu.memref_slice %arg4[%add3A, %dma_start3A_402, %dma_start3A_403] : memref<32x80x128xi32, #tpu.memory_space<hbm>> -> memref<1x80x128xi32, #tpu.memory_space<hbm>>
      %dma_start3A_405 = tpu.memref_squeeze %dma_start3A_404 : memref<1x80x128xi32, #tpu.memory_space<hbm>> -> memref<80x128xi32, #tpu.memory_space<hbm>>
      tpu.enqueue_dma source(%dma_start3A_405 : memref<80x128xi32, #tpu.memory_space<hbm>>) target(%arg8 : memref<80x128xi32, #tpu.memory_space<vmem>>) target_semaphore(%run_scoped3A : memref<!tpu.dma_semaphore, #tpu.memory_space<semaphore_mem>>)
      %dma_wait3A_406 = arith.constant 0 : i32
      %dma_wait3A_407 = arith.constant 0 : i32
      %dma_wait3A_408 = tpu.memref_slice %arg4[%add3A, %dma_wait3A_406, %dma_wait3A_407] : memref<32x80x128xi32, #tpu.memory_space<hbm>> -> memref<1x80x128xi32, #tpu.memory_space<hbm>>
      %dma_wait3A_409 = tpu.memref_squeeze %dma_wait3A_408 : memref<1x80x128xi32, #tpu.memory_space<hbm>> -> memref<80x128xi32, #tpu.memory_space<hbm>>
      %dma_wait3A_410 = arith.constant 0 : i32
      %dma_wait3A_411 = arith.constant 0 : i32
      %dma_wait3A_412 = tpu.memref_slice %arg4[%add3A, %dma_wait3A_410, %dma_wait3A_411] : memref<32x80x128xi32, #tpu.memory_space<hbm>> -> memref<1x80x128xi32, #tpu.memory_space<hbm>>
      %dma_wait3A_413 = tpu.memref_squeeze %dma_wait3A_412 : memref<1x80x128xi32, #tpu.memory_space<hbm>> -> memref<80x128xi32, #tpu.memory_space<hbm>>
      tpu.wait_dma2 semaphore(%run_scoped3A : memref<!tpu.dma_semaphore, #tpu.memory_space<semaphore_mem>>) src(%dma_wait3A_413 : memref<80x128xi32, #tpu.memory_space<hbm>>) dst(%arg8 : memref<80x128xi32, #tpu.memory_space<vmem>>)
      tpu.yield
    }) : () -> ()
    %barrier3A = arith.constant 0 : index
    tpu.barrier barrier_id(%barrier3A)
    %dma_start3A = arith.constant 0 : i32
    %dma_start3A_5 = tpu.memref_slice %arg7[%dma_start3A] : memref<10240xi32, #tpu.memory_space<vmem>> -> memref<128xi32, #tpu.memory_space<vmem>>
    %dma_start3A_6 = arith.constant 0 : i32
    %dma_start3A_7 = arith.constant 0 : i32
    %dma_start3A_8 = tpu.memref_slice %arg2[%dma_start3A_6, %dma_start3A_7] : memref<10240x64xbf16, #tpu.memory_space<hbm>> -> memref<10240x64xbf16, #tpu.memory_space<hbm>>
    tpu.enqueue_indirect_dma source(%dma_start3A_8 : memref<10240x64xbf16, #tpu.memory_space<hbm>>) target(%arg9 : memref<128x64xbf16, #tpu.memory_space<vmem>>) offsets(%dma_start3A_5 : memref<128xi32, #tpu.memory_space<vmem>>) semaphore(%arg18 : memref<!tpu.dma_semaphore, #tpu.memory_space<semaphore_mem>>)
    %dma_start3A_9 = arith.constant 128 : i32
    %dma_start3A_10 = tpu.memref_slice %arg7[%dma_start3A_9] : memref<10240xi32, #tpu.memory_space<vmem>> -> memref<128xi32, #tpu.memory_space<vmem>>
    %dma_start3A_11 = arith.constant 0 : i32
    %dma_start3A_12 = arith.constant 0 : i32
    %dma_start3A_13 = tpu.memref_slice %arg2[%dma_start3A_11, %dma_start3A_12] : memref<10240x64xbf16, #tpu.memory_space<hbm>> -> memref<10240x64xbf16, #tpu.memory_space<hbm>>
    tpu.enqueue_indirect_dma source(%dma_start3A_13 : memref<10240x64xbf16, #tpu.memory_space<hbm>>) target(%arg10 : memref<128x64xbf16, #tpu.memory_space<vmem>>) offsets(%dma_start3A_10 : memref<128xi32, #tpu.memory_space<vmem>>) semaphore(%arg19 : memref<!tpu.dma_semaphore, #tpu.memory_space<semaphore_mem>>)
    %dma_start3A_14 = arith.constant 256 : i32
    %dma_start3A_15 = tpu.memref_slice %arg7[%dma_start3A_14] : memref<10240xi32, #tpu.memory_space<vmem>> -> memref<128xi32, #tpu.memory_space<vmem>>
    %dma_start3A_16 = arith.constant 0 : i32
    %dma_start3A_17 = arith.constant 0 : i32
    %dma_start3A_18 = tpu.memref_slice %arg2[%dma_start3A_16, %dma_start3A_17] : memref<10240x64xbf16, #tpu.memory_space<hbm>> -> memref<10240x64xbf16, #tpu.memory_space<hbm>>
    tpu.enqueue_indirect_dma source(%dma_start3A_18 : memref<10240x64xbf16, #tpu.memory_space<hbm>>) target(%arg11 : memref<128x64xbf16, #tpu.memory_space<vmem>>) offsets(%dma_start3A_15 : memref<128xi32, #tpu.memory_space<vmem>>) semaphore(%arg20 : memref<!tpu.dma_semaphore, #tpu.memory_space<semaphore_mem>>)
    %dma_start3A_19 = arith.constant 384 : i32
    %dma_start3A_20 = tpu.memref_slice %arg7[%dma_start3A_19] : memref<10240xi32, #tpu.memory_space<vmem>> -> memref<128xi32, #tpu.memory_space<vmem>>
    %dma_start3A_21 = arith.constant 0 : i32
    %dma_start3A_22 = arith.constant 0 : i32
    %dma_start3A_23 = tpu.memref_slice %arg2[%dma_start3A_21, %dma_start3A_22] : memref<10240x64xbf16, #tpu.memory_space<hbm>> -> memref<10240x64xbf16, #tpu.memory_space<hbm>>
    tpu.enqueue_indirect_dma source(%dma_start3A_23 : memref<10240x64xbf16, #tpu.memory_space<hbm>>) target(%arg12 : memref<128x64xbf16, #tpu.memory_space<vmem>>) offsets(%dma_start3A_20 : memref<128xi32, #tpu.memory_space<vmem>>) semaphore(%arg21 : memref<!tpu.dma_semaphore, #tpu.memory_space<semaphore_mem>>)
    %dma_start3A_24 = arith.constant 512 : i32
    %dma_start3A_25 = tpu.memref_slice %arg7[%dma_start3A_24] : memref<10240xi32, #tpu.memory_space<vmem>> -> memref<128xi32, #tpu.memory_space<vmem>>
    %dma_start3A_26 = arith.constant 0 : i32
    %dma_start3A_27 = arith.constant 0 : i32
    %dma_start3A_28 = tpu.memref_slice %arg2[%dma_start3A_26, %dma_start3A_27] : memref<10240x64xbf16, #tpu.memory_space<hbm>> -> memref<10240x64xbf16, #tpu.memory_space<hbm>>
    tpu.enqueue_indirect_dma source(%dma_start3A_28 : memref<10240x64xbf16, #tpu.memory_space<hbm>>) target(%arg13 : memref<128x64xbf16, #tpu.memory_space<vmem>>) offsets(%dma_start3A_25 : memref<128xi32, #tpu.memory_space<vmem>>) semaphore(%arg22 : memref<!tpu.dma_semaphore, #tpu.memory_space<semaphore_mem>>)
    %dma_start3A_29 = arith.constant 640 : i32
    %dma_start3A_30 = tpu.memref_slice %arg7[%dma_start3A_29] : memref<10240xi32, #tpu.memory_space<vmem>> -> memref<128xi32, #tpu.memory_space<vmem>>
    %dma_start3A_31 = arith.constant 0 : i32
    %dma_start3A_32 = arith.constant 0 : i32
    %dma_start3A_33 = tpu.memref_slice %arg2[%dma_start3A_31, %dma_start3A_32] : memref<10240x64xbf16, #tpu.memory_space<hbm>> -> memref<10240x64xbf16, #tpu.memory_space<hbm>>
    tpu.enqueue_indirect_dma source(%dma_start3A_33 : memref<10240x64xbf16, #tpu.memory_space<hbm>>) target(%arg14 : memref<128x64xbf16, #tpu.memory_space<vmem>>) offsets(%dma_start3A_30 : memref<128xi32, #tpu.memory_space<vmem>>) semaphore(%arg23 : memref<!tpu.dma_semaphore, #tpu.memory_space<semaphore_mem>>)
    %dma_start3A_34 = arith.constant 768 : i32
    %dma_start3A_35 = tpu.memref_slice %arg7[%dma_start3A_34] : memref<10240xi32, #tpu.memory_space<vmem>> -> memref<128xi32, #tpu.memory_space<vmem>>
    %dma_start3A_36 = arith.constant 0 : i32
    %dma_start3A_37 = arith.constant 0 : i32
    %dma_start3A_38 = tpu.memref_slice %arg2[%dma_start3A_36, %dma_start3A_37] : memref<10240x64xbf16, #tpu.memory_space<hbm>> -> memref<10240x64xbf16, #tpu.memory_space<hbm>>
    tpu.enqueue_indirect_dma source(%dma_start3A_38 : memref<10240x64xbf16, #tpu.memory_space<hbm>>) target(%arg15 : memref<128x64xbf16, #tpu.memory_space<vmem>>) offsets(%dma_start3A_35 : memref<128xi32, #tpu.memory_space<vmem>>) semaphore(%arg24 : memref<!tpu.dma_semaphore, #tpu.memory_space<semaphore_mem>>)
    %dma_wait3A = arith.constant 0 : i32
    %dma_wait3A_39 = tpu.memref_slice %arg7[%dma_wait3A] : memref<10240xi32, #tpu.memory_space<vmem>> -> memref<128xi32, #tpu.memory_space<vmem>>
    %dma_wait3A_40 = arith.constant 0 : i32
    %dma_wait3A_41 = arith.constant 0 : i32
    %dma_wait3A_42 = tpu.memref_slice %arg2[%dma_wait3A_40, %dma_wait3A_41] : memref<10240x64xbf16, #tpu.memory_space<hbm>> -> memref<10240x64xbf16, #tpu.memory_space<hbm>>
    tpu.wait_indirect_dma semaphore(%arg18 : memref<!tpu.dma_semaphore, #tpu.memory_space<semaphore_mem>>) src(%dma_wait3A_42 : memref<10240x64xbf16, #tpu.memory_space<hbm>>) dst(%arg9 : memref<128x64xbf16, #tpu.memory_space<vmem>>)
    %dma_start3A_43 = arith.constant 0 : i32
    %dma_start3A_44 = arith.constant 0 : i32
    %dma_start3A_45 = tpu.memref_slice %arg8[%dma_start3A_43, %dma_start3A_44] : memref<80x128xi32, #tpu.memory_space<vmem>> -> memref<1x128xi32, #tpu.memory_space<vmem>>
    %dma_start3A_46 = tpu.memref_squeeze %dma_start3A_45 : memref<1x128xi32, #tpu.memory_space<vmem>> -> memref<128xi32, #tpu.memory_space<vmem>>
    %dma_start3A_47 = arith.constant 0 : i32
    %dma_start3A_48 = arith.constant 0 : i32
    %dma_start3A_49 = tpu.memref_slice %arg17[%dma_start3A_47, %dma_start3A_48] : memref<10240x64xbf16, #tpu.memory_space<vmem_shared>> -> memref<10240x64xbf16, #tpu.memory_space<vmem_shared>>
    tpu.enqueue_indirect_dma source(%arg9 : memref<128x64xbf16, #tpu.memory_space<vmem>>) target(%dma_start3A_49 : memref<10240x64xbf16, #tpu.memory_space<vmem_shared>>) offsets(%dma_start3A_46 : memref<128xi32, #tpu.memory_space<vmem>>) semaphore(%arg26 : memref<!tpu.dma_semaphore, #tpu.memory_space<semaphore_mem>>) {add = true}
    %dma_start3A_50 = arith.constant 896 : i32
    %dma_start3A_51 = tpu.memref_slice %arg7[%dma_start3A_50] : memref<10240xi32, #tpu.memory_space<vmem>> -> memref<128xi32, #tpu.memory_space<vmem>>
    %dma_start3A_52 = arith.constant 0 : i32
    %dma_start3A_53 = arith.constant 0 : i32
    %dma_start3A_54 = tpu.memref_slice %arg2[%dma_start3A_52, %dma_start3A_53] : memref<10240x64xbf16, #tpu.memory_space<hbm>> -> memref<10240x64xbf16, #tpu.memory_space<hbm>>
    tpu.enqueue_indirect_dma source(%dma_start3A_54 : memref<10240x64xbf16, #tpu.memory_space<hbm>>) target(%arg16 : memref<128x64xbf16, #tpu.memory_space<vmem>>) offsets(%dma_start3A_51 : memref<128xi32, #tpu.memory_space<vmem>>) semaphore(%arg25 : memref<!tpu.dma_semaphore, #tpu.memory_space<semaphore_mem>>)
    %dma_wait3A_55 = arith.constant 128 : i32
    %dma_wait3A_56 = tpu.memref_slice %arg7[%dma_wait3A_55] : memref<10240xi32, #tpu.memory_space<vmem>> -> memref<128xi32, #tpu.memory_space<vmem>>
    %dma_wait3A_57 = arith.constant 0 : i32
    %dma_wait3A_58 = arith.constant 0 : i32
    %dma_wait3A_59 = tpu.memref_slice %arg2[%dma_wait3A_57, %dma_wait3A_58] : memref<10240x64xbf16, #tpu.memory_space<hbm>> -> memref<10240x64xbf16, #tpu.memory_space<hbm>>
    tpu.wait_indirect_dma semaphore(%arg19 : memref<!tpu.dma_semaphore, #tpu.memory_space<semaphore_mem>>) src(%dma_wait3A_59 : memref<10240x64xbf16, #tpu.memory_space<hbm>>) dst(%arg10 : memref<128x64xbf16, #tpu.memory_space<vmem>>)
    %dma_start3A_60 = arith.constant 1 : i32
    %dma_start3A_61 = arith.constant 0 : i32
    %dma_start3A_62 = tpu.memref_slice %arg8[%dma_start3A_60, %dma_start3A_61] : memref<80x128xi32, #tpu.memory_space<vmem>> -> memref<1x128xi32, #tpu.memory_space<vmem>>
    %dma_start3A_63 = tpu.memref_squeeze %dma_start3A_62 : memref<1x128xi32, #tpu.memory_space<vmem>> -> memref<128xi32, #tpu.memory_space<vmem>>
    %dma_start3A_64 = arith.constant 0 : i32
    %dma_start3A_65 = arith.constant 0 : i32
    %dma_start3A_66 = tpu.memref_slice %arg17[%dma_start3A_64, %dma_start3A_65] : memref<10240x64xbf16, #tpu.memory_space<vmem_shared>> -> memref<10240x64xbf16, #tpu.memory_space<vmem_shared>>
    tpu.enqueue_indirect_dma source(%arg10 : memref<128x64xbf16, #tpu.memory_space<vmem>>) target(%dma_start3A_66 : memref<10240x64xbf16, #tpu.memory_space<vmem_shared>>) offsets(%dma_start3A_63 : memref<128xi32, #tpu.memory_space<vmem>>) semaphore(%arg27 : memref<!tpu.dma_semaphore, #tpu.memory_space<semaphore_mem>>) {add = true}
    %dma_wait3A_67 = arith.constant 0 : i32
    %dma_wait3A_68 = arith.constant 0 : i32
    %dma_wait3A_69 = tpu.memref_slice %arg8[%dma_wait3A_67, %dma_wait3A_68] : memref<80x128xi32, #tpu.memory_space<vmem>> -> memref<1x128xi32, #tpu.memory_space<vmem>>
    %dma_wait3A_70 = tpu.memref_squeeze %dma_wait3A_69 : memref<1x128xi32, #tpu.memory_space<vmem>> -> memref<128xi32, #tpu.memory_space<vmem>>
    %dma_wait3A_71 = arith.constant 0 : i32
    %dma_wait3A_72 = arith.constant 0 : i32
    %dma_wait3A_73 = tpu.memref_slice %arg17[%dma_wait3A_71, %dma_wait3A_72] : memref<10240x64xbf16, #tpu.memory_space<vmem_shared>> -> memref<10240x64xbf16, #tpu.memory_space<vmem_shared>>
    tpu.wait_indirect_dma semaphore(%arg26 : memref<!tpu.dma_semaphore, #tpu.memory_space<semaphore_mem>>) src(%arg9 : memref<128x64xbf16, #tpu.memory_space<vmem>>) dst(%dma_wait3A_73 : memref<10240x64xbf16, #tpu.memory_space<vmem_shared>>)
    %dma_start3A_74 = arith.constant 1024 : i32
    %dma_start3A_75 = tpu.memref_slice %arg7[%dma_start3A_74] : memref<10240xi32, #tpu.memory_space<vmem>> -> memref<128xi32, #tpu.memory_space<vmem>>
    %dma_start3A_76 = arith.constant 0 : i32
    %dma_start3A_77 = arith.constant 0 : i32
    %dma_start3A_78 = tpu.memref_slice %arg2[%dma_start3A_76, %dma_start3A_77] : memref<10240x64xbf16, #tpu.memory_space<hbm>> -> memref<10240x64xbf16, #tpu.memory_space<hbm>>
    tpu.enqueue_indirect_dma source(%dma_start3A_78 : memref<10240x64xbf16, #tpu.memory_space<hbm>>) target(%arg9 : memref<128x64xbf16, #tpu.memory_space<vmem>>) offsets(%dma_start3A_75 : memref<128xi32, #tpu.memory_space<vmem>>) semaphore(%arg18 : memref<!tpu.dma_semaphore, #tpu.memory_space<semaphore_mem>>)
    %dma_wait3A_79 = arith.constant 256 : i32
    %dma_wait3A_80 = tpu.memref_slice %arg7[%dma_wait3A_79] : memref<10240xi32, #tpu.memory_space<vmem>> -> memref<128xi32, #tpu.memory_space<vmem>>
    %dma_wait3A_81 = arith.constant 0 : i32
    %dma_wait3A_82 = arith.constant 0 : i32
    %dma_wait3A_83 = tpu.memref_slice %arg2[%dma_wait3A_81, %dma_wait3A_82] : memref<10240x64xbf16, #tpu.memory_space<hbm>> -> memref<10240x64xbf16, #tpu.memory_space<hbm>>
    tpu.wait_indirect_dma semaphore(%arg20 : memref<!tpu.dma_semaphore, #tpu.memory_space<semaphore_mem>>) src(%dma_wait3A_83 : memref<10240x64xbf16, #tpu.memory_space<hbm>>) dst(%arg11 : memref<128x64xbf16, #tpu.memory_space<vmem>>)
    %dma_start3A_84 = arith.constant 2 : i32
    %dma_start3A_85 = arith.constant 0 : i32
    %dma_start3A_86 = tpu.memref_slice %arg8[%dma_start3A_84, %dma_start3A_85] : memref<80x128xi32, #tpu.memory_space<vmem>> -> memref<1x128xi32, #tpu.memory_space<vmem>>
    %dma_start3A_87 = tpu.memref_squeeze %dma_start3A_86 : memref<1x128xi32, #tpu.memory_space<vmem>> -> memref<128xi32, #tpu.memory_space<vmem>>
    %dma_start3A_88 = arith.constant 0 : i32
    %dma_start3A_89 = arith.constant 0 : i32
    %dma_start3A_90 = tpu.memref_slice %arg17[%dma_start3A_88, %dma_start3A_89] : memref<10240x64xbf16, #tpu.memory_space<vmem_shared>> -> memref<10240x64xbf16, #tpu.memory_space<vmem_shared>>
    tpu.enqueue_indirect_dma source(%arg11 : memref<128x64xbf16, #tpu.memory_space<vmem>>) target(%dma_start3A_90 : memref<10240x64xbf16, #tpu.memory_space<vmem_shared>>) offsets(%dma_start3A_87 : memref<128xi32, #tpu.memory_space<vmem>>) semaphore(%arg28 : memref<!tpu.dma_semaphore, #tpu.memory_space<semaphore_mem>>) {add = true}
    %dma_wait3A_91 = arith.constant 1 : i32
    %dma_wait3A_92 = arith.constant 0 : i32
    %dma_wait3A_93 = tpu.memref_slice %arg8[%dma_wait3A_91, %dma_wait3A_92] : memref<80x128xi32, #tpu.memory_space<vmem>> -> memref<1x128xi32, #tpu.memory_space<vmem>>
    %dma_wait3A_94 = tpu.memref_squeeze %dma_wait3A_93 : memref<1x128xi32, #tpu.memory_space<vmem>> -> memref<128xi32, #tpu.memory_space<vmem>>
    %dma_wait3A_95 = arith.constant 0 : i32
    %dma_wait3A_96 = arith.constant 0 : i32
    %dma_wait3A_97 = tpu.memref_slice %arg17[%dma_wait3A_95, %dma_wait3A_96] : memref<10240x64xbf16, #tpu.memory_space<vmem_shared>> -> memref<10240x64xbf16, #tpu.memory_space<vmem_shared>>
    tpu.wait_indirect_dma semaphore(%arg27 : memref<!tpu.dma_semaphore, #tpu.memory_space<semaphore_mem>>) src(%arg10 : memref<128x64xbf16, #tpu.memory_space<vmem>>) dst(%dma_wait3A_97 : memref<10240x64xbf16, #tpu.memory_space<vmem_shared>>)
    %dma_start3A_98 = arith.constant 1152 : i32
    %dma_start3A_99 = tpu.memref_slice %arg7[%dma_start3A_98] : memref<10240xi32, #tpu.memory_space<vmem>> -> memref<128xi32, #tpu.memory_space<vmem>>
    %dma_start3A_100 = arith.constant 0 : i32
    %dma_start3A_101 = arith.constant 0 : i32
    %dma_start3A_102 = tpu.memref_slice %arg2[%dma_start3A_100, %dma_start3A_101] : memref<10240x64xbf16, #tpu.memory_space<hbm>> -> memref<10240x64xbf16, #tpu.memory_space<hbm>>
    tpu.enqueue_indirect_dma source(%dma_start3A_102 : memref<10240x64xbf16, #tpu.memory_space<hbm>>) target(%arg10 : memref<128x64xbf16, #tpu.memory_space<vmem>>) offsets(%dma_start3A_99 : memref<128xi32, #tpu.memory_space<vmem>>) semaphore(%arg19 : memref<!tpu.dma_semaphore, #tpu.memory_space<semaphore_mem>>)
    %dma_wait3A_103 = arith.constant 384 : i32
    %dma_wait3A_104 = tpu.memref_slice %arg7[%dma_wait3A_103] : memref<10240xi32, #tpu.memory_space<vmem>> -> memref<128xi32, #tpu.memory_space<vmem>>
    %dma_wait3A_105 = arith.constant 0 : i32
    %dma_wait3A_106 = arith.constant 0 : i32
    %dma_wait3A_107 = tpu.memref_slice %arg2[%dma_wait3A_105, %dma_wait3A_106] : memref<10240x64xbf16, #tpu.memory_space<hbm>> -> memref<10240x64xbf16, #tpu.memory_space<hbm>>
    tpu.wait_indirect_dma semaphore(%arg21 : memref<!tpu.dma_semaphore, #tpu.memory_space<semaphore_mem>>) src(%dma_wait3A_107 : memref<10240x64xbf16, #tpu.memory_space<hbm>>) dst(%arg12 : memref<128x64xbf16, #tpu.memory_space<vmem>>)
    %dma_start3A_108 = arith.constant 3 : i32
    %dma_start3A_109 = arith.constant 0 : i32
    %dma_start3A_110 = tpu.memref_slice %arg8[%dma_start3A_108, %dma_start3A_109] : memref<80x128xi32, #tpu.memory_space<vmem>> -> memref<1x128xi32, #tpu.memory_space<vmem>>
    %dma_start3A_111 = tpu.memref_squeeze %dma_start3A_110 : memref<1x128xi32, #tpu.memory_space<vmem>> -> memref<128xi32, #tpu.memory_space<vmem>>
    %dma_start3A_112 = arith.constant 0 : i32
    %dma_start3A_113 = arith.constant 0 : i32
    %dma_start3A_114 = tpu.memref_slice %arg17[%dma_start3A_112, %dma_start3A_113] : memref<10240x64xbf16, #tpu.memory_space<vmem_shared>> -> memref<10240x64xbf16, #tpu.memory_space<vmem_shared>>
    tpu.enqueue_indirect_dma source(%arg12 : memref<128x64xbf16, #tpu.memory_space<vmem>>) target(%dma_start3A_114 : memref<10240x64xbf16, #tpu.memory_space<vmem_shared>>) offsets(%dma_start3A_111 : memref<128xi32, #tpu.memory_space<vmem>>) semaphore(%arg29 : memref<!tpu.dma_semaphore, #tpu.memory_space<semaphore_mem>>) {add = true}
    %dma_wait3A_115 = arith.constant 2 : i32
    %dma_wait3A_116 = arith.constant 0 : i32
    %dma_wait3A_117 = tpu.memref_slice %arg8[%dma_wait3A_115, %dma_wait3A_116] : memref<80x128xi32, #tpu.memory_space<vmem>> -> memref<1x128xi32, #tpu.memory_space<vmem>>
    %dma_wait3A_118 = tpu.memref_squeeze %dma_wait3A_117 : memref<1x128xi32, #tpu.memory_space<vmem>> -> memref<128xi32, #tpu.memory_space<vmem>>
    %dma_wait3A_119 = arith.constant 0 : i32
    %dma_wait3A_120 = arith.constant 0 : i32
    %dma_wait3A_121 = tpu.memref_slice %arg17[%dma_wait3A_119, %dma_wait3A_120] : memref<10240x64xbf16, #tpu.memory_space<vmem_shared>> -> memref<10240x64xbf16, #tpu.memory_space<vmem_shared>>
    tpu.wait_indirect_dma semaphore(%arg28 : memref<!tpu.dma_semaphore, #tpu.memory_space<semaphore_mem>>) src(%arg11 : memref<128x64xbf16, #tpu.memory_space<vmem>>) dst(%dma_wait3A_121 : memref<10240x64xbf16, #tpu.memory_space<vmem_shared>>)
    %dma_start3A_122 = arith.constant 1280 : i32
    %dma_start3A_123 = tpu.memref_slice %arg7[%dma_start3A_122] : memref<10240xi32, #tpu.memory_space<vmem>> -> memref<128xi32, #tpu.memory_space<vmem>>
    %dma_start3A_124 = arith.constant 0 : i32
    %dma_start3A_125 = arith.constant 0 : i32
    %dma_start3A_126 = tpu.memref_slice %arg2[%dma_start3A_124, %dma_start3A_125] : memref<10240x64xbf16, #tpu.memory_space<hbm>> -> memref<10240x64xbf16, #tpu.memory_space<hbm>>
    tpu.enqueue_indirect_dma source(%dma_start3A_126 : memref<10240x64xbf16, #tpu.memory_space<hbm>>) target(%arg11 : memref<128x64xbf16, #tpu.memory_space<vmem>>) offsets(%dma_start3A_123 : memref<128xi32, #tpu.memory_space<vmem>>) semaphore(%arg20 : memref<!tpu.dma_semaphore, #tpu.memory_space<semaphore_mem>>)
    %dma_wait3A_127 = arith.constant 512 : i32
    %dma_wait3A_128 = tpu.memref_slice %arg7[%dma_wait3A_127] : memref<10240xi32, #tpu.memory_space<vmem>> -> memref<128xi32, #tpu.memory_space<vmem>>
    %dma_wait3A_129 = arith.constant 0 : i32
    %dma_wait3A_130 = arith.constant 0 : i32
    %dma_wait3A_131 = tpu.memref_slice %arg2[%dma_wait3A_129, %dma_wait3A_130] : memref<10240x64xbf16, #tpu.memory_space<hbm>> -> memref<10240x64xbf16, #tpu.memory_space<hbm>>
    tpu.wait_indirect_dma semaphore(%arg22 : memref<!tpu.dma_semaphore, #tpu.memory_space<semaphore_mem>>) src(%dma_wait3A_131 : memref<10240x64xbf16, #tpu.memory_space<hbm>>) dst(%arg13 : memref<128x64xbf16, #tpu.memory_space<vmem>>)
    %dma_start3A_132 = arith.constant 4 : i32
    %dma_start3A_133 = arith.constant 0 : i32
    %dma_start3A_134 = tpu.memref_slice %arg8[%dma_start3A_132, %dma_start3A_133] : memref<80x128xi32, #tpu.memory_space<vmem>> -> memref<1x128xi32, #tpu.memory_space<vmem>>
    %dma_start3A_135 = tpu.memref_squeeze %dma_start3A_134 : memref<1x128xi32, #tpu.memory_space<vmem>> -> memref<128xi32, #tpu.memory_space<vmem>>
    %dma_start3A_136 = arith.constant 0 : i32
    %dma_start3A_137 = arith.constant 0 : i32
    %dma_start3A_138 = tpu.memref_slice %arg17[%dma_start3A_136, %dma_start3A_137] : memref<10240x64xbf16, #tpu.memory_space<vmem_shared>> -> memref<10240x64xbf16, #tpu.memory_space<vmem_shared>>
    tpu.enqueue_indirect_dma source(%arg13 : memref<128x64xbf16, #tpu.memory_space<vmem>>) target(%dma_start3A_138 : memref<10240x64xbf16, #tpu.memory_space<vmem_shared>>) offsets(%dma_start3A_135 : memref<128xi32, #tpu.memory_space<vmem>>) semaphore(%arg30 : memref<!tpu.dma_semaphore, #tpu.memory_space<semaphore_mem>>) {add = true}
    %dma_wait3A_139 = arith.constant 3 : i32
    %dma_wait3A_140 = arith.constant 0 : i32
    %dma_wait3A_141 = tpu.memref_slice %arg8[%dma_wait3A_139, %dma_wait3A_140] : memref<80x128xi32, #tpu.memory_space<vmem>> -> memref<1x128xi32, #tpu.memory_space<vmem>>
    %dma_wait3A_142 = tpu.memref_squeeze %dma_wait3A_141 : memref<1x128xi32, #tpu.memory_space<vmem>> -> memref<128xi32, #tpu.memory_space<vmem>>
    %dma_wait3A_143 = arith.constant 0 : i32
    %dma_wait3A_144 = arith.constant 0 : i32
    %dma_wait3A_145 = tpu.memref_slice %arg17[%dma_wait3A_143, %dma_wait3A_144] : memref<10240x64xbf16, #tpu.memory_space<vmem_shared>> -> memref<10240x64xbf16, #tpu.memory_space<vmem_shared>>
    tpu.wait_indirect_dma semaphore(%arg29 : memref<!tpu.dma_semaphore, #tpu.memory_space<semaphore_mem>>) src(%arg12 : memref<128x64xbf16, #tpu.memory_space<vmem>>) dst(%dma_wait3A_145 : memref<10240x64xbf16, #tpu.memory_space<vmem_shared>>)
    %dma_start3A_146 = arith.constant 1408 : i32
    %dma_start3A_147 = tpu.memref_slice %arg7[%dma_start3A_146] : memref<10240xi32, #tpu.memory_space<vmem>> -> memref<128xi32, #tpu.memory_space<vmem>>
    %dma_start3A_148 = arith.constant 0 : i32
    %dma_start3A_149 = arith.constant 0 : i32
    %dma_start3A_150 = tpu.memref_slice %arg2[%dma_start3A_148, %dma_start3A_149] : memref<10240x64xbf16, #tpu.memory_space<hbm>> -> memref<10240x64xbf16, #tpu.memory_space<hbm>>
    tpu.enqueue_indirect_dma source(%dma_start3A_150 : memref<10240x64xbf16, #tpu.memory_space<hbm>>) target(%arg12 : memref<128x64xbf16, #tpu.memory_space<vmem>>) offsets(%dma_start3A_147 : memref<128xi32, #tpu.memory_space<vmem>>) semaphore(%arg21 : memref<!tpu.dma_semaphore, #tpu.memory_space<semaphore_mem>>)
    %dma_wait3A_151 = arith.constant 640 : i32
    %dma_wait3A_152 = tpu.memref_slice %arg7[%dma_wait3A_151] : memref<10240xi32, #tpu.memory_space<vmem>> -> memref<128xi32, #tpu.memory_space<vmem>>
    %dma_wait3A_153 = arith.constant 0 : i32
    %dma_wait3A_154 = arith.constant 0 : i32
    %dma_wait3A_155 = tpu.memref_slice %arg2[%dma_wait3A_153, %dma_wait3A_154] : memref<10240x64xbf16, #tpu.memory_space<hbm>> -> memref<10240x64xbf16, #tpu.memory_space<hbm>>
    tpu.wait_indirect_dma semaphore(%arg23 : memref<!tpu.dma_semaphore, #tpu.memory_space<semaphore_mem>>) src(%dma_wait3A_155 : memref<10240x64xbf16, #tpu.memory_space<hbm>>) dst(%arg14 : memref<128x64xbf16, #tpu.memory_space<vmem>>)
    %dma_start3A_156 = arith.constant 5 : i32
    %dma_start3A_157 = arith.constant 0 : i32
    %dma_start3A_158 = tpu.memref_slice %arg8[%dma_start3A_156, %dma_start3A_157] : memref<80x128xi32, #tpu.memory_space<vmem>> -> memref<1x128xi32, #tpu.memory_space<vmem>>
    %dma_start3A_159 = tpu.memref_squeeze %dma_start3A_158 : memref<1x128xi32, #tpu.memory_space<vmem>> -> memref<128xi32, #tpu.memory_space<vmem>>
    %dma_start3A_160 = arith.constant 0 : i32
    %dma_start3A_161 = arith.constant 0 : i32
    %dma_start3A_162 = tpu.memref_slice %arg17[%dma_start3A_160, %dma_start3A_161] : memref<10240x64xbf16, #tpu.memory_space<vmem_shared>> -> memref<10240x64xbf16, #tpu.memory_space<vmem_shared>>
    tpu.enqueue_indirect_dma source(%arg14 : memref<128x64xbf16, #tpu.memory_space<vmem>>) target(%dma_start3A_162 : memref<10240x64xbf16, #tpu.memory_space<vmem_shared>>) offsets(%dma_start3A_159 : memref<128xi32, #tpu.memory_space<vmem>>) semaphore(%arg31 : memref<!tpu.dma_semaphore, #tpu.memory_space<semaphore_mem>>) {add = true}
    %dma_wait3A_163 = arith.constant 4 : i32
    %dma_wait3A_164 = arith.constant 0 : i32
    %dma_wait3A_165 = tpu.memref_slice %arg8[%dma_wait3A_163, %dma_wait3A_164] : memref<80x128xi32, #tpu.memory_space<vmem>> -> memref<1x128xi32, #tpu.memory_space<vmem>>
    %dma_wait3A_166 = tpu.memref_squeeze %dma_wait3A_165 : memref<1x128xi32, #tpu.memory_space<vmem>> -> memref<128xi32, #tpu.memory_space<vmem>>
    %dma_wait3A_167 = arith.constant 0 : i32
    %dma_wait3A_168 = arith.constant 0 : i32
    %dma_wait3A_169 = tpu.memref_slice %arg17[%dma_wait3A_167, %dma_wait3A_168] : memref<10240x64xbf16, #tpu.memory_space<vmem_shared>> -> memref<10240x64xbf16, #tpu.memory_space<vmem_shared>>
    tpu.wait_indirect_dma semaphore(%arg30 : memref<!tpu.dma_semaphore, #tpu.memory_space<semaphore_mem>>) src(%arg13 : memref<128x64xbf16, #tpu.memory_space<vmem>>) dst(%dma_wait3A_169 : memref<10240x64xbf16, #tpu.memory_space<vmem_shared>>)
    %dma_start3A_170 = arith.constant 1536 : i32
    %dma_start3A_171 = tpu.memref_slice %arg7[%dma_start3A_170] : memref<10240xi32, #tpu.memory_space<vmem>> -> memref<128xi32, #tpu.memory_space<vmem>>
    %dma_start3A_172 = arith.constant 0 : i32
    %dma_start3A_173 = arith.constant 0 : i32
    %dma_start3A_174 = tpu.memref_slice %arg2[%dma_start3A_172, %dma_start3A_173] : memref<10240x64xbf16, #tpu.memory_space<hbm>> -> memref<10240x64xbf16, #tpu.memory_space<hbm>>
    tpu.enqueue_indirect_dma source(%dma_start3A_174 : memref<10240x64xbf16, #tpu.memory_space<hbm>>) target(%arg13 : memref<128x64xbf16, #tpu.memory_space<vmem>>) offsets(%dma_start3A_171 : memref<128xi32, #tpu.memory_space<vmem>>) semaphore(%arg22 : memref<!tpu.dma_semaphore, #tpu.memory_space<semaphore_mem>>)
    %dma_wait3A_175 = arith.constant 768 : i32
    %dma_wait3A_176 = tpu.memref_slice %arg7[%dma_wait3A_175] : memref<10240xi32, #tpu.memory_space<vmem>> -> memref<128xi32, #tpu.memory_space<vmem>>
    %dma_wait3A_177 = arith.constant 0 : i32
    %dma_wait3A_178 = arith.constant 0 : i32
    %dma_wait3A_179 = tpu.memref_slice %arg2[%dma_wait3A_177, %dma_wait3A_178] : memref<10240x64xbf16, #tpu.memory_space<hbm>> -> memref<10240x64xbf16, #tpu.memory_space<hbm>>
    tpu.wait_indirect_dma semaphore(%arg24 : memref<!tpu.dma_semaphore, #tpu.memory_space<semaphore_mem>>) src(%dma_wait3A_179 : memref<10240x64xbf16, #tpu.memory_space<hbm>>) dst(%arg15 : memref<128x64xbf16, #tpu.memory_space<vmem>>)
    %dma_start3A_180 = arith.constant 6 : i32
    %dma_start3A_181 = arith.constant 0 : i32
    %dma_start3A_182 = tpu.memref_slice %arg8[%dma_start3A_180, %dma_start3A_181] : memref<80x128xi32, #tpu.memory_space<vmem>> -> memref<1x128xi32, #tpu.memory_space<vmem>>
    %dma_start3A_183 = tpu.memref_squeeze %dma_start3A_182 : memref<1x128xi32, #tpu.memory_space<vmem>> -> memref<128xi32, #tpu.memory_space<vmem>>
    %dma_start3A_184 = arith.constant 0 : i32
    %dma_start3A_185 = arith.constant 0 : i32
    %dma_start3A_186 = tpu.memref_slice %arg17[%dma_start3A_184, %dma_start3A_185] : memref<10240x64xbf16, #tpu.memory_space<vmem_shared>> -> memref<10240x64xbf16, #tpu.memory_space<vmem_shared>>
    tpu.enqueue_indirect_dma source(%arg15 : memref<128x64xbf16, #tpu.memory_space<vmem>>) target(%dma_start3A_186 : memref<10240x64xbf16, #tpu.memory_space<vmem_shared>>) offsets(%dma_start3A_183 : memref<128xi32, #tpu.memory_space<vmem>>) semaphore(%arg32 : memref<!tpu.dma_semaphore, #tpu.memory_space<semaphore_mem>>) {add = true}
    %dma_wait3A_187 = arith.constant 5 : i32
    %dma_wait3A_188 = arith.constant 0 : i32
    %dma_wait3A_189 = tpu.memref_slice %arg8[%dma_wait3A_187, %dma_wait3A_188] : memref<80x128xi32, #tpu.memory_space<vmem>> -> memref<1x128xi32, #tpu.memory_space<vmem>>
    %dma_wait3A_190 = tpu.memref_squeeze %dma_wait3A_189 : memref<1x128xi32, #tpu.memory_space<vmem>> -> memref<128xi32, #tpu.memory_space<vmem>>
    %dma_wait3A_191 = arith.constant 0 : i32
    %dma_wait3A_192 = arith.constant 0 : i32
    %dma_wait3A_193 = tpu.memref_slice %arg17[%dma_wait3A_191, %dma_wait3A_192] : memref<10240x64xbf16, #tpu.memory_space<vmem_shared>> -> memref<10240x64xbf16, #tpu.memory_space<vmem_shared>>
    tpu.wait_indirect_dma semaphore(%arg31 : memref<!tpu.dma_semaphore, #tpu.memory_space<semaphore_mem>>) src(%arg14 : memref<128x64xbf16, #tpu.memory_space<vmem>>) dst(%dma_wait3A_193 : memref<10240x64xbf16, #tpu.memory_space<vmem_shared>>)
    %dma_start3A_194 = arith.constant 1664 : i32
    %dma_start3A_195 = tpu.memref_slice %arg7[%dma_start3A_194] : memref<10240xi32, #tpu.memory_space<vmem>> -> memref<128xi32, #tpu.memory_space<vmem>>
    %dma_start3A_196 = arith.constant 0 : i32
    %dma_start3A_197 = arith.constant 0 : i32
    %dma_start3A_198 = tpu.memref_slice %arg2[%dma_start3A_196, %dma_start3A_197] : memref<10240x64xbf16, #tpu.memory_space<hbm>> -> memref<10240x64xbf16, #tpu.memory_space<hbm>>
    tpu.enqueue_indirect_dma source(%dma_start3A_198 : memref<10240x64xbf16, #tpu.memory_space<hbm>>) target(%arg14 : memref<128x64xbf16, #tpu.memory_space<vmem>>) offsets(%dma_start3A_195 : memref<128xi32, #tpu.memory_space<vmem>>) semaphore(%arg23 : memref<!tpu.dma_semaphore, #tpu.memory_space<semaphore_mem>>)
    %dma_wait3A_199 = arith.constant 896 : i32
    %dma_wait3A_200 = tpu.memref_slice %arg7[%dma_wait3A_199] : memref<10240xi32, #tpu.memory_space<vmem>> -> memref<128xi32, #tpu.memory_space<vmem>>
    %dma_wait3A_201 = arith.constant 0 : i32
    %dma_wait3A_202 = arith.constant 0 : i32
    %dma_wait3A_203 = tpu.memref_slice %arg2[%dma_wait3A_201, %dma_wait3A_202] : memref<10240x64xbf16, #tpu.memory_space<hbm>> -> memref<10240x64xbf16, #tpu.memory_space<hbm>>
    tpu.wait_indirect_dma semaphore(%arg25 : memref<!tpu.dma_semaphore, #tpu.memory_space<semaphore_mem>>) src(%dma_wait3A_203 : memref<10240x64xbf16, #tpu.memory_space<hbm>>) dst(%arg16 : memref<128x64xbf16, #tpu.memory_space<vmem>>)
    %dma_start3A_204 = arith.constant 7 : i32
    %dma_start3A_205 = arith.constant 0 : i32
    %dma_start3A_206 = tpu.memref_slice %arg8[%dma_start3A_204, %dma_start3A_205] : memref<80x128xi32, #tpu.memory_space<vmem>> -> memref<1x128xi32, #tpu.memory_space<vmem>>
    %dma_start3A_207 = tpu.memref_squeeze %dma_start3A_206 : memref<1x128xi32, #tpu.memory_space<vmem>> -> memref<128xi32, #tpu.memory_space<vmem>>
    %dma_start3A_208 = arith.constant 0 : i32
    %dma_start3A_209 = arith.constant 0 : i32
    %dma_start3A_210 = tpu.memref_slice %arg17[%dma_start3A_208, %dma_start3A_209] : memref<10240x64xbf16, #tpu.memory_space<vmem_shared>> -> memref<10240x64xbf16, #tpu.memory_space<vmem_shared>>
    tpu.enqueue_indirect_dma source(%arg16 : memref<128x64xbf16, #tpu.memory_space<vmem>>) target(%dma_start3A_210 : memref<10240x64xbf16, #tpu.memory_space<vmem_shared>>) offsets(%dma_start3A_207 : memref<128xi32, #tpu.memory_space<vmem>>) semaphore(%arg33 : memref<!tpu.dma_semaphore, #tpu.memory_space<semaphore_mem>>) {add = true}
    %dma_wait3A_211 = arith.constant 6 : i32
    %dma_wait3A_212 = arith.constant 0 : i32
    %dma_wait3A_213 = tpu.memref_slice %arg8[%dma_wait3A_211, %dma_wait3A_212] : memref<80x128xi32, #tpu.memory_space<vmem>> -> memref<1x128xi32, #tpu.memory_space<vmem>>
    %dma_wait3A_214 = tpu.memref_squeeze %dma_wait3A_213 : memref<1x128xi32, #tpu.memory_space<vmem>> -> memref<128xi32, #tpu.memory_space<vmem>>
    %dma_wait3A_215 = arith.constant 0 : i32
    %dma_wait3A_216 = arith.constant 0 : i32
    %dma_wait3A_217 = tpu.memref_slice %arg17[%dma_wait3A_215, %dma_wait3A_216] : memref<10240x64xbf16, #tpu.memory_space<vmem_shared>> -> memref<10240x64xbf16, #tpu.memory_space<vmem_shared>>
    tpu.wait_indirect_dma semaphore(%arg32 : memref<!tpu.dma_semaphore, #tpu.memory_space<semaphore_mem>>) src(%arg15 : memref<128x64xbf16, #tpu.memory_space<vmem>>) dst(%dma_wait3A_217 : memref<10240x64xbf16, #tpu.memory_space<vmem_shared>>)
    %dma_start3A_218 = arith.constant 1792 : i32
    %dma_start3A_219 = tpu.memref_slice %arg7[%dma_start3A_218] : memref<10240xi32, #tpu.memory_space<vmem>> -> memref<128xi32, #tpu.memory_space<vmem>>
    %dma_start3A_220 = arith.constant 0 : i32
    %dma_start3A_221 = arith.constant 0 : i32
    %dma_start3A_222 = tpu.memref_slice %arg2[%dma_start3A_220, %dma_start3A_221] : memref<10240x64xbf16, #tpu.memory_space<hbm>> -> memref<10240x64xbf16, #tpu.memory_space<hbm>>
    tpu.enqueue_indirect_dma source(%dma_start3A_222 : memref<10240x64xbf16, #tpu.memory_space<hbm>>) target(%arg15 : memref<128x64xbf16, #tpu.memory_space<vmem>>) offsets(%dma_start3A_219 : memref<128xi32, #tpu.memory_space<vmem>>) semaphore(%arg24 : memref<!tpu.dma_semaphore, #tpu.memory_space<semaphore_mem>>)
    %scan3A = arith.constant 0 : i32
    %scan3A_223 = arith.constant 1 : i32
    %scan3A_224 = arith.constant 8 : i32
    %scan3A_225 = arith.addi %scan3A_223, %scan3A_224 : i32
    %scan3A_226 = arith.constant 1 : i32
    %scan3A_227 = scf.for %scan3A_398 = %scan3A_223 to %scan3A_225 step %scan3A_226 iter_args(%scan3A_399 = %scan3A) -> (i32)  : i32 {
      %mul3A_400 = arith.constant 8 : i32
      %mul3A_401 = arith.muli %scan3A_398, %mul3A_400 : i32
      %add3A_402 = arith.constant 0 : i32
      %add3A_403 = arith.addi %mul3A_401, %add3A_402 : i32
      %mul3A_404 = arith.constant 128 : i32
      %mul3A_405 = arith.muli %add3A_403, %mul3A_404 : i32
      %dma_wait3A_406 = tpu.memref_slice %arg7[%mul3A_405] : memref<10240xi32, #tpu.memory_space<vmem>> -> memref<128xi32, #tpu.memory_space<vmem>>
      %dma_wait3A_407 = arith.constant 0 : i32
      %dma_wait3A_408 = arith.constant 0 : i32
      %dma_wait3A_409 = tpu.memref_slice %arg2[%dma_wait3A_407, %dma_wait3A_408] : memref<10240x64xbf16, #tpu.memory_space<hbm>> -> memref<10240x64xbf16, #tpu.memory_space<hbm>>
      tpu.wait_indirect_dma semaphore(%arg18 : memref<!tpu.dma_semaphore, #tpu.memory_space<semaphore_mem>>) src(%dma_wait3A_409 : memref<10240x64xbf16, #tpu.memory_space<hbm>>) dst(%arg9 : memref<128x64xbf16, #tpu.memory_space<vmem>>)
      %dma_start3A_410 = arith.constant 0 : i32
      %dma_start3A_411 = tpu.memref_slice %arg8[%add3A_403, %dma_start3A_410] : memref<80x128xi32, #tpu.memory_space<vmem>> -> memref<1x128xi32, #tpu.memory_space<vmem>>
      %dma_start3A_412 = tpu.memref_squeeze %dma_start3A_411 : memref<1x128xi32, #tpu.memory_space<vmem>> -> memref<128xi32, #tpu.memory_space<vmem>>
      %dma_start3A_413 = arith.constant 0 : i32
      %dma_start3A_414 = arith.constant 0 : i32
      %dma_start3A_415 = tpu.memref_slice %arg17[%dma_start3A_413, %dma_start3A_414] : memref<10240x64xbf16, #tpu.memory_space<vmem_shared>> -> memref<10240x64xbf16, #tpu.memory_space<vmem_shared>>
      tpu.enqueue_indirect_dma source(%arg9 : memref<128x64xbf16, #tpu.memory_space<vmem>>) target(%dma_start3A_415 : memref<10240x64xbf16, #tpu.memory_space<vmem_shared>>) offsets(%dma_start3A_412 : memref<128xi32, #tpu.memory_space<vmem>>) semaphore(%arg26 : memref<!tpu.dma_semaphore, #tpu.memory_space<semaphore_mem>>) {add = true}
      %add3A_416 = arith.constant 7 : i32
      %add3A_417 = arith.addi %add3A_403, %add3A_416 : i32
      %sub3A = arith.constant 8 : i32
      %sub3A_418 = arith.subi %add3A_417, %sub3A : i32
      %dma_wait3A_419 = arith.constant 0 : i32
      %dma_wait3A_420 = tpu.memref_slice %arg8[%sub3A_418, %dma_wait3A_419] : memref<80x128xi32, #tpu.memory_space<vmem>> -> memref<1x128xi32, #tpu.memory_space<vmem>>
      %dma_wait3A_421 = tpu.memref_squeeze %dma_wait3A_420 : memref<1x128xi32, #tpu.memory_space<vmem>> -> memref<128xi32, #tpu.memory_space<vmem>>
      %dma_wait3A_422 = arith.constant 0 : i32
      %dma_wait3A_423 = arith.constant 0 : i32
      %dma_wait3A_424 = tpu.memref_slice %arg17[%dma_wait3A_422, %dma_wait3A_423] : memref<10240x64xbf16, #tpu.memory_space<vmem_shared>> -> memref<10240x64xbf16, #tpu.memory_space<vmem_shared>>
      tpu.wait_indirect_dma semaphore(%arg33 : memref<!tpu.dma_semaphore, #tpu.memory_space<semaphore_mem>>) src(%arg16 : memref<128x64xbf16, #tpu.memory_space<vmem>>) dst(%dma_wait3A_424 : memref<10240x64xbf16, #tpu.memory_space<vmem_shared>>)
      %add3A_425 = arith.constant 7 : i32
      %add3A_426 = arith.addi %add3A_403, %add3A_425 : i32
      %mul3A_427 = arith.constant 128 : i32
      %mul3A_428 = arith.muli %add3A_426, %mul3A_427 : i32
      %dma_start3A_429 = tpu.memref_slice %arg7[%mul3A_428] : memref<10240xi32, #tpu.memory_space<vmem>> -> memref<128xi32, #tpu.memory_space<vmem>>
      %dma_start3A_430 = arith.constant 0 : i32
      %dma_start3A_431 = arith.constant 0 : i32
      %dma_start3A_432 = tpu.memref_slice %arg2[%dma_start3A_430, %dma_start3A_431] : memref<10240x64xbf16, #tpu.memory_space<hbm>> -> memref<10240x64xbf16, #tpu.memory_space<hbm>>
      tpu.enqueue_indirect_dma source(%dma_start3A_432 : memref<10240x64xbf16, #tpu.memory_space<hbm>>) target(%arg16 : memref<128x64xbf16, #tpu.memory_space<vmem>>) offsets(%dma_start3A_429 : memref<128xi32, #tpu.memory_space<vmem>>) semaphore(%arg25 : memref<!tpu.dma_semaphore, #tpu.memory_space<semaphore_mem>>)
      %mul3A_433 = arith.constant 8 : i32
      %mul3A_434 = arith.muli %scan3A_398, %mul3A_433 : i32
      %add3A_435 = arith.constant 1 : i32
      %add3A_436 = arith.addi %mul3A_434, %add3A_435 : i32
      %mul3A_437 = arith.constant 128 : i32
      %mul3A_438 = arith.muli %add3A_436, %mul3A_437 : i32
      %dma_wait3A_439 = tpu.memref_slice %arg7[%mul3A_438] : memref<10240xi32, #tpu.memory_space<vmem>> -> memref<128xi32, #tpu.memory_space<vmem>>
      %dma_wait3A_440 = arith.constant 0 : i32
      %dma_wait3A_441 = arith.constant 0 : i32
      %dma_wait3A_442 = tpu.memref_slice %arg2[%dma_wait3A_440, %dma_wait3A_441] : memref<10240x64xbf16, #tpu.memory_space<hbm>> -> memref<10240x64xbf16, #tpu.memory_space<hbm>>
      tpu.wait_indirect_dma semaphore(%arg19 : memref<!tpu.dma_semaphore, #tpu.memory_space<semaphore_mem>>) src(%dma_wait3A_442 : memref<10240x64xbf16, #tpu.memory_space<hbm>>) dst(%arg10 : memref<128x64xbf16, #tpu.memory_space<vmem>>)
      %dma_start3A_443 = arith.constant 0 : i32
      %dma_start3A_444 = tpu.memref_slice %arg8[%add3A_436, %dma_start3A_443] : memref<80x128xi32, #tpu.memory_space<vmem>> -> memref<1x128xi32, #tpu.memory_space<vmem>>
      %dma_start3A_445 = tpu.memref_squeeze %dma_start3A_444 : memref<1x128xi32, #tpu.memory_space<vmem>> -> memref<128xi32, #tpu.memory_space<vmem>>
      %dma_start3A_446 = arith.constant 0 : i32
      %dma_start3A_447 = arith.constant 0 : i32
      %dma_start3A_448 = tpu.memref_slice %arg17[%dma_start3A_446, %dma_start3A_447] : memref<10240x64xbf16, #tpu.memory_space<vmem_shared>> -> memref<10240x64xbf16, #tpu.memory_space<vmem_shared>>
      tpu.enqueue_indirect_dma source(%arg10 : memref<128x64xbf16, #tpu.memory_space<vmem>>) target(%dma_start3A_448 : memref<10240x64xbf16, #tpu.memory_space<vmem_shared>>) offsets(%dma_start3A_445 : memref<128xi32, #tpu.memory_space<vmem>>) semaphore(%arg27 : memref<!tpu.dma_semaphore, #tpu.memory_space<semaphore_mem>>) {add = true}
      %add3A_449 = arith.constant 7 : i32
      %add3A_450 = arith.addi %add3A_436, %add3A_449 : i32
      %sub3A_451 = arith.constant 8 : i32
      %sub3A_452 = arith.subi %add3A_450, %sub3A_451 : i32
      %dma_wait3A_453 = arith.constant 0 : i32
      %dma_wait3A_454 = tpu.memref_slice %arg8[%sub3A_452, %dma_wait3A_453] : memref<80x128xi32, #tpu.memory_space<vmem>> -> memref<1x128xi32, #tpu.memory_space<vmem>>
      %dma_wait3A_455 = tpu.memref_squeeze %dma_wait3A_454 : memref<1x128xi32, #tpu.memory_space<vmem>> -> memref<128xi32, #tpu.memory_space<vmem>>
      %dma_wait3A_456 = arith.constant 0 : i32
      %dma_wait3A_457 = arith.constant 0 : i32
      %dma_wait3A_458 = tpu.memref_slice %arg17[%dma_wait3A_456, %dma_wait3A_457] : memref<10240x64xbf16, #tpu.memory_space<vmem_shared>> -> memref<10240x64xbf16, #tpu.memory_space<vmem_shared>>
      tpu.wait_indirect_dma semaphore(%arg26 : memref<!tpu.dma_semaphore, #tpu.memory_space<semaphore_mem>>) src(%arg9 : memref<128x64xbf16, #tpu.memory_space<vmem>>) dst(%dma_wait3A_458 : memref<10240x64xbf16, #tpu.memory_space<vmem_shared>>)
      %add3A_459 = arith.constant 7 : i32
      %add3A_460 = arith.addi %add3A_436, %add3A_459 : i32
      %mul3A_461 = arith.constant 128 : i32
      %mul3A_462 = arith.muli %add3A_460, %mul3A_461 : i32
      %dma_start3A_463 = tpu.memref_slice %arg7[%mul3A_462] : memref<10240xi32, #tpu.memory_space<vmem>> -> memref<128xi32, #tpu.memory_space<vmem>>
      %dma_start3A_464 = arith.constant 0 : i32
      %dma_start3A_465 = arith.constant 0 : i32
      %dma_start3A_466 = tpu.memref_slice %arg2[%dma_start3A_464, %dma_start3A_465] : memref<10240x64xbf16, #tpu.memory_space<hbm>> -> memref<10240x64xbf16, #tpu.memory_space<hbm>>
      tpu.enqueue_indirect_dma source(%dma_start3A_466 : memref<10240x64xbf16, #tpu.memory_space<hbm>>) target(%arg9 : memref<128x64xbf16, #tpu.memory_space<vmem>>) offsets(%dma_start3A_463 : memref<128xi32, #tpu.memory_space<vmem>>) semaphore(%arg18 : memref<!tpu.dma_semaphore, #tpu.memory_space<semaphore_mem>>)
      %mul3A_467 = arith.constant 8 : i32
      %mul3A_468 = arith.muli %scan3A_398, %mul3A_467 : i32
      %add3A_469 = arith.constant 2 : i32
      %add3A_470 = arith.addi %mul3A_468, %add3A_469 : i32
      %mul3A_471 = arith.constant 128 : i32
      %mul3A_472 = arith.muli %add3A_470, %mul3A_471 : i32
      %dma_wait3A_473 = tpu.memref_slice %arg7[%mul3A_472] : memref<10240xi32, #tpu.memory_space<vmem>> -> memref<128xi32, #tpu.memory_space<vmem>>
      %dma_wait3A_474 = arith.constant 0 : i32
      %dma_wait3A_475 = arith.constant 0 : i32
      %dma_wait3A_476 = tpu.memref_slice %arg2[%dma_wait3A_474, %dma_wait3A_475] : memref<10240x64xbf16, #tpu.memory_space<hbm>> -> memref<10240x64xbf16, #tpu.memory_space<hbm>>
      tpu.wait_indirect_dma semaphore(%arg20 : memref<!tpu.dma_semaphore, #tpu.memory_space<semaphore_mem>>) src(%dma_wait3A_476 : memref<10240x64xbf16, #tpu.memory_space<hbm>>) dst(%arg11 : memref<128x64xbf16, #tpu.memory_space<vmem>>)
      %dma_start3A_477 = arith.constant 0 : i32
      %dma_start3A_478 = tpu.memref_slice %arg8[%add3A_470, %dma_start3A_477] : memref<80x128xi32, #tpu.memory_space<vmem>> -> memref<1x128xi32, #tpu.memory_space<vmem>>
      %dma_start3A_479 = tpu.memref_squeeze %dma_start3A_478 : memref<1x128xi32, #tpu.memory_space<vmem>> -> memref<128xi32, #tpu.memory_space<vmem>>
      %dma_start3A_480 = arith.constant 0 : i32
      %dma_start3A_481 = arith.constant 0 : i32
      %dma_start3A_482 = tpu.memref_slice %arg17[%dma_start3A_480, %dma_start3A_481] : memref<10240x64xbf16, #tpu.memory_space<vmem_shared>> -> memref<10240x64xbf16, #tpu.memory_space<vmem_shared>>
      tpu.enqueue_indirect_dma source(%arg11 : memref<128x64xbf16, #tpu.memory_space<vmem>>) target(%dma_start3A_482 : memref<10240x64xbf16, #tpu.memory_space<vmem_shared>>) offsets(%dma_start3A_479 : memref<128xi32, #tpu.memory_space<vmem>>) semaphore(%arg28 : memref<!tpu.dma_semaphore, #tpu.memory_space<semaphore_mem>>) {add = true}
      %add3A_483 = arith.constant 7 : i32
      %add3A_484 = arith.addi %add3A_470, %add3A_483 : i32
      %sub3A_485 = arith.constant 8 : i32
      %sub3A_486 = arith.subi %add3A_484, %sub3A_485 : i32
      %dma_wait3A_487 = arith.constant 0 : i32
      %dma_wait3A_488 = tpu.memref_slice %arg8[%sub3A_486, %dma_wait3A_487] : memref<80x128xi32, #tpu.memory_space<vmem>> -> memref<1x128xi32, #tpu.memory_space<vmem>>
      %dma_wait3A_489 = tpu.memref_squeeze %dma_wait3A_488 : memref<1x128xi32, #tpu.memory_space<vmem>> -> memref<128xi32, #tpu.memory_space<vmem>>
      %dma_wait3A_490 = arith.constant 0 : i32
      %dma_wait3A_491 = arith.constant 0 : i32
      %dma_wait3A_492 = tpu.memref_slice %arg17[%dma_wait3A_490, %dma_wait3A_491] : memref<10240x64xbf16, #tpu.memory_space<vmem_shared>> -> memref<10240x64xbf16, #tpu.memory_space<vmem_shared>>
      tpu.wait_indirect_dma semaphore(%arg27 : memref<!tpu.dma_semaphore, #tpu.memory_space<semaphore_mem>>) src(%arg10 : memref<128x64xbf16, #tpu.memory_space<vmem>>) dst(%dma_wait3A_492 : memref<10240x64xbf16, #tpu.memory_space<vmem_shared>>)
      %add3A_493 = arith.constant 7 : i32
      %add3A_494 = arith.addi %add3A_470, %add3A_493 : i32
      %mul3A_495 = arith.constant 128 : i32
      %mul3A_496 = arith.muli %add3A_494, %mul3A_495 : i32
      %dma_start3A_497 = tpu.memref_slice %arg7[%mul3A_496] : memref<10240xi32, #tpu.memory_space<vmem>> -> memref<128xi32, #tpu.memory_space<vmem>>
      %dma_start3A_498 = arith.constant 0 : i32
      %dma_start3A_499 = arith.constant 0 : i32
      %dma_start3A_500 = tpu.memref_slice %arg2[%dma_start3A_498, %dma_start3A_499] : memref<10240x64xbf16, #tpu.memory_space<hbm>> -> memref<10240x64xbf16, #tpu.memory_space<hbm>>
      tpu.enqueue_indirect_dma source(%dma_start3A_500 : memref<10240x64xbf16, #tpu.memory_space<hbm>>) target(%arg10 : memref<128x64xbf16, #tpu.memory_space<vmem>>) offsets(%dma_start3A_497 : memref<128xi32, #tpu.memory_space<vmem>>) semaphore(%arg19 : memref<!tpu.dma_semaphore, #tpu.memory_space<semaphore_mem>>)
      %mul3A_501 = arith.constant 8 : i32
      %mul3A_502 = arith.muli %scan3A_398, %mul3A_501 : i32
      %add3A_503 = arith.constant 3 : i32
      %add3A_504 = arith.addi %mul3A_502, %add3A_503 : i32
      %mul3A_505 = arith.constant 128 : i32
      %mul3A_506 = arith.muli %add3A_504, %mul3A_505 : i32
      %dma_wait3A_507 = tpu.memref_slice %arg7[%mul3A_506] : memref<10240xi32, #tpu.memory_space<vmem>> -> memref<128xi32, #tpu.memory_space<vmem>>
      %dma_wait3A_508 = arith.constant 0 : i32
      %dma_wait3A_509 = arith.constant 0 : i32
      %dma_wait3A_510 = tpu.memref_slice %arg2[%dma_wait3A_508, %dma_wait3A_509] : memref<10240x64xbf16, #tpu.memory_space<hbm>> -> memref<10240x64xbf16, #tpu.memory_space<hbm>>
      tpu.wait_indirect_dma semaphore(%arg21 : memref<!tpu.dma_semaphore, #tpu.memory_space<semaphore_mem>>) src(%dma_wait3A_510 : memref<10240x64xbf16, #tpu.memory_space<hbm>>) dst(%arg12 : memref<128x64xbf16, #tpu.memory_space<vmem>>)
      %dma_start3A_511 = arith.constant 0 : i32
      %dma_start3A_512 = tpu.memref_slice %arg8[%add3A_504, %dma_start3A_511] : memref<80x128xi32, #tpu.memory_space<vmem>> -> memref<1x128xi32, #tpu.memory_space<vmem>>
      %dma_start3A_513 = tpu.memref_squeeze %dma_start3A_512 : memref<1x128xi32, #tpu.memory_space<vmem>> -> memref<128xi32, #tpu.memory_space<vmem>>
      %dma_start3A_514 = arith.constant 0 : i32
      %dma_start3A_515 = arith.constant 0 : i32
      %dma_start3A_516 = tpu.memref_slice %arg17[%dma_start3A_514, %dma_start3A_515] : memref<10240x64xbf16, #tpu.memory_space<vmem_shared>> -> memref<10240x64xbf16, #tpu.memory_space<vmem_shared>>
      tpu.enqueue_indirect_dma source(%arg12 : memref<128x64xbf16, #tpu.memory_space<vmem>>) target(%dma_start3A_516 : memref<10240x64xbf16, #tpu.memory_space<vmem_shared>>) offsets(%dma_start3A_513 : memref<128xi32, #tpu.memory_space<vmem>>) semaphore(%arg29 : memref<!tpu.dma_semaphore, #tpu.memory_space<semaphore_mem>>) {add = true}
      %add3A_517 = arith.constant 7 : i32
      %add3A_518 = arith.addi %add3A_504, %add3A_517 : i32
      %sub3A_519 = arith.constant 8 : i32
      %sub3A_520 = arith.subi %add3A_518, %sub3A_519 : i32
      %dma_wait3A_521 = arith.constant 0 : i32
      %dma_wait3A_522 = tpu.memref_slice %arg8[%sub3A_520, %dma_wait3A_521] : memref<80x128xi32, #tpu.memory_space<vmem>> -> memref<1x128xi32, #tpu.memory_space<vmem>>
      %dma_wait3A_523 = tpu.memref_squeeze %dma_wait3A_522 : memref<1x128xi32, #tpu.memory_space<vmem>> -> memref<128xi32, #tpu.memory_space<vmem>>
      %dma_wait3A_524 = arith.constant 0 : i32
      %dma_wait3A_525 = arith.constant 0 : i32
      %dma_wait3A_526 = tpu.memref_slice %arg17[%dma_wait3A_524, %dma_wait3A_525] : memref<10240x64xbf16, #tpu.memory_space<vmem_shared>> -> memref<10240x64xbf16, #tpu.memory_space<vmem_shared>>
      tpu.wait_indirect_dma semaphore(%arg28 : memref<!tpu.dma_semaphore, #tpu.memory_space<semaphore_mem>>) src(%arg11 : memref<128x64xbf16, #tpu.memory_space<vmem>>) dst(%dma_wait3A_526 : memref<10240x64xbf16, #tpu.memory_space<vmem_shared>>)
      %add3A_527 = arith.constant 7 : i32
      %add3A_528 = arith.addi %add3A_504, %add3A_527 : i32
      %mul3A_529 = arith.constant 128 : i32
      %mul3A_530 = arith.muli %add3A_528, %mul3A_529 : i32
      %dma_start3A_531 = tpu.memref_slice %arg7[%mul3A_530] : memref<10240xi32, #tpu.memory_space<vmem>> -> memref<128xi32, #tpu.memory_space<vmem>>
      %dma_start3A_532 = arith.constant 0 : i32
      %dma_start3A_533 = arith.constant 0 : i32
      %dma_start3A_534 = tpu.memref_slice %arg2[%dma_start3A_532, %dma_start3A_533] : memref<10240x64xbf16, #tpu.memory_space<hbm>> -> memref<10240x64xbf16, #tpu.memory_space<hbm>>
      tpu.enqueue_indirect_dma source(%dma_start3A_534 : memref<10240x64xbf16, #tpu.memory_space<hbm>>) target(%arg11 : memref<128x64xbf16, #tpu.memory_space<vmem>>) offsets(%dma_start3A_531 : memref<128xi32, #tpu.memory_space<vmem>>) semaphore(%arg20 : memref<!tpu.dma_semaphore, #tpu.memory_space<semaphore_mem>>)
      %mul3A_535 = arith.constant 8 : i32
      %mul3A_536 = arith.muli %scan3A_398, %mul3A_535 : i32
      %add3A_537 = arith.constant 4 : i32
      %add3A_538 = arith.addi %mul3A_536, %add3A_537 : i32
      %mul3A_539 = arith.constant 128 : i32
      %mul3A_540 = arith.muli %add3A_538, %mul3A_539 : i32
      %dma_wait3A_541 = tpu.memref_slice %arg7[%mul3A_540] : memref<10240xi32, #tpu.memory_space<vmem>> -> memref<128xi32, #tpu.memory_space<vmem>>
      %dma_wait3A_542 = arith.constant 0 : i32
      %dma_wait3A_543 = arith.constant 0 : i32
      %dma_wait3A_544 = tpu.memref_slice %arg2[%dma_wait3A_542, %dma_wait3A_543] : memref<10240x64xbf16, #tpu.memory_space<hbm>> -> memref<10240x64xbf16, #tpu.memory_space<hbm>>
      tpu.wait_indirect_dma semaphore(%arg22 : memref<!tpu.dma_semaphore, #tpu.memory_space<semaphore_mem>>) src(%dma_wait3A_544 : memref<10240x64xbf16, #tpu.memory_space<hbm>>) dst(%arg13 : memref<128x64xbf16, #tpu.memory_space<vmem>>)
      %dma_start3A_545 = arith.constant 0 : i32
      %dma_start3A_546 = tpu.memref_slice %arg8[%add3A_538, %dma_start3A_545] : memref<80x128xi32, #tpu.memory_space<vmem>> -> memref<1x128xi32, #tpu.memory_space<vmem>>
      %dma_start3A_547 = tpu.memref_squeeze %dma_start3A_546 : memref<1x128xi32, #tpu.memory_space<vmem>> -> memref<128xi32, #tpu.memory_space<vmem>>
      %dma_start3A_548 = arith.constant 0 : i32
      %dma_start3A_549 = arith.constant 0 : i32
      %dma_start3A_550 = tpu.memref_slice %arg17[%dma_start3A_548, %dma_start3A_549] : memref<10240x64xbf16, #tpu.memory_space<vmem_shared>> -> memref<10240x64xbf16, #tpu.memory_space<vmem_shared>>
      tpu.enqueue_indirect_dma source(%arg13 : memref<128x64xbf16, #tpu.memory_space<vmem>>) target(%dma_start3A_550 : memref<10240x64xbf16, #tpu.memory_space<vmem_shared>>) offsets(%dma_start3A_547 : memref<128xi32, #tpu.memory_space<vmem>>) semaphore(%arg30 : memref<!tpu.dma_semaphore, #tpu.memory_space<semaphore_mem>>) {add = true}
      %add3A_551 = arith.constant 7 : i32
      %add3A_552 = arith.addi %add3A_538, %add3A_551 : i32
      %sub3A_553 = arith.constant 8 : i32
      %sub3A_554 = arith.subi %add3A_552, %sub3A_553 : i32
      %dma_wait3A_555 = arith.constant 0 : i32
      %dma_wait3A_556 = tpu.memref_slice %arg8[%sub3A_554, %dma_wait3A_555] : memref<80x128xi32, #tpu.memory_space<vmem>> -> memref<1x128xi32, #tpu.memory_space<vmem>>
      %dma_wait3A_557 = tpu.memref_squeeze %dma_wait3A_556 : memref<1x128xi32, #tpu.memory_space<vmem>> -> memref<128xi32, #tpu.memory_space<vmem>>
      %dma_wait3A_558 = arith.constant 0 : i32
      %dma_wait3A_559 = arith.constant 0 : i32
      %dma_wait3A_560 = tpu.memref_slice %arg17[%dma_wait3A_558, %dma_wait3A_559] : memref<10240x64xbf16, #tpu.memory_space<vmem_shared>> -> memref<10240x64xbf16, #tpu.memory_space<vmem_shared>>
      tpu.wait_indirect_dma semaphore(%arg29 : memref<!tpu.dma_semaphore, #tpu.memory_space<semaphore_mem>>) src(%arg12 : memref<128x64xbf16, #tpu.memory_space<vmem>>) dst(%dma_wait3A_560 : memref<10240x64xbf16, #tpu.memory_space<vmem_shared>>)
      %add3A_561 = arith.constant 7 : i32
      %add3A_562 = arith.addi %add3A_538, %add3A_561 : i32
      %mul3A_563 = arith.constant 128 : i32
      %mul3A_564 = arith.muli %add3A_562, %mul3A_563 : i32
      %dma_start3A_565 = tpu.memref_slice %arg7[%mul3A_564] : memref<10240xi32, #tpu.memory_space<vmem>> -> memref<128xi32, #tpu.memory_space<vmem>>
      %dma_start3A_566 = arith.constant 0 : i32
      %dma_start3A_567 = arith.constant 0 : i32
      %dma_start3A_568 = tpu.memref_slice %arg2[%dma_start3A_566, %dma_start3A_567] : memref<10240x64xbf16, #tpu.memory_space<hbm>> -> memref<10240x64xbf16, #tpu.memory_space<hbm>>
      tpu.enqueue_indirect_dma source(%dma_start3A_568 : memref<10240x64xbf16, #tpu.memory_space<hbm>>) target(%arg12 : memref<128x64xbf16, #tpu.memory_space<vmem>>) offsets(%dma_start3A_565 : memref<128xi32, #tpu.memory_space<vmem>>) semaphore(%arg21 : memref<!tpu.dma_semaphore, #tpu.memory_space<semaphore_mem>>)
      %mul3A_569 = arith.constant 8 : i32
      %mul3A_570 = arith.muli %scan3A_398, %mul3A_569 : i32
      %add3A_571 = arith.constant 5 : i32
      %add3A_572 = arith.addi %mul3A_570, %add3A_571 : i32
      %mul3A_573 = arith.constant 128 : i32
      %mul3A_574 = arith.muli %add3A_572, %mul3A_573 : i32
      %dma_wait3A_575 = tpu.memref_slice %arg7[%mul3A_574] : memref<10240xi32, #tpu.memory_space<vmem>> -> memref<128xi32, #tpu.memory_space<vmem>>
      %dma_wait3A_576 = arith.constant 0 : i32
      %dma_wait3A_577 = arith.constant 0 : i32
      %dma_wait3A_578 = tpu.memref_slice %arg2[%dma_wait3A_576, %dma_wait3A_577] : memref<10240x64xbf16, #tpu.memory_space<hbm>> -> memref<10240x64xbf16, #tpu.memory_space<hbm>>
      tpu.wait_indirect_dma semaphore(%arg23 : memref<!tpu.dma_semaphore, #tpu.memory_space<semaphore_mem>>) src(%dma_wait3A_578 : memref<10240x64xbf16, #tpu.memory_space<hbm>>) dst(%arg14 : memref<128x64xbf16, #tpu.memory_space<vmem>>)
      %dma_start3A_579 = arith.constant 0 : i32
      %dma_start3A_580 = tpu.memref_slice %arg8[%add3A_572, %dma_start3A_579] : memref<80x128xi32, #tpu.memory_space<vmem>> -> memref<1x128xi32, #tpu.memory_space<vmem>>
      %dma_start3A_581 = tpu.memref_squeeze %dma_start3A_580 : memref<1x128xi32, #tpu.memory_space<vmem>> -> memref<128xi32, #tpu.memory_space<vmem>>
      %dma_start3A_582 = arith.constant 0 : i32
      %dma_start3A_583 = arith.constant 0 : i32
      %dma_start3A_584 = tpu.memref_slice %arg17[%dma_start3A_582, %dma_start3A_583] : memref<10240x64xbf16, #tpu.memory_space<vmem_shared>> -> memref<10240x64xbf16, #tpu.memory_space<vmem_shared>>
      tpu.enqueue_indirect_dma source(%arg14 : memref<128x64xbf16, #tpu.memory_space<vmem>>) target(%dma_start3A_584 : memref<10240x64xbf16, #tpu.memory_space<vmem_shared>>) offsets(%dma_start3A_581 : memref<128xi32, #tpu.memory_space<vmem>>) semaphore(%arg31 : memref<!tpu.dma_semaphore, #tpu.memory_space<semaphore_mem>>) {add = true}
      %add3A_585 = arith.constant 7 : i32
      %add3A_586 = arith.addi %add3A_572, %add3A_585 : i32
      %sub3A_587 = arith.constant 8 : i32
      %sub3A_588 = arith.subi %add3A_586, %sub3A_587 : i32
      %dma_wait3A_589 = arith.constant 0 : i32
      %dma_wait3A_590 = tpu.memref_slice %arg8[%sub3A_588, %dma_wait3A_589] : memref<80x128xi32, #tpu.memory_space<vmem>> -> memref<1x128xi32, #tpu.memory_space<vmem>>
      %dma_wait3A_591 = tpu.memref_squeeze %dma_wait3A_590 : memref<1x128xi32, #tpu.memory_space<vmem>> -> memref<128xi32, #tpu.memory_space<vmem>>
      %dma_wait3A_592 = arith.constant 0 : i32
      %dma_wait3A_593 = arith.constant 0 : i32
      %dma_wait3A_594 = tpu.memref_slice %arg17[%dma_wait3A_592, %dma_wait3A_593] : memref<10240x64xbf16, #tpu.memory_space<vmem_shared>> -> memref<10240x64xbf16, #tpu.memory_space<vmem_shared>>
      tpu.wait_indirect_dma semaphore(%arg30 : memref<!tpu.dma_semaphore, #tpu.memory_space<semaphore_mem>>) src(%arg13 : memref<128x64xbf16, #tpu.memory_space<vmem>>) dst(%dma_wait3A_594 : memref<10240x64xbf16, #tpu.memory_space<vmem_shared>>)
      %add3A_595 = arith.constant 7 : i32
      %add3A_596 = arith.addi %add3A_572, %add3A_595 : i32
      %mul3A_597 = arith.constant 128 : i32
      %mul3A_598 = arith.muli %add3A_596, %mul3A_597 : i32
      %dma_start3A_599 = tpu.memref_slice %arg7[%mul3A_598] : memref<10240xi32, #tpu.memory_space<vmem>> -> memref<128xi32, #tpu.memory_space<vmem>>
      %dma_start3A_600 = arith.constant 0 : i32
      %dma_start3A_601 = arith.constant 0 : i32
      %dma_start3A_602 = tpu.memref_slice %arg2[%dma_start3A_600, %dma_start3A_601] : memref<10240x64xbf16, #tpu.memory_space<hbm>> -> memref<10240x64xbf16, #tpu.memory_space<hbm>>
      tpu.enqueue_indirect_dma source(%dma_start3A_602 : memref<10240x64xbf16, #tpu.memory_space<hbm>>) target(%arg13 : memref<128x64xbf16, #tpu.memory_space<vmem>>) offsets(%dma_start3A_599 : memref<128xi32, #tpu.memory_space<vmem>>) semaphore(%arg22 : memref<!tpu.dma_semaphore, #tpu.memory_space<semaphore_mem>>)
      %mul3A_603 = arith.constant 8 : i32
      %mul3A_604 = arith.muli %scan3A_398, %mul3A_603 : i32
      %add3A_605 = arith.constant 6 : i32
      %add3A_606 = arith.addi %mul3A_604, %add3A_605 : i32
      %mul3A_607 = arith.constant 128 : i32
      %mul3A_608 = arith.muli %add3A_606, %mul3A_607 : i32
      %dma_wait3A_609 = tpu.memref_slice %arg7[%mul3A_608] : memref<10240xi32, #tpu.memory_space<vmem>> -> memref<128xi32, #tpu.memory_space<vmem>>
      %dma_wait3A_610 = arith.constant 0 : i32
      %dma_wait3A_611 = arith.constant 0 : i32
      %dma_wait3A_612 = tpu.memref_slice %arg2[%dma_wait3A_610, %dma_wait3A_611] : memref<10240x64xbf16, #tpu.memory_space<hbm>> -> memref<10240x64xbf16, #tpu.memory_space<hbm>>
      tpu.wait_indirect_dma semaphore(%arg24 : memref<!tpu.dma_semaphore, #tpu.memory_space<semaphore_mem>>) src(%dma_wait3A_612 : memref<10240x64xbf16, #tpu.memory_space<hbm>>) dst(%arg15 : memref<128x64xbf16, #tpu.memory_space<vmem>>)
      %dma_start3A_613 = arith.constant 0 : i32
      %dma_start3A_614 = tpu.memref_slice %arg8[%add3A_606, %dma_start3A_613] : memref<80x128xi32, #tpu.memory_space<vmem>> -> memref<1x128xi32, #tpu.memory_space<vmem>>
      %dma_start3A_615 = tpu.memref_squeeze %dma_start3A_614 : memref<1x128xi32, #tpu.memory_space<vmem>> -> memref<128xi32, #tpu.memory_space<vmem>>
      %dma_start3A_616 = arith.constant 0 : i32
      %dma_start3A_617 = arith.constant 0 : i32
      %dma_start3A_618 = tpu.memref_slice %arg17[%dma_start3A_616, %dma_start3A_617] : memref<10240x64xbf16, #tpu.memory_space<vmem_shared>> -> memref<10240x64xbf16, #tpu.memory_space<vmem_shared>>
      tpu.enqueue_indirect_dma source(%arg15 : memref<128x64xbf16, #tpu.memory_space<vmem>>) target(%dma_start3A_618 : memref<10240x64xbf16, #tpu.memory_space<vmem_shared>>) offsets(%dma_start3A_615 : memref<128xi32, #tpu.memory_space<vmem>>) semaphore(%arg32 : memref<!tpu.dma_semaphore, #tpu.memory_space<semaphore_mem>>) {add = true}
      %add3A_619 = arith.constant 7 : i32
      %add3A_620 = arith.addi %add3A_606, %add3A_619 : i32
      %sub3A_621 = arith.constant 8 : i32
      %sub3A_622 = arith.subi %add3A_620, %sub3A_621 : i32
      %dma_wait3A_623 = arith.constant 0 : i32
      %dma_wait3A_624 = tpu.memref_slice %arg8[%sub3A_622, %dma_wait3A_623] : memref<80x128xi32, #tpu.memory_space<vmem>> -> memref<1x128xi32, #tpu.memory_space<vmem>>
      %dma_wait3A_625 = tpu.memref_squeeze %dma_wait3A_624 : memref<1x128xi32, #tpu.memory_space<vmem>> -> memref<128xi32, #tpu.memory_space<vmem>>
      %dma_wait3A_626 = arith.constant 0 : i32
      %dma_wait3A_627 = arith.constant 0 : i32
      %dma_wait3A_628 = tpu.memref_slice %arg17[%dma_wait3A_626, %dma_wait3A_627] : memref<10240x64xbf16, #tpu.memory_space<vmem_shared>> -> memref<10240x64xbf16, #tpu.memory_space<vmem_shared>>
      tpu.wait_indirect_dma semaphore(%arg31 : memref<!tpu.dma_semaphore, #tpu.memory_space<semaphore_mem>>) src(%arg14 : memref<128x64xbf16, #tpu.memory_space<vmem>>) dst(%dma_wait3A_628 : memref<10240x64xbf16, #tpu.memory_space<vmem_shared>>)
      %add3A_629 = arith.constant 7 : i32
      %add3A_630 = arith.addi %add3A_606, %add3A_629 : i32
      %mul3A_631 = arith.constant 128 : i32
      %mul3A_632 = arith.muli %add3A_630, %mul3A_631 : i32
      %dma_start3A_633 = tpu.memref_slice %arg7[%mul3A_632] : memref<10240xi32, #tpu.memory_space<vmem>> -> memref<128xi32, #tpu.memory_space<vmem>>
      %dma_start3A_634 = arith.constant 0 : i32
      %dma_start3A_635 = arith.constant 0 : i32
      %dma_start3A_636 = tpu.memref_slice %arg2[%dma_start3A_634, %dma_start3A_635] : memref<10240x64xbf16, #tpu.memory_space<hbm>> -> memref<10240x64xbf16, #tpu.memory_space<hbm>>
      tpu.enqueue_indirect_dma source(%dma_start3A_636 : memref<10240x64xbf16, #tpu.memory_space<hbm>>) target(%arg14 : memref<128x64xbf16, #tpu.memory_space<vmem>>) offsets(%dma_start3A_633 : memref<128xi32, #tpu.memory_space<vmem>>) semaphore(%arg23 : memref<!tpu.dma_semaphore, #tpu.memory_space<semaphore_mem>>)
      %mul3A_637 = arith.constant 8 : i32
      %mul3A_638 = arith.muli %scan3A_398, %mul3A_637 : i32
      %add3A_639 = arith.constant 7 : i32
      %add3A_640 = arith.addi %mul3A_638, %add3A_639 : i32
      %mul3A_641 = arith.constant 128 : i32
      %mul3A_642 = arith.muli %add3A_640, %mul3A_641 : i32
      %dma_wait3A_643 = tpu.memref_slice %arg7[%mul3A_642] : memref<10240xi32, #tpu.memory_space<vmem>> -> memref<128xi32, #tpu.memory_space<vmem>>
      %dma_wait3A_644 = arith.constant 0 : i32
      %dma_wait3A_645 = arith.constant 0 : i32
      %dma_wait3A_646 = tpu.memref_slice %arg2[%dma_wait3A_644, %dma_wait3A_645] : memref<10240x64xbf16, #tpu.memory_space<hbm>> -> memref<10240x64xbf16, #tpu.memory_space<hbm>>
      tpu.wait_indirect_dma semaphore(%arg25 : memref<!tpu.dma_semaphore, #tpu.memory_space<semaphore_mem>>) src(%dma_wait3A_646 : memref<10240x64xbf16, #tpu.memory_space<hbm>>) dst(%arg16 : memref<128x64xbf16, #tpu.memory_space<vmem>>)
      %dma_start3A_647 = arith.constant 0 : i32
      %dma_start3A_648 = tpu.memref_slice %arg8[%add3A_640, %dma_start3A_647] : memref<80x128xi32, #tpu.memory_space<vmem>> -> memref<1x128xi32, #tpu.memory_space<vmem>>
      %dma_start3A_649 = tpu.memref_squeeze %dma_start3A_648 : memref<1x128xi32, #tpu.memory_space<vmem>> -> memref<128xi32, #tpu.memory_space<vmem>>
      %dma_start3A_650 = arith.constant 0 : i32
      %dma_start3A_651 = arith.constant 0 : i32
      %dma_start3A_652 = tpu.memref_slice %arg17[%dma_start3A_650, %dma_start3A_651] : memref<10240x64xbf16, #tpu.memory_space<vmem_shared>> -> memref<10240x64xbf16, #tpu.memory_space<vmem_shared>>
      tpu.enqueue_indirect_dma source(%arg16 : memref<128x64xbf16, #tpu.memory_space<vmem>>) target(%dma_start3A_652 : memref<10240x64xbf16, #tpu.memory_space<vmem_shared>>) offsets(%dma_start3A_649 : memref<128xi32, #tpu.memory_space<vmem>>) semaphore(%arg33 : memref<!tpu.dma_semaphore, #tpu.memory_space<semaphore_mem>>) {add = true}
      %add3A_653 = arith.constant 7 : i32
      %add3A_654 = arith.addi %add3A_640, %add3A_653 : i32
      %sub3A_655 = arith.constant 8 : i32
      %sub3A_656 = arith.subi %add3A_654, %sub3A_655 : i32
      %dma_wait3A_657 = arith.constant 0 : i32
      %dma_wait3A_658 = tpu.memref_slice %arg8[%sub3A_656, %dma_wait3A_657] : memref<80x128xi32, #tpu.memory_space<vmem>> -> memref<1x128xi32, #tpu.memory_space<vmem>>
      %dma_wait3A_659 = tpu.memref_squeeze %dma_wait3A_658 : memref<1x128xi32, #tpu.memory_space<vmem>> -> memref<128xi32, #tpu.memory_space<vmem>>
      %dma_wait3A_660 = arith.constant 0 : i32
      %dma_wait3A_661 = arith.constant 0 : i32
      %dma_wait3A_662 = tpu.memref_slice %arg17[%dma_wait3A_660, %dma_wait3A_661] : memref<10240x64xbf16, #tpu.memory_space<vmem_shared>> -> memref<10240x64xbf16, #tpu.memory_space<vmem_shared>>
      tpu.wait_indirect_dma semaphore(%arg32 : memref<!tpu.dma_semaphore, #tpu.memory_space<semaphore_mem>>) src(%arg15 : memref<128x64xbf16, #tpu.memory_space<vmem>>) dst(%dma_wait3A_662 : memref<10240x64xbf16, #tpu.memory_space<vmem_shared>>)
      %add3A_663 = arith.constant 7 : i32
      %add3A_664 = arith.addi %add3A_640, %add3A_663 : i32
      %mul3A_665 = arith.constant 128 : i32
      %mul3A_666 = arith.muli %add3A_664, %mul3A_665 : i32
      %dma_start3A_667 = tpu.memref_slice %arg7[%mul3A_666] : memref<10240xi32, #tpu.memory_space<vmem>> -> memref<128xi32, #tpu.memory_space<vmem>>
      %dma_start3A_668 = arith.constant 0 : i32
      %dma_start3A_669 = arith.constant 0 : i32
      %dma_start3A_670 = tpu.memref_slice %arg2[%dma_start3A_668, %dma_start3A_669] : memref<10240x64xbf16, #tpu.memory_space<hbm>> -> memref<10240x64xbf16, #tpu.memory_space<hbm>>
      tpu.enqueue_indirect_dma source(%dma_start3A_670 : memref<10240x64xbf16, #tpu.memory_space<hbm>>) target(%arg15 : memref<128x64xbf16, #tpu.memory_space<vmem>>) offsets(%dma_start3A_667 : memref<128xi32, #tpu.memory_space<vmem>>) semaphore(%arg24 : memref<!tpu.dma_semaphore, #tpu.memory_space<semaphore_mem>>)
      %scan3A_671 = arith.constant 0 : i32
      scf.yield %scan3A_671 : i32
    }
    %scan3A_228 = arith.constant 8 : i32
    %dma_wait3A_229 = arith.constant 9216 : i32
    %dma_wait3A_230 = tpu.memref_slice %arg7[%dma_wait3A_229] : memref<10240xi32, #tpu.memory_space<vmem>> -> memref<128xi32, #tpu.memory_space<vmem>>
    %dma_wait3A_231 = arith.constant 0 : i32
    %dma_wait3A_232 = arith.constant 0 : i32
    %dma_wait3A_233 = tpu.memref_slice %arg2[%dma_wait3A_231, %dma_wait3A_232] : memref<10240x64xbf16, #tpu.memory_space<hbm>> -> memref<10240x64xbf16, #tpu.memory_space<hbm>>
    tpu.wait_indirect_dma semaphore(%arg18 : memref<!tpu.dma_semaphore, #tpu.memory_space<semaphore_mem>>) src(%dma_wait3A_233 : memref<10240x64xbf16, #tpu.memory_space<hbm>>) dst(%arg9 : memref<128x64xbf16, #tpu.memory_space<vmem>>)
    %dma_start3A_234 = arith.constant 72 : i32
    %dma_start3A_235 = arith.constant 0 : i32
    %dma_start3A_236 = tpu.memref_slice %arg8[%dma_start3A_234, %dma_start3A_235] : memref<80x128xi32, #tpu.memory_space<vmem>> -> memref<1x128xi32, #tpu.memory_space<vmem>>
    %dma_start3A_237 = tpu.memref_squeeze %dma_start3A_236 : memref<1x128xi32, #tpu.memory_space<vmem>> -> memref<128xi32, #tpu.memory_space<vmem>>
    %dma_start3A_238 = arith.constant 0 : i32
    %dma_start3A_239 = arith.constant 0 : i32
    %dma_start3A_240 = tpu.memref_slice %arg17[%dma_start3A_238, %dma_start3A_239] : memref<10240x64xbf16, #tpu.memory_space<vmem_shared>> -> memref<10240x64xbf16, #tpu.memory_space<vmem_shared>>
    tpu.enqueue_indirect_dma source(%arg9 : memref<128x64xbf16, #tpu.memory_space<vmem>>) target(%dma_start3A_240 : memref<10240x64xbf16, #tpu.memory_space<vmem_shared>>) offsets(%dma_start3A_237 : memref<128xi32, #tpu.memory_space<vmem>>) semaphore(%arg26 : memref<!tpu.dma_semaphore, #tpu.memory_space<semaphore_mem>>) {add = true}
    %dma_wait3A_241 = arith.constant 71 : i32
    %dma_wait3A_242 = arith.constant 0 : i32
    %dma_wait3A_243 = tpu.memref_slice %arg8[%dma_wait3A_241, %dma_wait3A_242] : memref<80x128xi32, #tpu.memory_space<vmem>> -> memref<1x128xi32, #tpu.memory_space<vmem>>
    %dma_wait3A_244 = tpu.memref_squeeze %dma_wait3A_243 : memref<1x128xi32, #tpu.memory_space<vmem>> -> memref<128xi32, #tpu.memory_space<vmem>>
    %dma_wait3A_245 = arith.constant 0 : i32
    %dma_wait3A_246 = arith.constant 0 : i32
    %dma_wait3A_247 = tpu.memref_slice %arg17[%dma_wait3A_245, %dma_wait3A_246] : memref<10240x64xbf16, #tpu.memory_space<vmem_shared>> -> memref<10240x64xbf16, #tpu.memory_space<vmem_shared>>
    tpu.wait_indirect_dma semaphore(%arg33 : memref<!tpu.dma_semaphore, #tpu.memory_space<semaphore_mem>>) src(%arg16 : memref<128x64xbf16, #tpu.memory_space<vmem>>) dst(%dma_wait3A_247 : memref<10240x64xbf16, #tpu.memory_space<vmem_shared>>)
    %dma_start3A_248 = arith.constant 10112 : i32
    %dma_start3A_249 = tpu.memref_slice %arg7[%dma_start3A_248] : memref<10240xi32, #tpu.memory_space<vmem>> -> memref<128xi32, #tpu.memory_space<vmem>>
    %dma_start3A_250 = arith.constant 0 : i32
    %dma_start3A_251 = arith.constant 0 : i32
    %dma_start3A_252 = tpu.memref_slice %arg2[%dma_start3A_250, %dma_start3A_251] : memref<10240x64xbf16, #tpu.memory_space<hbm>> -> memref<10240x64xbf16, #tpu.memory_space<hbm>>
    tpu.enqueue_indirect_dma source(%dma_start3A_252 : memref<10240x64xbf16, #tpu.memory_space<hbm>>) target(%arg16 : memref<128x64xbf16, #tpu.memory_space<vmem>>) offsets(%dma_start3A_249 : memref<128xi32, #tpu.memory_space<vmem>>) semaphore(%arg25 : memref<!tpu.dma_semaphore, #tpu.memory_space<semaphore_mem>>)
    %dma_wait3A_253 = arith.constant 9344 : i32
    %dma_wait3A_254 = tpu.memref_slice %arg7[%dma_wait3A_253] : memref<10240xi32, #tpu.memory_space<vmem>> -> memref<128xi32, #tpu.memory_space<vmem>>
    %dma_wait3A_255 = arith.constant 0 : i32
    %dma_wait3A_256 = arith.constant 0 : i32
    %dma_wait3A_257 = tpu.memref_slice %arg2[%dma_wait3A_255, %dma_wait3A_256] : memref<10240x64xbf16, #tpu.memory_space<hbm>> -> memref<10240x64xbf16, #tpu.memory_space<hbm>>
    tpu.wait_indirect_dma semaphore(%arg19 : memref<!tpu.dma_semaphore, #tpu.memory_space<semaphore_mem>>) src(%dma_wait3A_257 : memref<10240x64xbf16, #tpu.memory_space<hbm>>) dst(%arg10 : memref<128x64xbf16, #tpu.memory_space<vmem>>)
    %dma_start3A_258 = arith.constant 73 : i32
    %dma_start3A_259 = arith.constant 0 : i32
    %dma_start3A_260 = tpu.memref_slice %arg8[%dma_start3A_258, %dma_start3A_259] : memref<80x128xi32, #tpu.memory_space<vmem>> -> memref<1x128xi32, #tpu.memory_space<vmem>>
    %dma_start3A_261 = tpu.memref_squeeze %dma_start3A_260 : memref<1x128xi32, #tpu.memory_space<vmem>> -> memref<128xi32, #tpu.memory_space<vmem>>
    %dma_start3A_262 = arith.constant 0 : i32
    %dma_start3A_263 = arith.constant 0 : i32
    %dma_start3A_264 = tpu.memref_slice %arg17[%dma_start3A_262, %dma_start3A_263] : memref<10240x64xbf16, #tpu.memory_space<vmem_shared>> -> memref<10240x64xbf16, #tpu.memory_space<vmem_shared>>
    tpu.enqueue_indirect_dma source(%arg10 : memref<128x64xbf16, #tpu.memory_space<vmem>>) target(%dma_start3A_264 : memref<10240x64xbf16, #tpu.memory_space<vmem_shared>>) offsets(%dma_start3A_261 : memref<128xi32, #tpu.memory_space<vmem>>) semaphore(%arg27 : memref<!tpu.dma_semaphore, #tpu.memory_space<semaphore_mem>>) {add = true}
    %dma_wait3A_265 = arith.constant 9472 : i32
    %dma_wait3A_266 = tpu.memref_slice %arg7[%dma_wait3A_265] : memref<10240xi32, #tpu.memory_space<vmem>> -> memref<128xi32, #tpu.memory_space<vmem>>
    %dma_wait3A_267 = arith.constant 0 : i32
    %dma_wait3A_268 = arith.constant 0 : i32
    %dma_wait3A_269 = tpu.memref_slice %arg2[%dma_wait3A_267, %dma_wait3A_268] : memref<10240x64xbf16, #tpu.memory_space<hbm>> -> memref<10240x64xbf16, #tpu.memory_space<hbm>>
    tpu.wait_indirect_dma semaphore(%arg20 : memref<!tpu.dma_semaphore, #tpu.memory_space<semaphore_mem>>) src(%dma_wait3A_269 : memref<10240x64xbf16, #tpu.memory_space<hbm>>) dst(%arg11 : memref<128x64xbf16, #tpu.memory_space<vmem>>)
    %dma_start3A_270 = arith.constant 74 : i32
    %dma_start3A_271 = arith.constant 0 : i32
    %dma_start3A_272 = tpu.memref_slice %arg8[%dma_start3A_270, %dma_start3A_271] : memref<80x128xi32, #tpu.memory_space<vmem>> -> memref<1x128xi32, #tpu.memory_space<vmem>>
    %dma_start3A_273 = tpu.memref_squeeze %dma_start3A_272 : memref<1x128xi32, #tpu.memory_space<vmem>> -> memref<128xi32, #tpu.memory_space<vmem>>
    %dma_start3A_274 = arith.constant 0 : i32
    %dma_start3A_275 = arith.constant 0 : i32
    %dma_start3A_276 = tpu.memref_slice %arg17[%dma_start3A_274, %dma_start3A_275] : memref<10240x64xbf16, #tpu.memory_space<vmem_shared>> -> memref<10240x64xbf16, #tpu.memory_space<vmem_shared>>
    tpu.enqueue_indirect_dma source(%arg11 : memref<128x64xbf16, #tpu.memory_space<vmem>>) target(%dma_start3A_276 : memref<10240x64xbf16, #tpu.memory_space<vmem_shared>>) offsets(%dma_start3A_273 : memref<128xi32, #tpu.memory_space<vmem>>) semaphore(%arg28 : memref<!tpu.dma_semaphore, #tpu.memory_space<semaphore_mem>>) {add = true}
    %dma_wait3A_277 = arith.constant 9600 : i32
    %dma_wait3A_278 = tpu.memref_slice %arg7[%dma_wait3A_277] : memref<10240xi32, #tpu.memory_space<vmem>> -> memref<128xi32, #tpu.memory_space<vmem>>
    %dma_wait3A_279 = arith.constant 0 : i32
    %dma_wait3A_280 = arith.constant 0 : i32
    %dma_wait3A_281 = tpu.memref_slice %arg2[%dma_wait3A_279, %dma_wait3A_280] : memref<10240x64xbf16, #tpu.memory_space<hbm>> -> memref<10240x64xbf16, #tpu.memory_space<hbm>>
    tpu.wait_indirect_dma semaphore(%arg21 : memref<!tpu.dma_semaphore, #tpu.memory_space<semaphore_mem>>) src(%dma_wait3A_281 : memref<10240x64xbf16, #tpu.memory_space<hbm>>) dst(%arg12 : memref<128x64xbf16, #tpu.memory_space<vmem>>)
    %dma_start3A_282 = arith.constant 75 : i32
    %dma_start3A_283 = arith.constant 0 : i32
    %dma_start3A_284 = tpu.memref_slice %arg8[%dma_start3A_282, %dma_start3A_283] : memref<80x128xi32, #tpu.memory_space<vmem>> -> memref<1x128xi32, #tpu.memory_space<vmem>>
    %dma_start3A_285 = tpu.memref_squeeze %dma_start3A_284 : memref<1x128xi32, #tpu.memory_space<vmem>> -> memref<128xi32, #tpu.memory_space<vmem>>
    %dma_start3A_286 = arith.constant 0 : i32
    %dma_start3A_287 = arith.constant 0 : i32
    %dma_start3A_288 = tpu.memref_slice %arg17[%dma_start3A_286, %dma_start3A_287] : memref<10240x64xbf16, #tpu.memory_space<vmem_shared>> -> memref<10240x64xbf16, #tpu.memory_space<vmem_shared>>
    tpu.enqueue_indirect_dma source(%arg12 : memref<128x64xbf16, #tpu.memory_space<vmem>>) target(%dma_start3A_288 : memref<10240x64xbf16, #tpu.memory_space<vmem_shared>>) offsets(%dma_start3A_285 : memref<128xi32, #tpu.memory_space<vmem>>) semaphore(%arg29 : memref<!tpu.dma_semaphore, #tpu.memory_space<semaphore_mem>>) {add = true}
    %dma_wait3A_289 = arith.constant 9728 : i32
    %dma_wait3A_290 = tpu.memref_slice %arg7[%dma_wait3A_289] : memref<10240xi32, #tpu.memory_space<vmem>> -> memref<128xi32, #tpu.memory_space<vmem>>
    %dma_wait3A_291 = arith.constant 0 : i32
    %dma_wait3A_292 = arith.constant 0 : i32
    %dma_wait3A_293 = tpu.memref_slice %arg2[%dma_wait3A_291, %dma_wait3A_292] : memref<10240x64xbf16, #tpu.memory_space<hbm>> -> memref<10240x64xbf16, #tpu.memory_space<hbm>>
    tpu.wait_indirect_dma semaphore(%arg22 : memref<!tpu.dma_semaphore, #tpu.memory_space<semaphore_mem>>) src(%dma_wait3A_293 : memref<10240x64xbf16, #tpu.memory_space<hbm>>) dst(%arg13 : memref<128x64xbf16, #tpu.memory_space<vmem>>)
    %dma_start3A_294 = arith.constant 76 : i32
    %dma_start3A_295 = arith.constant 0 : i32
    %dma_start3A_296 = tpu.memref_slice %arg8[%dma_start3A_294, %dma_start3A_295] : memref<80x128xi32, #tpu.memory_space<vmem>> -> memref<1x128xi32, #tpu.memory_space<vmem>>
    %dma_start3A_297 = tpu.memref_squeeze %dma_start3A_296 : memref<1x128xi32, #tpu.memory_space<vmem>> -> memref<128xi32, #tpu.memory_space<vmem>>
    %dma_start3A_298 = arith.constant 0 : i32
    %dma_start3A_299 = arith.constant 0 : i32
    %dma_start3A_300 = tpu.memref_slice %arg17[%dma_start3A_298, %dma_start3A_299] : memref<10240x64xbf16, #tpu.memory_space<vmem_shared>> -> memref<10240x64xbf16, #tpu.memory_space<vmem_shared>>
    tpu.enqueue_indirect_dma source(%arg13 : memref<128x64xbf16, #tpu.memory_space<vmem>>) target(%dma_start3A_300 : memref<10240x64xbf16, #tpu.memory_space<vmem_shared>>) offsets(%dma_start3A_297 : memref<128xi32, #tpu.memory_space<vmem>>) semaphore(%arg30 : memref<!tpu.dma_semaphore, #tpu.memory_space<semaphore_mem>>) {add = true}
    %dma_wait3A_301 = arith.constant 9856 : i32
    %dma_wait3A_302 = tpu.memref_slice %arg7[%dma_wait3A_301] : memref<10240xi32, #tpu.memory_space<vmem>> -> memref<128xi32, #tpu.memory_space<vmem>>
    %dma_wait3A_303 = arith.constant 0 : i32
    %dma_wait3A_304 = arith.constant 0 : i32
    %dma_wait3A_305 = tpu.memref_slice %arg2[%dma_wait3A_303, %dma_wait3A_304] : memref<10240x64xbf16, #tpu.memory_space<hbm>> -> memref<10240x64xbf16, #tpu.memory_space<hbm>>
    tpu.wait_indirect_dma semaphore(%arg23 : memref<!tpu.dma_semaphore, #tpu.memory_space<semaphore_mem>>) src(%dma_wait3A_305 : memref<10240x64xbf16, #tpu.memory_space<hbm>>) dst(%arg14 : memref<128x64xbf16, #tpu.memory_space<vmem>>)
    %dma_start3A_306 = arith.constant 77 : i32
    %dma_start3A_307 = arith.constant 0 : i32
    %dma_start3A_308 = tpu.memref_slice %arg8[%dma_start3A_306, %dma_start3A_307] : memref<80x128xi32, #tpu.memory_space<vmem>> -> memref<1x128xi32, #tpu.memory_space<vmem>>
    %dma_start3A_309 = tpu.memref_squeeze %dma_start3A_308 : memref<1x128xi32, #tpu.memory_space<vmem>> -> memref<128xi32, #tpu.memory_space<vmem>>
    %dma_start3A_310 = arith.constant 0 : i32
    %dma_start3A_311 = arith.constant 0 : i32
    %dma_start3A_312 = tpu.memref_slice %arg17[%dma_start3A_310, %dma_start3A_311] : memref<10240x64xbf16, #tpu.memory_space<vmem_shared>> -> memref<10240x64xbf16, #tpu.memory_space<vmem_shared>>
    tpu.enqueue_indirect_dma source(%arg14 : memref<128x64xbf16, #tpu.memory_space<vmem>>) target(%dma_start3A_312 : memref<10240x64xbf16, #tpu.memory_space<vmem_shared>>) offsets(%dma_start3A_309 : memref<128xi32, #tpu.memory_space<vmem>>) semaphore(%arg31 : memref<!tpu.dma_semaphore, #tpu.memory_space<semaphore_mem>>) {add = true}
    %dma_wait3A_313 = arith.constant 9984 : i32
    %dma_wait3A_314 = tpu.memref_slice %arg7[%dma_wait3A_313] : memref<10240xi32, #tpu.memory_space<vmem>> -> memref<128xi32, #tpu.memory_space<vmem>>
    %dma_wait3A_315 = arith.constant 0 : i32
    %dma_wait3A_316 = arith.constant 0 : i32
    %dma_wait3A_317 = tpu.memref_slice %arg2[%dma_wait3A_315, %dma_wait3A_316] : memref<10240x64xbf16, #tpu.memory_space<hbm>> -> memref<10240x64xbf16, #tpu.memory_space<hbm>>
    tpu.wait_indirect_dma semaphore(%arg24 : memref<!tpu.dma_semaphore, #tpu.memory_space<semaphore_mem>>) src(%dma_wait3A_317 : memref<10240x64xbf16, #tpu.memory_space<hbm>>) dst(%arg15 : memref<128x64xbf16, #tpu.memory_space<vmem>>)
    %dma_start3A_318 = arith.constant 78 : i32
    %dma_start3A_319 = arith.constant 0 : i32
    %dma_start3A_320 = tpu.memref_slice %arg8[%dma_start3A_318, %dma_start3A_319] : memref<80x128xi32, #tpu.memory_space<vmem>> -> memref<1x128xi32, #tpu.memory_space<vmem>>
    %dma_start3A_321 = tpu.memref_squeeze %dma_start3A_320 : memref<1x128xi32, #tpu.memory_space<vmem>> -> memref<128xi32, #tpu.memory_space<vmem>>
    %dma_start3A_322 = arith.constant 0 : i32
    %dma_start3A_323 = arith.constant 0 : i32
    %dma_start3A_324 = tpu.memref_slice %arg17[%dma_start3A_322, %dma_start3A_323] : memref<10240x64xbf16, #tpu.memory_space<vmem_shared>> -> memref<10240x64xbf16, #tpu.memory_space<vmem_shared>>
    tpu.enqueue_indirect_dma source(%arg15 : memref<128x64xbf16, #tpu.memory_space<vmem>>) target(%dma_start3A_324 : memref<10240x64xbf16, #tpu.memory_space<vmem_shared>>) offsets(%dma_start3A_321 : memref<128xi32, #tpu.memory_space<vmem>>) semaphore(%arg32 : memref<!tpu.dma_semaphore, #tpu.memory_space<semaphore_mem>>) {add = true}
    %dma_wait3A_325 = arith.constant 10112 : i32
    %dma_wait3A_326 = tpu.memref_slice %arg7[%dma_wait3A_325] : memref<10240xi32, #tpu.memory_space<vmem>> -> memref<128xi32, #tpu.memory_space<vmem>>
    %dma_wait3A_327 = arith.constant 0 : i32
    %dma_wait3A_328 = arith.constant 0 : i32
    %dma_wait3A_329 = tpu.memref_slice %arg2[%dma_wait3A_327, %dma_wait3A_328] : memref<10240x64xbf16, #tpu.memory_space<hbm>> -> memref<10240x64xbf16, #tpu.memory_space<hbm>>
    tpu.wait_indirect_dma semaphore(%arg25 : memref<!tpu.dma_semaphore, #tpu.memory_space<semaphore_mem>>) src(%dma_wait3A_329 : memref<10240x64xbf16, #tpu.memory_space<hbm>>) dst(%arg16 : memref<128x64xbf16, #tpu.memory_space<vmem>>)
    %dma_start3A_330 = arith.constant 79 : i32
    %dma_start3A_331 = arith.constant 0 : i32
    %dma_start3A_332 = tpu.memref_slice %arg8[%dma_start3A_330, %dma_start3A_331] : memref<80x128xi32, #tpu.memory_space<vmem>> -> memref<1x128xi32, #tpu.memory_space<vmem>>
    %dma_start3A_333 = tpu.memref_squeeze %dma_start3A_332 : memref<1x128xi32, #tpu.memory_space<vmem>> -> memref<128xi32, #tpu.memory_space<vmem>>
    %dma_start3A_334 = arith.constant 0 : i32
    %dma_start3A_335 = arith.constant 0 : i32
    %dma_start3A_336 = tpu.memref_slice %arg17[%dma_start3A_334, %dma_start3A_335] : memref<10240x64xbf16, #tpu.memory_space<vmem_shared>> -> memref<10240x64xbf16, #tpu.memory_space<vmem_shared>>
    tpu.enqueue_indirect_dma source(%arg16 : memref<128x64xbf16, #tpu.memory_space<vmem>>) target(%dma_start3A_336 : memref<10240x64xbf16, #tpu.memory_space<vmem_shared>>) offsets(%dma_start3A_333 : memref<128xi32, #tpu.memory_space<vmem>>) semaphore(%arg33 : memref<!tpu.dma_semaphore, #tpu.memory_space<semaphore_mem>>) {add = true}
    %dma_wait3A_337 = arith.constant 72 : i32
    %dma_wait3A_338 = arith.constant 0 : i32
    %dma_wait3A_339 = tpu.memref_slice %arg8[%dma_wait3A_337, %dma_wait3A_338] : memref<80x128xi32, #tpu.memory_space<vmem>> -> memref<1x128xi32, #tpu.memory_space<vmem>>
    %dma_wait3A_340 = tpu.memref_squeeze %dma_wait3A_339 : memref<1x128xi32, #tpu.memory_space<vmem>> -> memref<128xi32, #tpu.memory_space<vmem>>
    %dma_wait3A_341 = arith.constant 0 : i32
    %dma_wait3A_342 = arith.constant 0 : i32
    %dma_wait3A_343 = tpu.memref_slice %arg17[%dma_wait3A_341, %dma_wait3A_342] : memref<10240x64xbf16, #tpu.memory_space<vmem_shared>> -> memref<10240x64xbf16, #tpu.memory_space<vmem_shared>>
    tpu.wait_indirect_dma semaphore(%arg26 : memref<!tpu.dma_semaphore, #tpu.memory_space<semaphore_mem>>) src(%arg9 : memref<128x64xbf16, #tpu.memory_space<vmem>>) dst(%dma_wait3A_343 : memref<10240x64xbf16, #tpu.memory_space<vmem_shared>>)
    %dma_wait3A_344 = arith.constant 73 : i32
    %dma_wait3A_345 = arith.constant 0 : i32
    %dma_wait3A_346 = tpu.memref_slice %arg8[%dma_wait3A_344, %dma_wait3A_345] : memref<80x128xi32, #tpu.memory_space<vmem>> -> memref<1x128xi32, #tpu.memory_space<vmem>>
    %dma_wait3A_347 = tpu.memref_squeeze %dma_wait3A_346 : memref<1x128xi32, #tpu.memory_space<vmem>> -> memref<128xi32, #tpu.memory_space<vmem>>
    %dma_wait3A_348 = arith.constant 0 : i32
    %dma_wait3A_349 = arith.constant 0 : i32
    %dma_wait3A_350 = tpu.memref_slice %arg17[%dma_wait3A_348, %dma_wait3A_349] : memref<10240x64xbf16, #tpu.memory_space<vmem_shared>> -> memref<10240x64xbf16, #tpu.memory_space<vmem_shared>>
    tpu.wait_indirect_dma semaphore(%arg27 : memref<!tpu.dma_semaphore, #tpu.memory_space<semaphore_mem>>) src(%arg10 : memref<128x64xbf16, #tpu.memory_space<vmem>>) dst(%dma_wait3A_350 : memref<10240x64xbf16, #tpu.memory_space<vmem_shared>>)
    %dma_wait3A_351 = arith.constant 74 : i32
    %dma_wait3A_352 = arith.constant 0 : i32
    %dma_wait3A_353 = tpu.memref_slice %arg8[%dma_wait3A_351, %dma_wait3A_352] : memref<80x128xi32, #tpu.memory_space<vmem>> -> memref<1x128xi32, #tpu.memory_space<vmem>>
    %dma_wait3A_354 = tpu.memref_squeeze %dma_wait3A_353 : memref<1x128xi32, #tpu.memory_space<vmem>> -> memref<128xi32, #tpu.memory_space<vmem>>
    %dma_wait3A_355 = arith.constant 0 : i32
    %dma_wait3A_356 = arith.constant 0 : i32
    %dma_wait3A_357 = tpu.memref_slice %arg17[%dma_wait3A_355, %dma_wait3A_356] : memref<10240x64xbf16, #tpu.memory_space<vmem_shared>> -> memref<10240x64xbf16, #tpu.memory_space<vmem_shared>>
    tpu.wait_indirect_dma semaphore(%arg28 : memref<!tpu.dma_semaphore, #tpu.memory_space<semaphore_mem>>) src(%arg11 : memref<128x64xbf16, #tpu.memory_space<vmem>>) dst(%dma_wait3A_357 : memref<10240x64xbf16, #tpu.memory_space<vmem_shared>>)
    %dma_wait3A_358 = arith.constant 75 : i32
    %dma_wait3A_359 = arith.constant 0 : i32
    %dma_wait3A_360 = tpu.memref_slice %arg8[%dma_wait3A_358, %dma_wait3A_359] : memref<80x128xi32, #tpu.memory_space<vmem>> -> memref<1x128xi32, #tpu.memory_space<vmem>>
    %dma_wait3A_361 = tpu.memref_squeeze %dma_wait3A_360 : memref<1x128xi32, #tpu.memory_space<vmem>> -> memref<128xi32, #tpu.memory_space<vmem>>
    %dma_wait3A_362 = arith.constant 0 : i32
    %dma_wait3A_363 = arith.constant 0 : i32
    %dma_wait3A_364 = tpu.memref_slice %arg17[%dma_wait3A_362, %dma_wait3A_363] : memref<10240x64xbf16, #tpu.memory_space<vmem_shared>> -> memref<10240x64xbf16, #tpu.memory_space<vmem_shared>>
    tpu.wait_indirect_dma semaphore(%arg29 : memref<!tpu.dma_semaphore, #tpu.memory_space<semaphore_mem>>) src(%arg12 : memref<128x64xbf16, #tpu.memory_space<vmem>>) dst(%dma_wait3A_364 : memref<10240x64xbf16, #tpu.memory_space<vmem_shared>>)
    %dma_wait3A_365 = arith.constant 76 : i32
    %dma_wait3A_366 = arith.constant 0 : i32
    %dma_wait3A_367 = tpu.memref_slice %arg8[%dma_wait3A_365, %dma_wait3A_366] : memref<80x128xi32, #tpu.memory_space<vmem>> -> memref<1x128xi32, #tpu.memory_space<vmem>>
    %dma_wait3A_368 = tpu.memref_squeeze %dma_wait3A_367 : memref<1x128xi32, #tpu.memory_space<vmem>> -> memref<128xi32, #tpu.memory_space<vmem>>
    %dma_wait3A_369 = arith.constant 0 : i32
    %dma_wait3A_370 = arith.constant 0 : i32
    %dma_wait3A_371 = tpu.memref_slice %arg17[%dma_wait3A_369, %dma_wait3A_370] : memref<10240x64xbf16, #tpu.memory_space<vmem_shared>> -> memref<10240x64xbf16, #tpu.memory_space<vmem_shared>>
    tpu.wait_indirect_dma semaphore(%arg30 : memref<!tpu.dma_semaphore, #tpu.memory_space<semaphore_mem>>) src(%arg13 : memref<128x64xbf16, #tpu.memory_space<vmem>>) dst(%dma_wait3A_371 : memref<10240x64xbf16, #tpu.memory_space<vmem_shared>>)
    %dma_wait3A_372 = arith.constant 77 : i32
    %dma_wait3A_373 = arith.constant 0 : i32
    %dma_wait3A_374 = tpu.memref_slice %arg8[%dma_wait3A_372, %dma_wait3A_373] : memref<80x128xi32, #tpu.memory_space<vmem>> -> memref<1x128xi32, #tpu.memory_space<vmem>>
    %dma_wait3A_375 = tpu.memref_squeeze %dma_wait3A_374 : memref<1x128xi32, #tpu.memory_space<vmem>> -> memref<128xi32, #tpu.memory_space<vmem>>
    %dma_wait3A_376 = arith.constant 0 : i32
    %dma_wait3A_377 = arith.constant 0 : i32
    %dma_wait3A_378 = tpu.memref_slice %arg17[%dma_wait3A_376, %dma_wait3A_377] : memref<10240x64xbf16, #tpu.memory_space<vmem_shared>> -> memref<10240x64xbf16, #tpu.memory_space<vmem_shared>>
    tpu.wait_indirect_dma semaphore(%arg31 : memref<!tpu.dma_semaphore, #tpu.memory_space<semaphore_mem>>) src(%arg14 : memref<128x64xbf16, #tpu.memory_space<vmem>>) dst(%dma_wait3A_378 : memref<10240x64xbf16, #tpu.memory_space<vmem_shared>>)
    %dma_wait3A_379 = arith.constant 78 : i32
    %dma_wait3A_380 = arith.constant 0 : i32
    %dma_wait3A_381 = tpu.memref_slice %arg8[%dma_wait3A_379, %dma_wait3A_380] : memref<80x128xi32, #tpu.memory_space<vmem>> -> memref<1x128xi32, #tpu.memory_space<vmem>>
    %dma_wait3A_382 = tpu.memref_squeeze %dma_wait3A_381 : memref<1x128xi32, #tpu.memory_space<vmem>> -> memref<128xi32, #tpu.memory_space<vmem>>
    %dma_wait3A_383 = arith.constant 0 : i32
    %dma_wait3A_384 = arith.constant 0 : i32
    %dma_wait3A_385 = tpu.memref_slice %arg17[%dma_wait3A_383, %dma_wait3A_384] : memref<10240x64xbf16, #tpu.memory_space<vmem_shared>> -> memref<10240x64xbf16, #tpu.memory_space<vmem_shared>>
    tpu.wait_indirect_dma semaphore(%arg32 : memref<!tpu.dma_semaphore, #tpu.memory_space<semaphore_mem>>) src(%arg15 : memref<128x64xbf16, #tpu.memory_space<vmem>>) dst(%dma_wait3A_385 : memref<10240x64xbf16, #tpu.memory_space<vmem_shared>>)
    %dma_wait3A_386 = arith.constant 79 : i32
    %dma_wait3A_387 = arith.constant 0 : i32
    %dma_wait3A_388 = tpu.memref_slice %arg8[%dma_wait3A_386, %dma_wait3A_387] : memref<80x128xi32, #tpu.memory_space<vmem>> -> memref<1x128xi32, #tpu.memory_space<vmem>>
    %dma_wait3A_389 = tpu.memref_squeeze %dma_wait3A_388 : memref<1x128xi32, #tpu.memory_space<vmem>> -> memref<128xi32, #tpu.memory_space<vmem>>
    %dma_wait3A_390 = arith.constant 0 : i32
    %dma_wait3A_391 = arith.constant 0 : i32
    %dma_wait3A_392 = tpu.memref_slice %arg17[%dma_wait3A_390, %dma_wait3A_391] : memref<10240x64xbf16, #tpu.memory_space<vmem_shared>> -> memref<10240x64xbf16, #tpu.memory_space<vmem_shared>>
    tpu.wait_indirect_dma semaphore(%arg33 : memref<!tpu.dma_semaphore, #tpu.memory_space<semaphore_mem>>) src(%arg16 : memref<128x64xbf16, #tpu.memory_space<vmem>>) dst(%dma_wait3A_392 : memref<10240x64xbf16, #tpu.memory_space<vmem_shared>>)
    %barrier3A_393 = arith.constant 0 : index
    tpu.barrier barrier_id(%barrier3A_393)
    %mul3A_394 = arith.constant 640 : i32
    %mul3A_395 = arith.muli %arg1, %mul3A_394 : i32
    %mul3A_396 = arith.constant 640 : i32
    %mul3A_397 = arith.muli %arg1, %mul3A_396 : i32
    "tpu.region"() ({
      %run_scoped3A = tpu.sem_alloc : memref<!tpu.dma_semaphore, #tpu.memory_space<semaphore_mem>>
      %dma_start3A_398 = arith.constant 0 : i32
      %dma_start3A_399 = tpu.memref_slice %arg6[%arg0, %mul3A_397, %dma_start3A_398] : memref<2x10240x64xbf16, #tpu.memory_space<hbm>> -> memref<1x640x64xbf16, #tpu.memory_space<hbm>>
      %dma_start3A_400 = tpu.memref_squeeze %dma_start3A_399 : memref<1x640x64xbf16, #tpu.memory_space<hbm>> -> memref<640x64xbf16, #tpu.memory_space<hbm>>
      %dma_start3A_401 = arith.constant 0 : i32
      %dma_start3A_402 = tpu.memref_slice %arg17[%mul3A_395, %dma_start3A_401] : memref<10240x64xbf16, #tpu.memory_space<vmem_shared>> -> memref<640x64xbf16, #tpu.memory_space<vmem_shared>>
      tpu.enqueue_dma source(%dma_start3A_402 : memref<640x64xbf16, #tpu.memory_space<vmem_shared>>) target(%dma_start3A_400 : memref<640x64xbf16, #tpu.memory_space<hbm>>) target_semaphore(%run_scoped3A : memref<!tpu.dma_semaphore, #tpu.memory_space<semaphore_mem>>)
      %dma_wait3A_403 = arith.constant 0 : i32
      %dma_wait3A_404 = tpu.memref_slice %arg6[%arg0, %mul3A_397, %dma_wait3A_403] : memref<2x10240x64xbf16, #tpu.memory_space<hbm>> -> memref<1x640x64xbf16, #tpu.memory_space<hbm>>
      %dma_wait3A_405 = tpu.memref_squeeze %dma_wait3A_404 : memref<1x640x64xbf16, #tpu.memory_space<hbm>> -> memref<640x64xbf16, #tpu.memory_space<hbm>>
      %dma_wait3A_406 = arith.constant 0 : i32
      %dma_wait3A_407 = tpu.memref_slice %arg17[%mul3A_395, %dma_wait3A_406] : memref<10240x64xbf16, #tpu.memory_space<vmem_shared>> -> memref<640x64xbf16, #tpu.memory_space<vmem_shared>>
      tpu.wait_dma2 semaphore(%run_scoped3A : memref<!tpu.dma_semaphore, #tpu.memory_space<semaphore_mem>>) src(%dma_wait3A_407 : memref<640x64xbf16, #tpu.memory_space<vmem_shared>>) dst(%dma_wait3A_405 : memref<640x64xbf16, #tpu.memory_space<hbm>>)
      tpu.yield
    }) : () -> ()
    return
  }
}

module attributes {stable_mosaic.version = 14 : i64} {
  func.func @_y1_body(%arg0: i32, %arg1: memref<32x512xf32, #tpu.memory_space<vmem>>, %arg2: memref<512x128xf32, #tpu.memory_space<vmem>>, %arg3: memref<128x128xf32, #tpu.memory_space<vmem>>, %arg4: memref<512x128xbf16, #tpu.memory_space<vmem>>) attributes {dimension_semantics = [#tpu.dimension_semantics<arbitrary>], iteration_bounds = array<i64: 20>, scalar_prefetch = 0 : i64, scratch_operands = 0 : i64, tpu.core_type = #tpu.core_type<tc>, window_params = [{transform_indices = @transform_0, window_bounds = array<i64: 32, 512>}, {transform_indices = @transform_1, window_bounds = array<i64: 512, 128>}, {pipeline_mode = #tpu.pipeline_mode<synchronous>, transform_indices = @transform_2, window_bounds = array<i64: 128, 128>}, {transform_indices = @transform_3, window_bounds = array<i64: 512, 128>}]} {
    %get3A = arith.constant 0 : index
    %get3A_0 = arith.constant 0 : index
    %get3A_1 = vector.load %arg1[%get3A, %get3A_0] : memref<32x512xf32, #tpu.memory_space<vmem>>, vector<32x512xf32>
    %reduce_sum3A = arith.constant dense<0.000000e+00> : vector<512xf32>
    %reduce_sum3A_2 = vector.multi_reduction <add>, %get3A_1, %reduce_sum3A [0] : vector<32x512xf32> to vector<512xf32>
    %iota3A = tpu.iota {dimensions = array<i32: 1>} : vector<1x512xi32>
    %iota3A_3 = vector.shape_cast %iota3A : vector<1x512xi32> to vector<512xi32>
    %mul3A = arith.constant 512 : i32
    %mul3A_4 = arith.muli %arg0, %mul3A : i32
    %add3A = vector.broadcast %mul3A_4 : i32 to vector<512xi32>
    %add3A_5 = arith.addi %iota3A_3, %add3A : vector<512xi32>
    %lt3A = arith.constant 10000 : i32
    %lt3A_6 = vector.broadcast %lt3A : i32 to vector<512xi32>
    %lt3A_7 = arith.cmpi slt, %add3A_5, %lt3A_6 : vector<512xi32>
    %add3A_8 = arith.constant 1.000000e+00 : f32
    %add3A_9 = vector.broadcast %add3A_8 : f32 to vector<512xf32>
    %add3A_10 = arith.addf %reduce_sum3A_2, %add3A_9 : vector<512xf32>
    %rsqrt3A = math.rsqrt %add3A_10 : vector<512xf32>
    %jit3A = arith.constant 0.000000e+00 : f32
    %broadcast_in_dim3A = vector.broadcast %jit3A : f32 to vector<512xf32>
    %select_n3A = arith.select %lt3A_7, %rsqrt3A, %broadcast_in_dim3A : vector<512xi1>, vector<512xf32>
    %get3A_11 = arith.constant 0 : index
    %get3A_12 = arith.constant 0 : index
    %get3A_13 = vector.load %arg2[%get3A_11, %get3A_12] : memref<512x128xf32, #tpu.memory_space<vmem>>, vector<512x128xf32>
    %get3A_14 = arith.constant 0 : index
    %get3A_15 = arith.constant 0 : index
    %get3A_16 = vector.load %arg3[%get3A_14, %get3A_15] : memref<128x128xf32, #tpu.memory_space<vmem>>, vector<128x128xf32>
    %dot_general3A = arith.constant dense<0.000000e+00> : vector<512x128xf32>
    %dot_general3A_17 = tpu.matmul %get3A_13, %get3A_16, %dot_general3A {dimension_numbers = #tpu.dot_dimension_numbers<[1], [0], [0], [1], [0, 0, 1, 1], [], []>, transpose_lhs_hint = false} : vector<512x128xf32>, vector<128x128xf32>, vector<512x128xf32> -> vector<512x128xf32>
    %broadcast_in_dim3A_18 = vector.shape_cast %select_n3A : vector<512xf32> to vector<512x1xf32>
    %mul3A_19 = vector.broadcast %broadcast_in_dim3A_18 : vector<512x1xf32> to vector<512x128xf32>
    %mul3A_20 = arith.mulf %dot_general3A_17, %mul3A_19 : vector<512x128xf32>
    %convert_element_type3A = arith.truncf %mul3A_20 : vector<512x128xf32> to vector<512x128xbf16>
    %swap3A = arith.constant 0 : index
    %swap3A_21 = arith.constant 0 : index
    %swap3A_22 = vector.load %arg4[%swap3A, %swap3A_21] : memref<512x128xbf16, #tpu.memory_space<vmem>>, vector<512x128xbf16>
    tpu.vector_store %arg4[%swap3A, %swap3A_21], %convert_element_type3A {strides = array<i32>} : memref<512x128xbf16, #tpu.memory_space<vmem>>, vector<512x128xbf16>,
    return
  }
  func.func @transform_0(%arg0: i32) -> (i32, i32) {
    %c0_i32 = arith.constant 0 : i32
    %c0_i32_0 = arith.constant 0 : i32
    return %c0_i32, %arg0 : i32, i32
  }
  func.func @transform_1(%arg0: i32) -> (i32, i32) {
    %c0_i32 = arith.constant 0 : i32
    %c0_i32_0 = arith.constant 0 : i32
    return %arg0, %c0_i32 : i32, i32
  }
  func.func @transform_2(%arg0: i32) -> (i32, i32) {
    %c0_i32 = arith.constant 0 : i32
    %c0_i32_0 = arith.constant 0 : i32
    %c0_i32_1 = arith.constant 0 : i32
    return %c0_i32, %c0_i32_0 : i32, i32
  }
  func.func @transform_3(%arg0: i32) -> (i32, i32) {
    %c0_i32 = arith.constant 0 : i32
    %c0_i32_0 = arith.constant 0 : i32
    return %arg0, %c0_i32 : i32, i32
  }
}

module attributes {stable_mosaic.version = 14 : i64} {
  func.func @_y2_body(%arg0: i32, %arg1: memref<32x512xf32, #tpu.memory_space<vmem>>, %arg2: memref<1x512x128xbf16, #tpu.memory_space<vmem>>, %arg3: memref<1x512x128xbf16, #tpu.memory_space<vmem>>, %arg4: memref<512x128xbf16, #tpu.memory_space<vmem>>, %arg5: memref<1x128xf32, #tpu.memory_space<vmem>>, %arg6: memref<128x64xf32, #tpu.memory_space<vmem>>, %arg7: memref<512x64xbf16, #tpu.memory_space<vmem>>) attributes {dimension_semantics = [#tpu.dimension_semantics<arbitrary>], iteration_bounds = array<i64: 20>, scalar_prefetch = 0 : i64, scratch_operands = 0 : i64, tpu.core_type = #tpu.core_type<tc>, window_params = [{transform_indices = @transform_0, window_bounds = array<i64: 32, 512>}, {transform_indices = @transform_1, window_bounds = array<i64: 1, 512, 128>}, {transform_indices = @transform_2, window_bounds = array<i64: 1, 512, 128>}, {transform_indices = @transform_3, window_bounds = array<i64: 512, 128>}, {pipeline_mode = #tpu.pipeline_mode<synchronous>, transform_indices = @transform_4, window_bounds = array<i64: 1, 128>}, {pipeline_mode = #tpu.pipeline_mode<synchronous>, transform_indices = @transform_5, window_bounds = array<i64: 128, 64>}, {transform_indices = @transform_6, window_bounds = array<i64: 512, 64>}]} {
    %get3A = arith.constant 0 : index
    %get3A_0 = arith.constant 0 : index
    %get3A_1 = vector.load %arg1[%get3A, %get3A_0] : memref<32x512xf32, #tpu.memory_space<vmem>>, vector<32x512xf32>
    %reduce_sum3A = arith.constant dense<0.000000e+00> : vector<512xf32>
    %reduce_sum3A_2 = vector.multi_reduction <add>, %get3A_1, %reduce_sum3A [0] : vector<32x512xf32> to vector<512xf32>
    %iota3A = tpu.iota {dimensions = array<i32: 1>} : vector<1x512xi32>
    %iota3A_3 = vector.shape_cast %iota3A : vector<1x512xi32> to vector<512xi32>
    %mul3A = arith.constant 512 : i32
    %mul3A_4 = arith.muli %arg0, %mul3A : i32
    %add3A = vector.broadcast %mul3A_4 : i32 to vector<512xi32>
    %add3A_5 = arith.addi %iota3A_3, %add3A : vector<512xi32>
    %lt3A = arith.constant 10000 : i32
    %lt3A_6 = vector.broadcast %lt3A : i32 to vector<512xi32>
    %lt3A_7 = arith.cmpi slt, %add3A_5, %lt3A_6 : vector<512xi32>
    %add3A_8 = arith.constant 1.000000e+00 : f32
    %add3A_9 = vector.broadcast %add3A_8 : f32 to vector<512xf32>
    %add3A_10 = arith.addf %reduce_sum3A_2, %add3A_9 : vector<512xf32>
    %rsqrt3A = math.rsqrt %add3A_10 : vector<512xf32>
    %jit3A = arith.constant 0.000000e+00 : f32
    %broadcast_in_dim3A = vector.broadcast %jit3A : f32 to vector<512xf32>
    %select_n3A = arith.select %lt3A_7, %rsqrt3A, %broadcast_in_dim3A : vector<512xi1>, vector<512xf32>
    %get3A_11 = arith.constant 0 : index
    %get3A_12 = arith.constant 0 : index
    %get3A_13 = arith.constant 0 : index
    %get3A_14 = vector.load %arg2[%get3A_11, %get3A_12, %get3A_13] : memref<1x512x128xbf16, #tpu.memory_space<vmem>>, vector<1x512x128xbf16>
    %get3A_15 = vector.shape_cast %get3A_14 : vector<1x512x128xbf16> to vector<512x128xbf16>
    %convert_element_type3A = arith.extf %get3A_15 : vector<512x128xbf16> to vector<512x128xf32>
    %get3A_16 = arith.constant 0 : index
    %get3A_17 = arith.constant 0 : index
    %get3A_18 = arith.constant 0 : index
    %get3A_19 = vector.load %arg3[%get3A_16, %get3A_17, %get3A_18] : memref<1x512x128xbf16, #tpu.memory_space<vmem>>, vector<1x512x128xbf16>
    %get3A_20 = vector.shape_cast %get3A_19 : vector<1x512x128xbf16> to vector<512x128xbf16>
    %convert_element_type3A_21 = arith.extf %get3A_20 : vector<512x128xbf16> to vector<512x128xf32>
    %add3A_22 = arith.addf %convert_element_type3A, %convert_element_type3A_21 : vector<512x128xf32>
    %get3A_23 = arith.constant 0 : index
    %get3A_24 = arith.constant 0 : index
    %get3A_25 = vector.load %arg4[%get3A_23, %get3A_24] : memref<512x128xbf16, #tpu.memory_space<vmem>>, vector<512x128xbf16>
    %convert_element_type3A_26 = arith.extf %get3A_25 : vector<512x128xbf16> to vector<512x128xf32>
    %add3A_27 = arith.addf %add3A_22, %convert_element_type3A_26 : vector<512x128xf32>
    %broadcast_in_dim3A_28 = vector.shape_cast %select_n3A : vector<512xf32> to vector<512x1xf32>
    %mul3A_29 = vector.broadcast %broadcast_in_dim3A_28 : vector<512x1xf32> to vector<512x128xf32>
    %mul3A_30 = arith.mulf %add3A_27, %mul3A_29 : vector<512x128xf32>
    %get3A_31 = arith.constant 0 : index
    %get3A_32 = arith.constant 0 : index
    %get3A_33 = vector.load %arg5[%get3A_31, %get3A_32] : memref<1x128xf32, #tpu.memory_space<vmem>>, vector<1x128xf32>
    %add3A_34 = vector.broadcast %get3A_33 : vector<1x128xf32> to vector<512x128xf32>
    %add3A_35 = arith.addf %mul3A_30, %add3A_34 : vector<512x128xf32>
    %max3A = arith.constant 0.000000e+00 : f32
    %max3A_36 = vector.broadcast %max3A : f32 to vector<512x128xf32>
    %max3A_37 = arith.maximumf %add3A_35, %max3A_36 : vector<512x128xf32>
    %get3A_38 = arith.constant 0 : index
    %get3A_39 = arith.constant 0 : index
    %get3A_40 = vector.load %arg6[%get3A_38, %get3A_39] : memref<128x64xf32, #tpu.memory_space<vmem>>, vector<128x64xf32>
    %dot_general3A = arith.constant dense<0.000000e+00> : vector<512x64xf32>
    %dot_general3A_41 = tpu.matmul %max3A_37, %get3A_40, %dot_general3A {dimension_numbers = #tpu.dot_dimension_numbers<[1], [0], [0], [1], [0, 0, 1, 1], [], []>, transpose_lhs_hint = false} : vector<512x128xf32>, vector<128x64xf32>, vector<512x64xf32> -> vector<512x64xf32>
    %broadcast_in_dim3A_42 = vector.shape_cast %select_n3A : vector<512xf32> to vector<512x1xf32>
    %mul3A_43 = vector.broadcast %broadcast_in_dim3A_42 : vector<512x1xf32> to vector<512x64xf32>
    %mul3A_44 = arith.mulf %dot_general3A_41, %mul3A_43 : vector<512x64xf32>
    %convert_element_type3A_45 = arith.truncf %mul3A_44 : vector<512x64xf32> to vector<512x64xbf16>
    %swap3A = arith.constant 0 : index
    %swap3A_46 = arith.constant 0 : index
    %swap3A_47 = vector.load %arg7[%swap3A, %swap3A_46] : memref<512x64xbf16, #tpu.memory_space<vmem>>, vector<512x64xbf16>
    tpu.vector_store %arg7[%swap3A, %swap3A_46], %convert_element_type3A_45 {strides = array<i32>} : memref<512x64xbf16, #tpu.memory_space<vmem>>, vector<512x64xbf16>,
    return
  }
  func.func @transform_0(%arg0: i32) -> (i32, i32) {
    %c0_i32 = arith.constant 0 : i32
    %c0_i32_0 = arith.constant 0 : i32
    return %c0_i32, %arg0 : i32, i32
  }
  func.func @transform_1(%arg0: i32) -> (i32, i32, i32) {
    %c0_i32 = arith.constant 0 : i32
    %c0_i32_0 = arith.constant 0 : i32
    %c0_i32_1 = arith.constant 0 : i32
    return %c0_i32, %arg0, %c0_i32_0 : i32, i32, i32
  }
  func.func @transform_2(%arg0: i32) -> (i32, i32, i32) {
    %c1_i32 = arith.constant 1 : i32
    %c0_i32 = arith.constant 0 : i32
    %c0_i32_0 = arith.constant 0 : i32
    return %c1_i32, %arg0, %c0_i32 : i32, i32, i32
  }
  func.func @transform_3(%arg0: i32) -> (i32, i32) {
    %c0_i32 = arith.constant 0 : i32
    %c0_i32_0 = arith.constant 0 : i32
    return %arg0, %c0_i32 : i32, i32
  }
  func.func @transform_4(%arg0: i32) -> (i32, i32) {
    %c0_i32 = arith.constant 0 : i32
    %c0_i32_0 = arith.constant 0 : i32
    %c0_i32_1 = arith.constant 0 : i32
    return %c0_i32, %c0_i32_0 : i32, i32
  }
  func.func @transform_5(%arg0: i32) -> (i32, i32) {
    %c0_i32 = arith.constant 0 : i32
    %c0_i32_0 = arith.constant 0 : i32
    %c0_i32_1 = arith.constant 0 : i32
    return %c0_i32, %c0_i32_0 : i32, i32
  }
  func.func @transform_6(%arg0: i32) -> (i32, i32) {
    %c0_i32 = arith.constant 0 : i32
    %c0_i32_0 = arith.constant 0 : i32
    return %arg0, %c0_i32 : i32, i32
  }
}

module attributes {stable_mosaic.version = 14 : i64} {
  func.func @_out_body(%arg0: i32, %arg1: memref<32x512xf32, #tpu.memory_space<vmem>>, %arg2: memref<1x512x64xbf16, #tpu.memory_space<vmem>>, %arg3: memref<1x512x64xbf16, #tpu.memory_space<vmem>>, %arg4: memref<512x64xbf16, #tpu.memory_space<vmem>>, %arg5: memref<1x64xf32, #tpu.memory_space<vmem>>, %arg6: memref<512x64xf32, #tpu.memory_space<vmem>>) attributes {dimension_semantics = [#tpu.dimension_semantics<arbitrary>], iteration_bounds = array<i64: 20>, scalar_prefetch = 0 : i64, scratch_operands = 0 : i64, tpu.core_type = #tpu.core_type<tc>, window_params = [{transform_indices = @transform_0, window_bounds = array<i64: 32, 512>}, {transform_indices = @transform_1, window_bounds = array<i64: 1, 512, 64>}, {transform_indices = @transform_2, window_bounds = array<i64: 1, 512, 64>}, {transform_indices = @transform_3, window_bounds = array<i64: 512, 64>}, {pipeline_mode = #tpu.pipeline_mode<synchronous>, transform_indices = @transform_4, window_bounds = array<i64: 1, 64>}, {transform_indices = @transform_5, window_bounds = array<i64: 512, 64>}]} {
    %get3A = arith.constant 0 : index
    %get3A_0 = arith.constant 0 : index
    %get3A_1 = vector.load %arg1[%get3A, %get3A_0] : memref<32x512xf32, #tpu.memory_space<vmem>>, vector<32x512xf32>
    %reduce_sum3A = arith.constant dense<0.000000e+00> : vector<512xf32>
    %reduce_sum3A_2 = vector.multi_reduction <add>, %get3A_1, %reduce_sum3A [0] : vector<32x512xf32> to vector<512xf32>
    %iota3A = tpu.iota {dimensions = array<i32: 1>} : vector<1x512xi32>
    %iota3A_3 = vector.shape_cast %iota3A : vector<1x512xi32> to vector<512xi32>
    %mul3A = arith.constant 512 : i32
    %mul3A_4 = arith.muli %arg0, %mul3A : i32
    %add3A = vector.broadcast %mul3A_4 : i32 to vector<512xi32>
    %add3A_5 = arith.addi %iota3A_3, %add3A : vector<512xi32>
    %lt3A = arith.constant 10000 : i32
    %lt3A_6 = vector.broadcast %lt3A : i32 to vector<512xi32>
    %lt3A_7 = arith.cmpi slt, %add3A_5, %lt3A_6 : vector<512xi32>
    %add3A_8 = arith.constant 1.000000e+00 : f32
    %add3A_9 = vector.broadcast %add3A_8 : f32 to vector<512xf32>
    %add3A_10 = arith.addf %reduce_sum3A_2, %add3A_9 : vector<512xf32>
    %rsqrt3A = math.rsqrt %add3A_10 : vector<512xf32>
    %jit3A = arith.constant 0.000000e+00 : f32
    %broadcast_in_dim3A = vector.broadcast %jit3A : f32 to vector<512xf32>
    %select_n3A = arith.select %lt3A_7, %rsqrt3A, %broadcast_in_dim3A : vector<512xi1>, vector<512xf32>
    %get3A_11 = arith.constant 0 : index
    %get3A_12 = arith.constant 0 : index
    %get3A_13 = arith.constant 0 : index
    %get3A_14 = vector.load %arg2[%get3A_11, %get3A_12, %get3A_13] : memref<1x512x64xbf16, #tpu.memory_space<vmem>>, vector<1x512x64xbf16>
    %get3A_15 = vector.shape_cast %get3A_14 : vector<1x512x64xbf16> to vector<512x64xbf16>
    %convert_element_type3A = arith.extf %get3A_15 : vector<512x64xbf16> to vector<512x64xf32>
    %get3A_16 = arith.constant 0 : index
    %get3A_17 = arith.constant 0 : index
    %get3A_18 = arith.constant 0 : index
    %get3A_19 = vector.load %arg3[%get3A_16, %get3A_17, %get3A_18] : memref<1x512x64xbf16, #tpu.memory_space<vmem>>, vector<1x512x64xbf16>
    %get3A_20 = vector.shape_cast %get3A_19 : vector<1x512x64xbf16> to vector<512x64xbf16>
    %convert_element_type3A_21 = arith.extf %get3A_20 : vector<512x64xbf16> to vector<512x64xf32>
    %add3A_22 = arith.addf %convert_element_type3A, %convert_element_type3A_21 : vector<512x64xf32>
    %get3A_23 = arith.constant 0 : index
    %get3A_24 = arith.constant 0 : index
    %get3A_25 = vector.load %arg4[%get3A_23, %get3A_24] : memref<512x64xbf16, #tpu.memory_space<vmem>>, vector<512x64xbf16>
    %convert_element_type3A_26 = arith.extf %get3A_25 : vector<512x64xbf16> to vector<512x64xf32>
    %add3A_27 = arith.addf %add3A_22, %convert_element_type3A_26 : vector<512x64xf32>
    %broadcast_in_dim3A_28 = vector.shape_cast %select_n3A : vector<512xf32> to vector<512x1xf32>
    %mul3A_29 = vector.broadcast %broadcast_in_dim3A_28 : vector<512x1xf32> to vector<512x64xf32>
    %mul3A_30 = arith.mulf %add3A_27, %mul3A_29 : vector<512x64xf32>
    %get3A_31 = arith.constant 0 : index
    %get3A_32 = arith.constant 0 : index
    %get3A_33 = vector.load %arg5[%get3A_31, %get3A_32] : memref<1x64xf32, #tpu.memory_space<vmem>>, vector<1x64xf32>
    %add3A_34 = vector.broadcast %get3A_33 : vector<1x64xf32> to vector<512x64xf32>
    %add3A_35 = arith.addf %mul3A_30, %add3A_34 : vector<512x64xf32>
    %swap3A = arith.constant 0 : index
    %swap3A_36 = arith.constant 0 : index
    %swap3A_37 = vector.load %arg6[%swap3A, %swap3A_36] : memref<512x64xf32, #tpu.memory_space<vmem>>, vector<512x64xf32>
    tpu.vector_store %arg6[%swap3A, %swap3A_36], %add3A_35 {strides = array<i32>} : memref<512x64xf32, #tpu.memory_space<vmem>>, vector<512x64xf32>,
    return
  }
  func.func @transform_0(%arg0: i32) -> (i32, i32) {
    %c0_i32 = arith.constant 0 : i32
    %c0_i32_0 = arith.constant 0 : i32
    return %c0_i32, %arg0 : i32, i32
  }
  func.func @transform_1(%arg0: i32) -> (i32, i32, i32) {
    %c0_i32 = arith.constant 0 : i32
    %c0_i32_0 = arith.constant 0 : i32
    %c0_i32_1 = arith.constant 0 : i32
    return %c0_i32, %arg0, %c0_i32_0 : i32, i32, i32
  }
  func.func @transform_2(%arg0: i32) -> (i32, i32, i32) {
    %c1_i32 = arith.constant 1 : i32
    %c0_i32 = arith.constant 0 : i32
    %c0_i32_0 = arith.constant 0 : i32
    return %c1_i32, %arg0, %c0_i32 : i32, i32, i32
  }
  func.func @transform_3(%arg0: i32) -> (i32, i32) {
    %c0_i32 = arith.constant 0 : i32
    %c0_i32_0 = arith.constant 0 : i32
    return %arg0, %c0_i32 : i32, i32
  }
  func.func @transform_4(%arg0: i32) -> (i32, i32) {
    %c0_i32 = arith.constant 0 : i32
    %c0_i32_0 = arith.constant 0 : i32
    %c0_i32_1 = arith.constant 0 : i32
    return %c0_i32, %c0_i32_0 : i32, i32
  }
  func.func @transform_5(%arg0: i32) -> (i32, i32) {
    %c0_i32 = arith.constant 0 : i32
    %c0_i32_0 = arith.constant 0 : i32
    return %arg0, %c0_i32 : i32, i32
  }
}

</mosaic_0001>

<sc_bundles>
// kernel: kernel.11.cloned.1.call-start
scs
__scs_entry_jumppad:
0x0: {  	(pc) =	sbr.rel $0x88, $3  }
0x1: {  	(tag) =	ssettag $0x0;
	lr =	simm.s32 $0x1  }
0x2: {  	[smem:$0x3F9B] =	sst lr;
	_ =	strace $0xD0000000  }
0x3: {  	_ = 	snop  }
0x4: {  	_ = 	snop  }
0x5: {  	_ = 	snop  }
0x6: {  	_ = 	snop  }
0x7: {  	_ = 	snop  }
__scs_overlays_trampoline_lowered:
0x8: {  	[smem:$0x3FAA] =	sst s0  }
0x9: {  	[smem:$0x3FAB] =	sst s1  }
0xa: {  	[smem:$0x3FAC] =	sst s2  }
0xb: {  	[smem:$0x3FAD] =	sst s3  }
0xc: {  	[smem:$0x3FAE] =	sst s4  }
0xd: {  	[smem:$0x3FAF] =	sst s5  }
0xe: {  	[smem:$0x3FB0] =	sst s6  }
0xf: {  	[smem:$0x3FB1] =	sst s7  }
0x10: {  	[smem:$0x3FB2] =	sst s8  }
0x11: {  	[smem:$0x3FB3] =	sst s9;
	s0 =	simm.s32 @!p0 $0x0  }
0x12: {  	s1 =	sld [smem:$0x3F99];
	s0 =	simm.s32 @p0 $0x1  }
0x13: {  	[smem:$0x3FB4] =	sst s0;
	s0 =	simm.s32 @!p1 $0x0  }
0x14: {  	s2 =	sld [smem:$0x3F98];
	s0 =	simm.s32 @p1 $0x1  }
0x15: {  	[smem:$0x3FB5] =	sst s0;
	s0 =	simm.s32 @!p2 $0x0  }
0x16: {  	s3 =	sld [smem:$0x3FDB];
	s0 =	simm.s32 @p2 $0x1  }
0x17: {  	s4 =	simm.s32 $0x1BF5;
	[smem:$0x3FB7] =	sst s0  }
0x18: {  	s0 =	sld [smem:$0x3F9A];
	_ =	swait.ge [sflag:s4], $0x0  }
0x19: {  	s7 =	sld [smem:$0x3F9B]  }
0x1a: {  	s8 =	sadd.s32 $0xFFFFE003, lr  }
0x1b: {  	s9 =	sadd.s32 $0xFFFFFEF7, lr;
	s5 =	simm.s32 $0xFFFFFFFF;
	p2 =	slt.u32 s8, $0xFFFFF086  }
0x1c: {  	p1 =	slt.u32 s9, $0xF7A;
	s5 =	simm.s32 @!p2 $0x0  }
0x1d: {  	s5 =	simm.s32 @p1 $0x1;
	p0 =	seq.s32 s7, s2  }
0x1e: {  	s7 =	smul.u32 @!p0 $0xF7A, s2;
	p2 =	seq.s32 @!p0 s5, $0x0  }
0x1f: {  	s9 =	smul.u32 $0xF7A, s1;
	s8 =	simm.s32 @!p0 $0x1BF5;
	p2 =	por !p2, p0  }
0x20: {  	[sflag:s8] =	ssyncset.s32 @!p0 $0xFFFFF086;
	s6 =	sadd.s32 @!p0 s3, s7;
	s7 =	simm.s32 @!p0 $0x108  }
0x21: {  	s3 =	sadd.s32 s3, s9;
	s6 =	sadd.s32 @!p0 $0x88, s6;
	s7 =	simm.s32 @p2 $0x1082  }
0x22: {  	[simem:s7], [sflag:s8] =	dma.local @!p0 [hbm:s6], $0xF7A  }
0x23: {  	s9 =	sor.u32 $0xD0000000, s2;
	s6 =	simm.s32 $0x108;
	_ =	swait.ge @!p0 [sflag:s8], $0x0  }
0x24: {  	s3 =	sadd.s32 $0x88, s3;
	s6 =	simm.s32 @!p1 $0x1082;
	[sflag:s4] =	ssyncset.s32 $0xFFFFF086  }
0x25: {  	[simem:s6], [sflag:s4] =	dma.local [hbm:s3], $0xF7A  }
0x26: {  	[smem:$0x3F9B] =	sst s1;
	(tag) =	ssettag s2;
	_ =	strace s9  }
0x27: {  	s1 =	sld [smem:$0x3FAB]  }
0x28: {  	s2 =	sld [smem:$0x3FAC]  }
0x29: {  	s4 =	sld [smem:$0x3FAE]  }
0x2a: {  	p0 =	seq.s32 s5, $0x0;
	s5 =	sld [smem:$0x3FAF]  }
0x2b: {  	s6 =	sld [smem:$0x3FB0]  }
0x2c: {  	s7 =	sld [smem:$0x3FB1]  }
0x2d: {  	s3 =	simm.s32 $0x108;
	s8 =	sld [smem:$0x3FB2]  }
0x2e: {  	s3 =	simm.s32 @!p0 $0x1082;
	s9 =	sld [smem:$0x3FB3]  }
0x2f: {  	lr =	sadd.s32 s0, s3;
	s0 =	sld [smem:$0x3FAA]  }
0x30: {  	s3 =	sld [smem:$0x3FAD]  }
0x31: {  	[smem:$0x3FB6] =	sst s10  }
0x32: {  	s10 =	sld [smem:$0x3FB4];
	_ =	sdelay $0x3  }
0x33: {  	p0 =	seq.s32 s10, $0x1;
	s10 =	sld [smem:$0x3FB6];
	_ =	sdelay $0x3  }
0x34: {  	[smem:$0x3FB6] =	sst s10  }
0x35: {  	s10 =	sld [smem:$0x3FB5];
	_ =	sdelay $0x3  }
0x36: {  	p1 =	seq.s32 s10, $0x1;
	s10 =	sld [smem:$0x3FB6];
	_ =	sdelay $0x3  }
0x37: {  	[smem:$0x3FB6] =	sst s10  }
0x38: {  	s10 =	sld [smem:$0x3FB7]  }
0x39: {  	_ = 	snop;
	(pc) =	sbr.ind lr, $3  }
0x3a: {  	_ = 	snop  }
0x3b: {  	_ = 	snop  }
0x3c: {  	p2 =	seq.s32 s10, $0x1;
	s10 =	sld [smem:$0x3FB6]  }
0x3d: {  	_ =	shalt  }
0x3e: {  	_ =	shalt  }
0x3f: {  	_ =	shalt  }
0x40: {  	_ =	shalt  }
0x41: {  	_ =	shalt  }
0x42: {  	_ =	shalt  }
0x43: {  	_ =	shalt  }
0x44: {  	_ =	shalt  }
0x45: {  	_ =	shalt  }
0x46: {  	_ =	shalt  }
0x47: {  	_ =	shalt  }
0x48: {  	_ =	shalt  }
0x49: {  	_ =	shalt  }
0x4a: {  	_ =	shalt  }
0x4b: {  	_ =	shalt  }
0x4c: {  	_ =	shalt  }
0x4d: {  	_ =	shalt  }
0x4e: {  	_ =	shalt  }
0x4f: {  	_ =	shalt  }
0x50: {  	_ =	shalt  }
0x51: {  	_ =	shalt  }
0x52: {  	_ =	shalt  }
0x53: {  	_ =	shalt  }
0x54: {  	_ =	shalt  }
0x55: {  	_ =	shalt  }
0x56: {  	_ =	shalt  }
0x57: {  	_ =	shalt  }
0x58: {  	_ =	shalt  }
0x59: {  	_ =	shalt  }
0x5a: {  	_ =	shalt  }
0x5b: {  	_ =	shalt  }
0x5c: {  	_ =	shalt  }
0x5d: {  	_ =	shalt  }
0x5e: {  	_ =	shalt  }
0x5f: {  	_ =	shalt  }
0x60: {  	_ =	shalt  }
0x61: {  	_ =	shalt  }
0x62: {  	_ =	shalt  }
0x63: {  	_ =	shalt  }
0x64: {  	_ =	shalt  }
0x65: {  	_ =	shalt  }
0x66: {  	_ =	shalt  }
0x67: {  	_ =	shalt  }
0x68: {  	_ =	shalt  }
0x69: {  	_ =	shalt  }
0x6a: {  	_ =	shalt  }
0x6b: {  	_ =	shalt  }
0x6c: {  	_ =	shalt  }
0x6d: {  	_ =	shalt  }
0x6e: {  	_ =	shalt  }
0x6f: {  	_ =	shalt  }
0x70: {  	_ =	shalt  }
0x71: {  	_ =	shalt  }
0x72: {  	_ =	shalt  }
0x73: {  	_ =	shalt  }
0x74: {  	_ =	shalt  }
0x75: {  	_ =	shalt  }
0x76: {  	_ =	shalt  }
0x77: {  	_ =	shalt  }
0x78: {  	_ =	shalt  }
0x79: {  	_ =	shalt  }
0x7a: {  	_ =	shalt  }
0x7b: {  	_ =	shalt  }
0x7c: {  	_ =	shalt  }
0x7d: {  	_ =	shalt  }
0x7e: {  	_ =	shalt  }
0x7f: {  	_ =	shalt  }
0x80: {  	_ =	shalt  }
0x81: {  	_ =	shalt  }
0x82: {  	_ =	shalt  }
0x83: {  	_ =	shalt  }
0x84: {  	_ =	shalt  }
0x85: {  	_ =	shalt  }
0x86: {  	_ =	shalt  }
0x87: {  	_ =	shalt  }
.Lfunc_end0:
.L_simem_size_0:
called_computation.1_lowered:
.L_overlay_start_0:
0x88: {  	s2 =	sld [smem:$0x3FD9]  }
0x89: {  	s3 =	sld [smem:$0x3FFE];
	_ =	sdelay $0x1  }
0x8a: {  	s1 =	srdreg.scid  }
0x8b: {  	s0 =	sand.u32 $0x1, s1  }
0x8c: {  	s17 =	sshll.u32 s0, $0xA;
	s2 =	sadd.s32 s3, s2  }
0x8d: {  	s2 =	sadd.s32 s2, s17  }
0x8e: {  	[smem:$0x3FC2] =	sst s2  }
0x8f: {  	_ = 	snop  }
0x90: {  	s2 =	sld [smem:$0x3FD0];
	(tm) =	ssettm $0x1  }
0x91: {  	s18 =	sld [smem:$0x3FFB];
	_ =	sdelay $0x3  }
0x92: {  	_ =	strace s18  }
0x93: {  	s3 =	sld [smem:$0x3FFC];
	_ =	sdelay $0x3  }
0x94: {  	_ =	strace s3  }
0x95: {  	s3 =	sld [smem:$0x3FFD];
	_ =	sdelay $0x3  }
0x96: {  	_ =	strace s3  }
0x97: {  	_ =	strace $0x8FFFFFFF  }
0x98: {  	s19 =	sld [smem:$0x3FDB];
	_ =	sdelay $0x1  }
0x99: {  	s4 =	simm.s32 $_scs_section_size  }
0x9a: {  	s5 =	simm.s32 $_size__tile_overlayer_lowered;
	s6 =	simm.s32 $_tile_overlayer_lowered  }
0x9b: {  	s22 =	simm.s32 $0x1BFF;
	s21 =	sshll.u32 s6, $0x1;
	s3 =	sadd.s32 s4, s19  }
0x9c: {  	s7 =	simm.s32 $0x0;
	s20 =	sshll.u32 s5, $0x1;
	s5 =	sadd.s32 s21, s3  }
0x9d: {  	[timem:s7], [sflag:s22] =	dma.local [hbm:s5], s20  }
0x9e: {  	_ =	swait.ge [sflag:s22], s20  }
0x9f: {  	s4 =	ssub.s32 $0x0, s20;
	[sflag:s22] =	ssyncset.done $0x0  }
0xa0: {  	[sflag:s22] =	ssyncadd.s32 s4;
	_ =	sdelay $0x1  }
0xa1: {  	s23 =	simm.s32 $0x1B8B  }
0xa2: {  	_ =	swait.ge [sflag:s23], $0x1  }
0xa3: {  	[sflag:s23] =	ssyncset.done $0x0  }
0xa4: {  	s25 =	simm.s32 $0x1B8E;
	s24 =	sld [smem:$0x3FFE];
	[sflag:s23] =	ssyncadd.s32 $0xFFFFFFFF  }
0xa5: {  	s26 =	simm.s32 $execute0_lowered;
	[smem:$0x3FD2] =	sst s25  }
0xa6: {  	s5 =	sshll.u32 s26, $0x1;
	_ =	strace $0x80000049;
	[dreg:$0x1] =	wrdreg $0xFFFFFFFF  }
0xa7: {  	s28 =	simm.s32 $_size_execute0_lowered;
	s3 =	sadd.s32 s3, s5;
	[dreg:$0x0] =	wrdreg $0x0  }
0xa8: {  	s5 =	sshll.u32 s28, $0x1;
	[dreg:$0x2] =	wrdreg s3  }
0xa9: {  	[dreg:$0x3] =	wrdreg s5  }
0xaa: {  	[dreg:$0x4] =	wrdreg $0xC0  }
0xab: {  	_ =	task [dreg:s7], $0x5FFFF  }
0xac: {  	[dreg:$0x1] =	wrdreg $0xFFFFFFFF  }
0xad: {  	[dreg:$0x0] =	wrdreg $0x60  }
0xae: {  	[dreg:$0x2] =	wrdreg s24  }
0xaf: {  	[dreg:$0x3] =	wrdreg s2  }
0xb0: {  	[dreg:$0x4] =	wrdreg $0x150000  }
0xb1: {  	[dreg:$0x5] =	wrdreg $0x9  }
0xb2: {  	_ =	task.clear_ibuf [dreg:s7], $0x6FFFF;
	_ =	strace $0x90000049  }
0xb3: {  	s29 =	simm.s32 $0x9;
	_ =	strace $0x8000004B  }
0xb4: {  	_ =	swait.ge [sflag:s29], $0x1  }
0xb5: {  	[sflag:s29] =	ssyncadd.s32 $0xFFFFFFFF  }
0xb6: {  	_ =	strace $0x9000004B  }
0xb7: {  	_ =	sfence  }
0xb8: {  	s30 =	sld [smem:$0x0];
	_ =	sdelay $0x2  }
0xb9: {  	s31 =	sshll.u32 s1, $0xD;
	s1 =	sshrl.u32 s1, $0x2  }
0xba: {  	s3 =	sand.u32 $0x4000, s31;
	s1 =	sadd.s32 s1, s30  }
0xbb: {  	s0 =	sor.u32 s3, s0;
	s1 =	sshll.u32 s1, $0x11  }
0xbc: {  	s0 =	sor.u32 s1, s0  }
0xbd: {  	s0 =	sadd.s32 $0x8F2B, s0  }
0xbe: {  	[sflag:s0] =	ssyncadd.remote.s32 $0x1  }
0xbf: {  	_ =	sfence.sel $0xFFFF  }
0xc0: {  	[dreg:$0x0] =	wrdreg $0xFFFFFFFF;
	(pc) =	sbr.abs _section_cstart, $3  }
0xc1: {  	[dreg:$0x1] =	wrdreg $0xFFFFFFFF  }
0xc2: {  	_ =	task.clear_ibuf [dreg:s7], $0x2FFFF;
	_ =	strace $0x9FFFFFFF  }
0xc3: {  	(tm) =	ssettm $0x7FFFFFFF  }
tec
execute0_lowered:
.L_overlay_start_1:
0x0: {  	(tag) =	ssettag $0x1  }
0x1: {  	s0 =	srdreg.scid;
	s1 =	rddreg [dreg:$0x0]  }
0x2: {  	s11 =	stileid.u32;
	s3 =	rddreg [dreg:$0x1];
	s24 =	simm.s32 $0x0  }
0x3: {  	s14 =	simm.s32 $0x80;
	s15 =	simm.s32 $0x5000;
	s16 =	simm.s32 $0x7000  }
0x4: {  	s18 =	simm.s32 $0x9000;
	s20 =	simm.s32 $0xB000;
	s22 =	simm.s32 $0xD000  }
0x5: {  	s28 =	simm.s32 $0x1;
	s30 =	simm.s32 $0x13000;
	s31 =	simm.s32 $0x2  }
0x6: {  	s19 =	simm.s32 $0x3;
	s23 =	simm.s32 $0xA;
	s29 =	simm.s32 $0x4  }
0x7: {  	s17 =	simm.s32 $0xB;
	s21 =	simm.s32 $0xC;
	s13 =	simm.s32 $0x7  }
0x8: {  	s0 =	sand.u32 $0x1, s0;
	s2 =	sshll.u32 s11, $0x1;
	s6 =	smul.u32 $0x14000, s11  }
0x9: {  	[smem:$0x7FF] =	sst s24;
	s26 =	sshll.u32 s11, $0x6;
	s24 =	simm.s32 $0xF000  }
0xa: {  	s4 =	sor.u32 s0, s2;
	s2 =	rddreg [dreg:$0x2];
	s7 =	smul.u32 $0x140000, s0  }
0xb: {  	_ =	strace $0x8000004A;
	s0 =	ssub.s32 $0x2, s0;
	s11 =	sor.u32 $0x1C11, s26  }
0xc: {  	s26 =	simm.s32 $0x11000;
	s5 =	smul.u32 $0x500, s4;
	s4 =	sadd.s32 $0xBA00, s1  }
0xd: {  	s9 =	sshrl.u32 s6, $0x4;
	s10 =	sshrl.u32 s0, $0x1;
	[dreg:$0x5] =	wrdreg s11  }
0xe: {  	s7 =	sadd.s32 s6, s7;
	s9 =	sadd.s32 s9, s1;
	s0 =	ssub.s32 s0, s10  }
0xf: {  	s6 =	sshrl.u32 s6, $0x1;
	s10 =	simm.s32 $0x10;
	s8 =	sadd.s32 s5, s1  }
0x10: {  	s7 =	sshrl.u32 s7, $0x4;
	s6 =	sadd.s32 s6, s2;
	s25 =	sadd.s32 $0x1FA00, s9  }
0x11: {  	s3 =	sadd.s32 s3, s5;
	s0 =	smax.u32 s0, $0x1;
	[dreg:$0x4] =	wrdreg s25  }
0x12: {  	s9 =	simm.s32 $0xF;
	s1 =	sadd.s32 s7, s1;
	[dreg:$0x6] =	wrdreg s3  }
0x13: {  	s5 =	sadd.s32 $0x1A00, s8;
	[dreg:$0x9] =	wrdreg s0;
	s12 =	sshrl.u32 s6, $0x3  }
0x14: {  	s0 =	simm.s32 $0x9;
	s6 =	simm.s32 $0x0;
	[dreg:$0x7] =	wrdreg s5  }
0x15: {  	s25 =	simm.s32 $0x5;
	s7 =	simm.s32 $0xE;
	[dreg:$0xb] =	wrdreg s6  }
0x16: {  	s8 =	simm.s32 $0x8;
	s1 =	sadd.s32 $0x33A00, s1;
	[dreg:$0xa] =	wrdreg s12  }
0x17: {  	s5 =	simm.s32 $0xD;
	[dreg:$0x8] =	wrdreg s1;
	s1 =	simm.s32 $0x6  }
.LBB2_1:
0x18: {  	s3 =	simm.s32 $0x11;
	s6 =	rddreg [dreg:$0x4]  }
0x19: {  	[spmem:s12], [sflag:s11] =	dma.local [hbm:s6], $0x1400  }
0x1a: {  	_ =	swait.ge [sflag:s3], $0x1400  }
0x1b: {  	[sflag:s3] =	ssyncset.done $0x0  }
0x1c: {  	s6 =	simm.s32 $0x0;
	s12 =	rddreg [dreg:$0x6];
	[sflag:s3] =	ssyncadd.s32 $0xFFFFEC00  }
0x1d: {  	[tilespmem:s6], [sflag:$0x11] =	stream.linear.gather [hbm4b:s12+s6], $0x2800, $0x38;
	[tilespmem:$0x1F000] =	vst v63  }
0x1e: {  	_ =	swait.ge [sflag:s3], $0x2800  }
0x1f: {  	[sflag:s3] =	ssyncset.done $0x0  }
0x20: {  	s12 =	simm.s32 $0x2800;
	s11 =	rddreg [dreg:$0x7];
	[sflag:s3] =	ssyncadd.s32 $0xFFFFD800  }
0x21: {  	[tilespmem:s12], [sflag:$0x11] =	stream.linear.gather [hbm4b:s11+s6], $0x2800, $0x38;
	[tilespmem:$0x1F000] =	vst v63  }
0x22: {  	_ =	swait.ge [sflag:s3], $0x2800  }
0x23: {  	[sflag:s3] =	ssyncset.done $0x0  }
0x24: {  	[sflag:s3] =	ssyncadd.s32 $0xFFFFD800  }
0x25: {  	[bflag:$0x0] =	sbarrier.arrive $0xFFFF  }
0x26: {  	[tilespmem:s15], [sflag:$0x1] =	stream.indirect.gather [hbm4b:s4+s14], $0x40, s6, s14, $0xb8;
	[tilespmem:$0x1F000] =	vst v63  }
0x27: {  	_ = 	snop  }
0x28: {  	[tilespmem:s16], [sflag:$0x2] =	stream.indirect.gather [hbm4b:s4+s14], $0x40, s14, s14, $0xb8;
	[tilespmem:$0x1F000] =	vst v63  }
0x29: {  	s11 =	simm.s32 $0x100  }
0x2a: {  	[tilespmem:s18], [sflag:$0x3] =	stream.indirect.gather [hbm4b:s4+s14], $0x40, s11, s14, $0xb8;
	[tilespmem:$0x1F000] =	vst v63  }
0x2b: {  	s6 =	simm.s32 $0x180  }
0x2c: {  	[tilespmem:s20], [sflag:$0x4] =	stream.indirect.gather [hbm4b:s4+s14], $0x40, s6, s14, $0xb8;
	[tilespmem:$0x1F000] =	vst v63  }
0x2d: {  	s11 =	simm.s32 $0x200  }
0x2e: {  	[tilespmem:s22], [sflag:$0x5] =	stream.indirect.gather [hbm4b:s4+s14], $0x40, s11, s14, $0xb8;
	[tilespmem:$0x1F000] =	vst v63  }
0x2f: {  	s6 =	simm.s32 $0x280  }
0x30: {  	[tilespmem:s24], [sflag:$0x6] =	stream.indirect.gather [hbm4b:s4+s14], $0x40, s6, s14, $0xb8;
	[tilespmem:$0x1F000] =	vst v63  }
0x31: {  	s11 =	simm.s32 $0x300  }
0x32: {  	[tilespmem:s26], [sflag:$0x7] =	stream.indirect.gather [hbm4b:s4+s14], $0x40, s11, s14, $0xb8;
	[tilespmem:$0x1F000] =	vst v63  }
0x33: {  	_ =	swait.ge [sflag:s28], $0x2000  }
0x34: {  	[sflag:s28] =	ssyncset.done $0x0  }
0x35: {  	[sflag:s28] =	ssyncadd.s32 $0xFFFFE000  }
0x36: {  	[spmem:s2] =	stream.indirect.scatter.add.bf16 [tilespmem:s15], [sflag:$0x9], $0x40, s12, s14, $0xb8;
	[tilespmem:$0x1F000] =	vst v63  }
0x37: {  	s6 =	simm.s32 $0x380  }
0x38: {  	[tilespmem:s30], [sflag:$0x8] =	stream.indirect.gather [hbm4b:s4+s14], $0x40, s6, s14, $0xb8;
	[tilespmem:$0x1F000] =	vst v63  }
0x39: {  	_ =	swait.ge [sflag:s31], $0x2000  }
0x3a: {  	[sflag:s31] =	ssyncset.done $0x0  }
0x3b: {  	s11 =	simm.s32 $0x2880;
	[sflag:s31] =	ssyncadd.s32 $0xFFFFE000  }
0x3c: {  	[spmem:s2] =	stream.indirect.scatter.add.bf16 [tilespmem:s16], [sflag:$0xA], $0x40, s11, s14, $0xb8;
	[tilespmem:$0x1F000] =	vst v63  }
0x3d: {  	_ =	swait.ge [sflag:s0], $0x2000  }
0x3e: {  	[sflag:s0] =	ssyncset.done $0x0  }
0x3f: {  	s12 =	simm.s32 $0x400;
	[sflag:s0] =	ssyncadd.s32 $0xFFFFE000  }
0x40: {  	[tilespmem:s15], [sflag:$0x1] =	stream.indirect.gather [hbm4b:s4+s14], $0x40, s12, s14, $0xb8;
	[tilespmem:$0x1F000] =	vst v63  }
0x41: {  	_ =	swait.ge [sflag:s19], $0x2000  }
0x42: {  	[sflag:s19] =	ssyncset.done $0x0  }
0x43: {  	s6 =	simm.s32 $0x2900;
	[sflag:s19] =	ssyncadd.s32 $0xFFFFE000  }
0x44: {  	[spmem:s2] =	stream.indirect.scatter.add.bf16 [tilespmem:s18], [sflag:$0xB], $0x40, s6, s14, $0xb8;
	[tilespmem:$0x1F000] =	vst v63  }
0x45: {  	_ =	swait.ge [sflag:s23], $0x2000  }
0x46: {  	[sflag:s23] =	ssyncset.done $0x0  }
0x47: {  	s11 =	simm.s32 $0x480;
	[sflag:s23] =	ssyncadd.s32 $0xFFFFE000  }
0x48: {  	[tilespmem:s16], [sflag:$0x2] =	stream.indirect.gather [hbm4b:s4+s14], $0x40, s11, s14, $0xb8;
	[tilespmem:$0x1F000] =	vst v63  }
0x49: {  	_ =	swait.ge [sflag:s29], $0x2000  }
0x4a: {  	[sflag:s29] =	ssyncset.done $0x0  }
0x4b: {  	s12 =	simm.s32 $0x2980;
	[sflag:s29] =	ssyncadd.s32 $0xFFFFE000  }
0x4c: {  	[spmem:s2] =	stream.indirect.scatter.add.bf16 [tilespmem:s20], [sflag:$0xC], $0x40, s12, s14, $0xb8;
	[tilespmem:$0x1F000] =	vst v63  }
0x4d: {  	_ =	swait.ge [sflag:s17], $0x2000  }
0x4e: {  	[sflag:s17] =	ssyncset.done $0x0  }
0x4f: {  	s6 =	simm.s32 $0x500;
	[sflag:s17] =	ssyncadd.s32 $0xFFFFE000  }
0x50: {  	[tilespmem:s18], [sflag:$0x3] =	stream.indirect.gather [hbm4b:s4+s14], $0x40, s6, s14, $0xb8;
	[tilespmem:$0x1F000] =	vst v63  }
0x51: {  	_ =	swait.ge [sflag:s25], $0x2000  }
0x52: {  	[sflag:s25] =	ssyncset.done $0x0  }
0x53: {  	s11 =	simm.s32 $0x2A00;
	[sflag:s25] =	ssyncadd.s32 $0xFFFFE000  }
0x54: {  	[spmem:s2] =	stream.indirect.scatter.add.bf16 [tilespmem:s22], [sflag:$0xD], $0x40, s11, s14, $0xb8;
	[tilespmem:$0x1F000] =	vst v63  }
0x55: {  	_ =	swait.ge [sflag:s21], $0x2000  }
0x56: {  	[sflag:s21] =	ssyncset.done $0x0  }
0x57: {  	s12 =	simm.s32 $0x580;
	[sflag:s21] =	ssyncadd.s32 $0xFFFFE000  }
0x58: {  	[tilespmem:s20], [sflag:$0x4] =	stream.indirect.gather [hbm4b:s4+s14], $0x40, s12, s14, $0xb8;
	[tilespmem:$0x1F000] =	vst v63  }
0x59: {  	_ =	swait.ge [sflag:s1], $0x2000  }
0x5a: {  	[sflag:s1] =	ssyncset.done $0x0  }
0x5b: {  	s6 =	simm.s32 $0x2A80;
	[sflag:s1] =	ssyncadd.s32 $0xFFFFE000  }
0x5c: {  	[spmem:s2] =	stream.indirect.scatter.add.bf16 [tilespmem:s24], [sflag:$0xE], $0x40, s6, s14, $0xb8;
	[tilespmem:$0x1F000] =	vst v63  }
0x5d: {  	_ =	swait.ge [sflag:s5], $0x2000  }
0x5e: {  	[sflag:s5] =	ssyncset.done $0x0  }
0x5f: {  	s11 =	simm.s32 $0x600;
	[sflag:s5] =	ssyncadd.s32 $0xFFFFE000  }
0x60: {  	[tilespmem:s22], [sflag:$0x5] =	stream.indirect.gather [hbm4b:s4+s14], $0x40, s11, s14, $0xb8;
	[tilespmem:$0x1F000] =	vst v63  }
0x61: {  	_ =	swait.ge [sflag:s13], $0x2000  }
0x62: {  	[sflag:s13] =	ssyncset.done $0x0  }
0x63: {  	s12 =	simm.s32 $0x2B00;
	[sflag:s13] =	ssyncadd.s32 $0xFFFFE000  }
0x64: {  	[spmem:s2] =	stream.indirect.scatter.add.bf16 [tilespmem:s26], [sflag:$0xF], $0x40, s12, s14, $0xb8;
	[tilespmem:$0x1F000] =	vst v63  }
0x65: {  	_ =	swait.ge [sflag:s7], $0x2000  }
0x66: {  	[sflag:s7] =	ssyncset.done $0x0  }
0x67: {  	s6 =	simm.s32 $0x680;
	[sflag:s7] =	ssyncadd.s32 $0xFFFFE000  }
0x68: {  	[tilespmem:s24], [sflag:$0x6] =	stream.indirect.gather [hbm4b:s4+s14], $0x40, s6, s14, $0xb8;
	[tilespmem:$0x1F000] =	vst v63  }
0x69: {  	_ =	swait.ge [sflag:s8], $0x2000  }
0x6a: {  	[sflag:s8] =	ssyncset.done $0x0  }
0x6b: {  	s11 =	simm.s32 $0x2B80;
	[sflag:s8] =	ssyncadd.s32 $0xFFFFE000  }
0x6c: {  	[spmem:s2] =	stream.indirect.scatter.add.bf16 [tilespmem:s30], [sflag:$0x10], $0x40, s11, s14, $0xb8;
	[tilespmem:$0x1F000] =	vst v63  }
0x6d: {  	_ =	swait.ge [sflag:s9], $0x2000  }
0x6e: {  	[sflag:s9] =	ssyncset.done $0x0  }
0x6f: {  	s12 =	simm.s32 $0x700;
	[sflag:s9] =	ssyncadd.s32 $0xFFFFE000  }
0x70: {  	[tilespmem:s26], [sflag:$0x7] =	stream.indirect.gather [hbm4b:s4+s14], $0x40, s12, s14, $0xb8;
	[tilespmem:$0x1F000] =	vst v63  }
0x71: {  	_ =	swait.ge [sflag:s28], $0x2000  }
0x72: {  	[sflag:s28] =	ssyncset.done $0x0  }
0x73: {  	s3 =	simm.s32 $0x2C00;
	[sflag:s28] =	ssyncadd.s32 $0xFFFFE000  }
0x74: {  	[spmem:s2] =	stream.indirect.scatter.add.bf16 [tilespmem:s15], [sflag:$0x9], $0x40, s3, s14, $0xb8;
	[tilespmem:$0x1F000] =	vst v63  }
0x75: {  	_ =	swait.ge [sflag:s10], $0x2000  }
0x76: {  	[sflag:s10] =	ssyncset.done $0x0  }
0x77: {  	s11 =	simm.s32 $0x780;
	[sflag:s10] =	ssyncadd.s32 $0xFFFFE000  }
0x78: {  	[tilespmem:s30], [sflag:$0x8] =	stream.indirect.gather [hbm4b:s4+s14], $0x40, s11, s14, $0xb8;
	[tilespmem:$0x1F000] =	vst v63  }
0x79: {  	_ =	swait.ge [sflag:s31], $0x2000  }
0x7a: {  	[sflag:s31] =	ssyncset.done $0x0  }
0x7b: {  	s12 =	simm.s32 $0x2C80;
	[sflag:s31] =	ssyncadd.s32 $0xFFFFE000  }
0x7c: {  	[spmem:s2] =	stream.indirect.scatter.add.bf16 [tilespmem:s16], [sflag:$0xA], $0x40, s12, s14, $0xb8;
	[tilespmem:$0x1F000] =	vst v63  }
0x7d: {  	_ =	swait.ge [sflag:s0], $0x2000  }
0x7e: {  	[sflag:s0] =	ssyncset.done $0x0  }
0x7f: {  	s3 =	simm.s32 $0x800;
	[sflag:s0] =	ssyncadd.s32 $0xFFFFE000  }
0x80: {  	[tilespmem:s15], [sflag:$0x1] =	stream.indirect.gather [hbm4b:s4+s14], $0x40, s3, s14, $0xb8;
	[tilespmem:$0x1F000] =	vst v63  }
0x81: {  	_ =	swait.ge [sflag:s19], $0x2000  }
0x82: {  	[sflag:s19] =	ssyncset.done $0x0  }
0x83: {  	s11 =	simm.s32 $0x2D00;
	[sflag:s19] =	ssyncadd.s32 $0xFFFFE000  }
0x84: {  	[spmem:s2] =	stream.indirect.scatter.add.bf16 [tilespmem:s18], [sflag:$0xB], $0x40, s11, s14, $0xb8;
	[tilespmem:$0x1F000] =	vst v63  }
0x85: {  	_ =	swait.ge [sflag:s23], $0x2000  }
0x86: {  	[sflag:s23] =	ssyncset.done $0x0  }
0x87: {  	s12 =	simm.s32 $0x880;
	[sflag:s23] =	ssyncadd.s32 $0xFFFFE000  }
0x88: {  	[tilespmem:s16], [sflag:$0x2] =	stream.indirect.gather [hbm4b:s4+s14], $0x40, s12, s14, $0xb8;
	[tilespmem:$0x1F000] =	vst v63  }
0x89: {  	_ =	swait.ge [sflag:s29], $0x2000  }
0x8a: {  	[sflag:s29] =	ssyncset.done $0x0  }
0x8b: {  	s3 =	simm.s32 $0x2D80;
	[sflag:s29] =	ssyncadd.s32 $0xFFFFE000  }
0x8c: {  	[spmem:s2] =	stream.indirect.scatter.add.bf16 [tilespmem:s20], [sflag:$0xC], $0x40, s3, s14, $0xb8;
	[tilespmem:$0x1F000] =	vst v63  }
0x8d: {  	_ =	swait.ge [sflag:s17], $0x2000  }
0x8e: {  	[sflag:s17] =	ssyncset.done $0x0  }
0x8f: {  	s11 =	simm.s32 $0x900;
	[sflag:s17] =	ssyncadd.s32 $0xFFFFE000  }
0x90: {  	[tilespmem:s18], [sflag:$0x3] =	stream.indirect.gather [hbm4b:s4+s14], $0x40, s11, s14, $0xb8;
	[tilespmem:$0x1F000] =	vst v63  }
0x91: {  	_ =	swait.ge [sflag:s25], $0x2000  }
0x92: {  	[sflag:s25] =	ssyncset.done $0x0  }
0x93: {  	s12 =	simm.s32 $0x2E00;
	[sflag:s25] =	ssyncadd.s32 $0xFFFFE000  }
0x94: {  	[spmem:s2] =	stream.indirect.scatter.add.bf16 [tilespmem:s22], [sflag:$0xD], $0x40, s12, s14, $0xb8;
	[tilespmem:$0x1F000] =	vst v63  }
0x95: {  	_ =	swait.ge [sflag:s21], $0x2000  }
0x96: {  	[sflag:s21] =	ssyncset.done $0x0  }
0x97: {  	s3 =	simm.s32 $0x980;
	[sflag:s21] =	ssyncadd.s32 $0xFFFFE000  }
0x98: {  	[tilespmem:s20], [sflag:$0x4] =	stream.indirect.gather [hbm4b:s4+s14], $0x40, s3, s14, $0xb8;
	[tilespmem:$0x1F000] =	vst v63  }
0x99: {  	_ =	swait.ge [sflag:s1], $0x2000  }
0x9a: {  	[sflag:s1] =	ssyncset.done $0x0  }
0x9b: {  	s11 =	simm.s32 $0x2E80;
	[sflag:s1] =	ssyncadd.s32 $0xFFFFE000  }
0x9c: {  	[spmem:s2] =	stream.indirect.scatter.add.bf16 [tilespmem:s24], [sflag:$0xE], $0x40, s11, s14, $0xb8;
	[tilespmem:$0x1F000] =	vst v63  }
0x9d: {  	_ =	swait.ge [sflag:s5], $0x2000  }
0x9e: {  	[sflag:s5] =	ssyncset.done $0x0  }
0x9f: {  	s12 =	simm.s32 $0xA00;
	[sflag:s5] =	ssyncadd.s32 $0xFFFFE000  }
0xa0: {  	[tilespmem:s22], [sflag:$0x5] =	stream.indirect.gather [hbm4b:s4+s14], $0x40, s12, s14, $0xb8;
	[tilespmem:$0x1F000] =	vst v63  }
0xa1: {  	_ =	swait.ge [sflag:s13], $0x2000  }
0xa2: {  	[sflag:s13] =	ssyncset.done $0x0  }
0xa3: {  	s3 =	simm.s32 $0x2F00;
	[sflag:s13] =	ssyncadd.s32 $0xFFFFE000  }
0xa4: {  	[spmem:s2] =	stream.indirect.scatter.add.bf16 [tilespmem:s26], [sflag:$0xF], $0x40, s3, s14, $0xb8;
	[tilespmem:$0x1F000] =	vst v63  }
0xa5: {  	_ =	swait.ge [sflag:s7], $0x2000  }
0xa6: {  	[sflag:s7] =	ssyncset.done $0x0  }
0xa7: {  	s11 =	simm.s32 $0xA80;
	[sflag:s7] =	ssyncadd.s32 $0xFFFFE000  }
0xa8: {  	[tilespmem:s24], [sflag:$0x6] =	stream.indirect.gather [hbm4b:s4+s14], $0x40, s11, s14, $0xb8;
	[tilespmem:$0x1F000] =	vst v63  }
0xa9: {  	_ =	swait.ge [sflag:s8], $0x2000  }
0xaa: {  	[sflag:s8] =	ssyncset.done $0x0  }
0xab: {  	s12 =	simm.s32 $0x2F80;
	[sflag:s8] =	ssyncadd.s32 $0xFFFFE000  }
0xac: {  	[spmem:s2] =	stream.indirect.scatter.add.bf16 [tilespmem:s30], [sflag:$0x10], $0x40, s12, s14, $0xb8;
	[tilespmem:$0x1F000] =	vst v63  }
0xad: {  	_ =	swait.ge [sflag:s9], $0x2000  }
0xae: {  	[sflag:s9] =	ssyncset.done $0x0  }
0xaf: {  	s6 =	simm.s32 $0x1000;
	s11 =	simm.s32 $0xB00;
	[sflag:s9] =	ssyncadd.s32 $0xFFFFE000  }
.LBB2_2:
0xb0: {  	[tilespmem:s26], [sflag:$0x7] =	stream.indirect.gather [hbm4b:s4+s14], $0x40, s11, s14, $0xb8;
	[tilespmem:$0x1F000] =	vst v63  }
0xb1: {  	s11 =	smov.u32 s6  }
0xb2: {  	p0 =	sne.s32 s6, $0x7000;
	s6 =	sadd.s32 $0x1000, s6;
	_ =	swait.ge [sflag:s28], $0x2000  }
0xb3: {  	s11 =	sshra.s32 s11, $0x2;
	[sflag:s28] =	ssyncset.done $0x0  }
0xb4: {  	s12 =	sadd.s32 $0x2C00, s11;
	[sflag:s28] =	ssyncadd.s32 $0xFFFFE000  }
0xb5: {  	[spmem:s2] =	stream.indirect.scatter.add.bf16 [tilespmem:s15], [sflag:$0x9], $0x40, s12, s14, $0xb8;
	[tilespmem:$0x1F000] =	vst v63  }
0xb6: {  	_ =	swait.ge [sflag:s10], $0x2000  }
0xb7: {  	[sflag:s10] =	ssyncset.done $0x0  }
0xb8: {  	s12 =	sadd.s32 $0x780, s11;
	[sflag:s10] =	ssyncadd.s32 $0xFFFFE000  }
0xb9: {  	[tilespmem:s30], [sflag:$0x8] =	stream.indirect.gather [hbm4b:s4+s14], $0x40, s12, s14, $0xb8;
	[tilespmem:$0x1F000] =	vst v63  }
0xba: {  	_ =	swait.ge [sflag:s31], $0x2000  }
0xbb: {  	[sflag:s31] =	ssyncset.done $0x0  }
0xbc: {  	s12 =	sadd.s32 $0x2C80, s11;
	[sflag:s31] =	ssyncadd.s32 $0xFFFFE000  }
0xbd: {  	[spmem:s2] =	stream.indirect.scatter.add.bf16 [tilespmem:s16], [sflag:$0xA], $0x40, s12, s14, $0xb8;
	[tilespmem:$0x1F000] =	vst v63  }
0xbe: {  	_ =	swait.ge [sflag:s0], $0x2000  }
0xbf: {  	[sflag:s0] =	ssyncset.done $0x0  }
0xc0: {  	s12 =	sadd.s32 $0x800, s11;
	[sflag:s0] =	ssyncadd.s32 $0xFFFFE000  }
0xc1: {  	[tilespmem:s15], [sflag:$0x1] =	stream.indirect.gather [hbm4b:s4+s14], $0x40, s12, s14, $0xb8;
	[tilespmem:$0x1F000] =	vst v63  }
0xc2: {  	_ =	swait.ge [sflag:s19], $0x2000  }
0xc3: {  	[sflag:s19] =	ssyncset.done $0x0  }
0xc4: {  	s12 =	sadd.s32 $0x2D00, s11;
	[sflag:s19] =	ssyncadd.s32 $0xFFFFE000  }
0xc5: {  	[spmem:s2] =	stream.indirect.scatter.add.bf16 [tilespmem:s18], [sflag:$0xB], $0x40, s12, s14, $0xb8;
	[tilespmem:$0x1F000] =	vst v63  }
0xc6: {  	_ =	swait.ge [sflag:s23], $0x2000  }
0xc7: {  	[sflag:s23] =	ssyncset.done $0x0  }
0xc8: {  	s12 =	sadd.s32 $0x880, s11;
	[sflag:s23] =	ssyncadd.s32 $0xFFFFE000  }
0xc9: {  	[tilespmem:s16], [sflag:$0x2] =	stream.indirect.gather [hbm4b:s4+s14], $0x40, s12, s14, $0xb8;
	[tilespmem:$0x1F000] =	vst v63  }
0xca: {  	_ =	swait.ge [sflag:s29], $0x2000  }
0xcb: {  	[sflag:s29] =	ssyncset.done $0x0  }
0xcc: {  	s12 =	sadd.s32 $0x2D80, s11;
	[sflag:s29] =	ssyncadd.s32 $0xFFFFE000  }
0xcd: {  	[spmem:s2] =	stream.indirect.scatter.add.bf16 [tilespmem:s20], [sflag:$0xC], $0x40, s12, s14, $0xb8;
	[tilespmem:$0x1F000] =	vst v63  }
0xce: {  	_ =	swait.ge [sflag:s17], $0x2000  }
0xcf: {  	[sflag:s17] =	ssyncset.done $0x0  }
0xd0: {  	s12 =	sadd.s32 $0x900, s11;
	[sflag:s17] =	ssyncadd.s32 $0xFFFFE000  }
0xd1: {  	[tilespmem:s18], [sflag:$0x3] =	stream.indirect.gather [hbm4b:s4+s14], $0x40, s12, s14, $0xb8;
	[tilespmem:$0x1F000] =	vst v63  }
0xd2: {  	_ =	swait.ge [sflag:s25], $0x2000  }
0xd3: {  	[sflag:s25] =	ssyncset.done $0x0  }
0xd4: {  	s12 =	sadd.s32 $0x2E00, s11;
	[sflag:s25] =	ssyncadd.s32 $0xFFFFE000  }
0xd5: {  	[spmem:s2] =	stream.indirect.scatter.add.bf16 [tilespmem:s22], [sflag:$0xD], $0x40, s12, s14, $0xb8;
	[tilespmem:$0x1F000] =	vst v63  }
0xd6: {  	_ =	swait.ge [sflag:s21], $0x2000  }
0xd7: {  	[sflag:s21] =	ssyncset.done $0x0  }
0xd8: {  	s12 =	sadd.s32 $0x980, s11;
	[sflag:s21] =	ssyncadd.s32 $0xFFFFE000  }
0xd9: {  	[tilespmem:s20], [sflag:$0x4] =	stream.indirect.gather [hbm4b:s4+s14], $0x40, s12, s14, $0xb8;
	[tilespmem:$0x1F000] =	vst v63  }
0xda: {  	_ =	swait.ge [sflag:s1], $0x2000  }
0xdb: {  	[sflag:s1] =	ssyncset.done $0x0  }
0xdc: {  	s12 =	sadd.s32 $0x2E80, s11;
	[sflag:s1] =	ssyncadd.s32 $0xFFFFE000  }
0xdd: {  	[spmem:s2] =	stream.indirect.scatter.add.bf16 [tilespmem:s24], [sflag:$0xE], $0x40, s12, s14, $0xb8;
	[tilespmem:$0x1F000] =	vst v63  }
0xde: {  	_ =	swait.ge [sflag:s5], $0x2000  }
0xdf: {  	[sflag:s5] =	ssyncset.done $0x0  }
0xe0: {  	s12 =	sadd.s32 $0xA00, s11;
	[sflag:s5] =	ssyncadd.s32 $0xFFFFE000  }
0xe1: {  	[tilespmem:s22], [sflag:$0x5] =	stream.indirect.gather [hbm4b:s4+s14], $0x40, s12, s14, $0xb8;
	[tilespmem:$0x1F000] =	vst v63  }
0xe2: {  	_ =	swait.ge [sflag:s13], $0x2000  }
0xe3: {  	[sflag:s13] =	ssyncset.done $0x0  }
0xe4: {  	s12 =	sadd.s32 $0x2F00, s11;
	[sflag:s13] =	ssyncadd.s32 $0xFFFFE000  }
0xe5: {  	[spmem:s2] =	stream.indirect.scatter.add.bf16 [tilespmem:s26], [sflag:$0xF], $0x40, s12, s14, $0xb8;
	[tilespmem:$0x1F000] =	vst v63  }
0xe6: {  	_ =	swait.ge [sflag:s7], $0x2000  }
0xe7: {  	[sflag:s7] =	ssyncset.done $0x0  }
0xe8: {  	s12 =	sadd.s32 $0xA80, s11;
	[sflag:s7] =	ssyncadd.s32 $0xFFFFE000  }
0xe9: {  	[tilespmem:s24], [sflag:$0x6] =	stream.indirect.gather [hbm4b:s4+s14], $0x40, s12, s14, $0xb8;
	[tilespmem:$0x1F000] =	vst v63  }
0xea: {  	_ =	swait.ge [sflag:s8], $0x2000  }
0xeb: {  	[sflag:s8] =	ssyncset.done $0x0  }
.Ltmp0:
0xec: {  	s12 =	sadd.s32 $0x2F80, s11;
	[sflag:s8] =	ssyncadd.s32 $0xFFFFE000;
	(pc) =	sbr.rel @p0 .LBB2_2-.Ltmp0, $4  }
0xed: {  	[spmem:s2] =	stream.indirect.scatter.add.bf16 [tilespmem:s30], [sflag:$0x10], $0x40, s12, s14, $0xb8;
	[tilespmem:$0x1F000] =	vst v63  }
0xee: {  	_ =	swait.ge [sflag:s9], $0x2000  }
0xef: {  	[sflag:s9] =	ssyncset.done $0x0  }
0xf0: {  	s11 =	sadd.s32 $0xB00, s11;
	[sflag:s9] =	ssyncadd.s32 $0xFFFFE000  }
0xf1: {  	[tilespmem:s26], [sflag:$0x7] =	stream.indirect.gather [hbm4b:s4+s14], $0x40, s11, s14, $0xb8;
	[tilespmem:$0x1F000] =	vst v63  }
0xf2: {  	_ =	swait.ge [sflag:s28], $0x2000  }
0xf3: {  	[sflag:s28] =	ssyncset.done $0x0  }
0xf4: {  	s3 =	simm.s32 $0x4C00;
	[sflag:s28] =	ssyncadd.s32 $0xFFFFE000  }
0xf5: {  	[spmem:s2] =	stream.indirect.scatter.add.bf16 [tilespmem:s15], [sflag:$0x9], $0x40, s3, s14, $0xb8;
	[tilespmem:$0x1F000] =	vst v63  }
0xf6: {  	_ =	swait.ge [sflag:s10], $0x2000  }
0xf7: {  	[sflag:s10] =	ssyncset.done $0x0  }
0xf8: {  	s11 =	simm.s32 $0x2780;
	[sflag:s10] =	ssyncadd.s32 $0xFFFFE000  }
0xf9: {  	[tilespmem:s30], [sflag:$0x8] =	stream.indirect.gather [hbm4b:s4+s14], $0x40, s11, s14, $0xb8;
	[tilespmem:$0x1F000] =	vst v63  }
0xfa: {  	_ =	swait.ge [sflag:s31], $0x2000  }
0xfb: {  	[sflag:s31] =	ssyncset.done $0x0  }
0xfc: {  	s12 =	simm.s32 $0x4C80;
	[sflag:s31] =	ssyncadd.s32 $0xFFFFE000  }
0xfd: {  	[spmem:s2] =	stream.indirect.scatter.add.bf16 [tilespmem:s16], [sflag:$0xA], $0x40, s12, s14, $0xb8;
	[tilespmem:$0x1F000] =	vst v63  }
0xfe: {  	_ =	swait.ge [sflag:s19], $0x2000  }
0xff: {  	[sflag:s19] =	ssyncset.done $0x0  }
0x100: {  	s6 =	simm.s32 $0x4D00;
	[sflag:s19] =	ssyncadd.s32 $0xFFFFE000  }
0x101: {  	[spmem:s2] =	stream.indirect.scatter.add.bf16 [tilespmem:s18], [sflag:$0xB], $0x40, s6, s14, $0xb8;
	[tilespmem:$0x1F000] =	vst v63  }
0x102: {  	_ =	swait.ge [sflag:s29], $0x2000  }
0x103: {  	[sflag:s29] =	ssyncset.done $0x0  }
0x104: {  	s11 =	simm.s32 $0x4D80;
	[sflag:s29] =	ssyncadd.s32 $0xFFFFE000  }
0x105: {  	[spmem:s2] =	stream.indirect.scatter.add.bf16 [tilespmem:s20], [sflag:$0xC], $0x40, s11, s14, $0xb8;
	[tilespmem:$0x1F000] =	vst v63  }
0x106: {  	_ =	swait.ge [sflag:s25], $0x2000  }
0x107: {  	[sflag:s25] =	ssyncset.done $0x0  }
0x108: {  	s12 =	simm.s32 $0x4E00;
	[sflag:s25] =	ssyncadd.s32 $0xFFFFE000  }
0x109: {  	[spmem:s2] =	stream.indirect.scatter.add.bf16 [tilespmem:s22], [sflag:$0xD], $0x40, s12, s14, $0xb8;
	[tilespmem:$0x1F000] =	vst v63  }
0x10a: {  	_ =	swait.ge [sflag:s1], $0x2000  }
0x10b: {  	[sflag:s1] =	ssyncset.done $0x0  }
0x10c: {  	s6 =	simm.s32 $0x4E80;
	[sflag:s1] =	ssyncadd.s32 $0xFFFFE000  }
0x10d: {  	[spmem:s2] =	stream.indirect.scatter.add.bf16 [tilespmem:s24], [sflag:$0xE], $0x40, s6, s14, $0xb8;
	[tilespmem:$0x1F000] =	vst v63  }
0x10e: {  	_ =	swait.ge [sflag:s13], $0x2000  }
0x10f: {  	[sflag:s13] =	ssyncset.done $0x0  }
0x110: {  	s11 =	simm.s32 $0x4F00;
	[sflag:s13] =	ssyncadd.s32 $0xFFFFE000  }
0x111: {  	[spmem:s2] =	stream.indirect.scatter.add.bf16 [tilespmem:s26], [sflag:$0xF], $0x40, s11, s14, $0xb8;
	[tilespmem:$0x1F000] =	vst v63  }
0x112: {  	_ =	swait.ge [sflag:s8], $0x2000  }
0x113: {  	[sflag:s8] =	ssyncset.done $0x0  }
0x114: {  	s12 =	simm.s32 $0x4F80;
	[sflag:s8] =	ssyncadd.s32 $0xFFFFE000  }
0x115: {  	[spmem:s2] =	stream.indirect.scatter.add.bf16 [tilespmem:s30], [sflag:$0x10], $0x40, s12, s14, $0xb8;
	[tilespmem:$0x1F000] =	vst v63  }
0x116: {  	_ =	swait.ge [sflag:s0], $0x2000  }
0x117: {  	[sflag:s0] =	ssyncset.done $0x0  }
0x118: {  	[sflag:s0] =	ssyncadd.s32 $0xFFFFE000  }
0x119: {  	_ =	swait.ge [sflag:s23], $0x2000  }
0x11a: {  	[sflag:s23] =	ssyncset.done $0x0  }
0x11b: {  	[sflag:s23] =	ssyncadd.s32 $0xFFFFE000  }
0x11c: {  	_ =	swait.ge [sflag:s17], $0x2000  }
0x11d: {  	[sflag:s17] =	ssyncset.done $0x0  }
0x11e: {  	[sflag:s17] =	ssyncadd.s32 $0xFFFFE000  }
0x11f: {  	_ =	swait.ge [sflag:s21], $0x2000  }
0x120: {  	[sflag:s21] =	ssyncset.done $0x0  }
0x121: {  	[sflag:s21] =	ssyncadd.s32 $0xFFFFE000  }
0x122: {  	_ =	swait.ge [sflag:s5], $0x2000  }
0x123: {  	[sflag:s5] =	ssyncset.done $0x0  }
0x124: {  	[sflag:s5] =	ssyncadd.s32 $0xFFFFE000  }
0x125: {  	_ =	swait.ge [sflag:s7], $0x2000  }
0x126: {  	[sflag:s7] =	ssyncset.done $0x0  }
0x127: {  	[sflag:s7] =	ssyncadd.s32 $0xFFFFE000  }
0x128: {  	_ =	swait.ge [sflag:s9], $0x2000  }
0x129: {  	[sflag:s9] =	ssyncset.done $0x0  }
0x12a: {  	[sflag:s9] =	ssyncadd.s32 $0xFFFFE000  }
0x12b: {  	_ =	swait.ge [sflag:s10], $0x2000  }
0x12c: {  	[sflag:s10] =	ssyncset.done $0x0  }
0x12d: {  	[sflag:s10] =	ssyncadd.s32 $0xFFFFE000  }
0x12e: {  	[bflag:$0x0] =	sbarrier.arrive $0xFFFF  }
0x12f: {  	s11 =	rddreg [dreg:$0x5]  }
0x130: {  	s6 =	rddreg [dreg:$0x8]  }
0x131: {  	s12 =	rddreg [dreg:$0xa]  }
0x132: {  	[hbm:s6], [sflag:s11] =	dma.local [spmem:s12], $0x1400  }
0x133: {  	s6 =	simm.s32 $0x11  }
0x134: {  	_ =	swait.ge [sflag:s6], $0x1400  }
0x135: {  	s3 =	rddreg [dreg:$0xb]  }
0x136: {  	[sflag:s6] =	ssyncset.done $0x0;
	s6 =	rddreg [dreg:$0x9];
	s3 =	sadd.s32 $0x1, s3  }
0x137: {  	p0 =	sne.s32 s3, s6  }
.Ltmp1:
0x138: {  	_ = 	snop;
	(pc) =	sbr.rel @p0 .LBB2_1-.Ltmp1, $3  }
0x139: {  	_ =	sdelay $0x1  }
0x13a: {  	s6 =	simm.s32 $0x11  }
0x13b: {  	[dreg:$0xb] =	wrdreg s3;
	[sflag:s6] =	ssyncadd.s32 $0xFFFFEC00  }
0x13c: {  	_ =	sfence.sel $0x180000  }
0x13d: {  	[bflag:$0x0] =	sbarrier.arrive $0xFFFF  }
0x13e: {  	_ =	strace $0x9000004A  }
0x13f: {  	s0 =	stileid.u32;
	[bflag:$0x2] =	sbarrier.arrive $0xFFFF  }
0x140: {  	p0 =	sne.s32 s0, $0x0;
	s0 =	rddreg [dreg:$0x3]  }
0x141: {  	s0 =	sadd.s32 @!p0 $0x100000, s0  }
0x142: {  	[sflag:s0] =	ssyncadd.tile.s32 @!p0 $0x1;
	_ =	shalt  }
.Lfunc_end2:
_tile_overlayer_lowered:
.L_overlay_start_2:
0x143: {  	(tag) =	ssettag $0x2  }
0x144: {  	s0 =	rddreg [dreg:$0x0];
	s2 =	stileid.u32  }
0x145: {  	s1 =	rddreg [dreg:$0x1];
	p0 =	sne.s32 s2, $0x0  }
0x146: {  	s3 =	rddreg [dreg:$0x2];
	[bflag:$0x3] =	sbarrier.arrive $0xFFFF;
	s2 =	simm.s32 @!p0 $0x1C11  }
0x147: {  	[timem:s3], [sflag:s2] =	dma.local @!p0 [hbm:s0], s1  }
0x148: {  	s0 =	simm.s32 @!p0 $0x11  }
0x149: {  	_ =	swait.ge @!p0 [sflag:s0], s1  }
0x14a: {  	s1 =	ssub.s32 @!p0 $0x0, s1;
	[sflag:s0] =	ssyncset.done @!p0 $0x0  }
0x14b: {  	[sflag:s0] =	ssyncadd.s32 @!p0 s1  }
0x14c: {  	[bflag:$0x3] =	sbarrier.arrive $0xFFFF  }
0x14d: {  	_ =	shalt  }

// kernel: kernel.14.cloned.1.call-start
scs
__scs_entry_jumppad:
0x0: {  	(pc) =	sbr.rel $0x88, $3  }
0x1: {  	(tag) =	ssettag $0x0;
	lr =	simm.s32 $0x1  }
0x2: {  	[smem:$0x3F9B] =	sst lr;
	_ =	strace $0xD0000000  }
0x3: {  	_ = 	snop  }
0x4: {  	_ = 	snop  }
0x5: {  	_ = 	snop  }
0x6: {  	_ = 	snop  }
0x7: {  	_ = 	snop  }
__scs_overlays_trampoline_lowered:
0x8: {  	[smem:$0x3FAA] =	sst s0  }
0x9: {  	[smem:$0x3FAB] =	sst s1  }
0xa: {  	[smem:$0x3FAC] =	sst s2  }
0xb: {  	[smem:$0x3FAD] =	sst s3  }
0xc: {  	[smem:$0x3FAE] =	sst s4  }
0xd: {  	[smem:$0x3FAF] =	sst s5  }
0xe: {  	[smem:$0x3FB0] =	sst s6  }
0xf: {  	[smem:$0x3FB1] =	sst s7  }
0x10: {  	[smem:$0x3FB2] =	sst s8  }
0x11: {  	[smem:$0x3FB3] =	sst s9;
	s0 =	simm.s32 @!p0 $0x0  }
0x12: {  	s1 =	sld [smem:$0x3F99];
	s0 =	simm.s32 @p0 $0x1  }
0x13: {  	[smem:$0x3FB4] =	sst s0;
	s0 =	simm.s32 @!p1 $0x0  }
0x14: {  	s2 =	sld [smem:$0x3F98];
	s0 =	simm.s32 @p1 $0x1  }
0x15: {  	[smem:$0x3FB5] =	sst s0;
	s0 =	simm.s32 @!p2 $0x0  }
0x16: {  	s3 =	sld [smem:$0x3FDB];
	s0 =	simm.s32 @p2 $0x1  }
0x17: {  	s4 =	simm.s32 $0x1BF5;
	[smem:$0x3FB7] =	sst s0  }
0x18: {  	s0 =	sld [smem:$0x3F9A];
	_ =	swait.ge [sflag:s4], $0x0  }
0x19: {  	s7 =	sld [smem:$0x3F9B]  }
0x1a: {  	s8 =	sadd.s32 $0xFFFFE003, lr  }
0x1b: {  	s9 =	sadd.s32 $0xFFFFFEF7, lr;
	s5 =	simm.s32 $0xFFFFFFFF;
	p2 =	slt.u32 s8, $0xFFFFF086  }
0x1c: {  	p1 =	slt.u32 s9, $0xF7A;
	s5 =	simm.s32 @!p2 $0x0  }
0x1d: {  	s5 =	simm.s32 @p1 $0x1;
	p0 =	seq.s32 s7, s2  }
0x1e: {  	s7 =	smul.u32 @!p0 $0xF7A, s2;
	p2 =	seq.s32 @!p0 s5, $0x0  }
0x1f: {  	s9 =	smul.u32 $0xF7A, s1;
	s8 =	simm.s32 @!p0 $0x1BF5;
	p2 =	por !p2, p0  }
0x20: {  	[sflag:s8] =	ssyncset.s32 @!p0 $0xFFFFF086;
	s6 =	sadd.s32 @!p0 s3, s7;
	s7 =	simm.s32 @!p0 $0x108  }
0x21: {  	s3 =	sadd.s32 s3, s9;
	s6 =	sadd.s32 @!p0 $0x88, s6;
	s7 =	simm.s32 @p2 $0x1082  }
0x22: {  	[simem:s7], [sflag:s8] =	dma.local @!p0 [hbm:s6], $0xF7A  }
0x23: {  	s9 =	sor.u32 $0xD0000000, s2;
	s6 =	simm.s32 $0x108;
	_ =	swait.ge @!p0 [sflag:s8], $0x0  }
0x24: {  	s3 =	sadd.s32 $0x88, s3;
	s6 =	simm.s32 @!p1 $0x1082;
	[sflag:s4] =	ssyncset.s32 $0xFFFFF086  }
0x25: {  	[simem:s6], [sflag:s4] =	dma.local [hbm:s3], $0xF7A  }
0x26: {  	[smem:$0x3F9B] =	sst s1;
	(tag) =	ssettag s2;
	_ =	strace s9  }
0x27: {  	s1 =	sld [smem:$0x3FAB]  }
0x28: {  	s2 =	sld [smem:$0x3FAC]  }
0x29: {  	s4 =	sld [smem:$0x3FAE]  }
0x2a: {  	p0 =	seq.s32 s5, $0x0;
	s5 =	sld [smem:$0x3FAF]  }
0x2b: {  	s6 =	sld [smem:$0x3FB0]  }
0x2c: {  	s7 =	sld [smem:$0x3FB1]  }
0x2d: {  	s3 =	simm.s32 $0x108;
	s8 =	sld [smem:$0x3FB2]  }
0x2e: {  	s3 =	simm.s32 @!p0 $0x1082;
	s9 =	sld [smem:$0x3FB3]  }
0x2f: {  	lr =	sadd.s32 s0, s3;
	s0 =	sld [smem:$0x3FAA]  }
0x30: {  	s3 =	sld [smem:$0x3FAD]  }
0x31: {  	[smem:$0x3FB6] =	sst s10  }
0x32: {  	s10 =	sld [smem:$0x3FB4];
	_ =	sdelay $0x3  }
0x33: {  	p0 =	seq.s32 s10, $0x1;
	s10 =	sld [smem:$0x3FB6];
	_ =	sdelay $0x3  }
0x34: {  	[smem:$0x3FB6] =	sst s10  }
0x35: {  	s10 =	sld [smem:$0x3FB5];
	_ =	sdelay $0x3  }
0x36: {  	p1 =	seq.s32 s10, $0x1;
	s10 =	sld [smem:$0x3FB6];
	_ =	sdelay $0x3  }
0x37: {  	[smem:$0x3FB6] =	sst s10  }
0x38: {  	s10 =	sld [smem:$0x3FB7]  }
0x39: {  	_ = 	snop;
	(pc) =	sbr.ind lr, $3  }
0x3a: {  	_ = 	snop  }
0x3b: {  	_ = 	snop  }
0x3c: {  	p2 =	seq.s32 s10, $0x1;
	s10 =	sld [smem:$0x3FB6]  }
0x3d: {  	_ =	shalt  }
0x3e: {  	_ =	shalt  }
0x3f: {  	_ =	shalt  }
0x40: {  	_ =	shalt  }
0x41: {  	_ =	shalt  }
0x42: {  	_ =	shalt  }
0x43: {  	_ =	shalt  }
0x44: {  	_ =	shalt  }
0x45: {  	_ =	shalt  }
0x46: {  	_ =	shalt  }
0x47: {  	_ =	shalt  }
0x48: {  	_ =	shalt  }
0x49: {  	_ =	shalt  }
0x4a: {  	_ =	shalt  }
0x4b: {  	_ =	shalt  }
0x4c: {  	_ =	shalt  }
0x4d: {  	_ =	shalt  }
0x4e: {  	_ =	shalt  }
0x4f: {  	_ =	shalt  }
0x50: {  	_ =	shalt  }
0x51: {  	_ =	shalt  }
0x52: {  	_ =	shalt  }
0x53: {  	_ =	shalt  }
0x54: {  	_ =	shalt  }
0x55: {  	_ =	shalt  }
0x56: {  	_ =	shalt  }
0x57: {  	_ =	shalt  }
0x58: {  	_ =	shalt  }
0x59: {  	_ =	shalt  }
0x5a: {  	_ =	shalt  }
0x5b: {  	_ =	shalt  }
0x5c: {  	_ =	shalt  }
0x5d: {  	_ =	shalt  }
0x5e: {  	_ =	shalt  }
0x5f: {  	_ =	shalt  }
0x60: {  	_ =	shalt  }
0x61: {  	_ =	shalt  }
0x62: {  	_ =	shalt  }
0x63: {  	_ =	shalt  }
0x64: {  	_ =	shalt  }
0x65: {  	_ =	shalt  }
0x66: {  	_ =	shalt  }
0x67: {  	_ =	shalt  }
0x68: {  	_ =	shalt  }
0x69: {  	_ =	shalt  }
0x6a: {  	_ =	shalt  }
0x6b: {  	_ =	shalt  }
0x6c: {  	_ =	shalt  }
0x6d: {  	_ =	shalt  }
0x6e: {  	_ =	shalt  }
0x6f: {  	_ =	shalt  }
0x70: {  	_ =	shalt  }
0x71: {  	_ =	shalt  }
0x72: {  	_ =	shalt  }
0x73: {  	_ =	shalt  }
0x74: {  	_ =	shalt  }
0x75: {  	_ =	shalt  }
0x76: {  	_ =	shalt  }
0x77: {  	_ =	shalt  }
0x78: {  	_ =	shalt  }
0x79: {  	_ =	shalt  }
0x7a: {  	_ =	shalt  }
0x7b: {  	_ =	shalt  }
0x7c: {  	_ =	shalt  }
0x7d: {  	_ =	shalt  }
0x7e: {  	_ =	shalt  }
0x7f: {  	_ =	shalt  }
0x80: {  	_ =	shalt  }
0x81: {  	_ =	shalt  }
0x82: {  	_ =	shalt  }
0x83: {  	_ =	shalt  }
0x84: {  	_ =	shalt  }
0x85: {  	_ =	shalt  }
0x86: {  	_ =	shalt  }
0x87: {  	_ =	shalt  }
.Lfunc_end0:
.L_simem_size_0:
called_computation.2_lowered:
.L_overlay_start_0:
0x88: {  	s2 =	sld [smem:$0x3FD9]  }
0x89: {  	s3 =	sld [smem:$0x3FFE];
	_ =	sdelay $0x1  }
0x8a: {  	s1 =	srdreg.scid  }
0x8b: {  	s0 =	sand.u32 $0x1, s1  }
0x8c: {  	s17 =	sshll.u32 s0, $0xA;
	s2 =	sadd.s32 s3, s2  }
0x8d: {  	s2 =	sadd.s32 s2, s17  }
0x8e: {  	[smem:$0x3FC2] =	sst s2  }
0x8f: {  	_ = 	snop  }
0x90: {  	s2 =	sld [smem:$0x3FD0];
	(tm) =	ssettm $0x1  }
0x91: {  	s18 =	sld [smem:$0x3FFB];
	_ =	sdelay $0x3  }
0x92: {  	_ =	strace s18  }
0x93: {  	s3 =	sld [smem:$0x3FFC];
	_ =	sdelay $0x3  }
0x94: {  	_ =	strace s3  }
0x95: {  	s3 =	sld [smem:$0x3FFD];
	_ =	sdelay $0x3  }
0x96: {  	_ =	strace s3  }
0x97: {  	_ =	strace $0x8FFFFFFF  }
0x98: {  	s19 =	sld [smem:$0x3FDB];
	_ =	sdelay $0x1  }
0x99: {  	s4 =	simm.s32 $_scs_section_size  }
0x9a: {  	s5 =	simm.s32 $_size__tile_overlayer_lowered;
	s6 =	simm.s32 $_tile_overlayer_lowered  }
0x9b: {  	s22 =	simm.s32 $0x1BFF;
	s21 =	sshll.u32 s6, $0x1;
	s3 =	sadd.s32 s4, s19  }
0x9c: {  	s7 =	simm.s32 $0x0;
	s20 =	sshll.u32 s5, $0x1;
	s5 =	sadd.s32 s21, s3  }
0x9d: {  	[timem:s7], [sflag:s22] =	dma.local [hbm:s5], s20  }
0x9e: {  	_ =	swait.ge [sflag:s22], s20  }
0x9f: {  	s4 =	ssub.s32 $0x0, s20;
	[sflag:s22] =	ssyncset.done $0x0  }
0xa0: {  	[sflag:s22] =	ssyncadd.s32 s4;
	_ =	sdelay $0x1  }
0xa1: {  	s23 =	simm.s32 $0x1B8B  }
0xa2: {  	_ =	swait.ge [sflag:s23], $0x1  }
0xa3: {  	[sflag:s23] =	ssyncset.done $0x0  }
0xa4: {  	s25 =	simm.s32 $0x1B8E;
	s24 =	sld [smem:$0x3FFE];
	[sflag:s23] =	ssyncadd.s32 $0xFFFFFFFF  }
0xa5: {  	s26 =	simm.s32 $execute0_lowered;
	[smem:$0x3FD2] =	sst s25  }
0xa6: {  	s5 =	sshll.u32 s26, $0x1;
	_ =	strace $0x8000004C;
	[dreg:$0x1] =	wrdreg $0xFFFFFFFF  }
0xa7: {  	s28 =	simm.s32 $_size_execute0_lowered;
	s3 =	sadd.s32 s3, s5;
	[dreg:$0x0] =	wrdreg $0x0  }
0xa8: {  	s5 =	sshll.u32 s28, $0x1;
	[dreg:$0x2] =	wrdreg s3  }
0xa9: {  	[dreg:$0x3] =	wrdreg s5  }
0xaa: {  	[dreg:$0x4] =	wrdreg $0xC0  }
0xab: {  	_ =	task [dreg:s7], $0x5FFFF  }
0xac: {  	[dreg:$0x1] =	wrdreg $0xFFFFFFFF  }
0xad: {  	[dreg:$0x0] =	wrdreg $0x60  }
0xae: {  	[dreg:$0x2] =	wrdreg s24  }
0xaf: {  	[dreg:$0x3] =	wrdreg s2  }
0xb0: {  	[dreg:$0x4] =	wrdreg $0xD0000  }
0xb1: {  	[dreg:$0x5] =	wrdreg $0x9  }
0xb2: {  	_ =	task.clear_ibuf [dreg:s7], $0x6FFFF;
	_ =	strace $0x9000004C  }
0xb3: {  	s29 =	simm.s32 $0x9;
	_ =	strace $0x8000004E  }
0xb4: {  	_ =	swait.ge [sflag:s29], $0x1  }
0xb5: {  	[sflag:s29] =	ssyncadd.s32 $0xFFFFFFFF  }
0xb6: {  	_ =	strace $0x9000004E  }
0xb7: {  	_ =	sfence  }
0xb8: {  	s30 =	sld [smem:$0x0];
	_ =	sdelay $0x2  }
0xb9: {  	s31 =	sshll.u32 s1, $0xD;
	s1 =	sshrl.u32 s1, $0x2  }
0xba: {  	s3 =	sand.u32 $0x4000, s31;
	s1 =	sadd.s32 s1, s30  }
0xbb: {  	s0 =	sor.u32 s3, s0;
	s1 =	sshll.u32 s1, $0x11  }
0xbc: {  	s0 =	sor.u32 s1, s0  }
0xbd: {  	s0 =	sadd.s32 $0x8F2B, s0  }
0xbe: {  	[sflag:s0] =	ssyncadd.remote.s32 $0x1  }
0xbf: {  	_ =	sfence.sel $0xFFFF  }
0xc0: {  	[dreg:$0x0] =	wrdreg $0xFFFFFFFF;
	(pc) =	sbr.abs _section_cstart, $3  }
0xc1: {  	[dreg:$0x1] =	wrdreg $0xFFFFFFFF  }
0xc2: {  	_ =	task.clear_ibuf [dreg:s7], $0x2FFFF;
	_ =	strace $0x9FFFFFFF  }
0xc3: {  	(tm) =	ssettm $0x7FFFFFFF  }
tec
execute0_lowered:
.L_overlay_start_1:
0x0: {  	(tag) =	ssettag $0x1  }
0x1: {  	s0 =	srdreg.scid;
	s1 =	rddreg [dreg:$0x0]  }
0x2: {  	s11 =	stileid.u32;
	s3 =	rddreg [dreg:$0x1];
	s24 =	simm.s32 $0x0  }
0x3: {  	s14 =	simm.s32 $0x80;
	s15 =	simm.s32 $0x5000;
	s16 =	simm.s32 $0x6000  }
0x4: {  	s18 =	simm.s32 $0x7000;
	s20 =	simm.s32 $0x8000;
	s22 =	simm.s32 $0x9000  }
0x5: {  	s28 =	simm.s32 $0x1;
	s30 =	simm.s32 $0xC000;
	s31 =	simm.s32 $0x2  }
0x6: {  	s19 =	simm.s32 $0x3;
	s23 =	simm.s32 $0xA;
	s29 =	simm.s32 $0x4  }
0x7: {  	s17 =	simm.s32 $0xB;
	s21 =	simm.s32 $0xC;
	s13 =	simm.s32 $0x7  }
0x8: {  	s0 =	sand.u32 $0x1, s0;
	s2 =	sshll.u32 s11, $0x1;
	s6 =	smul.u32 $0xA000, s11  }
0x9: {  	[smem:$0x7FF] =	sst s24;
	s26 =	sshll.u32 s11, $0x6;
	s24 =	simm.s32 $0xA000  }
0xa: {  	s4 =	sor.u32 s0, s2;
	s2 =	rddreg [dreg:$0x2];
	s7 =	smul.u32 $0xA0000, s0  }
0xb: {  	_ =	strace $0x8000004D;
	s0 =	ssub.s32 $0x2, s0;
	s11 =	sor.u32 $0x1C11, s26  }
0xc: {  	s26 =	simm.s32 $0xB000;
	s5 =	smul.u32 $0x500, s4;
	s4 =	sadd.s32 $0xBA00, s1  }
0xd: {  	s9 =	sshrl.u32 s6, $0x4;
	s10 =	sshrl.u32 s0, $0x1;
	[dreg:$0x5] =	wrdreg s11  }
0xe: {  	s7 =	sadd.s32 s6, s7;
	s9 =	sadd.s32 s9, s1;
	s0 =	ssub.s32 s0, s10  }
0xf: {  	s6 =	sshrl.u32 s6, $0x1;
	s10 =	simm.s32 $0x10;
	s8 =	sadd.s32 s5, s1  }
0x10: {  	s7 =	sshrl.u32 s7, $0x4;
	s6 =	sadd.s32 s6, s2;
	s25 =	sadd.s32 $0x5BA00, s9  }
0x11: {  	s3 =	sadd.s32 s3, s5;
	s0 =	smax.u32 s0, $0x1;
	[dreg:$0x4] =	wrdreg s25  }
0x12: {  	s9 =	simm.s32 $0xF;
	s1 =	sadd.s32 s7, s1;
	[dreg:$0x6] =	wrdreg s3  }
0x13: {  	s5 =	sadd.s32 $0x1A00, s8;
	[dreg:$0x9] =	wrdreg s0;
	s12 =	sshrl.u32 s6, $0x3  }
0x14: {  	s0 =	simm.s32 $0x9;
	s6 =	simm.s32 $0x0;
	[dreg:$0x7] =	wrdreg s5  }
0x15: {  	s25 =	simm.s32 $0x5;
	s7 =	simm.s32 $0xE;
	[dreg:$0xb] =	wrdreg s6  }
0x16: {  	s8 =	simm.s32 $0x8;
	s1 =	sadd.s32 $0x15A00, s1;
	[dreg:$0xa] =	wrdreg s12  }
0x17: {  	s5 =	simm.s32 $0xD;
	[dreg:$0x8] =	wrdreg s1;
	s1 =	simm.s32 $0x6  }
.LBB2_1:
0x18: {  	s3 =	simm.s32 $0x11;
	s6 =	rddreg [dreg:$0x4]  }
0x19: {  	[spmem:s12], [sflag:s11] =	dma.local [hbm:s6], $0xA00  }
0x1a: {  	_ =	swait.ge [sflag:s3], $0xA00  }
0x1b: {  	[sflag:s3] =	ssyncset.done $0x0  }
0x1c: {  	s6 =	simm.s32 $0x0;
	s12 =	rddreg [dreg:$0x6];
	[sflag:s3] =	ssyncadd.s32 $0xFFFFF600  }
0x1d: {  	[tilespmem:s6], [sflag:$0x11] =	stream.linear.gather [hbm4b:s12+s6], $0x2800, $0x38;
	[tilespmem:$0x12000] =	vst v63  }
0x1e: {  	_ =	swait.ge [sflag:s3], $0x2800  }
0x1f: {  	[sflag:s3] =	ssyncset.done $0x0  }
0x20: {  	s12 =	simm.s32 $0x2800;
	s11 =	rddreg [dreg:$0x7];
	[sflag:s3] =	ssyncadd.s32 $0xFFFFD800  }
0x21: {  	[tilespmem:s12], [sflag:$0x11] =	stream.linear.gather [hbm4b:s11+s6], $0x2800, $0x38;
	[tilespmem:$0x12000] =	vst v63  }
0x22: {  	_ =	swait.ge [sflag:s3], $0x2800  }
0x23: {  	[sflag:s3] =	ssyncset.done $0x0  }
0x24: {  	[sflag:s3] =	ssyncadd.s32 $0xFFFFD800  }
0x25: {  	[bflag:$0x0] =	sbarrier.arrive $0xFFFF  }
0x26: {  	[tilespmem:s15], [sflag:$0x1] =	stream.indirect.gather [hbm4b:s4+s14], $0x20, s6, s14, $0xb8;
	[tilespmem:$0x12000] =	vst v63  }
0x27: {  	_ = 	snop  }
0x28: {  	[tilespmem:s16], [sflag:$0x2] =	stream.indirect.gather [hbm4b:s4+s14], $0x20, s14, s14, $0xb8;
	[tilespmem:$0x12000] =	vst v63  }
0x29: {  	s11 =	simm.s32 $0x100  }
0x2a: {  	[tilespmem:s18], [sflag:$0x3] =	stream.indirect.gather [hbm4b:s4+s14], $0x20, s11, s14, $0xb8;
	[tilespmem:$0x12000] =	vst v63  }
0x2b: {  	s6 =	simm.s32 $0x180  }
0x2c: {  	[tilespmem:s20], [sflag:$0x4] =	stream.indirect.gather [hbm4b:s4+s14], $0x20, s6, s14, $0xb8;
	[tilespmem:$0x12000] =	vst v63  }
0x2d: {  	s11 =	simm.s32 $0x200  }
0x2e: {  	[tilespmem:s22], [sflag:$0x5] =	stream.indirect.gather [hbm4b:s4+s14], $0x20, s11, s14, $0xb8;
	[tilespmem:$0x12000] =	vst v63  }
0x2f: {  	s6 =	simm.s32 $0x280  }
0x30: {  	[tilespmem:s24], [sflag:$0x6] =	stream.indirect.gather [hbm4b:s4+s14], $0x20, s6, s14, $0xb8;
	[tilespmem:$0x12000] =	vst v63  }
0x31: {  	s11 =	simm.s32 $0x300  }
0x32: {  	[tilespmem:s26], [sflag:$0x7] =	stream.indirect.gather [hbm4b:s4+s14], $0x20, s11, s14, $0xb8;
	[tilespmem:$0x12000] =	vst v63  }
0x33: {  	_ =	swait.ge [sflag:s28], $0x1000  }
0x34: {  	[sflag:s28] =	ssyncset.done $0x0  }
0x35: {  	[sflag:s28] =	ssyncadd.s32 $0xFFFFF000  }
0x36: {  	[spmem:s2] =	stream.indirect.scatter.add.bf16 [tilespmem:s15], [sflag:$0x9], $0x20, s12, s14, $0xb8;
	[tilespmem:$0x12000] =	vst v63  }
0x37: {  	s6 =	simm.s32 $0x380  }
0x38: {  	[tilespmem:s30], [sflag:$0x8] =	stream.indirect.gather [hbm4b:s4+s14], $0x20, s6, s14, $0xb8;
	[tilespmem:$0x12000] =	vst v63  }
0x39: {  	_ =	swait.ge [sflag:s31], $0x1000  }
0x3a: {  	[sflag:s31] =	ssyncset.done $0x0  }
0x3b: {  	s11 =	simm.s32 $0x2880;
	[sflag:s31] =	ssyncadd.s32 $0xFFFFF000  }
0x3c: {  	[spmem:s2] =	stream.indirect.scatter.add.bf16 [tilespmem:s16], [sflag:$0xA], $0x20, s11, s14, $0xb8;
	[tilespmem:$0x12000] =	vst v63  }
0x3d: {  	_ =	swait.ge [sflag:s0], $0x1000  }
0x3e: {  	[sflag:s0] =	ssyncset.done $0x0  }
0x3f: {  	s12 =	simm.s32 $0x400;
	[sflag:s0] =	ssyncadd.s32 $0xFFFFF000  }
0x40: {  	[tilespmem:s15], [sflag:$0x1] =	stream.indirect.gather [hbm4b:s4+s14], $0x20, s12, s14, $0xb8;
	[tilespmem:$0x12000] =	vst v63  }
0x41: {  	_ =	swait.ge [sflag:s19], $0x1000  }
0x42: {  	[sflag:s19] =	ssyncset.done $0x0  }
0x43: {  	s6 =	simm.s32 $0x2900;
	[sflag:s19] =	ssyncadd.s32 $0xFFFFF000  }
0x44: {  	[spmem:s2] =	stream.indirect.scatter.add.bf16 [tilespmem:s18], [sflag:$0xB], $0x20, s6, s14, $0xb8;
	[tilespmem:$0x12000] =	vst v63  }
0x45: {  	_ =	swait.ge [sflag:s23], $0x1000  }
0x46: {  	[sflag:s23] =	ssyncset.done $0x0  }
0x47: {  	s11 =	simm.s32 $0x480;
	[sflag:s23] =	ssyncadd.s32 $0xFFFFF000  }
0x48: {  	[tilespmem:s16], [sflag:$0x2] =	stream.indirect.gather [hbm4b:s4+s14], $0x20, s11, s14, $0xb8;
	[tilespmem:$0x12000] =	vst v63  }
0x49: {  	_ =	swait.ge [sflag:s29], $0x1000  }
0x4a: {  	[sflag:s29] =	ssyncset.done $0x0  }
0x4b: {  	s12 =	simm.s32 $0x2980;
	[sflag:s29] =	ssyncadd.s32 $0xFFFFF000  }
0x4c: {  	[spmem:s2] =	stream.indirect.scatter.add.bf16 [tilespmem:s20], [sflag:$0xC], $0x20, s12, s14, $0xb8;
	[tilespmem:$0x12000] =	vst v63  }
0x4d: {  	_ =	swait.ge [sflag:s17], $0x1000  }
0x4e: {  	[sflag:s17] =	ssyncset.done $0x0  }
0x4f: {  	s6 =	simm.s32 $0x500;
	[sflag:s17] =	ssyncadd.s32 $0xFFFFF000  }
0x50: {  	[tilespmem:s18], [sflag:$0x3] =	stream.indirect.gather [hbm4b:s4+s14], $0x20, s6, s14, $0xb8;
	[tilespmem:$0x12000] =	vst v63  }
0x51: {  	_ =	swait.ge [sflag:s25], $0x1000  }
0x52: {  	[sflag:s25] =	ssyncset.done $0x0  }
0x53: {  	s11 =	simm.s32 $0x2A00;
	[sflag:s25] =	ssyncadd.s32 $0xFFFFF000  }
0x54: {  	[spmem:s2] =	stream.indirect.scatter.add.bf16 [tilespmem:s22], [sflag:$0xD], $0x20, s11, s14, $0xb8;
	[tilespmem:$0x12000] =	vst v63  }
0x55: {  	_ =	swait.ge [sflag:s21], $0x1000  }
0x56: {  	[sflag:s21] =	ssyncset.done $0x0  }
0x57: {  	s12 =	simm.s32 $0x580;
	[sflag:s21] =	ssyncadd.s32 $0xFFFFF000  }
0x58: {  	[tilespmem:s20], [sflag:$0x4] =	stream.indirect.gather [hbm4b:s4+s14], $0x20, s12, s14, $0xb8;
	[tilespmem:$0x12000] =	vst v63  }
0x59: {  	_ =	swait.ge [sflag:s1], $0x1000  }
0x5a: {  	[sflag:s1] =	ssyncset.done $0x0  }
0x5b: {  	s6 =	simm.s32 $0x2A80;
	[sflag:s1] =	ssyncadd.s32 $0xFFFFF000  }
0x5c: {  	[spmem:s2] =	stream.indirect.scatter.add.bf16 [tilespmem:s24], [sflag:$0xE], $0x20, s6, s14, $0xb8;
	[tilespmem:$0x12000] =	vst v63  }
0x5d: {  	_ =	swait.ge [sflag:s5], $0x1000  }
0x5e: {  	[sflag:s5] =	ssyncset.done $0x0  }
0x5f: {  	s11 =	simm.s32 $0x600;
	[sflag:s5] =	ssyncadd.s32 $0xFFFFF000  }
0x60: {  	[tilespmem:s22], [sflag:$0x5] =	stream.indirect.gather [hbm4b:s4+s14], $0x20, s11, s14, $0xb8;
	[tilespmem:$0x12000] =	vst v63  }
0x61: {  	_ =	swait.ge [sflag:s13], $0x1000  }
0x62: {  	[sflag:s13] =	ssyncset.done $0x0  }
0x63: {  	s12 =	simm.s32 $0x2B00;
	[sflag:s13] =	ssyncadd.s32 $0xFFFFF000  }
0x64: {  	[spmem:s2] =	stream.indirect.scatter.add.bf16 [tilespmem:s26], [sflag:$0xF], $0x20, s12, s14, $0xb8;
	[tilespmem:$0x12000] =	vst v63  }
0x65: {  	_ =	swait.ge [sflag:s7], $0x1000  }
0x66: {  	[sflag:s7] =	ssyncset.done $0x0  }
0x67: {  	s6 =	simm.s32 $0x680;
	[sflag:s7] =	ssyncadd.s32 $0xFFFFF000  }
0x68: {  	[tilespmem:s24], [sflag:$0x6] =	stream.indirect.gather [hbm4b:s4+s14], $0x20, s6, s14, $0xb8;
	[tilespmem:$0x12000] =	vst v63  }
0x69: {  	_ =	swait.ge [sflag:s8], $0x1000  }
0x6a: {  	[sflag:s8] =	ssyncset.done $0x0  }
0x6b: {  	s11 =	simm.s32 $0x2B80;
	[sflag:s8] =	ssyncadd.s32 $0xFFFFF000  }
0x6c: {  	[spmem:s2] =	stream.indirect.scatter.add.bf16 [tilespmem:s30], [sflag:$0x10], $0x20, s11, s14, $0xb8;
	[tilespmem:$0x12000] =	vst v63  }
0x6d: {  	_ =	swait.ge [sflag:s9], $0x1000  }
0x6e: {  	[sflag:s9] =	ssyncset.done $0x0  }
0x6f: {  	s12 =	simm.s32 $0x700;
	[sflag:s9] =	ssyncadd.s32 $0xFFFFF000  }
0x70: {  	[tilespmem:s26], [sflag:$0x7] =	stream.indirect.gather [hbm4b:s4+s14], $0x20, s12, s14, $0xb8;
	[tilespmem:$0x12000] =	vst v63  }
0x71: {  	_ =	swait.ge [sflag:s28], $0x1000  }
0x72: {  	[sflag:s28] =	ssyncset.done $0x0  }
0x73: {  	s3 =	simm.s32 $0x2C00;
	[sflag:s28] =	ssyncadd.s32 $0xFFFFF000  }
0x74: {  	[spmem:s2] =	stream.indirect.scatter.add.bf16 [tilespmem:s15], [sflag:$0x9], $0x20, s3, s14, $0xb8;
	[tilespmem:$0x12000] =	vst v63  }
0x75: {  	_ =	swait.ge [sflag:s10], $0x1000  }
0x76: {  	[sflag:s10] =	ssyncset.done $0x0  }
0x77: {  	s11 =	simm.s32 $0x780;
	[sflag:s10] =	ssyncadd.s32 $0xFFFFF000  }
0x78: {  	[tilespmem:s30], [sflag:$0x8] =	stream.indirect.gather [hbm4b:s4+s14], $0x20, s11, s14, $0xb8;
	[tilespmem:$0x12000] =	vst v63  }
0x79: {  	_ =	swait.ge [sflag:s31], $0x1000  }
0x7a: {  	[sflag:s31] =	ssyncset.done $0x0  }
0x7b: {  	s12 =	simm.s32 $0x2C80;
	[sflag:s31] =	ssyncadd.s32 $0xFFFFF000  }
0x7c: {  	[spmem:s2] =	stream.indirect.scatter.add.bf16 [tilespmem:s16], [sflag:$0xA], $0x20, s12, s14, $0xb8;
	[tilespmem:$0x12000] =	vst v63  }
0x7d: {  	_ =	swait.ge [sflag:s0], $0x1000  }
0x7e: {  	[sflag:s0] =	ssyncset.done $0x0  }
0x7f: {  	s3 =	simm.s32 $0x800;
	[sflag:s0] =	ssyncadd.s32 $0xFFFFF000  }
0x80: {  	[tilespmem:s15], [sflag:$0x1] =	stream.indirect.gather [hbm4b:s4+s14], $0x20, s3, s14, $0xb8;
	[tilespmem:$0x12000] =	vst v63  }
0x81: {  	_ =	swait.ge [sflag:s19], $0x1000  }
0x82: {  	[sflag:s19] =	ssyncset.done $0x0  }
0x83: {  	s11 =	simm.s32 $0x2D00;
	[sflag:s19] =	ssyncadd.s32 $0xFFFFF000  }
0x84: {  	[spmem:s2] =	stream.indirect.scatter.add.bf16 [tilespmem:s18], [sflag:$0xB], $0x20, s11, s14, $0xb8;
	[tilespmem:$0x12000] =	vst v63  }
0x85: {  	_ =	swait.ge [sflag:s23], $0x1000  }
0x86: {  	[sflag:s23] =	ssyncset.done $0x0  }
0x87: {  	s12 =	simm.s32 $0x880;
	[sflag:s23] =	ssyncadd.s32 $0xFFFFF000  }
0x88: {  	[tilespmem:s16], [sflag:$0x2] =	stream.indirect.gather [hbm4b:s4+s14], $0x20, s12, s14, $0xb8;
	[tilespmem:$0x12000] =	vst v63  }
0x89: {  	_ =	swait.ge [sflag:s29], $0x1000  }
0x8a: {  	[sflag:s29] =	ssyncset.done $0x0  }
0x8b: {  	s3 =	simm.s32 $0x2D80;
	[sflag:s29] =	ssyncadd.s32 $0xFFFFF000  }
0x8c: {  	[spmem:s2] =	stream.indirect.scatter.add.bf16 [tilespmem:s20], [sflag:$0xC], $0x20, s3, s14, $0xb8;
	[tilespmem:$0x12000] =	vst v63  }
0x8d: {  	_ =	swait.ge [sflag:s17], $0x1000  }
0x8e: {  	[sflag:s17] =	ssyncset.done $0x0  }
0x8f: {  	s11 =	simm.s32 $0x900;
	[sflag:s17] =	ssyncadd.s32 $0xFFFFF000  }
0x90: {  	[tilespmem:s18], [sflag:$0x3] =	stream.indirect.gather [hbm4b:s4+s14], $0x20, s11, s14, $0xb8;
	[tilespmem:$0x12000] =	vst v63  }
0x91: {  	_ =	swait.ge [sflag:s25], $0x1000  }
0x92: {  	[sflag:s25] =	ssyncset.done $0x0  }
0x93: {  	s12 =	simm.s32 $0x2E00;
	[sflag:s25] =	ssyncadd.s32 $0xFFFFF000  }
0x94: {  	[spmem:s2] =	stream.indirect.scatter.add.bf16 [tilespmem:s22], [sflag:$0xD], $0x20, s12, s14, $0xb8;
	[tilespmem:$0x12000] =	vst v63  }
0x95: {  	_ =	swait.ge [sflag:s21], $0x1000  }
0x96: {  	[sflag:s21] =	ssyncset.done $0x0  }
0x97: {  	s3 =	simm.s32 $0x980;
	[sflag:s21] =	ssyncadd.s32 $0xFFFFF000  }
0x98: {  	[tilespmem:s20], [sflag:$0x4] =	stream.indirect.gather [hbm4b:s4+s14], $0x20, s3, s14, $0xb8;
	[tilespmem:$0x12000] =	vst v63  }
0x99: {  	_ =	swait.ge [sflag:s1], $0x1000  }
0x9a: {  	[sflag:s1] =	ssyncset.done $0x0  }
0x9b: {  	s11 =	simm.s32 $0x2E80;
	[sflag:s1] =	ssyncadd.s32 $0xFFFFF000  }
0x9c: {  	[spmem:s2] =	stream.indirect.scatter.add.bf16 [tilespmem:s24], [sflag:$0xE], $0x20, s11, s14, $0xb8;
	[tilespmem:$0x12000] =	vst v63  }
0x9d: {  	_ =	swait.ge [sflag:s5], $0x1000  }
0x9e: {  	[sflag:s5] =	ssyncset.done $0x0  }
0x9f: {  	s12 =	simm.s32 $0xA00;
	[sflag:s5] =	ssyncadd.s32 $0xFFFFF000  }
0xa0: {  	[tilespmem:s22], [sflag:$0x5] =	stream.indirect.gather [hbm4b:s4+s14], $0x20, s12, s14, $0xb8;
	[tilespmem:$0x12000] =	vst v63  }
0xa1: {  	_ =	swait.ge [sflag:s13], $0x1000  }
0xa2: {  	[sflag:s13] =	ssyncset.done $0x0  }
0xa3: {  	s3 =	simm.s32 $0x2F00;
	[sflag:s13] =	ssyncadd.s32 $0xFFFFF000  }
0xa4: {  	[spmem:s2] =	stream.indirect.scatter.add.bf16 [tilespmem:s26], [sflag:$0xF], $0x20, s3, s14, $0xb8;
	[tilespmem:$0x12000] =	vst v63  }
0xa5: {  	_ =	swait.ge [sflag:s7], $0x1000  }
0xa6: {  	[sflag:s7] =	ssyncset.done $0x0  }
0xa7: {  	s11 =	simm.s32 $0xA80;
	[sflag:s7] =	ssyncadd.s32 $0xFFFFF000  }
0xa8: {  	[tilespmem:s24], [sflag:$0x6] =	stream.indirect.gather [hbm4b:s4+s14], $0x20, s11, s14, $0xb8;
	[tilespmem:$0x12000] =	vst v63  }
0xa9: {  	_ =	swait.ge [sflag:s8], $0x1000  }
0xaa: {  	[sflag:s8] =	ssyncset.done $0x0  }
0xab: {  	s12 =	simm.s32 $0x2F80;
	[sflag:s8] =	ssyncadd.s32 $0xFFFFF000  }
0xac: {  	[spmem:s2] =	stream.indirect.scatter.add.bf16 [tilespmem:s30], [sflag:$0x10], $0x20, s12, s14, $0xb8;
	[tilespmem:$0x12000] =	vst v63  }
0xad: {  	_ =	swait.ge [sflag:s9], $0x1000  }
0xae: {  	[sflag:s9] =	ssyncset.done $0x0  }
0xaf: {  	s6 =	simm.s32 $0x1000;
	s11 =	simm.s32 $0xB00;
	[sflag:s9] =	ssyncadd.s32 $0xFFFFF000  }
.LBB2_2:
0xb0: {  	[tilespmem:s26], [sflag:$0x7] =	stream.indirect.gather [hbm4b:s4+s14], $0x20, s11, s14, $0xb8;
	[tilespmem:$0x12000] =	vst v63  }
0xb1: {  	s11 =	smov.u32 s6  }
0xb2: {  	p0 =	sne.s32 s6, $0x7000;
	s6 =	sadd.s32 $0x1000, s6;
	_ =	swait.ge [sflag:s28], $0x1000  }
0xb3: {  	s11 =	sshra.s32 s11, $0x2;
	[sflag:s28] =	ssyncset.done $0x0  }
0xb4: {  	s12 =	sadd.s32 $0x2C00, s11;
	[sflag:s28] =	ssyncadd.s32 $0xFFFFF000  }
0xb5: {  	[spmem:s2] =	stream.indirect.scatter.add.bf16 [tilespmem:s15], [sflag:$0x9], $0x20, s12, s14, $0xb8;
	[tilespmem:$0x12000] =	vst v63  }
0xb6: {  	_ =	swait.ge [sflag:s10], $0x1000  }
0xb7: {  	[sflag:s10] =	ssyncset.done $0x0  }
0xb8: {  	s12 =	sadd.s32 $0x780, s11;
	[sflag:s10] =	ssyncadd.s32 $0xFFFFF000  }
0xb9: {  	[tilespmem:s30], [sflag:$0x8] =	stream.indirect.gather [hbm4b:s4+s14], $0x20, s12, s14, $0xb8;
	[tilespmem:$0x12000] =	vst v63  }
0xba: {  	_ =	swait.ge [sflag:s31], $0x1000  }
0xbb: {  	[sflag:s31] =	ssyncset.done $0x0  }
0xbc: {  	s12 =	sadd.s32 $0x2C80, s11;
	[sflag:s31] =	ssyncadd.s32 $0xFFFFF000  }
0xbd: {  	[spmem:s2] =	stream.indirect.scatter.add.bf16 [tilespmem:s16], [sflag:$0xA], $0x20, s12, s14, $0xb8;
	[tilespmem:$0x12000] =	vst v63  }
0xbe: {  	_ =	swait.ge [sflag:s0], $0x1000  }
0xbf: {  	[sflag:s0] =	ssyncset.done $0x0  }
0xc0: {  	s12 =	sadd.s32 $0x800, s11;
	[sflag:s0] =	ssyncadd.s32 $0xFFFFF000  }
0xc1: {  	[tilespmem:s15], [sflag:$0x1] =	stream.indirect.gather [hbm4b:s4+s14], $0x20, s12, s14, $0xb8;
	[tilespmem:$0x12000] =	vst v63  }
0xc2: {  	_ =	swait.ge [sflag:s19], $0x1000  }
0xc3: {  	[sflag:s19] =	ssyncset.done $0x0  }
0xc4: {  	s12 =	sadd.s32 $0x2D00, s11;
	[sflag:s19] =	ssyncadd.s32 $0xFFFFF000  }
0xc5: {  	[spmem:s2] =	stream.indirect.scatter.add.bf16 [tilespmem:s18], [sflag:$0xB], $0x20, s12, s14, $0xb8;
	[tilespmem:$0x12000] =	vst v63  }
0xc6: {  	_ =	swait.ge [sflag:s23], $0x1000  }
0xc7: {  	[sflag:s23] =	ssyncset.done $0x0  }
0xc8: {  	s12 =	sadd.s32 $0x880, s11;
	[sflag:s23] =	ssyncadd.s32 $0xFFFFF000  }
0xc9: {  	[tilespmem:s16], [sflag:$0x2] =	stream.indirect.gather [hbm4b:s4+s14], $0x20, s12, s14, $0xb8;
	[tilespmem:$0x12000] =	vst v63  }
0xca: {  	_ =	swait.ge [sflag:s29], $0x1000  }
0xcb: {  	[sflag:s29] =	ssyncset.done $0x0  }
0xcc: {  	s12 =	sadd.s32 $0x2D80, s11;
	[sflag:s29] =	ssyncadd.s32 $0xFFFFF000  }
0xcd: {  	[spmem:s2] =	stream.indirect.scatter.add.bf16 [tilespmem:s20], [sflag:$0xC], $0x20, s12, s14, $0xb8;
	[tilespmem:$0x12000] =	vst v63  }
0xce: {  	_ =	swait.ge [sflag:s17], $0x1000  }
0xcf: {  	[sflag:s17] =	ssyncset.done $0x0  }
0xd0: {  	s12 =	sadd.s32 $0x900, s11;
	[sflag:s17] =	ssyncadd.s32 $0xFFFFF000  }
0xd1: {  	[tilespmem:s18], [sflag:$0x3] =	stream.indirect.gather [hbm4b:s4+s14], $0x20, s12, s14, $0xb8;
	[tilespmem:$0x12000] =	vst v63  }
0xd2: {  	_ =	swait.ge [sflag:s25], $0x1000  }
0xd3: {  	[sflag:s25] =	ssyncset.done $0x0  }
0xd4: {  	s12 =	sadd.s32 $0x2E00, s11;
	[sflag:s25] =	ssyncadd.s32 $0xFFFFF000  }
0xd5: {  	[spmem:s2] =	stream.indirect.scatter.add.bf16 [tilespmem:s22], [sflag:$0xD], $0x20, s12, s14, $0xb8;
	[tilespmem:$0x12000] =	vst v63  }
0xd6: {  	_ =	swait.ge [sflag:s21], $0x1000  }
0xd7: {  	[sflag:s21] =	ssyncset.done $0x0  }
0xd8: {  	s12 =	sadd.s32 $0x980, s11;
	[sflag:s21] =	ssyncadd.s32 $0xFFFFF000  }
0xd9: {  	[tilespmem:s20], [sflag:$0x4] =	stream.indirect.gather [hbm4b:s4+s14], $0x20, s12, s14, $0xb8;
	[tilespmem:$0x12000] =	vst v63  }
0xda: {  	_ =	swait.ge [sflag:s1], $0x1000  }
0xdb: {  	[sflag:s1] =	ssyncset.done $0x0  }
0xdc: {  	s12 =	sadd.s32 $0x2E80, s11;
	[sflag:s1] =	ssyncadd.s32 $0xFFFFF000  }
0xdd: {  	[spmem:s2] =	stream.indirect.scatter.add.bf16 [tilespmem:s24], [sflag:$0xE], $0x20, s12, s14, $0xb8;
	[tilespmem:$0x12000] =	vst v63  }
0xde: {  	_ =	swait.ge [sflag:s5], $0x1000  }
0xdf: {  	[sflag:s5] =	ssyncset.done $0x0  }
0xe0: {  	s12 =	sadd.s32 $0xA00, s11;
	[sflag:s5] =	ssyncadd.s32 $0xFFFFF000  }
0xe1: {  	[tilespmem:s22], [sflag:$0x5] =	stream.indirect.gather [hbm4b:s4+s14], $0x20, s12, s14, $0xb8;
	[tilespmem:$0x12000] =	vst v63  }
0xe2: {  	_ =	swait.ge [sflag:s13], $0x1000  }
0xe3: {  	[sflag:s13] =	ssyncset.done $0x0  }
0xe4: {  	s12 =	sadd.s32 $0x2F00, s11;
	[sflag:s13] =	ssyncadd.s32 $0xFFFFF000  }
0xe5: {  	[spmem:s2] =	stream.indirect.scatter.add.bf16 [tilespmem:s26], [sflag:$0xF], $0x20, s12, s14, $0xb8;
	[tilespmem:$0x12000] =	vst v63  }
0xe6: {  	_ =	swait.ge [sflag:s7], $0x1000  }
0xe7: {  	[sflag:s7] =	ssyncset.done $0x0  }
0xe8: {  	s12 =	sadd.s32 $0xA80, s11;
	[sflag:s7] =	ssyncadd.s32 $0xFFFFF000  }
0xe9: {  	[tilespmem:s24], [sflag:$0x6] =	stream.indirect.gather [hbm4b:s4+s14], $0x20, s12, s14, $0xb8;
	[tilespmem:$0x12000] =	vst v63  }
0xea: {  	_ =	swait.ge [sflag:s8], $0x1000  }
0xeb: {  	[sflag:s8] =	ssyncset.done $0x0  }
.Ltmp0:
0xec: {  	s12 =	sadd.s32 $0x2F80, s11;
	[sflag:s8] =	ssyncadd.s32 $0xFFFFF000;
	(pc) =	sbr.rel @p0 .LBB2_2-.Ltmp0, $4  }
0xed: {  	[spmem:s2] =	stream.indirect.scatter.add.bf16 [tilespmem:s30], [sflag:$0x10], $0x20, s12, s14, $0xb8;
	[tilespmem:$0x12000] =	vst v63  }
0xee: {  	_ =	swait.ge [sflag:s9], $0x1000  }
0xef: {  	[sflag:s9] =	ssyncset.done $0x0  }
0xf0: {  	s11 =	sadd.s32 $0xB00, s11;
	[sflag:s9] =	ssyncadd.s32 $0xFFFFF000  }
0xf1: {  	[tilespmem:s26], [sflag:$0x7] =	stream.indirect.gather [hbm4b:s4+s14], $0x20, s11, s14, $0xb8;
	[tilespmem:$0x12000] =	vst v63  }
0xf2: {  	_ =	swait.ge [sflag:s28], $0x1000  }
0xf3: {  	[sflag:s28] =	ssyncset.done $0x0  }
0xf4: {  	s3 =	simm.s32 $0x4C00;
	[sflag:s28] =	ssyncadd.s32 $0xFFFFF000  }
0xf5: {  	[spmem:s2] =	stream.indirect.scatter.add.bf16 [tilespmem:s15], [sflag:$0x9], $0x20, s3, s14, $0xb8;
	[tilespmem:$0x12000] =	vst v63  }
0xf6: {  	_ =	swait.ge [sflag:s10], $0x1000  }
0xf7: {  	[sflag:s10] =	ssyncset.done $0x0  }
0xf8: {  	s11 =	simm.s32 $0x2780;
	[sflag:s10] =	ssyncadd.s32 $0xFFFFF000  }
0xf9: {  	[tilespmem:s30], [sflag:$0x8] =	stream.indirect.gather [hbm4b:s4+s14], $0x20, s11, s14, $0xb8;
	[tilespmem:$0x12000] =	vst v63  }
0xfa: {  	_ =	swait.ge [sflag:s31], $0x1000  }
0xfb: {  	[sflag:s31] =	ssyncset.done $0x0  }
0xfc: {  	s12 =	simm.s32 $0x4C80;
	[sflag:s31] =	ssyncadd.s32 $0xFFFFF000  }
0xfd: {  	[spmem:s2] =	stream.indirect.scatter.add.bf16 [tilespmem:s16], [sflag:$0xA], $0x20, s12, s14, $0xb8;
	[tilespmem:$0x12000] =	vst v63  }
0xfe: {  	_ =	swait.ge [sflag:s19], $0x1000  }
0xff: {  	[sflag:s19] =	ssyncset.done $0x0  }
0x100: {  	s6 =	simm.s32 $0x4D00;
	[sflag:s19] =	ssyncadd.s32 $0xFFFFF000  }
0x101: {  	[spmem:s2] =	stream.indirect.scatter.add.bf16 [tilespmem:s18], [sflag:$0xB], $0x20, s6, s14, $0xb8;
	[tilespmem:$0x12000] =	vst v63  }
0x102: {  	_ =	swait.ge [sflag:s29], $0x1000  }
0x103: {  	[sflag:s29] =	ssyncset.done $0x0  }
0x104: {  	s11 =	simm.s32 $0x4D80;
	[sflag:s29] =	ssyncadd.s32 $0xFFFFF000  }
0x105: {  	[spmem:s2] =	stream.indirect.scatter.add.bf16 [tilespmem:s20], [sflag:$0xC], $0x20, s11, s14, $0xb8;
	[tilespmem:$0x12000] =	vst v63  }
0x106: {  	_ =	swait.ge [sflag:s25], $0x1000  }
0x107: {  	[sflag:s25] =	ssyncset.done $0x0  }
0x108: {  	s12 =	simm.s32 $0x4E00;
	[sflag:s25] =	ssyncadd.s32 $0xFFFFF000  }
0x109: {  	[spmem:s2] =	stream.indirect.scatter.add.bf16 [tilespmem:s22], [sflag:$0xD], $0x20, s12, s14, $0xb8;
	[tilespmem:$0x12000] =	vst v63  }
0x10a: {  	_ =	swait.ge [sflag:s1], $0x1000  }
0x10b: {  	[sflag:s1] =	ssyncset.done $0x0  }
0x10c: {  	s6 =	simm.s32 $0x4E80;
	[sflag:s1] =	ssyncadd.s32 $0xFFFFF000  }
0x10d: {  	[spmem:s2] =	stream.indirect.scatter.add.bf16 [tilespmem:s24], [sflag:$0xE], $0x20, s6, s14, $0xb8;
	[tilespmem:$0x12000] =	vst v63  }
0x10e: {  	_ =	swait.ge [sflag:s13], $0x1000  }
0x10f: {  	[sflag:s13] =	ssyncset.done $0x0  }
0x110: {  	s11 =	simm.s32 $0x4F00;
	[sflag:s13] =	ssyncadd.s32 $0xFFFFF000  }
0x111: {  	[spmem:s2] =	stream.indirect.scatter.add.bf16 [tilespmem:s26], [sflag:$0xF], $0x20, s11, s14, $0xb8;
	[tilespmem:$0x12000] =	vst v63  }
0x112: {  	_ =	swait.ge [sflag:s8], $0x1000  }
0x113: {  	[sflag:s8] =	ssyncset.done $0x0  }
0x114: {  	s12 =	simm.s32 $0x4F80;
	[sflag:s8] =	ssyncadd.s32 $0xFFFFF000  }
0x115: {  	[spmem:s2] =	stream.indirect.scatter.add.bf16 [tilespmem:s30], [sflag:$0x10], $0x20, s12, s14, $0xb8;
	[tilespmem:$0x12000] =	vst v63  }
0x116: {  	_ =	swait.ge [sflag:s0], $0x1000  }
0x117: {  	[sflag:s0] =	ssyncset.done $0x0  }
0x118: {  	[sflag:s0] =	ssyncadd.s32 $0xFFFFF000  }
0x119: {  	_ =	swait.ge [sflag:s23], $0x1000  }
0x11a: {  	[sflag:s23] =	ssyncset.done $0x0  }
0x11b: {  	[sflag:s23] =	ssyncadd.s32 $0xFFFFF000  }
0x11c: {  	_ =	swait.ge [sflag:s17], $0x1000  }
0x11d: {  	[sflag:s17] =	ssyncset.done $0x0  }
0x11e: {  	[sflag:s17] =	ssyncadd.s32 $0xFFFFF000  }
0x11f: {  	_ =	swait.ge [sflag:s21], $0x1000  }
0x120: {  	[sflag:s21] =	ssyncset.done $0x0  }
0x121: {  	[sflag:s21] =	ssyncadd.s32 $0xFFFFF000  }
0x122: {  	_ =	swait.ge [sflag:s5], $0x1000  }
0x123: {  	[sflag:s5] =	ssyncset.done $0x0  }
0x124: {  	[sflag:s5] =	ssyncadd.s32 $0xFFFFF000  }
0x125: {  	_ =	swait.ge [sflag:s7], $0x1000  }
0x126: {  	[sflag:s7] =	ssyncset.done $0x0  }
0x127: {  	[sflag:s7] =	ssyncadd.s32 $0xFFFFF000  }
0x128: {  	_ =	swait.ge [sflag:s9], $0x1000  }
0x129: {  	[sflag:s9] =	ssyncset.done $0x0  }
0x12a: {  	[sflag:s9] =	ssyncadd.s32 $0xFFFFF000  }
0x12b: {  	_ =	swait.ge [sflag:s10], $0x1000  }
0x12c: {  	[sflag:s10] =	ssyncset.done $0x0  }
0x12d: {  	[sflag:s10] =	ssyncadd.s32 $0xFFFFF000  }
0x12e: {  	[bflag:$0x0] =	sbarrier.arrive $0xFFFF  }
0x12f: {  	s11 =	rddreg [dreg:$0x5]  }
0x130: {  	s6 =	rddreg [dreg:$0x8]  }
0x131: {  	s12 =	rddreg [dreg:$0xa]  }
0x132: {  	[hbm:s6], [sflag:s11] =	dma.local [spmem:s12], $0xA00  }
0x133: {  	s6 =	simm.s32 $0x11  }
0x134: {  	_ =	swait.ge [sflag:s6], $0xA00  }
0x135: {  	s3 =	rddreg [dreg:$0xb]  }
0x136: {  	[sflag:s6] =	ssyncset.done $0x0;
	s6 =	rddreg [dreg:$0x9];
	s3 =	sadd.s32 $0x1, s3  }
0x137: {  	p0 =	sne.s32 s3, s6  }
.Ltmp1:
0x138: {  	_ = 	snop;
	(pc) =	sbr.rel @p0 .LBB2_1-.Ltmp1, $3  }
0x139: {  	_ =	sdelay $0x1  }
0x13a: {  	s6 =	simm.s32 $0x11  }
0x13b: {  	[dreg:$0xb] =	wrdreg s3;
	[sflag:s6] =	ssyncadd.s32 $0xFFFFF600  }
0x13c: {  	_ =	sfence.sel $0x180000  }
0x13d: {  	[bflag:$0x0] =	sbarrier.arrive $0xFFFF  }
0x13e: {  	_ =	strace $0x9000004D  }
0x13f: {  	s0 =	stileid.u32;
	[bflag:$0x2] =	sbarrier.arrive $0xFFFF  }
0x140: {  	p0 =	sne.s32 s0, $0x0;
	s0 =	rddreg [dreg:$0x3]  }
0x141: {  	s0 =	sadd.s32 @!p0 $0x100000, s0  }
0x142: {  	[sflag:s0] =	ssyncadd.tile.s32 @!p0 $0x1;
	_ =	shalt  }
.Lfunc_end2:
_tile_overlayer_lowered:
.L_overlay_start_2:
0x143: {  	(tag) =	ssettag $0x2  }
0x144: {  	s0 =	rddreg [dreg:$0x0];
	s2 =	stileid.u32  }
0x145: {  	s1 =	rddreg [dreg:$0x1];
	p0 =	sne.s32 s2, $0x0  }
0x146: {  	s3 =	rddreg [dreg:$0x2];
	[bflag:$0x3] =	sbarrier.arrive $0xFFFF;
	s2 =	simm.s32 @!p0 $0x1C11  }
0x147: {  	[timem:s3], [sflag:s2] =	dma.local @!p0 [hbm:s0], s1  }
0x148: {  	s0 =	simm.s32 @!p0 $0x11  }
0x149: {  	_ =	swait.ge @!p0 [sflag:s0], s1  }
0x14a: {  	s1 =	ssub.s32 @!p0 $0x0, s1;
	[sflag:s0] =	ssyncset.done @!p0 $0x0  }
0x14b: {  	[sflag:s0] =	ssyncadd.s32 @!p0 s1  }
0x14c: {  	[bflag:$0x3] =	sbarrier.arrive $0xFFFF  }
0x14d: {  	_ =	shalt  }

// kernel: kernel.8.cloned.1.call-start
scs
__scs_entry_jumppad:
0x0: {  	(pc) =	sbr.rel $0x88, $3  }
0x1: {  	(tag) =	ssettag $0x0;
	lr =	simm.s32 $0x1  }
0x2: {  	[smem:$0x3F9B] =	sst lr;
	_ =	strace $0xD0000000  }
0x3: {  	_ = 	snop  }
0x4: {  	_ = 	snop  }
0x5: {  	_ = 	snop  }
0x6: {  	_ = 	snop  }
0x7: {  	_ = 	snop  }
__scs_overlays_trampoline_lowered:
0x8: {  	[smem:$0x3FAA] =	sst s0  }
0x9: {  	[smem:$0x3FAB] =	sst s1  }
0xa: {  	[smem:$0x3FAC] =	sst s2  }
0xb: {  	[smem:$0x3FAD] =	sst s3  }
0xc: {  	[smem:$0x3FAE] =	sst s4  }
0xd: {  	[smem:$0x3FAF] =	sst s5  }
0xe: {  	[smem:$0x3FB0] =	sst s6  }
0xf: {  	[smem:$0x3FB1] =	sst s7  }
0x10: {  	[smem:$0x3FB2] =	sst s8  }
0x11: {  	[smem:$0x3FB3] =	sst s9;
	s0 =	simm.s32 @!p0 $0x0  }
0x12: {  	s1 =	sld [smem:$0x3F99];
	s0 =	simm.s32 @p0 $0x1  }
0x13: {  	[smem:$0x3FB4] =	sst s0;
	s0 =	simm.s32 @!p1 $0x0  }
0x14: {  	s2 =	sld [smem:$0x3F98];
	s0 =	simm.s32 @p1 $0x1  }
0x15: {  	[smem:$0x3FB5] =	sst s0;
	s0 =	simm.s32 @!p2 $0x0  }
0x16: {  	s3 =	sld [smem:$0x3FDB];
	s0 =	simm.s32 @p2 $0x1  }
0x17: {  	s4 =	simm.s32 $0x1BF5;
	[smem:$0x3FB7] =	sst s0  }
0x18: {  	s0 =	sld [smem:$0x3F9A];
	_ =	swait.ge [sflag:s4], $0x0  }
0x19: {  	s7 =	sld [smem:$0x3F9B]  }
0x1a: {  	s8 =	sadd.s32 $0xFFFFE003, lr  }
0x1b: {  	s9 =	sadd.s32 $0xFFFFFEF7, lr;
	s5 =	simm.s32 $0xFFFFFFFF;
	p2 =	slt.u32 s8, $0xFFFFF086  }
0x1c: {  	p1 =	slt.u32 s9, $0xF7A;
	s5 =	simm.s32 @!p2 $0x0  }
0x1d: {  	s5 =	simm.s32 @p1 $0x1;
	p0 =	seq.s32 s7, s2  }
0x1e: {  	s7 =	smul.u32 @!p0 $0xF7A, s2;
	p2 =	seq.s32 @!p0 s5, $0x0  }
0x1f: {  	s9 =	smul.u32 $0xF7A, s1;
	s8 =	simm.s32 @!p0 $0x1BF5;
	p2 =	por !p2, p0  }
0x20: {  	[sflag:s8] =	ssyncset.s32 @!p0 $0xFFFFF086;
	s6 =	sadd.s32 @!p0 s3, s7;
	s7 =	simm.s32 @!p0 $0x108  }
0x21: {  	s3 =	sadd.s32 s3, s9;
	s6 =	sadd.s32 @!p0 $0x88, s6;
	s7 =	simm.s32 @p2 $0x1082  }
0x22: {  	[simem:s7], [sflag:s8] =	dma.local @!p0 [hbm:s6], $0xF7A  }
0x23: {  	s9 =	sor.u32 $0xD0000000, s2;
	s6 =	simm.s32 $0x108;
	_ =	swait.ge @!p0 [sflag:s8], $0x0  }
0x24: {  	s3 =	sadd.s32 $0x88, s3;
	s6 =	simm.s32 @!p1 $0x1082;
	[sflag:s4] =	ssyncset.s32 $0xFFFFF086  }
0x25: {  	[simem:s6], [sflag:s4] =	dma.local [hbm:s3], $0xF7A  }
0x26: {  	[smem:$0x3F9B] =	sst s1;
	(tag) =	ssettag s2;
	_ =	strace s9  }
0x27: {  	s1 =	sld [smem:$0x3FAB]  }
0x28: {  	s2 =	sld [smem:$0x3FAC]  }
0x29: {  	s4 =	sld [smem:$0x3FAE]  }
0x2a: {  	p0 =	seq.s32 s5, $0x0;
	s5 =	sld [smem:$0x3FAF]  }
0x2b: {  	s6 =	sld [smem:$0x3FB0]  }
0x2c: {  	s7 =	sld [smem:$0x3FB1]  }
0x2d: {  	s3 =	simm.s32 $0x108;
	s8 =	sld [smem:$0x3FB2]  }
0x2e: {  	s3 =	simm.s32 @!p0 $0x1082;
	s9 =	sld [smem:$0x3FB3]  }
0x2f: {  	lr =	sadd.s32 s0, s3;
	s0 =	sld [smem:$0x3FAA]  }
0x30: {  	s3 =	sld [smem:$0x3FAD]  }
0x31: {  	[smem:$0x3FB6] =	sst s10  }
0x32: {  	s10 =	sld [smem:$0x3FB4];
	_ =	sdelay $0x3  }
0x33: {  	p0 =	seq.s32 s10, $0x1;
	s10 =	sld [smem:$0x3FB6];
	_ =	sdelay $0x3  }
0x34: {  	[smem:$0x3FB6] =	sst s10  }
0x35: {  	s10 =	sld [smem:$0x3FB5];
	_ =	sdelay $0x3  }
0x36: {  	p1 =	seq.s32 s10, $0x1;
	s10 =	sld [smem:$0x3FB6];
	_ =	sdelay $0x3  }
0x37: {  	[smem:$0x3FB6] =	sst s10  }
0x38: {  	s10 =	sld [smem:$0x3FB7]  }
0x39: {  	_ = 	snop;
	(pc) =	sbr.ind lr, $3  }
0x3a: {  	_ = 	snop  }
0x3b: {  	_ = 	snop  }
0x3c: {  	p2 =	seq.s32 s10, $0x1;
	s10 =	sld [smem:$0x3FB6]  }
0x3d: {  	_ =	shalt  }
0x3e: {  	_ =	shalt  }
0x3f: {  	_ =	shalt  }
0x40: {  	_ =	shalt  }
0x41: {  	_ =	shalt  }
0x42: {  	_ =	shalt  }
0x43: {  	_ =	shalt  }
0x44: {  	_ =	shalt  }
0x45: {  	_ =	shalt  }
0x46: {  	_ =	shalt  }
0x47: {  	_ =	shalt  }
0x48: {  	_ =	shalt  }
0x49: {  	_ =	shalt  }
0x4a: {  	_ =	shalt  }
0x4b: {  	_ =	shalt  }
0x4c: {  	_ =	shalt  }
0x4d: {  	_ =	shalt  }
0x4e: {  	_ =	shalt  }
0x4f: {  	_ =	shalt  }
0x50: {  	_ =	shalt  }
0x51: {  	_ =	shalt  }
0x52: {  	_ =	shalt  }
0x53: {  	_ =	shalt  }
0x54: {  	_ =	shalt  }
0x55: {  	_ =	shalt  }
0x56: {  	_ =	shalt  }
0x57: {  	_ =	shalt  }
0x58: {  	_ =	shalt  }
0x59: {  	_ =	shalt  }
0x5a: {  	_ =	shalt  }
0x5b: {  	_ =	shalt  }
0x5c: {  	_ =	shalt  }
0x5d: {  	_ =	shalt  }
0x5e: {  	_ =	shalt  }
0x5f: {  	_ =	shalt  }
0x60: {  	_ =	shalt  }
0x61: {  	_ =	shalt  }
0x62: {  	_ =	shalt  }
0x63: {  	_ =	shalt  }
0x64: {  	_ =	shalt  }
0x65: {  	_ =	shalt  }
0x66: {  	_ =	shalt  }
0x67: {  	_ =	shalt  }
0x68: {  	_ =	shalt  }
0x69: {  	_ =	shalt  }
0x6a: {  	_ =	shalt  }
0x6b: {  	_ =	shalt  }
0x6c: {  	_ =	shalt  }
0x6d: {  	_ =	shalt  }
0x6e: {  	_ =	shalt  }
0x6f: {  	_ =	shalt  }
0x70: {  	_ =	shalt  }
0x71: {  	_ =	shalt  }
0x72: {  	_ =	shalt  }
0x73: {  	_ =	shalt  }
0x74: {  	_ =	shalt  }
0x75: {  	_ =	shalt  }
0x76: {  	_ =	shalt  }
0x77: {  	_ =	shalt  }
0x78: {  	_ =	shalt  }
0x79: {  	_ =	shalt  }
0x7a: {  	_ =	shalt  }
0x7b: {  	_ =	shalt  }
0x7c: {  	_ =	shalt  }
0x7d: {  	_ =	shalt  }
0x7e: {  	_ =	shalt  }
0x7f: {  	_ =	shalt  }
0x80: {  	_ =	shalt  }
0x81: {  	_ =	shalt  }
0x82: {  	_ =	shalt  }
0x83: {  	_ =	shalt  }
0x84: {  	_ =	shalt  }
0x85: {  	_ =	shalt  }
0x86: {  	_ =	shalt  }
0x87: {  	_ =	shalt  }
.Lfunc_end0:
.L_simem_size_0:
called_computation_lowered:
.L_overlay_start_0:
0x88: {  	s2 =	sld [smem:$0x3FD9]  }
0x89: {  	s3 =	sld [smem:$0x3FFE];
	_ =	sdelay $0x1  }
0x8a: {  	s1 =	srdreg.scid  }
0x8b: {  	s0 =	sand.u32 $0x1, s1  }
0x8c: {  	s16 =	sshll.u32 s0, $0xA;
	s2 =	sadd.s32 s3, s2  }
0x8d: {  	s2 =	sadd.s32 s2, s16  }
0x8e: {  	[smem:$0x3FC2] =	sst s2  }
0x8f: {  	_ = 	snop  }
0x90: {  	(tm) =	ssettm $0x1  }
0x91: {  	s17 =	sld [smem:$0x3FFB];
	_ =	sdelay $0x3  }
0x92: {  	_ =	strace s17  }
0x93: {  	s2 =	sld [smem:$0x3FFC];
	_ =	sdelay $0x3  }
0x94: {  	_ =	strace s2  }
0x95: {  	s2 =	sld [smem:$0x3FFD];
	_ =	sdelay $0x3  }
0x96: {  	_ =	strace s2  }
0x97: {  	_ =	strace $0x8FFFFFFF  }
0x98: {  	s18 =	sld [smem:$0x3FDB];
	_ =	sdelay $0x1  }
0x99: {  	s19 =	simm.s32 $_scs_section_size  }
0x9a: {  	s4 =	simm.s32 $_size__tile_overlayer_lowered;
	s5 =	simm.s32 $_tile_overlayer_lowered  }
0x9b: {  	s22 =	simm.s32 $0x1BFF;
	s21 =	sshll.u32 s5, $0x1;
	s2 =	sadd.s32 s19, s18  }
0x9c: {  	s6 =	simm.s32 $0x0;
	s20 =	sshll.u32 s4, $0x1;
	s4 =	sadd.s32 s21, s2  }
0x9d: {  	[timem:s6], [sflag:s22] =	dma.local [hbm:s4], s20  }
0x9e: {  	_ =	swait.ge [sflag:s22], s20  }
0x9f: {  	s3 =	ssub.s32 $0x0, s20;
	[sflag:s22] =	ssyncset.done $0x0  }
0xa0: {  	[sflag:s22] =	ssyncadd.s32 s3;
	_ =	sdelay $0x1  }
0xa1: {  	s23 =	simm.s32 $0x1B8B  }
0xa2: {  	_ =	swait.ge [sflag:s23], $0x1  }
0xa3: {  	[sflag:s23] =	ssyncset.done $0x0  }
0xa4: {  	s25 =	simm.s32 $0x1B8E;
	s24 =	sld [smem:$0x3FFE];
	[sflag:s23] =	ssyncadd.s32 $0xFFFFFFFF  }
0xa5: {  	s26 =	simm.s32 $execute0_lowered;
	[smem:$0x3FD2] =	sst s25  }
0xa6: {  	s4 =	sshll.u32 s26, $0x1;
	_ =	strace $0x80000046;
	[dreg:$0x1] =	wrdreg $0xFFFFFFFF  }
0xa7: {  	s28 =	simm.s32 $_size_execute0_lowered;
	s2 =	sadd.s32 s2, s4;
	[dreg:$0x0] =	wrdreg $0x0  }
0xa8: {  	s4 =	sshll.u32 s28, $0x1;
	[dreg:$0x2] =	wrdreg s2  }
0xa9: {  	[dreg:$0x3] =	wrdreg s4  }
0xaa: {  	[dreg:$0x4] =	wrdreg $0xC0  }
0xab: {  	_ =	task [dreg:s6], $0x5FFFF  }
0xac: {  	[dreg:$0x1] =	wrdreg $0xFFFFFFFF  }
0xad: {  	[dreg:$0x0] =	wrdreg $0x60  }
0xae: {  	[dreg:$0x2] =	wrdreg s24  }
0xaf: {  	[dreg:$0x3] =	wrdreg $0x9  }
0xb0: {  	_ =	task.clear_ibuf [dreg:s6], $0x4FFFF;
	_ =	strace $0x90000046  }
0xb1: {  	s29 =	simm.s32 $0x9;
	_ =	strace $0x80000048  }
0xb2: {  	_ =	swait.ge [sflag:s29], $0x1  }
0xb3: {  	[sflag:s29] =	ssyncadd.s32 $0xFFFFFFFF  }
0xb4: {  	_ =	strace $0x90000048  }
0xb5: {  	_ =	sfence  }
0xb6: {  	s30 =	sld [smem:$0x0];
	_ =	sdelay $0x2  }
0xb7: {  	s31 =	sshll.u32 s1, $0xD;
	s1 =	sshrl.u32 s1, $0x2  }
0xb8: {  	s3 =	sand.u32 $0x4000, s31;
	s1 =	sadd.s32 s1, s30  }
0xb9: {  	s0 =	sor.u32 s3, s0;
	s1 =	sshll.u32 s1, $0x11  }
0xba: {  	s0 =	sor.u32 s1, s0  }
0xbb: {  	s0 =	sadd.s32 $0x8F2B, s0  }
0xbc: {  	[sflag:s0] =	ssyncadd.remote.s32 $0x1  }
0xbd: {  	_ =	sfence.sel $0xFFFF  }
0xbe: {  	[dreg:$0x0] =	wrdreg $0xFFFFFFFF;
	(pc) =	sbr.abs _section_cstart, $3  }
0xbf: {  	[dreg:$0x1] =	wrdreg $0xFFFFFFFF  }
0xc0: {  	_ =	task.clear_ibuf [dreg:s6], $0x2FFFF;
	_ =	strace $0x9FFFFFFF  }
0xc1: {  	(tm) =	ssettm $0x7FFFFFFF  }
tec
execute0_lowered:
.L_overlay_start_1:
0x0: {  	(tag) =	ssettag $0x1  }
0x1: {  	s1 =	srdreg.scid  }
0x2: {  	s0 =	stileid.u32;
	s5 =	rddreg [dreg:$0x0];
	s7 =	simm.s32 $0x400  }
0x3: {  	s8 =	simm.s32 $0x1;
	s9 =	simm.s32 $0x2800;
	s10 =	simm.s32 $0x0  }
0x4: {  	s3 =	sand.u32 $0x1, s1;
	s29 =	sshrl.u32 s0, $0x2;
	s2 =	sshll.u32 s0, $0x8  }
0x5: {  	s4 =	smul.u32 $0x14000, s29;
	s30 =	sshll.u32 s3, $0x7;
	s2 =	sand.u32 $0x300, s2  }
0x6: {  	s1 =	rddreg [dreg:$0x1];
	s3 =	ssub.s32 $0x2, s3;
	s6 =	sor.u32 s30, s2  }
0x7: {  	s2 =	simm.s32 $0x0;
	s31 =	sshrl.u32 s3, $0x1;
	s4 =	sor.u32 s4, s6  }
0x8: {  	[smem:$0x7FF] =	sst s2;
	s6 =	simm.s32 $0x80;
	s4 =	sshrl.u32 s4, $0x3  }
0x9: {  	_ =	strace $0x80000047;
	s4 =	sadd.s32 s4, s5;
	s5 =	ssub.s32 s3, s31  }
0xa: {  	v0 =	vimm.f32 $0.0e+00;
	v1 =	vimm.f32 $1.000000000e+00;
	s3 =	sadd.s32 $0xBA00, s4;
	s4 =	sadd.s32 $0x15A00, s4;
	s5 =	smax.u32 s5, $0x1  }
.LBB2_1:
0xb: {  	[tilespmem:s2], [sflag:$0x1] =	stream.strided.gather [hbm4b:s3+s6], $0x2800, s7, s6, $0x38;
	[tilespmem:$0x5000] =	vst v63  }
0xc: {  	_ =	swait.ge [sflag:s8], $0x2800  }
0xd: {  	[sflag:s8] =	ssyncset.done $0x0  }
0xe: {  	s11 =	simm.s32 $0x0;
	[sflag:s8] =	ssyncadd.s32 $0xFFFFD800  }
.LBB2_2:
0xf: {  	p0 =	sne.s32 s11, $0x9F00  }
.Ltmp0:
0x10: {  	s12 =	sshra.s32 s11, $0x2;
	(pc) =	sbr.rel @p0 .LBB2_2-.Ltmp0, $4  }
0x11: {  	[tilespmem:s12+$0x2800] =	vst v0  }
0x12: {  	[tilespmem:s12+$0x2810] =	vst v0  }
0x13: {  	[tilespmem:s12+$0x2820] =	vst v0  }
0x14: {  	s11 =	sadd.s32 $0x100, s11;
	[tilespmem:s12+$0x2830] =	vst v0  }
0x15: {  	s12 =	simm.s32 $0x0;
	s11 =	simm.s32 $0x40  }
.LBB2_4:
0x16: {  	p0 =	sne.s32 s11, $0x9FC0;
	v2 =	vld [tilespmem:s12+$0x0];
	_ =	sdelay $0x3  }
.Ltmp1:
0x17: {  	(pc) =	sbr.rel @p0 .LBB2_4-.Ltmp1, $2  }
0x18: {  	_ =	sdelay $0x2  }
0x19: {  	s12 =	sshra.s32 s11, $0x2;
	s11 =	sadd.s32 $0x40, s11;
	[tilespmem:v2+s9+$0x0] =	vst.idx.add.f32.msk $0xffff, v1  }
0x1a: {  	v2 =	vld [tilespmem:s12+$0x0];
	_ =	sdelay $0x5  }
0x1b: {  	s10 =	sadd.s32 $0x1, s10  }
0x1c: {  	p0 =	sne.s32 s10, s5  }
.Ltmp2:
0x1d: {  	[tilespmem:v2+s9+$0x0] =	vst.idx.add.f32.msk $0xffff, v1;
	(pc) =	sbr.rel @p0 .LBB2_1-.Ltmp2, $4  }
0x1e: {  	[hbm4b:s4+s6] =	stream.strided.scatter [tilespmem:s9], [sflag:$0x1], $0x2800, s7, s6, $0x38;
	[tilespmem:$0x5000] =	vst v63  }
0x1f: {  	_ =	swait.ge [sflag:s8], $0x2800  }
0x20: {  	[sflag:s8] =	ssyncset.done $0x0  }
0x21: {  	[sflag:s8] =	ssyncadd.s32 $0xFFFFD800  }
0x22: {  	_ =	sfence.sel $0x180000  }
0x23: {  	[bflag:$0x0] =	sbarrier.arrive $0xFFFF  }
0x24: {  	p0 =	sne.s32 s0, $0x0;
	_ =	strace $0x90000047  }
0x25: {  	s0 =	sadd.s32 @!p0 $0x100000, s1;
	[bflag:$0x2] =	sbarrier.arrive $0xFFFF  }
0x26: {  	[sflag:s0] =	ssyncadd.tile.s32 @!p0 $0x1;
	_ =	shalt  }
.Lfunc_end2:
_tile_overlayer_lowered:
.L_overlay_start_2:
0x27: {  	(tag) =	ssettag $0x2  }
0x28: {  	s0 =	rddreg [dreg:$0x0];
	s2 =	stileid.u32  }
0x29: {  	s1 =	rddreg [dreg:$0x1];
	p0 =	sne.s32 s2, $0x0  }
0x2a: {  	s3 =	rddreg [dreg:$0x2];
	[bflag:$0x3] =	sbarrier.arrive $0xFFFF;
	s2 =	simm.s32 @!p0 $0x1C01  }
0x2b: {  	[timem:s3], [sflag:s2] =	dma.local @!p0 [hbm:s0], s1  }
0x2c: {  	s0 =	simm.s32 @!p0 $0x1  }
0x2d: {  	_ =	swait.ge @!p0 [sflag:s0], s1  }
0x2e: {  	s1 =	ssub.s32 @!p0 $0x0, s1;
	[sflag:s0] =	ssyncset.done @!p0 $0x0  }
0x2f: {  	[sflag:s0] =	ssyncadd.s32 @!p0 s1  }
0x30: {  	[bflag:$0x3] =	sbarrier.arrive $0xFFFF  }
0x31: {  	_ =	shalt  }

</sc_bundles>
